<compile_context>
chip_gen: v7x
topology: tpu7x:2x2x1
jax: 0.10.2.dev20260603
libtpu: 0.0.44.dev20260713+nightly
codegen_flags: <defaults>
</compile_context>

<pallas_src>
import functools

import jax
import jax.numpy as jnp
from jax import lax
from jax.experimental import pallas as pl
from jax.experimental.pallas import tpu as pltpu
from jax.experimental.pallas import tpu_sc as plsc

VOCAB = 1000000
EMBED_DIM = 64
PAD_DIM = 128
BATCH = 4096
SEQ = 200

NC = 2
NS = 16
NW = NC * NS
B_BLK = BATCH // NW
N_CHUNKS = SEQ
N_PAIRS = N_CHUNKS // 2
EH = EMBED_DIM // 8


@functools.partial(
    pl.kernel,
    out_type=jax.ShapeDtypeStruct((SEQ, EH, NW, 8, B_BLK), jnp.float32),
    mesh=plsc.VectorSubcoreMesh(core_axis_name="c", subcore_axis_name="s"),
    scratch_types=[
        pltpu.VMEM((N_CHUNKS, B_BLK), jnp.int32),
        pltpu.VMEM((B_BLK, EMBED_DIM), jnp.float32),
        pltpu.VMEM((B_BLK, EMBED_DIM), jnp.float32),
        pltpu.VMEM((B_BLK, EMBED_DIM), jnp.float32),
        pltpu.VMEM((EMBED_DIM, B_BLK), jnp.float32),
        pltpu.VMEM((EMBED_DIM, B_BLK), jnp.float32),
        pltpu.VMEM((EMBED_DIM, B_BLK), jnp.float32),
        pltpu.SemaphoreType.DMA,
        pltpu.SemaphoreType.DMA,
        pltpu.SemaphoreType.DMA,
        pltpu.SemaphoreType.DMA,
        pltpu.SemaphoreType.DMA,
        pltpu.SemaphoreType.DMA,
    ],
    compiler_params=pltpu.CompilerParams(
        use_tc_tiling_on_sc=False, needs_layout_passes=False
    ),
)
def _gather_kernel(idx_hbm, table_hbm, out_hbm, idx_v, rows0, rows1, rows2,
                   t0, t1, t2, sg0, sg1, sg2, ss0, ss1, ss2):
    wid = lax.axis_index("s") * NC + lax.axis_index("c")
    rows = (rows0, rows1, rows2)
    tbuf = (t0, t1, t2)
    sg = (sg0, sg1, sg2)
    ss = (ss0, ss1, ss2)

    pltpu.sync_copy(idx_hbm.at[pl.ds(wid * N_CHUNKS, N_CHUNKS)], idx_v)

    lane = lax.iota(jnp.int32, 16)
    rots = []
    _r = lane
    for _ in range(16):
        rots.append(_r)
        _r = jnp.bitwise_and(_r + 1, 15)

    def fire_gather(g, b):
        pltpu.async_copy(table_hbm.at[idx_v.at[g]], rows[b], sg[b])

    def wait_gather(b):
        pltpu.make_async_copy(table_hbm.at[idx_v.at[0]], rows[b],
                              sg[b]).wait()

    def transpose(b):
        @plsc.parallel_loop(0, 32, unroll=4)
        def _(i):
            r0 = (i % 8) * 16
            c0 = (i // 8) * 16
            rowv = lane + r0
            for d in range(16):
                colv = rots[d] + c0
                v = plsc.load_gather(rows[b], [rowv, colv])
                plsc.store_scatter(tbuf[b], [colv, rowv], v)

    def fire_store(g, b):
        for eh in range(EH):
            pltpu.async_copy(tbuf[b].at[pl.ds(8 * eh, 8)],
                             out_hbm.at[g, eh, wid], ss[b])

    def wait_store(b):
        for eh in range(EH):
            pltpu.make_async_copy(tbuf[b].at[pl.ds(8 * eh, 8)],
                                  out_hbm.at[0, eh, wid], ss[b]).wait()

    fire_gather(0, 0)
    fire_gather(1, 1)
    fire_gather(2, 2)

    def body(i, carry):
        for b in (0, 1, 2):
            g = 3 * i + b
            @pl.when(g < N_CHUNKS)
            def _():
                wait_gather(b)
                @pl.when(i > 0)
                def _():
                    wait_store(b)
                transpose(b)
                fire_store(g, b)
                @pl.when(g + 3 < N_CHUNKS)
                def _():
                    fire_gather(g + 3, b)
        return carry

    lax.fori_loop(0, (N_CHUNKS + 2) // 3, body, 0)
    wait_store(0)
    wait_store(1)
    wait_store(2)


def kernel(input_, weight):
    idx_r = (input_.reshape(NW, B_BLK, SEQ)
             .transpose(0, 2, 1)
             .reshape(NW * SEQ, B_BLK)) * 2
    wpad = jnp.pad(weight, ((0, 0), (0, PAD_DIM - EMBED_DIM)))
    table2 = wpad.reshape(2 * VOCAB, EMBED_DIM)
    out5 = _gather_kernel(idx_r, table2)
    return out5.transpose(2, 4, 0, 1, 3).reshape(BATCH, SEQ, EMBED_DIM)

# --- scband reference (transcript-rebuilt; emitter-appended) ---
"""Pipeline reference for scband-vocab-parallel-embedding-77120432767734 (READ-ONLY COPY).

The authoritative reference and input builder live on the scoring server;
editing this copy changes nothing except your own understanding.
"""

import jax, jax.numpy as jnp
import numpy as np

VOCAB = 1000000
EMBED_DIM = 64
BATCH = 4096
SEQ = 200
# world_size=1, rank=0 -> this partition holds the full vocab
VOCAB_START = 0
VOCAB_END = VOCAB


def setup_inputs(seed: int = 0) -> dict:
    key = jax.random.key(seed)
    k_idx, k_w = jax.random.split(key)
    input_ = jax.random.randint(k_idx, (BATCH, SEQ), 0, VOCAB, dtype=jnp.int32)
    weight = jax.random.normal(k_w, (VOCAB, EMBED_DIM), dtype=jnp.float32) * 0.02
    return {"input_": input_, "weight": weight}


def reference(input_, weight):
    # Faithful translation of VocabParallelEmbedding.forward for a single partition.
    input_mask = (input_ >= VOCAB_START) & (input_ < VOCAB_END)
    masked_input = jnp.where(input_mask, input_, 0) - VOCAB_START
    output_parallel = jnp.take(weight, masked_input, axis=0)
    output_parallel = output_parallel * input_mask[..., None].astype(jnp.float32)
    # all-reduce across tensor-parallel group is identity for world_size=1
    return output_parallel

if __name__ == "__main__":
    import jax
    _d = setup_inputs()
    print(jax.jit(kernel)(*tuple(_d.values())))

</pallas_src>

<mosaic_0001>
#map = affine_map<(d0, d1) -> (0, 0)>
#map1 = affine_map<(d0, d1) -> (0, 0, 0, 0, 0)>
module attributes {stable_mosaic.version = 14 : i64} {
  func.func @_gather_kernel(%arg0: i32, %arg1: i32, %arg2: memref<6400x128xi32, #tpu.memory_space<hbm>>, %arg3: memref<2000000x64xf32, #tpu.memory_space<hbm>>, %arg4: memref<200x8x32x8x128xf32, #tpu.memory_space<hbm>>, %arg5: memref<200x128xi32, #tpu.memory_space<vmem>>, %arg6: memref<128x64xf32, #tpu.memory_space<vmem>>, %arg7: memref<128x64xf32, #tpu.memory_space<vmem>>, %arg8: memref<128x64xf32, #tpu.memory_space<vmem>>, %arg9: memref<64x128xf32, #tpu.memory_space<vmem>>, %arg10: memref<64x128xf32, #tpu.memory_space<vmem>>, %arg11: memref<64x128xf32, #tpu.memory_space<vmem>>, %arg12: memref<!tpu.dma_semaphore, #tpu.memory_space<semaphore_mem>>, %arg13: memref<!tpu.dma_semaphore, #tpu.memory_space<semaphore_mem>>, %arg14: memref<!tpu.dma_semaphore, #tpu.memory_space<semaphore_mem>>, %arg15: memref<!tpu.dma_semaphore, #tpu.memory_space<semaphore_mem>>, %arg16: memref<!tpu.dma_semaphore, #tpu.memory_space<semaphore_mem>>, %arg17: memref<!tpu.dma_semaphore, #tpu.memory_space<semaphore_mem>>) attributes {dimension_semantics = [#tpu.dimension_semantics<core_parallel>, #tpu.dimension_semantics<subcore_parallel>], iteration_bounds = array<i64: 2, 16>, scalar_prefetch = 0 : i64, scratch_operands = 13 : i64, tpu.core_type = #tpu.core_type<sc_vector_subcore>, window_params = [{transform_indices = #map}, {transform_indices = #map}, {transform_indices = #map1}]} {
    %mul3A = arith.constant 2 : i32
    %mul3A_0 = arith.muli %arg1, %mul3A : i32
    %add3A = arith.addi %mul3A_0, %arg0 : i32
    %mul3A_1 = arith.constant 200 : i32
    %mul3A_2 = arith.muli %add3A, %mul3A_1 : i32
    "tpu.region"() ({
      %run_scoped3A = tpu.sem_alloc : memref<!tpu.dma_semaphore, #tpu.memory_space<semaphore_mem>>
      %dma_start3A_506 = arith.constant 0 : i32
      %dma_start3A_507 = tpu.memref_slice %arg2[%mul3A_2, %dma_start3A_506] : memref<6400x128xi32, #tpu.memory_space<hbm>> -> memref<200x128xi32, #tpu.memory_space<hbm>>
      %dma_start3A_508 = arith.constant 0 : i32
      %dma_start3A_509 = tpu.memref_slice %arg2[%mul3A_2, %dma_start3A_508] : memref<6400x128xi32, #tpu.memory_space<hbm>> -> memref<200x128xi32, #tpu.memory_space<hbm>>
      tpu.enqueue_dma source(%dma_start3A_509 : memref<200x128xi32, #tpu.memory_space<hbm>>) target(%arg5 : memref<200x128xi32, #tpu.memory_space<vmem>>) target_semaphore(%run_scoped3A : memref<!tpu.dma_semaphore, #tpu.memory_space<semaphore_mem>>)
      %dma_wait3A_510 = arith.constant 0 : i32
      %dma_wait3A_511 = tpu.memref_slice %arg2[%mul3A_2, %dma_wait3A_510] : memref<6400x128xi32, #tpu.memory_space<hbm>> -> memref<200x128xi32, #tpu.memory_space<hbm>>
      %dma_wait3A_512 = arith.constant 0 : i32
      %dma_wait3A_513 = tpu.memref_slice %arg2[%mul3A_2, %dma_wait3A_512] : memref<6400x128xi32, #tpu.memory_space<hbm>> -> memref<200x128xi32, #tpu.memory_space<hbm>>
      tpu.wait_dma2 semaphore(%run_scoped3A : memref<!tpu.dma_semaphore, #tpu.memory_space<semaphore_mem>>) src(%dma_wait3A_513 : memref<200x128xi32, #tpu.memory_space<hbm>>) dst(%arg5 : memref<200x128xi32, #tpu.memory_space<vmem>>)
      tpu.yield
    }) : () -> ()
    %iota3A = tpu.iota {dimensions = array<i32: 0>} : vector<16xi32>
    %add3A_3 = arith.constant 1 : i32
    %add3A_4 = vector.broadcast %add3A_3 : i32 to vector<16xi32>
    %add3A_5 = arith.addi %iota3A, %add3A_4 : vector<16xi32>
    %and3A = arith.constant 15 : i32
    %and3A_6 = vector.broadcast %and3A : i32 to vector<16xi32>
    %and3A_7 = arith.andi %add3A_5, %and3A_6 : vector<16xi32>
    %add3A_8 = arith.constant 1 : i32
    %add3A_9 = vector.broadcast %add3A_8 : i32 to vector<16xi32>
    %add3A_10 = arith.addi %and3A_7, %add3A_9 : vector<16xi32>
    %and3A_11 = arith.constant 15 : i32
    %and3A_12 = vector.broadcast %and3A_11 : i32 to vector<16xi32>
    %and3A_13 = arith.andi %add3A_10, %and3A_12 : vector<16xi32>
    %add3A_14 = arith.constant 1 : i32
    %add3A_15 = vector.broadcast %add3A_14 : i32 to vector<16xi32>
    %add3A_16 = arith.addi %and3A_13, %add3A_15 : vector<16xi32>
    %and3A_17 = arith.constant 15 : i32
    %and3A_18 = vector.broadcast %and3A_17 : i32 to vector<16xi32>
    %and3A_19 = arith.andi %add3A_16, %and3A_18 : vector<16xi32>
    %add3A_20 = arith.constant 1 : i32
    %add3A_21 = vector.broadcast %add3A_20 : i32 to vector<16xi32>
    %add3A_22 = arith.addi %and3A_19, %add3A_21 : vector<16xi32>
    %and3A_23 = arith.constant 15 : i32
    %and3A_24 = vector.broadcast %and3A_23 : i32 to vector<16xi32>
    %and3A_25 = arith.andi %add3A_22, %and3A_24 : vector<16xi32>
    %add3A_26 = arith.constant 1 : i32
    %add3A_27 = vector.broadcast %add3A_26 : i32 to vector<16xi32>
    %add3A_28 = arith.addi %and3A_25, %add3A_27 : vector<16xi32>
    %and3A_29 = arith.constant 15 : i32
    %and3A_30 = vector.broadcast %and3A_29 : i32 to vector<16xi32>
    %and3A_31 = arith.andi %add3A_28, %and3A_30 : vector<16xi32>
    %add3A_32 = arith.constant 1 : i32
    %add3A_33 = vector.broadcast %add3A_32 : i32 to vector<16xi32>
    %add3A_34 = arith.addi %and3A_31, %add3A_33 : vector<16xi32>
    %and3A_35 = arith.constant 15 : i32
    %and3A_36 = vector.broadcast %and3A_35 : i32 to vector<16xi32>
    %and3A_37 = arith.andi %add3A_34, %and3A_36 : vector<16xi32>
    %add3A_38 = arith.constant 1 : i32
    %add3A_39 = vector.broadcast %add3A_38 : i32 to vector<16xi32>
    %add3A_40 = arith.addi %and3A_37, %add3A_39 : vector<16xi32>
    %and3A_41 = arith.constant 15 : i32
    %and3A_42 = vector.broadcast %and3A_41 : i32 to vector<16xi32>
    %and3A_43 = arith.andi %add3A_40, %and3A_42 : vector<16xi32>
    %add3A_44 = arith.constant 1 : i32
    %add3A_45 = vector.broadcast %add3A_44 : i32 to vector<16xi32>
    %add3A_46 = arith.addi %and3A_43, %add3A_45 : vector<16xi32>
    %and3A_47 = arith.constant 15 : i32
    %and3A_48 = vector.broadcast %and3A_47 : i32 to vector<16xi32>
    %and3A_49 = arith.andi %add3A_46, %and3A_48 : vector<16xi32>
    %add3A_50 = arith.constant 1 : i32
    %add3A_51 = vector.broadcast %add3A_50 : i32 to vector<16xi32>
    %add3A_52 = arith.addi %and3A_49, %add3A_51 : vector<16xi32>
    %and3A_53 = arith.constant 15 : i32
    %and3A_54 = vector.broadcast %and3A_53 : i32 to vector<16xi32>
    %and3A_55 = arith.andi %add3A_52, %and3A_54 : vector<16xi32>
    %add3A_56 = arith.constant 1 : i32
    %add3A_57 = vector.broadcast %add3A_56 : i32 to vector<16xi32>
    %add3A_58 = arith.addi %and3A_55, %add3A_57 : vector<16xi32>
    %and3A_59 = arith.constant 15 : i32
    %and3A_60 = vector.broadcast %and3A_59 : i32 to vector<16xi32>
    %and3A_61 = arith.andi %add3A_58, %and3A_60 : vector<16xi32>
    %add3A_62 = arith.constant 1 : i32
    %add3A_63 = vector.broadcast %add3A_62 : i32 to vector<16xi32>
    %add3A_64 = arith.addi %and3A_61, %add3A_63 : vector<16xi32>
    %and3A_65 = arith.constant 15 : i32
    %and3A_66 = vector.broadcast %and3A_65 : i32 to vector<16xi32>
    %and3A_67 = arith.andi %add3A_64, %and3A_66 : vector<16xi32>
    %add3A_68 = arith.constant 1 : i32
    %add3A_69 = vector.broadcast %add3A_68 : i32 to vector<16xi32>
    %add3A_70 = arith.addi %and3A_67, %add3A_69 : vector<16xi32>
    %and3A_71 = arith.constant 15 : i32
    %and3A_72 = vector.broadcast %and3A_71 : i32 to vector<16xi32>
    %and3A_73 = arith.andi %add3A_70, %and3A_72 : vector<16xi32>
    %add3A_74 = arith.constant 1 : i32
    %add3A_75 = vector.broadcast %add3A_74 : i32 to vector<16xi32>
    %add3A_76 = arith.addi %and3A_73, %add3A_75 : vector<16xi32>
    %and3A_77 = arith.constant 15 : i32
    %and3A_78 = vector.broadcast %and3A_77 : i32 to vector<16xi32>
    %and3A_79 = arith.andi %add3A_76, %and3A_78 : vector<16xi32>
    %add3A_80 = arith.constant 1 : i32
    %add3A_81 = vector.broadcast %add3A_80 : i32 to vector<16xi32>
    %add3A_82 = arith.addi %and3A_79, %add3A_81 : vector<16xi32>
    %and3A_83 = arith.constant 15 : i32
    %and3A_84 = vector.broadcast %and3A_83 : i32 to vector<16xi32>
    %and3A_85 = arith.andi %add3A_82, %and3A_84 : vector<16xi32>
    %add3A_86 = arith.constant 1 : i32
    %add3A_87 = vector.broadcast %add3A_86 : i32 to vector<16xi32>
    %add3A_88 = arith.addi %and3A_85, %add3A_87 : vector<16xi32>
    %and3A_89 = arith.constant 15 : i32
    %and3A_90 = vector.broadcast %and3A_89 : i32 to vector<16xi32>
    %and3A_91 = arith.andi %add3A_88, %and3A_90 : vector<16xi32>
    %add3A_92 = arith.constant 1 : i32
    %add3A_93 = vector.broadcast %add3A_92 : i32 to vector<16xi32>
    %add3A_94 = arith.addi %and3A_91, %add3A_93 : vector<16xi32>
    %and3A_95 = arith.constant 15 : i32
    %and3A_96 = vector.broadcast %and3A_95 : i32 to vector<16xi32>
    %and3A_97 = arith.andi %add3A_94, %and3A_96 : vector<16xi32>
    %dma_start3A = arith.constant 0 : i32
    %dma_start3A_98 = arith.constant 0 : i32
    %dma_start3A_99 = tpu.memref_slice %arg5[%dma_start3A, %dma_start3A_98] : memref<200x128xi32, #tpu.memory_space<vmem>> -> memref<1x128xi32, #tpu.memory_space<vmem>>
    %dma_start3A_100 = tpu.memref_squeeze %dma_start3A_99 : memref<1x128xi32, #tpu.memory_space<vmem>> -> memref<128xi32, #tpu.memory_space<vmem>>
    %dma_start3A_101 = arith.constant 0 : i32
    %dma_start3A_102 = arith.constant 0 : i32
    %dma_start3A_103 = tpu.memref_slice %arg3[%dma_start3A_101, %dma_start3A_102] : memref<2000000x64xf32, #tpu.memory_space<hbm>> -> memref<2000000x64xf32, #tpu.memory_space<hbm>>
    tpu.enqueue_indirect_dma source(%dma_start3A_103 : memref<2000000x64xf32, #tpu.memory_space<hbm>>) target(%arg6 : memref<128x64xf32, #tpu.memory_space<vmem>>) offsets(%dma_start3A_100 : memref<128xi32, #tpu.memory_space<vmem>>) semaphore(%arg12 : memref<!tpu.dma_semaphore, #tpu.memory_space<semaphore_mem>>)
    %dma_start3A_104 = arith.constant 1 : i32
    %dma_start3A_105 = arith.constant 0 : i32
    %dma_start3A_106 = tpu.memref_slice %arg5[%dma_start3A_104, %dma_start3A_105] : memref<200x128xi32, #tpu.memory_space<vmem>> -> memref<1x128xi32, #tpu.memory_space<vmem>>
    %dma_start3A_107 = tpu.memref_squeeze %dma_start3A_106 : memref<1x128xi32, #tpu.memory_space<vmem>> -> memref<128xi32, #tpu.memory_space<vmem>>
    %dma_start3A_108 = arith.constant 0 : i32
    %dma_start3A_109 = arith.constant 0 : i32
    %dma_start3A_110 = tpu.memref_slice %arg3[%dma_start3A_108, %dma_start3A_109] : memref<2000000x64xf32, #tpu.memory_space<hbm>> -> memref<2000000x64xf32, #tpu.memory_space<hbm>>
    tpu.enqueue_indirect_dma source(%dma_start3A_110 : memref<2000000x64xf32, #tpu.memory_space<hbm>>) target(%arg7 : memref<128x64xf32, #tpu.memory_space<vmem>>) offsets(%dma_start3A_107 : memref<128xi32, #tpu.memory_space<vmem>>) semaphore(%arg13 : memref<!tpu.dma_semaphore, #tpu.memory_space<semaphore_mem>>)
    %dma_start3A_111 = arith.constant 2 : i32
    %dma_start3A_112 = arith.constant 0 : i32
    %dma_start3A_113 = tpu.memref_slice %arg5[%dma_start3A_111, %dma_start3A_112] : memref<200x128xi32, #tpu.memory_space<vmem>> -> memref<1x128xi32, #tpu.memory_space<vmem>>
    %dma_start3A_114 = tpu.memref_squeeze %dma_start3A_113 : memref<1x128xi32, #tpu.memory_space<vmem>> -> memref<128xi32, #tpu.memory_space<vmem>>
    %dma_start3A_115 = arith.constant 0 : i32
    %dma_start3A_116 = arith.constant 0 : i32
    %dma_start3A_117 = tpu.memref_slice %arg3[%dma_start3A_115, %dma_start3A_116] : memref<2000000x64xf32, #tpu.memory_space<hbm>> -> memref<2000000x64xf32, #tpu.memory_space<hbm>>
    tpu.enqueue_indirect_dma source(%dma_start3A_117 : memref<2000000x64xf32, #tpu.memory_space<hbm>>) target(%arg8 : memref<128x64xf32, #tpu.memory_space<vmem>>) offsets(%dma_start3A_114 : memref<128xi32, #tpu.memory_space<vmem>>) semaphore(%arg14 : memref<!tpu.dma_semaphore, #tpu.memory_space<semaphore_mem>>)
    %scan3A = arith.constant 0 : i32
    %scan3A_118 = arith.constant 0 : i32
    %scan3A_119 = arith.constant 67 : i32
    %scan3A_120 = arith.addi %scan3A_118, %scan3A_119 : i32
    %scan3A_121 = arith.constant 1 : i32
    scf.for %scan3A_506 = %scan3A_118 to %scan3A_120 step %scan3A_121  : i32 {
      %mul3A_507 = arith.constant 3 : i32
      %mul3A_508 = arith.muli %mul3A_507, %scan3A_506 : i32
      %add3A_509 = arith.constant 0 : i32
      %add3A_510 = arith.addi %mul3A_508, %add3A_509 : i32
      %lt3A = arith.constant 200 : i32
      %lt3A_511 = arith.cmpi slt, %add3A_510, %lt3A : i32
      %convert_element_type3A = arith.extui %lt3A_511 : i1 to i32
      %cond3A = arith.constant 0 : i32
      %cond3A_512 = arith.cmpi ne, %convert_element_type3A, %cond3A : i32
      scf.if %cond3A_512 {
        %dma_wait3A_531 = arith.constant 0 : i32
        %dma_wait3A_532 = arith.constant 0 : i32
        %dma_wait3A_533 = tpu.memref_slice %arg5[%dma_wait3A_531, %dma_wait3A_532] : memref<200x128xi32, #tpu.memory_space<vmem>> -> memref<1x128xi32, #tpu.memory_space<vmem>>
        %dma_wait3A_534 = tpu.memref_squeeze %dma_wait3A_533 : memref<1x128xi32, #tpu.memory_space<vmem>> -> memref<128xi32, #tpu.memory_space<vmem>>
        %dma_wait3A_535 = arith.constant 0 : i32
        %dma_wait3A_536 = arith.constant 0 : i32
        %dma_wait3A_537 = tpu.memref_slice %arg3[%dma_wait3A_535, %dma_wait3A_536] : memref<2000000x64xf32, #tpu.memory_space<hbm>> -> memref<2000000x64xf32, #tpu.memory_space<hbm>>
        tpu.wait_indirect_dma semaphore(%arg12 : memref<!tpu.dma_semaphore, #tpu.memory_space<semaphore_mem>>) src(%dma_wait3A_537 : memref<2000000x64xf32, #tpu.memory_space<hbm>>) dst(%arg6 : memref<128x64xf32, #tpu.memory_space<vmem>>)
        %gt3A = arith.constant 0 : i32
        %gt3A_538 = arith.cmpi sgt, %scan3A_506, %gt3A : i32
        %convert_element_type3A_539 = arith.extui %gt3A_538 : i1 to i32
        %cond3A_540 = arith.constant 0 : i32
        %cond3A_541 = arith.cmpi ne, %convert_element_type3A_539, %cond3A_540 : i32
        scf.if %cond3A_541 {
          %dma_wait3A_671 = arith.constant 0 : i32
          %dma_wait3A_672 = arith.constant 0 : i32
          %dma_wait3A_673 = arith.constant 0 : i32
          %dma_wait3A_674 = arith.constant 0 : i32
          %dma_wait3A_675 = tpu.memref_slice %arg9[%dma_wait3A_673, %dma_wait3A_674] : memref<64x128xf32, #tpu.memory_space<vmem>> -> memref<8x128xf32, #tpu.memory_space<vmem>>
          %dma_wait3A_676 = arith.constant 0 : i32
          %dma_wait3A_677 = arith.constant 0 : i32
          %dma_wait3A_678 = tpu.memref_slice %arg4[%dma_wait3A_671, %dma_wait3A_672, %add3A, %dma_wait3A_676, %dma_wait3A_677] : memref<200x8x32x8x128xf32, #tpu.memory_space<hbm>> -> memref<1x1x1x8x128xf32, #tpu.memory_space<hbm>>
          %dma_wait3A_679 = tpu.memref_squeeze %dma_wait3A_678 : memref<1x1x1x8x128xf32, #tpu.memory_space<hbm>> -> memref<8x128xf32, #tpu.memory_space<hbm>>
          %dma_wait3A_680 = arith.constant 0 : i32
          %dma_wait3A_681 = arith.constant 0 : i32
          %dma_wait3A_682 = tpu.memref_slice %arg4[%dma_wait3A_671, %dma_wait3A_672, %add3A, %dma_wait3A_680, %dma_wait3A_681] : memref<200x8x32x8x128xf32, #tpu.memory_space<hbm>> -> memref<1x1x1x8x128xf32, #tpu.memory_space<hbm>>
          %dma_wait3A_683 = tpu.memref_squeeze %dma_wait3A_682 : memref<1x1x1x8x128xf32, #tpu.memory_space<hbm>> -> memref<8x128xf32, #tpu.memory_space<hbm>>
          %dma_wait3A_684 = arith.constant 0 : i32
          %dma_wait3A_685 = arith.constant 0 : i32
          %dma_wait3A_686 = tpu.memref_slice %arg9[%dma_wait3A_684, %dma_wait3A_685] : memref<64x128xf32, #tpu.memory_space<vmem>> -> memref<8x128xf32, #tpu.memory_space<vmem>>
          tpu.wait_dma2 semaphore(%arg15 : memref<!tpu.dma_semaphore, #tpu.memory_space<semaphore_mem>>) src(%dma_wait3A_686 : memref<8x128xf32, #tpu.memory_space<vmem>>) dst(%dma_wait3A_683 : memref<8x128xf32, #tpu.memory_space<hbm>>)
          %dma_wait3A_687 = arith.constant 0 : i32
          %dma_wait3A_688 = arith.constant 1 : i32
          %dma_wait3A_689 = arith.constant 8 : i32
          %dma_wait3A_690 = arith.constant 0 : i32
          %dma_wait3A_691 = tpu.memref_slice %arg9[%dma_wait3A_689, %dma_wait3A_690] : memref<64x128xf32, #tpu.memory_space<vmem>> -> memref<8x128xf32, #tpu.memory_space<vmem>>
          %dma_wait3A_692 = arith.constant 0 : i32
          %dma_wait3A_693 = arith.constant 0 : i32
          %dma_wait3A_694 = tpu.memref_slice %arg4[%dma_wait3A_687, %dma_wait3A_688, %add3A, %dma_wait3A_692, %dma_wait3A_693] : memref<200x8x32x8x128xf32, #tpu.memory_space<hbm>> -> memref<1x1x1x8x128xf32, #tpu.memory_space<hbm>>
          %dma_wait3A_695 = tpu.memref_squeeze %dma_wait3A_694 : memref<1x1x1x8x128xf32, #tpu.memory_space<hbm>> -> memref<8x128xf32, #tpu.memory_space<hbm>>
          %dma_wait3A_696 = arith.constant 0 : i32
          %dma_wait3A_697 = arith.constant 0 : i32
          %dma_wait3A_698 = tpu.memref_slice %arg4[%dma_wait3A_687, %dma_wait3A_688, %add3A, %dma_wait3A_696, %dma_wait3A_697] : memref<200x8x32x8x128xf32, #tpu.memory_space<hbm>> -> memref<1x1x1x8x128xf32, #tpu.memory_space<hbm>>
          %dma_wait3A_699 = tpu.memref_squeeze %dma_wait3A_698 : memref<1x1x1x8x128xf32, #tpu.memory_space<hbm>> -> memref<8x128xf32, #tpu.memory_space<hbm>>
          %dma_wait3A_700 = arith.constant 8 : i32
          %dma_wait3A_701 = arith.constant 0 : i32
          %dma_wait3A_702 = tpu.memref_slice %arg9[%dma_wait3A_700, %dma_wait3A_701] : memref<64x128xf32, #tpu.memory_space<vmem>> -> memref<8x128xf32, #tpu.memory_space<vmem>>
          tpu.wait_dma2 semaphore(%arg15 : memref<!tpu.dma_semaphore, #tpu.memory_space<semaphore_mem>>) src(%dma_wait3A_702 : memref<8x128xf32, #tpu.memory_space<vmem>>) dst(%dma_wait3A_699 : memref<8x128xf32, #tpu.memory_space<hbm>>)
          %dma_wait3A_703 = arith.constant 0 : i32
          %dma_wait3A_704 = arith.constant 2 : i32
          %dma_wait3A_705 = arith.constant 16 : i32
          %dma_wait3A_706 = arith.constant 0 : i32
          %dma_wait3A_707 = tpu.memref_slice %arg9[%dma_wait3A_705, %dma_wait3A_706] : memref<64x128xf32, #tpu.memory_space<vmem>> -> memref<8x128xf32, #tpu.memory_space<vmem>>
          %dma_wait3A_708 = arith.constant 0 : i32
          %dma_wait3A_709 = arith.constant 0 : i32
          %dma_wait3A_710 = tpu.memref_slice %arg4[%dma_wait3A_703, %dma_wait3A_704, %add3A, %dma_wait3A_708, %dma_wait3A_709] : memref<200x8x32x8x128xf32, #tpu.memory_space<hbm>> -> memref<1x1x1x8x128xf32, #tpu.memory_space<hbm>>
          %dma_wait3A_711 = tpu.memref_squeeze %dma_wait3A_710 : memref<1x1x1x8x128xf32, #tpu.memory_space<hbm>> -> memref<8x128xf32, #tpu.memory_space<hbm>>
          %dma_wait3A_712 = arith.constant 0 : i32
          %dma_wait3A_713 = arith.constant 0 : i32
          %dma_wait3A_714 = tpu.memref_slice %arg4[%dma_wait3A_703, %dma_wait3A_704, %add3A, %dma_wait3A_712, %dma_wait3A_713] : memref<200x8x32x8x128xf32, #tpu.memory_space<hbm>> -> memref<1x1x1x8x128xf32, #tpu.memory_space<hbm>>
          %dma_wait3A_715 = tpu.memref_squeeze %dma_wait3A_714 : memref<1x1x1x8x128xf32, #tpu.memory_space<hbm>> -> memref<8x128xf32, #tpu.memory_space<hbm>>
          %dma_wait3A_716 = arith.constant 16 : i32
          %dma_wait3A_717 = arith.constant 0 : i32
          %dma_wait3A_718 = tpu.memref_slice %arg9[%dma_wait3A_716, %dma_wait3A_717] : memref<64x128xf32, #tpu.memory_space<vmem>> -> memref<8x128xf32, #tpu.memory_space<vmem>>
          tpu.wait_dma2 semaphore(%arg15 : memref<!tpu.dma_semaphore, #tpu.memory_space<semaphore_mem>>) src(%dma_wait3A_718 : memref<8x128xf32, #tpu.memory_space<vmem>>) dst(%dma_wait3A_715 : memref<8x128xf32, #tpu.memory_space<hbm>>)
          %dma_wait3A_719 = arith.constant 0 : i32
          %dma_wait3A_720 = arith.constant 3 : i32
          %dma_wait3A_721 = arith.constant 24 : i32
          %dma_wait3A_722 = arith.constant 0 : i32
          %dma_wait3A_723 = tpu.memref_slice %arg9[%dma_wait3A_721, %dma_wait3A_722] : memref<64x128xf32, #tpu.memory_space<vmem>> -> memref<8x128xf32, #tpu.memory_space<vmem>>
          %dma_wait3A_724 = arith.constant 0 : i32
          %dma_wait3A_725 = arith.constant 0 : i32
          %dma_wait3A_726 = tpu.memref_slice %arg4[%dma_wait3A_719, %dma_wait3A_720, %add3A, %dma_wait3A_724, %dma_wait3A_725] : memref<200x8x32x8x128xf32, #tpu.memory_space<hbm>> -> memref<1x1x1x8x128xf32, #tpu.memory_space<hbm>>
          %dma_wait3A_727 = tpu.memref_squeeze %dma_wait3A_726 : memref<1x1x1x8x128xf32, #tpu.memory_space<hbm>> -> memref<8x128xf32, #tpu.memory_space<hbm>>
          %dma_wait3A_728 = arith.constant 0 : i32
          %dma_wait3A_729 = arith.constant 0 : i32
          %dma_wait3A_730 = tpu.memref_slice %arg4[%dma_wait3A_719, %dma_wait3A_720, %add3A, %dma_wait3A_728, %dma_wait3A_729] : memref<200x8x32x8x128xf32, #tpu.memory_space<hbm>> -> memref<1x1x1x8x128xf32, #tpu.memory_space<hbm>>
          %dma_wait3A_731 = tpu.memref_squeeze %dma_wait3A_730 : memref<1x1x1x8x128xf32, #tpu.memory_space<hbm>> -> memref<8x128xf32, #tpu.memory_space<hbm>>
          %dma_wait3A_732 = arith.constant 24 : i32
          %dma_wait3A_733 = arith.constant 0 : i32
          %dma_wait3A_734 = tpu.memref_slice %arg9[%dma_wait3A_732, %dma_wait3A_733] : memref<64x128xf32, #tpu.memory_space<vmem>> -> memref<8x128xf32, #tpu.memory_space<vmem>>
          tpu.wait_dma2 semaphore(%arg15 : memref<!tpu.dma_semaphore, #tpu.memory_space<semaphore_mem>>) src(%dma_wait3A_734 : memref<8x128xf32, #tpu.memory_space<vmem>>) dst(%dma_wait3A_731 : memref<8x128xf32, #tpu.memory_space<hbm>>)
          %dma_wait3A_735 = arith.constant 0 : i32
          %dma_wait3A_736 = arith.constant 4 : i32
          %dma_wait3A_737 = arith.constant 32 : i32
          %dma_wait3A_738 = arith.constant 0 : i32
          %dma_wait3A_739 = tpu.memref_slice %arg9[%dma_wait3A_737, %dma_wait3A_738] : memref<64x128xf32, #tpu.memory_space<vmem>> -> memref<8x128xf32, #tpu.memory_space<vmem>>
          %dma_wait3A_740 = arith.constant 0 : i32
          %dma_wait3A_741 = arith.constant 0 : i32
          %dma_wait3A_742 = tpu.memref_slice %arg4[%dma_wait3A_735, %dma_wait3A_736, %add3A, %dma_wait3A_740, %dma_wait3A_741] : memref<200x8x32x8x128xf32, #tpu.memory_space<hbm>> -> memref<1x1x1x8x128xf32, #tpu.memory_space<hbm>>
          %dma_wait3A_743 = tpu.memref_squeeze %dma_wait3A_742 : memref<1x1x1x8x128xf32, #tpu.memory_space<hbm>> -> memref<8x128xf32, #tpu.memory_space<hbm>>
          %dma_wait3A_744 = arith.constant 0 : i32
          %dma_wait3A_745 = arith.constant 0 : i32
          %dma_wait3A_746 = tpu.memref_slice %arg4[%dma_wait3A_735, %dma_wait3A_736, %add3A, %dma_wait3A_744, %dma_wait3A_745] : memref<200x8x32x8x128xf32, #tpu.memory_space<hbm>> -> memref<1x1x1x8x128xf32, #tpu.memory_space<hbm>>
          %dma_wait3A_747 = tpu.memref_squeeze %dma_wait3A_746 : memref<1x1x1x8x128xf32, #tpu.memory_space<hbm>> -> memref<8x128xf32, #tpu.memory_space<hbm>>
          %dma_wait3A_748 = arith.constant 32 : i32
          %dma_wait3A_749 = arith.constant 0 : i32
          %dma_wait3A_750 = tpu.memref_slice %arg9[%dma_wait3A_748, %dma_wait3A_749] : memref<64x128xf32, #tpu.memory_space<vmem>> -> memref<8x128xf32, #tpu.memory_space<vmem>>
          tpu.wait_dma2 semaphore(%arg15 : memref<!tpu.dma_semaphore, #tpu.memory_space<semaphore_mem>>) src(%dma_wait3A_750 : memref<8x128xf32, #tpu.memory_space<vmem>>) dst(%dma_wait3A_747 : memref<8x128xf32, #tpu.memory_space<hbm>>)
          %dma_wait3A_751 = arith.constant 0 : i32
          %dma_wait3A_752 = arith.constant 5 : i32
          %dma_wait3A_753 = arith.constant 40 : i32
          %dma_wait3A_754 = arith.constant 0 : i32
          %dma_wait3A_755 = tpu.memref_slice %arg9[%dma_wait3A_753, %dma_wait3A_754] : memref<64x128xf32, #tpu.memory_space<vmem>> -> memref<8x128xf32, #tpu.memory_space<vmem>>
          %dma_wait3A_756 = arith.constant 0 : i32
          %dma_wait3A_757 = arith.constant 0 : i32
          %dma_wait3A_758 = tpu.memref_slice %arg4[%dma_wait3A_751, %dma_wait3A_752, %add3A, %dma_wait3A_756, %dma_wait3A_757] : memref<200x8x32x8x128xf32, #tpu.memory_space<hbm>> -> memref<1x1x1x8x128xf32, #tpu.memory_space<hbm>>
          %dma_wait3A_759 = tpu.memref_squeeze %dma_wait3A_758 : memref<1x1x1x8x128xf32, #tpu.memory_space<hbm>> -> memref<8x128xf32, #tpu.memory_space<hbm>>
          %dma_wait3A_760 = arith.constant 0 : i32
          %dma_wait3A_761 = arith.constant 0 : i32
          %dma_wait3A_762 = tpu.memref_slice %arg4[%dma_wait3A_751, %dma_wait3A_752, %add3A, %dma_wait3A_760, %dma_wait3A_761] : memref<200x8x32x8x128xf32, #tpu.memory_space<hbm>> -> memref<1x1x1x8x128xf32, #tpu.memory_space<hbm>>
          %dma_wait3A_763 = tpu.memref_squeeze %dma_wait3A_762 : memref<1x1x1x8x128xf32, #tpu.memory_space<hbm>> -> memref<8x128xf32, #tpu.memory_space<hbm>>
          %dma_wait3A_764 = arith.constant 40 : i32
          %dma_wait3A_765 = arith.constant 0 : i32
          %dma_wait3A_766 = tpu.memref_slice %arg9[%dma_wait3A_764, %dma_wait3A_765] : memref<64x128xf32, #tpu.memory_space<vmem>> -> memref<8x128xf32, #tpu.memory_space<vmem>>
          tpu.wait_dma2 semaphore(%arg15 : memref<!tpu.dma_semaphore, #tpu.memory_space<semaphore_mem>>) src(%dma_wait3A_766 : memref<8x128xf32, #tpu.memory_space<vmem>>) dst(%dma_wait3A_763 : memref<8x128xf32, #tpu.memory_space<hbm>>)
          %dma_wait3A_767 = arith.constant 0 : i32
          %dma_wait3A_768 = arith.constant 6 : i32
          %dma_wait3A_769 = arith.constant 48 : i32
          %dma_wait3A_770 = arith.constant 0 : i32
          %dma_wait3A_771 = tpu.memref_slice %arg9[%dma_wait3A_769, %dma_wait3A_770] : memref<64x128xf32, #tpu.memory_space<vmem>> -> memref<8x128xf32, #tpu.memory_space<vmem>>
          %dma_wait3A_772 = arith.constant 0 : i32
          %dma_wait3A_773 = arith.constant 0 : i32
          %dma_wait3A_774 = tpu.memref_slice %arg4[%dma_wait3A_767, %dma_wait3A_768, %add3A, %dma_wait3A_772, %dma_wait3A_773] : memref<200x8x32x8x128xf32, #tpu.memory_space<hbm>> -> memref<1x1x1x8x128xf32, #tpu.memory_space<hbm>>
          %dma_wait3A_775 = tpu.memref_squeeze %dma_wait3A_774 : memref<1x1x1x8x128xf32, #tpu.memory_space<hbm>> -> memref<8x128xf32, #tpu.memory_space<hbm>>
          %dma_wait3A_776 = arith.constant 0 : i32
          %dma_wait3A_777 = arith.constant 0 : i32
          %dma_wait3A_778 = tpu.memref_slice %arg4[%dma_wait3A_767, %dma_wait3A_768, %add3A, %dma_wait3A_776, %dma_wait3A_777] : memref<200x8x32x8x128xf32, #tpu.memory_space<hbm>> -> memref<1x1x1x8x128xf32, #tpu.memory_space<hbm>>
          %dma_wait3A_779 = tpu.memref_squeeze %dma_wait3A_778 : memref<1x1x1x8x128xf32, #tpu.memory_space<hbm>> -> memref<8x128xf32, #tpu.memory_space<hbm>>
          %dma_wait3A_780 = arith.constant 48 : i32
          %dma_wait3A_781 = arith.constant 0 : i32
          %dma_wait3A_782 = tpu.memref_slice %arg9[%dma_wait3A_780, %dma_wait3A_781] : memref<64x128xf32, #tpu.memory_space<vmem>> -> memref<8x128xf32, #tpu.memory_space<vmem>>
          tpu.wait_dma2 semaphore(%arg15 : memref<!tpu.dma_semaphore, #tpu.memory_space<semaphore_mem>>) src(%dma_wait3A_782 : memref<8x128xf32, #tpu.memory_space<vmem>>) dst(%dma_wait3A_779 : memref<8x128xf32, #tpu.memory_space<hbm>>)
          %dma_wait3A_783 = arith.constant 0 : i32
          %dma_wait3A_784 = arith.constant 7 : i32
          %dma_wait3A_785 = arith.constant 56 : i32
          %dma_wait3A_786 = arith.constant 0 : i32
          %dma_wait3A_787 = tpu.memref_slice %arg9[%dma_wait3A_785, %dma_wait3A_786] : memref<64x128xf32, #tpu.memory_space<vmem>> -> memref<8x128xf32, #tpu.memory_space<vmem>>
          %dma_wait3A_788 = arith.constant 0 : i32
          %dma_wait3A_789 = arith.constant 0 : i32
          %dma_wait3A_790 = tpu.memref_slice %arg4[%dma_wait3A_783, %dma_wait3A_784, %add3A, %dma_wait3A_788, %dma_wait3A_789] : memref<200x8x32x8x128xf32, #tpu.memory_space<hbm>> -> memref<1x1x1x8x128xf32, #tpu.memory_space<hbm>>
          %dma_wait3A_791 = tpu.memref_squeeze %dma_wait3A_790 : memref<1x1x1x8x128xf32, #tpu.memory_space<hbm>> -> memref<8x128xf32, #tpu.memory_space<hbm>>
          %dma_wait3A_792 = arith.constant 0 : i32
          %dma_wait3A_793 = arith.constant 0 : i32
          %dma_wait3A_794 = tpu.memref_slice %arg4[%dma_wait3A_783, %dma_wait3A_784, %add3A, %dma_wait3A_792, %dma_wait3A_793] : memref<200x8x32x8x128xf32, #tpu.memory_space<hbm>> -> memref<1x1x1x8x128xf32, #tpu.memory_space<hbm>>
          %dma_wait3A_795 = tpu.memref_squeeze %dma_wait3A_794 : memref<1x1x1x8x128xf32, #tpu.memory_space<hbm>> -> memref<8x128xf32, #tpu.memory_space<hbm>>
          %dma_wait3A_796 = arith.constant 56 : i32
          %dma_wait3A_797 = arith.constant 0 : i32
          %dma_wait3A_798 = tpu.memref_slice %arg9[%dma_wait3A_796, %dma_wait3A_797] : memref<64x128xf32, #tpu.memory_space<vmem>> -> memref<8x128xf32, #tpu.memory_space<vmem>>
          tpu.wait_dma2 semaphore(%arg15 : memref<!tpu.dma_semaphore, #tpu.memory_space<semaphore_mem>>) src(%dma_wait3A_798 : memref<8x128xf32, #tpu.memory_space<vmem>>) dst(%dma_wait3A_795 : memref<8x128xf32, #tpu.memory_space<hbm>>)
        } else {
        }
        %parallel_loop3A = arith.constant 0 : i32
        %parallel_loop3A_542 = arith.constant 32 : i32
        %parallel_loop3A_543 = arith.constant 1 : i32
        scf.for %parallel_loop3A_671 = %parallel_loop3A to %parallel_loop3A_542 step %parallel_loop3A_543  : i32 {
          %parallel_loop3A_672 = arith.constant 8 : i32
          %parallel_loop3A_673 = arith.constant 0 : i32
          %parallel_loop3A_674 = arith.cmpi eq, %parallel_loop3A_672, %parallel_loop3A_673 : i32
          %parallel_loop3A_675 = arith.constant 1 : i32
          %parallel_loop3A_676 = arith.select %parallel_loop3A_674, %parallel_loop3A_675, %parallel_loop3A_672 : i32
          %parallel_loop3A_677 = arith.remsi %parallel_loop3A_671, %parallel_loop3A_676 : i32
          %parallel_loop3A_678 = arith.constant 0 : i32
          %parallel_loop3A_679 = arith.cmpi ne, %parallel_loop3A_677, %parallel_loop3A_678 : i32
          %parallel_loop3A_680 = arith.constant 0 : i32
          %parallel_loop3A_681 = arith.cmpi slt, %parallel_loop3A_677, %parallel_loop3A_680 : i32
          %parallel_loop3A_682 = arith.constant 0 : i32
          %parallel_loop3A_683 = arith.cmpi slt, %parallel_loop3A_676, %parallel_loop3A_682 : i32
          %parallel_loop3A_684 = arith.xori %parallel_loop3A_681, %parallel_loop3A_683 : i1
          %parallel_loop3A_685 = arith.andi %parallel_loop3A_684, %parallel_loop3A_679 : i1
          %parallel_loop3A_686 = arith.addi %parallel_loop3A_677, %parallel_loop3A_676 : i32
          %parallel_loop3A_687 = arith.select %parallel_loop3A_685, %parallel_loop3A_686, %parallel_loop3A_677 : i32
          %parallel_loop3A_688 = arith.constant 16 : i32
          %parallel_loop3A_689 = arith.muli %parallel_loop3A_687, %parallel_loop3A_688 : i32
          %parallel_loop3A_690 = arith.constant 8 : i32
          %parallel_loop3A_691 = arith.divsi %parallel_loop3A_671, %parallel_loop3A_690 : i32
          %parallel_loop3A_692 = arith.constant 0 : i32
          %parallel_loop3A_693 = arith.cmpi sgt, %parallel_loop3A_671, %parallel_loop3A_692 : i32
          %parallel_loop3A_694 = arith.extui %parallel_loop3A_693 : i1 to i32
          %parallel_loop3A_695 = arith.constant 0 : i32
          %parallel_loop3A_696 = arith.cmpi slt, %parallel_loop3A_671, %parallel_loop3A_695 : i32
          %parallel_loop3A_697 = arith.extui %parallel_loop3A_696 : i1 to i32
          %parallel_loop3A_698 = arith.subi %parallel_loop3A_694, %parallel_loop3A_697 : i32
          %parallel_loop3A_699 = arith.constant 0 : i32
          %parallel_loop3A_700 = arith.cmpi sgt, %parallel_loop3A_690, %parallel_loop3A_699 : i32
          %parallel_loop3A_701 = arith.extui %parallel_loop3A_700 : i1 to i32
          %parallel_loop3A_702 = arith.constant 0 : i32
          %parallel_loop3A_703 = arith.cmpi slt, %parallel_loop3A_690, %parallel_loop3A_702 : i32
          %parallel_loop3A_704 = arith.extui %parallel_loop3A_703 : i1 to i32
          %parallel_loop3A_705 = arith.subi %parallel_loop3A_701, %parallel_loop3A_704 : i32
          %parallel_loop3A_706 = arith.cmpi ne, %parallel_loop3A_698, %parallel_loop3A_705 : i32
          %parallel_loop3A_707 = arith.remsi %parallel_loop3A_671, %parallel_loop3A_690 : i32
          %parallel_loop3A_708 = arith.constant 0 : i32
          %parallel_loop3A_709 = arith.cmpi ne, %parallel_loop3A_707, %parallel_loop3A_708 : i32
          %parallel_loop3A_710 = arith.andi %parallel_loop3A_706, %parallel_loop3A_709 : i1
          %parallel_loop3A_711 = arith.constant 1 : i32
          %parallel_loop3A_712 = arith.subi %parallel_loop3A_691, %parallel_loop3A_711 : i32
          %parallel_loop3A_713 = arith.select %parallel_loop3A_710, %parallel_loop3A_712, %parallel_loop3A_691 : i32
          %parallel_loop3A_714 = arith.constant 16 : i32
          %parallel_loop3A_715 = arith.muli %parallel_loop3A_713, %parallel_loop3A_714 : i32
          %parallel_loop3A_716 = vector.broadcast %parallel_loop3A_689 : i32 to vector<16xi32>
          %parallel_loop3A_717 = arith.addi %iota3A, %parallel_loop3A_716 : vector<16xi32>
          %parallel_loop3A_718 = vector.broadcast %parallel_loop3A_715 : i32 to vector<16xi32>
          %parallel_loop3A_719 = arith.addi %iota3A, %parallel_loop3A_718 : vector<16xi32>
          %parallel_loop3A_720 = tpu.vector_load_idx %arg6[%parallel_loop3A_717, %parallel_loop3A_719] : memref<128x64xf32, #tpu.memory_space<vmem>>[vector<16xi32>, vector<16xi32>], vector<16xf32>,
          tpu.vector_store_idx %arg9[%parallel_loop3A_719, %parallel_loop3A_717], %parallel_loop3A_720 : memref<64x128xf32, #tpu.memory_space<vmem>>[vector<16xi32>, vector<16xi32>], vector<16xf32>,
          %parallel_loop3A_721 = vector.broadcast %parallel_loop3A_715 : i32 to vector<16xi32>
          %parallel_loop3A_722 = arith.addi %and3A_7, %parallel_loop3A_721 : vector<16xi32>
          %parallel_loop3A_723 = tpu.vector_load_idx %arg6[%parallel_loop3A_717, %parallel_loop3A_722] : memref<128x64xf32, #tpu.memory_space<vmem>>[vector<16xi32>, vector<16xi32>], vector<16xf32>,
          tpu.vector_store_idx %arg9[%parallel_loop3A_722, %parallel_loop3A_717], %parallel_loop3A_723 : memref<64x128xf32, #tpu.memory_space<vmem>>[vector<16xi32>, vector<16xi32>], vector<16xf32>,
          %parallel_loop3A_724 = vector.broadcast %parallel_loop3A_715 : i32 to vector<16xi32>
          %parallel_loop3A_725 = arith.addi %and3A_13, %parallel_loop3A_724 : vector<16xi32>
          %parallel_loop3A_726 = tpu.vector_load_idx %arg6[%parallel_loop3A_717, %parallel_loop3A_725] : memref<128x64xf32, #tpu.memory_space<vmem>>[vector<16xi32>, vector<16xi32>], vector<16xf32>,
          tpu.vector_store_idx %arg9[%parallel_loop3A_725, %parallel_loop3A_717], %parallel_loop3A_726 : memref<64x128xf32, #tpu.memory_space<vmem>>[vector<16xi32>, vector<16xi32>], vector<16xf32>,
          %parallel_loop3A_727 = vector.broadcast %parallel_loop3A_715 : i32 to vector<16xi32>
          %parallel_loop3A_728 = arith.addi %and3A_19, %parallel_loop3A_727 : vector<16xi32>
          %parallel_loop3A_729 = tpu.vector_load_idx %arg6[%parallel_loop3A_717, %parallel_loop3A_728] : memref<128x64xf32, #tpu.memory_space<vmem>>[vector<16xi32>, vector<16xi32>], vector<16xf32>,
          tpu.vector_store_idx %arg9[%parallel_loop3A_728, %parallel_loop3A_717], %parallel_loop3A_729 : memref<64x128xf32, #tpu.memory_space<vmem>>[vector<16xi32>, vector<16xi32>], vector<16xf32>,
          %parallel_loop3A_730 = vector.broadcast %parallel_loop3A_715 : i32 to vector<16xi32>
          %parallel_loop3A_731 = arith.addi %and3A_25, %parallel_loop3A_730 : vector<16xi32>
          %parallel_loop3A_732 = tpu.vector_load_idx %arg6[%parallel_loop3A_717, %parallel_loop3A_731] : memref<128x64xf32, #tpu.memory_space<vmem>>[vector<16xi32>, vector<16xi32>], vector<16xf32>,
          tpu.vector_store_idx %arg9[%parallel_loop3A_731, %parallel_loop3A_717], %parallel_loop3A_732 : memref<64x128xf32, #tpu.memory_space<vmem>>[vector<16xi32>, vector<16xi32>], vector<16xf32>,
          %parallel_loop3A_733 = vector.broadcast %parallel_loop3A_715 : i32 to vector<16xi32>
          %parallel_loop3A_734 = arith.addi %and3A_31, %parallel_loop3A_733 : vector<16xi32>
          %parallel_loop3A_735 = tpu.vector_load_idx %arg6[%parallel_loop3A_717, %parallel_loop3A_734] : memref<128x64xf32, #tpu.memory_space<vmem>>[vector<16xi32>, vector<16xi32>], vector<16xf32>,
          tpu.vector_store_idx %arg9[%parallel_loop3A_734, %parallel_loop3A_717], %parallel_loop3A_735 : memref<64x128xf32, #tpu.memory_space<vmem>>[vector<16xi32>, vector<16xi32>], vector<16xf32>,
          %parallel_loop3A_736 = vector.broadcast %parallel_loop3A_715 : i32 to vector<16xi32>
          %parallel_loop3A_737 = arith.addi %and3A_37, %parallel_loop3A_736 : vector<16xi32>
          %parallel_loop3A_738 = tpu.vector_load_idx %arg6[%parallel_loop3A_717, %parallel_loop3A_737] : memref<128x64xf32, #tpu.memory_space<vmem>>[vector<16xi32>, vector<16xi32>], vector<16xf32>,
          tpu.vector_store_idx %arg9[%parallel_loop3A_737, %parallel_loop3A_717], %parallel_loop3A_738 : memref<64x128xf32, #tpu.memory_space<vmem>>[vector<16xi32>, vector<16xi32>], vector<16xf32>,
          %parallel_loop3A_739 = vector.broadcast %parallel_loop3A_715 : i32 to vector<16xi32>
          %parallel_loop3A_740 = arith.addi %and3A_43, %parallel_loop3A_739 : vector<16xi32>
          %parallel_loop3A_741 = tpu.vector_load_idx %arg6[%parallel_loop3A_717, %parallel_loop3A_740] : memref<128x64xf32, #tpu.memory_space<vmem>>[vector<16xi32>, vector<16xi32>], vector<16xf32>,
          tpu.vector_store_idx %arg9[%parallel_loop3A_740, %parallel_loop3A_717], %parallel_loop3A_741 : memref<64x128xf32, #tpu.memory_space<vmem>>[vector<16xi32>, vector<16xi32>], vector<16xf32>,
          %parallel_loop3A_742 = vector.broadcast %parallel_loop3A_715 : i32 to vector<16xi32>
          %parallel_loop3A_743 = arith.addi %and3A_49, %parallel_loop3A_742 : vector<16xi32>
          %parallel_loop3A_744 = tpu.vector_load_idx %arg6[%parallel_loop3A_717, %parallel_loop3A_743] : memref<128x64xf32, #tpu.memory_space<vmem>>[vector<16xi32>, vector<16xi32>], vector<16xf32>,
          tpu.vector_store_idx %arg9[%parallel_loop3A_743, %parallel_loop3A_717], %parallel_loop3A_744 : memref<64x128xf32, #tpu.memory_space<vmem>>[vector<16xi32>, vector<16xi32>], vector<16xf32>,
          %parallel_loop3A_745 = vector.broadcast %parallel_loop3A_715 : i32 to vector<16xi32>
          %parallel_loop3A_746 = arith.addi %and3A_55, %parallel_loop3A_745 : vector<16xi32>
          %parallel_loop3A_747 = tpu.vector_load_idx %arg6[%parallel_loop3A_717, %parallel_loop3A_746] : memref<128x64xf32, #tpu.memory_space<vmem>>[vector<16xi32>, vector<16xi32>], vector<16xf32>,
          tpu.vector_store_idx %arg9[%parallel_loop3A_746, %parallel_loop3A_717], %parallel_loop3A_747 : memref<64x128xf32, #tpu.memory_space<vmem>>[vector<16xi32>, vector<16xi32>], vector<16xf32>,
          %parallel_loop3A_748 = vector.broadcast %parallel_loop3A_715 : i32 to vector<16xi32>
          %parallel_loop3A_749 = arith.addi %and3A_61, %parallel_loop3A_748 : vector<16xi32>
          %parallel_loop3A_750 = tpu.vector_load_idx %arg6[%parallel_loop3A_717, %parallel_loop3A_749] : memref<128x64xf32, #tpu.memory_space<vmem>>[vector<16xi32>, vector<16xi32>], vector<16xf32>,
          tpu.vector_store_idx %arg9[%parallel_loop3A_749, %parallel_loop3A_717], %parallel_loop3A_750 : memref<64x128xf32, #tpu.memory_space<vmem>>[vector<16xi32>, vector<16xi32>], vector<16xf32>,
          %parallel_loop3A_751 = vector.broadcast %parallel_loop3A_715 : i32 to vector<16xi32>
          %parallel_loop3A_752 = arith.addi %and3A_67, %parallel_loop3A_751 : vector<16xi32>
          %parallel_loop3A_753 = tpu.vector_load_idx %arg6[%parallel_loop3A_717, %parallel_loop3A_752] : memref<128x64xf32, #tpu.memory_space<vmem>>[vector<16xi32>, vector<16xi32>], vector<16xf32>,
          tpu.vector_store_idx %arg9[%parallel_loop3A_752, %parallel_loop3A_717], %parallel_loop3A_753 : memref<64x128xf32, #tpu.memory_space<vmem>>[vector<16xi32>, vector<16xi32>], vector<16xf32>,
          %parallel_loop3A_754 = vector.broadcast %parallel_loop3A_715 : i32 to vector<16xi32>
          %parallel_loop3A_755 = arith.addi %and3A_73, %parallel_loop3A_754 : vector<16xi32>
          %parallel_loop3A_756 = tpu.vector_load_idx %arg6[%parallel_loop3A_717, %parallel_loop3A_755] : memref<128x64xf32, #tpu.memory_space<vmem>>[vector<16xi32>, vector<16xi32>], vector<16xf32>,
          tpu.vector_store_idx %arg9[%parallel_loop3A_755, %parallel_loop3A_717], %parallel_loop3A_756 : memref<64x128xf32, #tpu.memory_space<vmem>>[vector<16xi32>, vector<16xi32>], vector<16xf32>,
          %parallel_loop3A_757 = vector.broadcast %parallel_loop3A_715 : i32 to vector<16xi32>
          %parallel_loop3A_758 = arith.addi %and3A_79, %parallel_loop3A_757 : vector<16xi32>
          %parallel_loop3A_759 = tpu.vector_load_idx %arg6[%parallel_loop3A_717, %parallel_loop3A_758] : memref<128x64xf32, #tpu.memory_space<vmem>>[vector<16xi32>, vector<16xi32>], vector<16xf32>,
          tpu.vector_store_idx %arg9[%parallel_loop3A_758, %parallel_loop3A_717], %parallel_loop3A_759 : memref<64x128xf32, #tpu.memory_space<vmem>>[vector<16xi32>, vector<16xi32>], vector<16xf32>,
          %parallel_loop3A_760 = vector.broadcast %parallel_loop3A_715 : i32 to vector<16xi32>
          %parallel_loop3A_761 = arith.addi %and3A_85, %parallel_loop3A_760 : vector<16xi32>
          %parallel_loop3A_762 = tpu.vector_load_idx %arg6[%parallel_loop3A_717, %parallel_loop3A_761] : memref<128x64xf32, #tpu.memory_space<vmem>>[vector<16xi32>, vector<16xi32>], vector<16xf32>,
          tpu.vector_store_idx %arg9[%parallel_loop3A_761, %parallel_loop3A_717], %parallel_loop3A_762 : memref<64x128xf32, #tpu.memory_space<vmem>>[vector<16xi32>, vector<16xi32>], vector<16xf32>,
          %parallel_loop3A_763 = vector.broadcast %parallel_loop3A_715 : i32 to vector<16xi32>
          %parallel_loop3A_764 = arith.addi %and3A_91, %parallel_loop3A_763 : vector<16xi32>
          %parallel_loop3A_765 = tpu.vector_load_idx %arg6[%parallel_loop3A_717, %parallel_loop3A_764] : memref<128x64xf32, #tpu.memory_space<vmem>>[vector<16xi32>, vector<16xi32>], vector<16xf32>,
          tpu.vector_store_idx %arg9[%parallel_loop3A_764, %parallel_loop3A_717], %parallel_loop3A_765 : memref<64x128xf32, #tpu.memory_space<vmem>>[vector<16xi32>, vector<16xi32>], vector<16xf32>,
        } {sc.loop_unroll_factor = 4 : i64, sc.parallel_access}
        %dma_start3A_544 = arith.constant 0 : i32
        %dma_start3A_545 = arith.constant 0 : i32
        %dma_start3A_546 = arith.constant 0 : i32
        %dma_start3A_547 = tpu.memref_slice %arg9[%dma_start3A_545, %dma_start3A_546] : memref<64x128xf32, #tpu.memory_space<vmem>> -> memref<8x128xf32, #tpu.memory_space<vmem>>
        %dma_start3A_548 = arith.constant 0 : i32
        %dma_start3A_549 = arith.constant 0 : i32
        %dma_start3A_550 = tpu.memref_slice %arg4[%add3A_510, %dma_start3A_544, %add3A, %dma_start3A_548, %dma_start3A_549] : memref<200x8x32x8x128xf32, #tpu.memory_space<hbm>> -> memref<1x1x1x8x128xf32, #tpu.memory_space<hbm>>
        %dma_start3A_551 = tpu.memref_squeeze %dma_start3A_550 : memref<1x1x1x8x128xf32, #tpu.memory_space<hbm>> -> memref<8x128xf32, #tpu.memory_space<hbm>>
        %dma_start3A_552 = arith.constant 0 : i32
        %dma_start3A_553 = arith.constant 0 : i32
        %dma_start3A_554 = tpu.memref_slice %arg4[%add3A_510, %dma_start3A_544, %add3A, %dma_start3A_552, %dma_start3A_553] : memref<200x8x32x8x128xf32, #tpu.memory_space<hbm>> -> memref<1x1x1x8x128xf32, #tpu.memory_space<hbm>>
        %dma_start3A_555 = tpu.memref_squeeze %dma_start3A_554 : memref<1x1x1x8x128xf32, #tpu.memory_space<hbm>> -> memref<8x128xf32, #tpu.memory_space<hbm>>
        %dma_start3A_556 = arith.constant 0 : i32
        %dma_start3A_557 = arith.constant 0 : i32
        %dma_start3A_558 = tpu.memref_slice %arg9[%dma_start3A_556, %dma_start3A_557] : memref<64x128xf32, #tpu.memory_space<vmem>> -> memref<8x128xf32, #tpu.memory_space<vmem>>
        tpu.enqueue_dma source(%dma_start3A_558 : memref<8x128xf32, #tpu.memory_space<vmem>>) target(%dma_start3A_555 : memref<8x128xf32, #tpu.memory_space<hbm>>) target_semaphore(%arg15 : memref<!tpu.dma_semaphore, #tpu.memory_space<semaphore_mem>>)
        %dma_start3A_559 = arith.constant 1 : i32
        %dma_start3A_560 = arith.constant 8 : i32
        %dma_start3A_561 = arith.constant 0 : i32
        %dma_start3A_562 = tpu.memref_slice %arg9[%dma_start3A_560, %dma_start3A_561] : memref<64x128xf32, #tpu.memory_space<vmem>> -> memref<8x128xf32, #tpu.memory_space<vmem>>
        %dma_start3A_563 = arith.constant 0 : i32
        %dma_start3A_564 = arith.constant 0 : i32
        %dma_start3A_565 = tpu.memref_slice %arg4[%add3A_510, %dma_start3A_559, %add3A, %dma_start3A_563, %dma_start3A_564] : memref<200x8x32x8x128xf32, #tpu.memory_space<hbm>> -> memref<1x1x1x8x128xf32, #tpu.memory_space<hbm>>
        %dma_start3A_566 = tpu.memref_squeeze %dma_start3A_565 : memref<1x1x1x8x128xf32, #tpu.memory_space<hbm>> -> memref<8x128xf32, #tpu.memory_space<hbm>>
        %dma_start3A_567 = arith.constant 0 : i32
        %dma_start3A_568 = arith.constant 0 : i32
        %dma_start3A_569 = tpu.memref_slice %arg4[%add3A_510, %dma_start3A_559, %add3A, %dma_start3A_567, %dma_start3A_568] : memref<200x8x32x8x128xf32, #tpu.memory_space<hbm>> -> memref<1x1x1x8x128xf32, #tpu.memory_space<hbm>>
        %dma_start3A_570 = tpu.memref_squeeze %dma_start3A_569 : memref<1x1x1x8x128xf32, #tpu.memory_space<hbm>> -> memref<8x128xf32, #tpu.memory_space<hbm>>
        %dma_start3A_571 = arith.constant 8 : i32
        %dma_start3A_572 = arith.constant 0 : i32
        %dma_start3A_573 = tpu.memref_slice %arg9[%dma_start3A_571, %dma_start3A_572] : memref<64x128xf32, #tpu.memory_space<vmem>> -> memref<8x128xf32, #tpu.memory_space<vmem>>
        tpu.enqueue_dma source(%dma_start3A_573 : memref<8x128xf32, #tpu.memory_space<vmem>>) target(%dma_start3A_570 : memref<8x128xf32, #tpu.memory_space<hbm>>) target_semaphore(%arg15 : memref<!tpu.dma_semaphore, #tpu.memory_space<semaphore_mem>>)
        %dma_start3A_574 = arith.constant 2 : i32
        %dma_start3A_575 = arith.constant 16 : i32
        %dma_start3A_576 = arith.constant 0 : i32
        %dma_start3A_577 = tpu.memref_slice %arg9[%dma_start3A_575, %dma_start3A_576] : memref<64x128xf32, #tpu.memory_space<vmem>> -> memref<8x128xf32, #tpu.memory_space<vmem>>
        %dma_start3A_578 = arith.constant 0 : i32
        %dma_start3A_579 = arith.constant 0 : i32
        %dma_start3A_580 = tpu.memref_slice %arg4[%add3A_510, %dma_start3A_574, %add3A, %dma_start3A_578, %dma_start3A_579] : memref<200x8x32x8x128xf32, #tpu.memory_space<hbm>> -> memref<1x1x1x8x128xf32, #tpu.memory_space<hbm>>
        %dma_start3A_581 = tpu.memref_squeeze %dma_start3A_580 : memref<1x1x1x8x128xf32, #tpu.memory_space<hbm>> -> memref<8x128xf32, #tpu.memory_space<hbm>>
        %dma_start3A_582 = arith.constant 0 : i32
        %dma_start3A_583 = arith.constant 0 : i32
        %dma_start3A_584 = tpu.memref_slice %arg4[%add3A_510, %dma_start3A_574, %add3A, %dma_start3A_582, %dma_start3A_583] : memref<200x8x32x8x128xf32, #tpu.memory_space<hbm>> -> memref<1x1x1x8x128xf32, #tpu.memory_space<hbm>>
        %dma_start3A_585 = tpu.memref_squeeze %dma_start3A_584 : memref<1x1x1x8x128xf32, #tpu.memory_space<hbm>> -> memref<8x128xf32, #tpu.memory_space<hbm>>
        %dma_start3A_586 = arith.constant 16 : i32
        %dma_start3A_587 = arith.constant 0 : i32
        %dma_start3A_588 = tpu.memref_slice %arg9[%dma_start3A_586, %dma_start3A_587] : memref<64x128xf32, #tpu.memory_space<vmem>> -> memref<8x128xf32, #tpu.memory_space<vmem>>
        tpu.enqueue_dma source(%dma_start3A_588 : memref<8x128xf32, #tpu.memory_space<vmem>>) target(%dma_start3A_585 : memref<8x128xf32, #tpu.memory_space<hbm>>) target_semaphore(%arg15 : memref<!tpu.dma_semaphore, #tpu.memory_space<semaphore_mem>>)
        %dma_start3A_589 = arith.constant 3 : i32
        %dma_start3A_590 = arith.constant 24 : i32
        %dma_start3A_591 = arith.constant 0 : i32
        %dma_start3A_592 = tpu.memref_slice %arg9[%dma_start3A_590, %dma_start3A_591] : memref<64x128xf32, #tpu.memory_space<vmem>> -> memref<8x128xf32, #tpu.memory_space<vmem>>
        %dma_start3A_593 = arith.constant 0 : i32
        %dma_start3A_594 = arith.constant 0 : i32
        %dma_start3A_595 = tpu.memref_slice %arg4[%add3A_510, %dma_start3A_589, %add3A, %dma_start3A_593, %dma_start3A_594] : memref<200x8x32x8x128xf32, #tpu.memory_space<hbm>> -> memref<1x1x1x8x128xf32, #tpu.memory_space<hbm>>
        %dma_start3A_596 = tpu.memref_squeeze %dma_start3A_595 : memref<1x1x1x8x128xf32, #tpu.memory_space<hbm>> -> memref<8x128xf32, #tpu.memory_space<hbm>>
        %dma_start3A_597 = arith.constant 0 : i32
        %dma_start3A_598 = arith.constant 0 : i32
        %dma_start3A_599 = tpu.memref_slice %arg4[%add3A_510, %dma_start3A_589, %add3A, %dma_start3A_597, %dma_start3A_598] : memref<200x8x32x8x128xf32, #tpu.memory_space<hbm>> -> memref<1x1x1x8x128xf32, #tpu.memory_space<hbm>>
        %dma_start3A_600 = tpu.memref_squeeze %dma_start3A_599 : memref<1x1x1x8x128xf32, #tpu.memory_space<hbm>> -> memref<8x128xf32, #tpu.memory_space<hbm>>
        %dma_start3A_601 = arith.constant 24 : i32
        %dma_start3A_602 = arith.constant 0 : i32
        %dma_start3A_603 = tpu.memref_slice %arg9[%dma_start3A_601, %dma_start3A_602] : memref<64x128xf32, #tpu.memory_space<vmem>> -> memref<8x128xf32, #tpu.memory_space<vmem>>
        tpu.enqueue_dma source(%dma_start3A_603 : memref<8x128xf32, #tpu.memory_space<vmem>>) target(%dma_start3A_600 : memref<8x128xf32, #tpu.memory_space<hbm>>) target_semaphore(%arg15 : memref<!tpu.dma_semaphore, #tpu.memory_space<semaphore_mem>>)
        %dma_start3A_604 = arith.constant 4 : i32
        %dma_start3A_605 = arith.constant 32 : i32
        %dma_start3A_606 = arith.constant 0 : i32
        %dma_start3A_607 = tpu.memref_slice %arg9[%dma_start3A_605, %dma_start3A_606] : memref<64x128xf32, #tpu.memory_space<vmem>> -> memref<8x128xf32, #tpu.memory_space<vmem>>
        %dma_start3A_608 = arith.constant 0 : i32
        %dma_start3A_609 = arith.constant 0 : i32
        %dma_start3A_610 = tpu.memref_slice %arg4[%add3A_510, %dma_start3A_604, %add3A, %dma_start3A_608, %dma_start3A_609] : memref<200x8x32x8x128xf32, #tpu.memory_space<hbm>> -> memref<1x1x1x8x128xf32, #tpu.memory_space<hbm>>
        %dma_start3A_611 = tpu.memref_squeeze %dma_start3A_610 : memref<1x1x1x8x128xf32, #tpu.memory_space<hbm>> -> memref<8x128xf32, #tpu.memory_space<hbm>>
        %dma_start3A_612 = arith.constant 0 : i32
        %dma_start3A_613 = arith.constant 0 : i32
        %dma_start3A_614 = tpu.memref_slice %arg4[%add3A_510, %dma_start3A_604, %add3A, %dma_start3A_612, %dma_start3A_613] : memref<200x8x32x8x128xf32, #tpu.memory_space<hbm>> -> memref<1x1x1x8x128xf32, #tpu.memory_space<hbm>>
        %dma_start3A_615 = tpu.memref_squeeze %dma_start3A_614 : memref<1x1x1x8x128xf32, #tpu.memory_space<hbm>> -> memref<8x128xf32, #tpu.memory_space<hbm>>
        %dma_start3A_616 = arith.constant 32 : i32
        %dma_start3A_617 = arith.constant 0 : i32
        %dma_start3A_618 = tpu.memref_slice %arg9[%dma_start3A_616, %dma_start3A_617] : memref<64x128xf32, #tpu.memory_space<vmem>> -> memref<8x128xf32, #tpu.memory_space<vmem>>
        tpu.enqueue_dma source(%dma_start3A_618 : memref<8x128xf32, #tpu.memory_space<vmem>>) target(%dma_start3A_615 : memref<8x128xf32, #tpu.memory_space<hbm>>) target_semaphore(%arg15 : memref<!tpu.dma_semaphore, #tpu.memory_space<semaphore_mem>>)
        %dma_start3A_619 = arith.constant 5 : i32
        %dma_start3A_620 = arith.constant 40 : i32
        %dma_start3A_621 = arith.constant 0 : i32
        %dma_start3A_622 = tpu.memref_slice %arg9[%dma_start3A_620, %dma_start3A_621] : memref<64x128xf32, #tpu.memory_space<vmem>> -> memref<8x128xf32, #tpu.memory_space<vmem>>
        %dma_start3A_623 = arith.constant 0 : i32
        %dma_start3A_624 = arith.constant 0 : i32
        %dma_start3A_625 = tpu.memref_slice %arg4[%add3A_510, %dma_start3A_619, %add3A, %dma_start3A_623, %dma_start3A_624] : memref<200x8x32x8x128xf32, #tpu.memory_space<hbm>> -> memref<1x1x1x8x128xf32, #tpu.memory_space<hbm>>
        %dma_start3A_626 = tpu.memref_squeeze %dma_start3A_625 : memref<1x1x1x8x128xf32, #tpu.memory_space<hbm>> -> memref<8x128xf32, #tpu.memory_space<hbm>>
        %dma_start3A_627 = arith.constant 0 : i32
        %dma_start3A_628 = arith.constant 0 : i32
        %dma_start3A_629 = tpu.memref_slice %arg4[%add3A_510, %dma_start3A_619, %add3A, %dma_start3A_627, %dma_start3A_628] : memref<200x8x32x8x128xf32, #tpu.memory_space<hbm>> -> memref<1x1x1x8x128xf32, #tpu.memory_space<hbm>>
        %dma_start3A_630 = tpu.memref_squeeze %dma_start3A_629 : memref<1x1x1x8x128xf32, #tpu.memory_space<hbm>> -> memref<8x128xf32, #tpu.memory_space<hbm>>
        %dma_start3A_631 = arith.constant 40 : i32
        %dma_start3A_632 = arith.constant 0 : i32
        %dma_start3A_633 = tpu.memref_slice %arg9[%dma_start3A_631, %dma_start3A_632] : memref<64x128xf32, #tpu.memory_space<vmem>> -> memref<8x128xf32, #tpu.memory_space<vmem>>
        tpu.enqueue_dma source(%dma_start3A_633 : memref<8x128xf32, #tpu.memory_space<vmem>>) target(%dma_start3A_630 : memref<8x128xf32, #tpu.memory_space<hbm>>) target_semaphore(%arg15 : memref<!tpu.dma_semaphore, #tpu.memory_space<semaphore_mem>>)
        %dma_start3A_634 = arith.constant 6 : i32
        %dma_start3A_635 = arith.constant 48 : i32
        %dma_start3A_636 = arith.constant 0 : i32
        %dma_start3A_637 = tpu.memref_slice %arg9[%dma_start3A_635, %dma_start3A_636] : memref<64x128xf32, #tpu.memory_space<vmem>> -> memref<8x128xf32, #tpu.memory_space<vmem>>
        %dma_start3A_638 = arith.constant 0 : i32
        %dma_start3A_639 = arith.constant 0 : i32
        %dma_start3A_640 = tpu.memref_slice %arg4[%add3A_510, %dma_start3A_634, %add3A, %dma_start3A_638, %dma_start3A_639] : memref<200x8x32x8x128xf32, #tpu.memory_space<hbm>> -> memref<1x1x1x8x128xf32, #tpu.memory_space<hbm>>
        %dma_start3A_641 = tpu.memref_squeeze %dma_start3A_640 : memref<1x1x1x8x128xf32, #tpu.memory_space<hbm>> -> memref<8x128xf32, #tpu.memory_space<hbm>>
        %dma_start3A_642 = arith.constant 0 : i32
        %dma_start3A_643 = arith.constant 0 : i32
        %dma_start3A_644 = tpu.memref_slice %arg4[%add3A_510, %dma_start3A_634, %add3A, %dma_start3A_642, %dma_start3A_643] : memref<200x8x32x8x128xf32, #tpu.memory_space<hbm>> -> memref<1x1x1x8x128xf32, #tpu.memory_space<hbm>>
        %dma_start3A_645 = tpu.memref_squeeze %dma_start3A_644 : memref<1x1x1x8x128xf32, #tpu.memory_space<hbm>> -> memref<8x128xf32, #tpu.memory_space<hbm>>
        %dma_start3A_646 = arith.constant 48 : i32
        %dma_start3A_647 = arith.constant 0 : i32
        %dma_start3A_648 = tpu.memref_slice %arg9[%dma_start3A_646, %dma_start3A_647] : memref<64x128xf32, #tpu.memory_space<vmem>> -> memref<8x128xf32, #tpu.memory_space<vmem>>
        tpu.enqueue_dma source(%dma_start3A_648 : memref<8x128xf32, #tpu.memory_space<vmem>>) target(%dma_start3A_645 : memref<8x128xf32, #tpu.memory_space<hbm>>) target_semaphore(%arg15 : memref<!tpu.dma_semaphore, #tpu.memory_space<semaphore_mem>>)
        %dma_start3A_649 = arith.constant 7 : i32
        %dma_start3A_650 = arith.constant 56 : i32
        %dma_start3A_651 = arith.constant 0 : i32
        %dma_start3A_652 = tpu.memref_slice %arg9[%dma_start3A_650, %dma_start3A_651] : memref<64x128xf32, #tpu.memory_space<vmem>> -> memref<8x128xf32, #tpu.memory_space<vmem>>
        %dma_start3A_653 = arith.constant 0 : i32
        %dma_start3A_654 = arith.constant 0 : i32
        %dma_start3A_655 = tpu.memref_slice %arg4[%add3A_510, %dma_start3A_649, %add3A, %dma_start3A_653, %dma_start3A_654] : memref<200x8x32x8x128xf32, #tpu.memory_space<hbm>> -> memref<1x1x1x8x128xf32, #tpu.memory_space<hbm>>
        %dma_start3A_656 = tpu.memref_squeeze %dma_start3A_655 : memref<1x1x1x8x128xf32, #tpu.memory_space<hbm>> -> memref<8x128xf32, #tpu.memory_space<hbm>>
        %dma_start3A_657 = arith.constant 0 : i32
        %dma_start3A_658 = arith.constant 0 : i32
        %dma_start3A_659 = tpu.memref_slice %arg4[%add3A_510, %dma_start3A_649, %add3A, %dma_start3A_657, %dma_start3A_658] : memref<200x8x32x8x128xf32, #tpu.memory_space<hbm>> -> memref<1x1x1x8x128xf32, #tpu.memory_space<hbm>>
        %dma_start3A_660 = tpu.memref_squeeze %dma_start3A_659 : memref<1x1x1x8x128xf32, #tpu.memory_space<hbm>> -> memref<8x128xf32, #tpu.memory_space<hbm>>
        %dma_start3A_661 = arith.constant 56 : i32
        %dma_start3A_662 = arith.constant 0 : i32
        %dma_start3A_663 = tpu.memref_slice %arg9[%dma_start3A_661, %dma_start3A_662] : memref<64x128xf32, #tpu.memory_space<vmem>> -> memref<8x128xf32, #tpu.memory_space<vmem>>
        tpu.enqueue_dma source(%dma_start3A_663 : memref<8x128xf32, #tpu.memory_space<vmem>>) target(%dma_start3A_660 : memref<8x128xf32, #tpu.memory_space<hbm>>) target_semaphore(%arg15 : memref<!tpu.dma_semaphore, #tpu.memory_space<semaphore_mem>>)
        %add3A_664 = arith.constant 3 : i32
        %add3A_665 = arith.addi %add3A_510, %add3A_664 : i32
        %lt3A_666 = arith.constant 200 : i32
        %lt3A_667 = arith.cmpi slt, %add3A_665, %lt3A_666 : i32
        %convert_element_type3A_668 = arith.extui %lt3A_667 : i1 to i32
        %cond3A_669 = arith.constant 0 : i32
        %cond3A_670 = arith.cmpi ne, %convert_element_type3A_668, %cond3A_669 : i32
        scf.if %cond3A_670 {
          %add3A_671 = arith.constant 3 : i32
          %add3A_672 = arith.addi %add3A_510, %add3A_671 : i32
          %dma_start3A_673 = arith.constant 0 : i32
          %dma_start3A_674 = tpu.memref_slice %arg5[%add3A_672, %dma_start3A_673] : memref<200x128xi32, #tpu.memory_space<vmem>> -> memref<1x128xi32, #tpu.memory_space<vmem>>
          %dma_start3A_675 = tpu.memref_squeeze %dma_start3A_674 : memref<1x128xi32, #tpu.memory_space<vmem>> -> memref<128xi32, #tpu.memory_space<vmem>>
          %dma_start3A_676 = arith.constant 0 : i32
          %dma_start3A_677 = arith.constant 0 : i32
          %dma_start3A_678 = tpu.memref_slice %arg3[%dma_start3A_676, %dma_start3A_677] : memref<2000000x64xf32, #tpu.memory_space<hbm>> -> memref<2000000x64xf32, #tpu.memory_space<hbm>>
          tpu.enqueue_indirect_dma source(%dma_start3A_678 : memref<2000000x64xf32, #tpu.memory_space<hbm>>) target(%arg6 : memref<128x64xf32, #tpu.memory_space<vmem>>) offsets(%dma_start3A_675 : memref<128xi32, #tpu.memory_space<vmem>>) semaphore(%arg12 : memref<!tpu.dma_semaphore, #tpu.memory_space<semaphore_mem>>)
        } else {
        }
      } else {
      }
      %mul3A_513 = arith.constant 3 : i32
      %mul3A_514 = arith.muli %mul3A_513, %scan3A_506 : i32
      %add3A_515 = arith.constant 1 : i32
      %add3A_516 = arith.addi %mul3A_514, %add3A_515 : i32
      %lt3A_517 = arith.constant 200 : i32
      %lt3A_518 = arith.cmpi slt, %add3A_516, %lt3A_517 : i32
      %convert_element_type3A_519 = arith.extui %lt3A_518 : i1 to i32
      %cond3A_520 = arith.constant 0 : i32
      %cond3A_521 = arith.cmpi ne, %convert_element_type3A_519, %cond3A_520 : i32
      scf.if %cond3A_521 {
        %dma_wait3A_531 = arith.constant 0 : i32
        %dma_wait3A_532 = arith.constant 0 : i32
        %dma_wait3A_533 = tpu.memref_slice %arg5[%dma_wait3A_531, %dma_wait3A_532] : memref<200x128xi32, #tpu.memory_space<vmem>> -> memref<1x128xi32, #tpu.memory_space<vmem>>
        %dma_wait3A_534 = tpu.memref_squeeze %dma_wait3A_533 : memref<1x128xi32, #tpu.memory_space<vmem>> -> memref<128xi32, #tpu.memory_space<vmem>>
        %dma_wait3A_535 = arith.constant 0 : i32
        %dma_wait3A_536 = arith.constant 0 : i32
        %dma_wait3A_537 = tpu.memref_slice %arg3[%dma_wait3A_535, %dma_wait3A_536] : memref<2000000x64xf32, #tpu.memory_space<hbm>> -> memref<2000000x64xf32, #tpu.memory_space<hbm>>
        tpu.wait_indirect_dma semaphore(%arg13 : memref<!tpu.dma_semaphore, #tpu.memory_space<semaphore_mem>>) src(%dma_wait3A_537 : memref<2000000x64xf32, #tpu.memory_space<hbm>>) dst(%arg7 : memref<128x64xf32, #tpu.memory_space<vmem>>)
        %gt3A = arith.constant 0 : i32
        %gt3A_538 = arith.cmpi sgt, %scan3A_506, %gt3A : i32
        %convert_element_type3A_539 = arith.extui %gt3A_538 : i1 to i32
        %cond3A_540 = arith.constant 0 : i32
        %cond3A_541 = arith.cmpi ne, %convert_element_type3A_539, %cond3A_540 : i32
        scf.if %cond3A_541 {
          %dma_wait3A_671 = arith.constant 0 : i32
          %dma_wait3A_672 = arith.constant 0 : i32
          %dma_wait3A_673 = arith.constant 0 : i32
          %dma_wait3A_674 = arith.constant 0 : i32
          %dma_wait3A_675 = tpu.memref_slice %arg10[%dma_wait3A_673, %dma_wait3A_674] : memref<64x128xf32, #tpu.memory_space<vmem>> -> memref<8x128xf32, #tpu.memory_space<vmem>>
          %dma_wait3A_676 = arith.constant 0 : i32
          %dma_wait3A_677 = arith.constant 0 : i32
          %dma_wait3A_678 = tpu.memref_slice %arg4[%dma_wait3A_671, %dma_wait3A_672, %add3A, %dma_wait3A_676, %dma_wait3A_677] : memref<200x8x32x8x128xf32, #tpu.memory_space<hbm>> -> memref<1x1x1x8x128xf32, #tpu.memory_space<hbm>>
          %dma_wait3A_679 = tpu.memref_squeeze %dma_wait3A_678 : memref<1x1x1x8x128xf32, #tpu.memory_space<hbm>> -> memref<8x128xf32, #tpu.memory_space<hbm>>
          %dma_wait3A_680 = arith.constant 0 : i32
          %dma_wait3A_681 = arith.constant 0 : i32
          %dma_wait3A_682 = tpu.memref_slice %arg4[%dma_wait3A_671, %dma_wait3A_672, %add3A, %dma_wait3A_680, %dma_wait3A_681] : memref<200x8x32x8x128xf32, #tpu.memory_space<hbm>> -> memref<1x1x1x8x128xf32, #tpu.memory_space<hbm>>
          %dma_wait3A_683 = tpu.memref_squeeze %dma_wait3A_682 : memref<1x1x1x8x128xf32, #tpu.memory_space<hbm>> -> memref<8x128xf32, #tpu.memory_space<hbm>>
          %dma_wait3A_684 = arith.constant 0 : i32
          %dma_wait3A_685 = arith.constant 0 : i32
          %dma_wait3A_686 = tpu.memref_slice %arg10[%dma_wait3A_684, %dma_wait3A_685] : memref<64x128xf32, #tpu.memory_space<vmem>> -> memref<8x128xf32, #tpu.memory_space<vmem>>
          tpu.wait_dma2 semaphore(%arg16 : memref<!tpu.dma_semaphore, #tpu.memory_space<semaphore_mem>>) src(%dma_wait3A_686 : memref<8x128xf32, #tpu.memory_space<vmem>>) dst(%dma_wait3A_683 : memref<8x128xf32, #tpu.memory_space<hbm>>)
          %dma_wait3A_687 = arith.constant 0 : i32
          %dma_wait3A_688 = arith.constant 1 : i32
          %dma_wait3A_689 = arith.constant 8 : i32
          %dma_wait3A_690 = arith.constant 0 : i32
          %dma_wait3A_691 = tpu.memref_slice %arg10[%dma_wait3A_689, %dma_wait3A_690] : memref<64x128xf32, #tpu.memory_space<vmem>> -> memref<8x128xf32, #tpu.memory_space<vmem>>
          %dma_wait3A_692 = arith.constant 0 : i32
          %dma_wait3A_693 = arith.constant 0 : i32
          %dma_wait3A_694 = tpu.memref_slice %arg4[%dma_wait3A_687, %dma_wait3A_688, %add3A, %dma_wait3A_692, %dma_wait3A_693] : memref<200x8x32x8x128xf32, #tpu.memory_space<hbm>> -> memref<1x1x1x8x128xf32, #tpu.memory_space<hbm>>
          %dma_wait3A_695 = tpu.memref_squeeze %dma_wait3A_694 : memref<1x1x1x8x128xf32, #tpu.memory_space<hbm>> -> memref<8x128xf32, #tpu.memory_space<hbm>>
          %dma_wait3A_696 = arith.constant 0 : i32
          %dma_wait3A_697 = arith.constant 0 : i32
          %dma_wait3A_698 = tpu.memref_slice %arg4[%dma_wait3A_687, %dma_wait3A_688, %add3A, %dma_wait3A_696, %dma_wait3A_697] : memref<200x8x32x8x128xf32, #tpu.memory_space<hbm>> -> memref<1x1x1x8x128xf32, #tpu.memory_space<hbm>>
          %dma_wait3A_699 = tpu.memref_squeeze %dma_wait3A_698 : memref<1x1x1x8x128xf32, #tpu.memory_space<hbm>> -> memref<8x128xf32, #tpu.memory_space<hbm>>
          %dma_wait3A_700 = arith.constant 8 : i32
          %dma_wait3A_701 = arith.constant 0 : i32
          %dma_wait3A_702 = tpu.memref_slice %arg10[%dma_wait3A_700, %dma_wait3A_701] : memref<64x128xf32, #tpu.memory_space<vmem>> -> memref<8x128xf32, #tpu.memory_space<vmem>>
          tpu.wait_dma2 semaphore(%arg16 : memref<!tpu.dma_semaphore, #tpu.memory_space<semaphore_mem>>) src(%dma_wait3A_702 : memref<8x128xf32, #tpu.memory_space<vmem>>) dst(%dma_wait3A_699 : memref<8x128xf32, #tpu.memory_space<hbm>>)
          %dma_wait3A_703 = arith.constant 0 : i32
          %dma_wait3A_704 = arith.constant 2 : i32
          %dma_wait3A_705 = arith.constant 16 : i32
          %dma_wait3A_706 = arith.constant 0 : i32
          %dma_wait3A_707 = tpu.memref_slice %arg10[%dma_wait3A_705, %dma_wait3A_706] : memref<64x128xf32, #tpu.memory_space<vmem>> -> memref<8x128xf32, #tpu.memory_space<vmem>>
          %dma_wait3A_708 = arith.constant 0 : i32
          %dma_wait3A_709 = arith.constant 0 : i32
          %dma_wait3A_710 = tpu.memref_slice %arg4[%dma_wait3A_703, %dma_wait3A_704, %add3A, %dma_wait3A_708, %dma_wait3A_709] : memref<200x8x32x8x128xf32, #tpu.memory_space<hbm>> -> memref<1x1x1x8x128xf32, #tpu.memory_space<hbm>>
          %dma_wait3A_711 = tpu.memref_squeeze %dma_wait3A_710 : memref<1x1x1x8x128xf32, #tpu.memory_space<hbm>> -> memref<8x128xf32, #tpu.memory_space<hbm>>
          %dma_wait3A_712 = arith.constant 0 : i32
          %dma_wait3A_713 = arith.constant 0 : i32
          %dma_wait3A_714 = tpu.memref_slice %arg4[%dma_wait3A_703, %dma_wait3A_704, %add3A, %dma_wait3A_712, %dma_wait3A_713] : memref<200x8x32x8x128xf32, #tpu.memory_space<hbm>> -> memref<1x1x1x8x128xf32, #tpu.memory_space<hbm>>
          %dma_wait3A_715 = tpu.memref_squeeze %dma_wait3A_714 : memref<1x1x1x8x128xf32, #tpu.memory_space<hbm>> -> memref<8x128xf32, #tpu.memory_space<hbm>>
          %dma_wait3A_716 = arith.constant 16 : i32
          %dma_wait3A_717 = arith.constant 0 : i32
          %dma_wait3A_718 = tpu.memref_slice %arg10[%dma_wait3A_716, %dma_wait3A_717] : memref<64x128xf32, #tpu.memory_space<vmem>> -> memref<8x128xf32, #tpu.memory_space<vmem>>
          tpu.wait_dma2 semaphore(%arg16 : memref<!tpu.dma_semaphore, #tpu.memory_space<semaphore_mem>>) src(%dma_wait3A_718 : memref<8x128xf32, #tpu.memory_space<vmem>>) dst(%dma_wait3A_715 : memref<8x128xf32, #tpu.memory_space<hbm>>)
          %dma_wait3A_719 = arith.constant 0 : i32
          %dma_wait3A_720 = arith.constant 3 : i32
          %dma_wait3A_721 = arith.constant 24 : i32
          %dma_wait3A_722 = arith.constant 0 : i32
          %dma_wait3A_723 = tpu.memref_slice %arg10[%dma_wait3A_721, %dma_wait3A_722] : memref<64x128xf32, #tpu.memory_space<vmem>> -> memref<8x128xf32, #tpu.memory_space<vmem>>
          %dma_wait3A_724 = arith.constant 0 : i32
          %dma_wait3A_725 = arith.constant 0 : i32
          %dma_wait3A_726 = tpu.memref_slice %arg4[%dma_wait3A_719, %dma_wait3A_720, %add3A, %dma_wait3A_724, %dma_wait3A_725] : memref<200x8x32x8x128xf32, #tpu.memory_space<hbm>> -> memref<1x1x1x8x128xf32, #tpu.memory_space<hbm>>
          %dma_wait3A_727 = tpu.memref_squeeze %dma_wait3A_726 : memref<1x1x1x8x128xf32, #tpu.memory_space<hbm>> -> memref<8x128xf32, #tpu.memory_space<hbm>>
          %dma_wait3A_728 = arith.constant 0 : i32
          %dma_wait3A_729 = arith.constant 0 : i32
          %dma_wait3A_730 = tpu.memref_slice %arg4[%dma_wait3A_719, %dma_wait3A_720, %add3A, %dma_wait3A_728, %dma_wait3A_729] : memref<200x8x32x8x128xf32, #tpu.memory_space<hbm>> -> memref<1x1x1x8x128xf32, #tpu.memory_space<hbm>>
          %dma_wait3A_731 = tpu.memref_squeeze %dma_wait3A_730 : memref<1x1x1x8x128xf32, #tpu.memory_space<hbm>> -> memref<8x128xf32, #tpu.memory_space<hbm>>
          %dma_wait3A_732 = arith.constant 24 : i32
          %dma_wait3A_733 = arith.constant 0 : i32
          %dma_wait3A_734 = tpu.memref_slice %arg10[%dma_wait3A_732, %dma_wait3A_733] : memref<64x128xf32, #tpu.memory_space<vmem>> -> memref<8x128xf32, #tpu.memory_space<vmem>>
          tpu.wait_dma2 semaphore(%arg16 : memref<!tpu.dma_semaphore, #tpu.memory_space<semaphore_mem>>) src(%dma_wait3A_734 : memref<8x128xf32, #tpu.memory_space<vmem>>) dst(%dma_wait3A_731 : memref<8x128xf32, #tpu.memory_space<hbm>>)
          %dma_wait3A_735 = arith.constant 0 : i32
          %dma_wait3A_736 = arith.constant 4 : i32
          %dma_wait3A_737 = arith.constant 32 : i32
          %dma_wait3A_738 = arith.constant 0 : i32
          %dma_wait3A_739 = tpu.memref_slice %arg10[%dma_wait3A_737, %dma_wait3A_738] : memref<64x128xf32, #tpu.memory_space<vmem>> -> memref<8x128xf32, #tpu.memory_space<vmem>>
          %dma_wait3A_740 = arith.constant 0 : i32
          %dma_wait3A_741 = arith.constant 0 : i32
          %dma_wait3A_742 = tpu.memref_slice %arg4[%dma_wait3A_735, %dma_wait3A_736, %add3A, %dma_wait3A_740, %dma_wait3A_741] : memref<200x8x32x8x128xf32, #tpu.memory_space<hbm>> -> memref<1x1x1x8x128xf32, #tpu.memory_space<hbm>>
          %dma_wait3A_743 = tpu.memref_squeeze %dma_wait3A_742 : memref<1x1x1x8x128xf32, #tpu.memory_space<hbm>> -> memref<8x128xf32, #tpu.memory_space<hbm>>
          %dma_wait3A_744 = arith.constant 0 : i32
          %dma_wait3A_745 = arith.constant 0 : i32
          %dma_wait3A_746 = tpu.memref_slice %arg4[%dma_wait3A_735, %dma_wait3A_736, %add3A, %dma_wait3A_744, %dma_wait3A_745] : memref<200x8x32x8x128xf32, #tpu.memory_space<hbm>> -> memref<1x1x1x8x128xf32, #tpu.memory_space<hbm>>
          %dma_wait3A_747 = tpu.memref_squeeze %dma_wait3A_746 : memref<1x1x1x8x128xf32, #tpu.memory_space<hbm>> -> memref<8x128xf32, #tpu.memory_space<hbm>>
          %dma_wait3A_748 = arith.constant 32 : i32
          %dma_wait3A_749 = arith.constant 0 : i32
          %dma_wait3A_750 = tpu.memref_slice %arg10[%dma_wait3A_748, %dma_wait3A_749] : memref<64x128xf32, #tpu.memory_space<vmem>> -> memref<8x128xf32, #tpu.memory_space<vmem>>
          tpu.wait_dma2 semaphore(%arg16 : memref<!tpu.dma_semaphore, #tpu.memory_space<semaphore_mem>>) src(%dma_wait3A_750 : memref<8x128xf32, #tpu.memory_space<vmem>>) dst(%dma_wait3A_747 : memref<8x128xf32, #tpu.memory_space<hbm>>)
          %dma_wait3A_751 = arith.constant 0 : i32
          %dma_wait3A_752 = arith.constant 5 : i32
          %dma_wait3A_753 = arith.constant 40 : i32
          %dma_wait3A_754 = arith.constant 0 : i32
          %dma_wait3A_755 = tpu.memref_slice %arg10[%dma_wait3A_753, %dma_wait3A_754] : memref<64x128xf32, #tpu.memory_space<vmem>> -> memref<8x128xf32, #tpu.memory_space<vmem>>
          %dma_wait3A_756 = arith.constant 0 : i32
          %dma_wait3A_757 = arith.constant 0 : i32
          %dma_wait3A_758 = tpu.memref_slice %arg4[%dma_wait3A_751, %dma_wait3A_752, %add3A, %dma_wait3A_756, %dma_wait3A_757] : memref<200x8x32x8x128xf32, #tpu.memory_space<hbm>> -> memref<1x1x1x8x128xf32, #tpu.memory_space<hbm>>
          %dma_wait3A_759 = tpu.memref_squeeze %dma_wait3A_758 : memref<1x1x1x8x128xf32, #tpu.memory_space<hbm>> -> memref<8x128xf32, #tpu.memory_space<hbm>>
          %dma_wait3A_760 = arith.constant 0 : i32
          %dma_wait3A_761 = arith.constant 0 : i32
          %dma_wait3A_762 = tpu.memref_slice %arg4[%dma_wait3A_751, %dma_wait3A_752, %add3A, %dma_wait3A_760, %dma_wait3A_761] : memref<200x8x32x8x128xf32, #tpu.memory_space<hbm>> -> memref<1x1x1x8x128xf32, #tpu.memory_space<hbm>>
          %dma_wait3A_763 = tpu.memref_squeeze %dma_wait3A_762 : memref<1x1x1x8x128xf32, #tpu.memory_space<hbm>> -> memref<8x128xf32, #tpu.memory_space<hbm>>
          %dma_wait3A_764 = arith.constant 40 : i32
          %dma_wait3A_765 = arith.constant 0 : i32
          %dma_wait3A_766 = tpu.memref_slice %arg10[%dma_wait3A_764, %dma_wait3A_765] : memref<64x128xf32, #tpu.memory_space<vmem>> -> memref<8x128xf32, #tpu.memory_space<vmem>>
          tpu.wait_dma2 semaphore(%arg16 : memref<!tpu.dma_semaphore, #tpu.memory_space<semaphore_mem>>) src(%dma_wait3A_766 : memref<8x128xf32, #tpu.memory_space<vmem>>) dst(%dma_wait3A_763 : memref<8x128xf32, #tpu.memory_space<hbm>>)
          %dma_wait3A_767 = arith.constant 0 : i32
          %dma_wait3A_768 = arith.constant 6 : i32
          %dma_wait3A_769 = arith.constant 48 : i32
          %dma_wait3A_770 = arith.constant 0 : i32
          %dma_wait3A_771 = tpu.memref_slice %arg10[%dma_wait3A_769, %dma_wait3A_770] : memref<64x128xf32, #tpu.memory_space<vmem>> -> memref<8x128xf32, #tpu.memory_space<vmem>>
          %dma_wait3A_772 = arith.constant 0 : i32
          %dma_wait3A_773 = arith.constant 0 : i32
          %dma_wait3A_774 = tpu.memref_slice %arg4[%dma_wait3A_767, %dma_wait3A_768, %add3A, %dma_wait3A_772, %dma_wait3A_773] : memref<200x8x32x8x128xf32, #tpu.memory_space<hbm>> -> memref<1x1x1x8x128xf32, #tpu.memory_space<hbm>>
          %dma_wait3A_775 = tpu.memref_squeeze %dma_wait3A_774 : memref<1x1x1x8x128xf32, #tpu.memory_space<hbm>> -> memref<8x128xf32, #tpu.memory_space<hbm>>
          %dma_wait3A_776 = arith.constant 0 : i32
          %dma_wait3A_777 = arith.constant 0 : i32
          %dma_wait3A_778 = tpu.memref_slice %arg4[%dma_wait3A_767, %dma_wait3A_768, %add3A, %dma_wait3A_776, %dma_wait3A_777] : memref<200x8x32x8x128xf32, #tpu.memory_space<hbm>> -> memref<1x1x1x8x128xf32, #tpu.memory_space<hbm>>
          %dma_wait3A_779 = tpu.memref_squeeze %dma_wait3A_778 : memref<1x1x1x8x128xf32, #tpu.memory_space<hbm>> -> memref<8x128xf32, #tpu.memory_space<hbm>>
          %dma_wait3A_780 = arith.constant 48 : i32
          %dma_wait3A_781 = arith.constant 0 : i32
          %dma_wait3A_782 = tpu.memref_slice %arg10[%dma_wait3A_780, %dma_wait3A_781] : memref<64x128xf32, #tpu.memory_space<vmem>> -> memref<8x128xf32, #tpu.memory_space<vmem>>
          tpu.wait_dma2 semaphore(%arg16 : memref<!tpu.dma_semaphore, #tpu.memory_space<semaphore_mem>>) src(%dma_wait3A_782 : memref<8x128xf32, #tpu.memory_space<vmem>>) dst(%dma_wait3A_779 : memref<8x128xf32, #tpu.memory_space<hbm>>)
          %dma_wait3A_783 = arith.constant 0 : i32
          %dma_wait3A_784 = arith.constant 7 : i32
          %dma_wait3A_785 = arith.constant 56 : i32
          %dma_wait3A_786 = arith.constant 0 : i32
          %dma_wait3A_787 = tpu.memref_slice %arg10[%dma_wait3A_785, %dma_wait3A_786] : memref<64x128xf32, #tpu.memory_space<vmem>> -> memref<8x128xf32, #tpu.memory_space<vmem>>
          %dma_wait3A_788 = arith.constant 0 : i32
          %dma_wait3A_789 = arith.constant 0 : i32
          %dma_wait3A_790 = tpu.memref_slice %arg4[%dma_wait3A_783, %dma_wait3A_784, %add3A, %dma_wait3A_788, %dma_wait3A_789] : memref<200x8x32x8x128xf32, #tpu.memory_space<hbm>> -> memref<1x1x1x8x128xf32, #tpu.memory_space<hbm>>
          %dma_wait3A_791 = tpu.memref_squeeze %dma_wait3A_790 : memref<1x1x1x8x128xf32, #tpu.memory_space<hbm>> -> memref<8x128xf32, #tpu.memory_space<hbm>>
          %dma_wait3A_792 = arith.constant 0 : i32
          %dma_wait3A_793 = arith.constant 0 : i32
          %dma_wait3A_794 = tpu.memref_slice %arg4[%dma_wait3A_783, %dma_wait3A_784, %add3A, %dma_wait3A_792, %dma_wait3A_793] : memref<200x8x32x8x128xf32, #tpu.memory_space<hbm>> -> memref<1x1x1x8x128xf32, #tpu.memory_space<hbm>>
          %dma_wait3A_795 = tpu.memref_squeeze %dma_wait3A_794 : memref<1x1x1x8x128xf32, #tpu.memory_space<hbm>> -> memref<8x128xf32, #tpu.memory_space<hbm>>
          %dma_wait3A_796 = arith.constant 56 : i32
          %dma_wait3A_797 = arith.constant 0 : i32
          %dma_wait3A_798 = tpu.memref_slice %arg10[%dma_wait3A_796, %dma_wait3A_797] : memref<64x128xf32, #tpu.memory_space<vmem>> -> memref<8x128xf32, #tpu.memory_space<vmem>>
          tpu.wait_dma2 semaphore(%arg16 : memref<!tpu.dma_semaphore, #tpu.memory_space<semaphore_mem>>) src(%dma_wait3A_798 : memref<8x128xf32, #tpu.memory_space<vmem>>) dst(%dma_wait3A_795 : memref<8x128xf32, #tpu.memory_space<hbm>>)
        } else {
        }
        %parallel_loop3A = arith.constant 0 : i32
        %parallel_loop3A_542 = arith.constant 32 : i32
        %parallel_loop3A_543 = arith.constant 1 : i32
        scf.for %parallel_loop3A_671 = %parallel_loop3A to %parallel_loop3A_542 step %parallel_loop3A_543  : i32 {
          %parallel_loop3A_672 = arith.constant 8 : i32
          %parallel_loop3A_673 = arith.constant 0 : i32
          %parallel_loop3A_674 = arith.cmpi eq, %parallel_loop3A_672, %parallel_loop3A_673 : i32
          %parallel_loop3A_675 = arith.constant 1 : i32
          %parallel_loop3A_676 = arith.select %parallel_loop3A_674, %parallel_loop3A_675, %parallel_loop3A_672 : i32
          %parallel_loop3A_677 = arith.remsi %parallel_loop3A_671, %parallel_loop3A_676 : i32
          %parallel_loop3A_678 = arith.constant 0 : i32
          %parallel_loop3A_679 = arith.cmpi ne, %parallel_loop3A_677, %parallel_loop3A_678 : i32
          %parallel_loop3A_680 = arith.constant 0 : i32
          %parallel_loop3A_681 = arith.cmpi slt, %parallel_loop3A_677, %parallel_loop3A_680 : i32
          %parallel_loop3A_682 = arith.constant 0 : i32
          %parallel_loop3A_683 = arith.cmpi slt, %parallel_loop3A_676, %parallel_loop3A_682 : i32
          %parallel_loop3A_684 = arith.xori %parallel_loop3A_681, %parallel_loop3A_683 : i1
          %parallel_loop3A_685 = arith.andi %parallel_loop3A_684, %parallel_loop3A_679 : i1
          %parallel_loop3A_686 = arith.addi %parallel_loop3A_677, %parallel_loop3A_676 : i32
          %parallel_loop3A_687 = arith.select %parallel_loop3A_685, %parallel_loop3A_686, %parallel_loop3A_677 : i32
          %parallel_loop3A_688 = arith.constant 16 : i32
          %parallel_loop3A_689 = arith.muli %parallel_loop3A_687, %parallel_loop3A_688 : i32
          %parallel_loop3A_690 = arith.constant 8 : i32
          %parallel_loop3A_691 = arith.divsi %parallel_loop3A_671, %parallel_loop3A_690 : i32
          %parallel_loop3A_692 = arith.constant 0 : i32
          %parallel_loop3A_693 = arith.cmpi sgt, %parallel_loop3A_671, %parallel_loop3A_692 : i32
          %parallel_loop3A_694 = arith.extui %parallel_loop3A_693 : i1 to i32
          %parallel_loop3A_695 = arith.constant 0 : i32
          %parallel_loop3A_696 = arith.cmpi slt, %parallel_loop3A_671, %parallel_loop3A_695 : i32
          %parallel_loop3A_697 = arith.extui %parallel_loop3A_696 : i1 to i32
          %parallel_loop3A_698 = arith.subi %parallel_loop3A_694, %parallel_loop3A_697 : i32
          %parallel_loop3A_699 = arith.constant 0 : i32
          %parallel_loop3A_700 = arith.cmpi sgt, %parallel_loop3A_690, %parallel_loop3A_699 : i32
          %parallel_loop3A_701 = arith.extui %parallel_loop3A_700 : i1 to i32
          %parallel_loop3A_702 = arith.constant 0 : i32
          %parallel_loop3A_703 = arith.cmpi slt, %parallel_loop3A_690, %parallel_loop3A_702 : i32
          %parallel_loop3A_704 = arith.extui %parallel_loop3A_703 : i1 to i32
          %parallel_loop3A_705 = arith.subi %parallel_loop3A_701, %parallel_loop3A_704 : i32
          %parallel_loop3A_706 = arith.cmpi ne, %parallel_loop3A_698, %parallel_loop3A_705 : i32
          %parallel_loop3A_707 = arith.remsi %parallel_loop3A_671, %parallel_loop3A_690 : i32
          %parallel_loop3A_708 = arith.constant 0 : i32
          %parallel_loop3A_709 = arith.cmpi ne, %parallel_loop3A_707, %parallel_loop3A_708 : i32
          %parallel_loop3A_710 = arith.andi %parallel_loop3A_706, %parallel_loop3A_709 : i1
          %parallel_loop3A_711 = arith.constant 1 : i32
          %parallel_loop3A_712 = arith.subi %parallel_loop3A_691, %parallel_loop3A_711 : i32
          %parallel_loop3A_713 = arith.select %parallel_loop3A_710, %parallel_loop3A_712, %parallel_loop3A_691 : i32
          %parallel_loop3A_714 = arith.constant 16 : i32
          %parallel_loop3A_715 = arith.muli %parallel_loop3A_713, %parallel_loop3A_714 : i32
          %parallel_loop3A_716 = vector.broadcast %parallel_loop3A_689 : i32 to vector<16xi32>
          %parallel_loop3A_717 = arith.addi %iota3A, %parallel_loop3A_716 : vector<16xi32>
          %parallel_loop3A_718 = vector.broadcast %parallel_loop3A_715 : i32 to vector<16xi32>
          %parallel_loop3A_719 = arith.addi %iota3A, %parallel_loop3A_718 : vector<16xi32>
          %parallel_loop3A_720 = tpu.vector_load_idx %arg7[%parallel_loop3A_717, %parallel_loop3A_719] : memref<128x64xf32, #tpu.memory_space<vmem>>[vector<16xi32>, vector<16xi32>], vector<16xf32>,
          tpu.vector_store_idx %arg10[%parallel_loop3A_719, %parallel_loop3A_717], %parallel_loop3A_720 : memref<64x128xf32, #tpu.memory_space<vmem>>[vector<16xi32>, vector<16xi32>], vector<16xf32>,
          %parallel_loop3A_721 = vector.broadcast %parallel_loop3A_715 : i32 to vector<16xi32>
          %parallel_loop3A_722 = arith.addi %and3A_7, %parallel_loop3A_721 : vector<16xi32>
          %parallel_loop3A_723 = tpu.vector_load_idx %arg7[%parallel_loop3A_717, %parallel_loop3A_722] : memref<128x64xf32, #tpu.memory_space<vmem>>[vector<16xi32>, vector<16xi32>], vector<16xf32>,
          tpu.vector_store_idx %arg10[%parallel_loop3A_722, %parallel_loop3A_717], %parallel_loop3A_723 : memref<64x128xf32, #tpu.memory_space<vmem>>[vector<16xi32>, vector<16xi32>], vector<16xf32>,
          %parallel_loop3A_724 = vector.broadcast %parallel_loop3A_715 : i32 to vector<16xi32>
          %parallel_loop3A_725 = arith.addi %and3A_13, %parallel_loop3A_724 : vector<16xi32>
          %parallel_loop3A_726 = tpu.vector_load_idx %arg7[%parallel_loop3A_717, %parallel_loop3A_725] : memref<128x64xf32, #tpu.memory_space<vmem>>[vector<16xi32>, vector<16xi32>], vector<16xf32>,
          tpu.vector_store_idx %arg10[%parallel_loop3A_725, %parallel_loop3A_717], %parallel_loop3A_726 : memref<64x128xf32, #tpu.memory_space<vmem>>[vector<16xi32>, vector<16xi32>], vector<16xf32>,
          %parallel_loop3A_727 = vector.broadcast %parallel_loop3A_715 : i32 to vector<16xi32>
          %parallel_loop3A_728 = arith.addi %and3A_19, %parallel_loop3A_727 : vector<16xi32>
          %parallel_loop3A_729 = tpu.vector_load_idx %arg7[%parallel_loop3A_717, %parallel_loop3A_728] : memref<128x64xf32, #tpu.memory_space<vmem>>[vector<16xi32>, vector<16xi32>], vector<16xf32>,
          tpu.vector_store_idx %arg10[%parallel_loop3A_728, %parallel_loop3A_717], %parallel_loop3A_729 : memref<64x128xf32, #tpu.memory_space<vmem>>[vector<16xi32>, vector<16xi32>], vector<16xf32>,
          %parallel_loop3A_730 = vector.broadcast %parallel_loop3A_715 : i32 to vector<16xi32>
          %parallel_loop3A_731 = arith.addi %and3A_25, %parallel_loop3A_730 : vector<16xi32>
          %parallel_loop3A_732 = tpu.vector_load_idx %arg7[%parallel_loop3A_717, %parallel_loop3A_731] : memref<128x64xf32, #tpu.memory_space<vmem>>[vector<16xi32>, vector<16xi32>], vector<16xf32>,
          tpu.vector_store_idx %arg10[%parallel_loop3A_731, %parallel_loop3A_717], %parallel_loop3A_732 : memref<64x128xf32, #tpu.memory_space<vmem>>[vector<16xi32>, vector<16xi32>], vector<16xf32>,
          %parallel_loop3A_733 = vector.broadcast %parallel_loop3A_715 : i32 to vector<16xi32>
          %parallel_loop3A_734 = arith.addi %and3A_31, %parallel_loop3A_733 : vector<16xi32>
          %parallel_loop3A_735 = tpu.vector_load_idx %arg7[%parallel_loop3A_717, %parallel_loop3A_734] : memref<128x64xf32, #tpu.memory_space<vmem>>[vector<16xi32>, vector<16xi32>], vector<16xf32>,
          tpu.vector_store_idx %arg10[%parallel_loop3A_734, %parallel_loop3A_717], %parallel_loop3A_735 : memref<64x128xf32, #tpu.memory_space<vmem>>[vector<16xi32>, vector<16xi32>], vector<16xf32>,
          %parallel_loop3A_736 = vector.broadcast %parallel_loop3A_715 : i32 to vector<16xi32>
          %parallel_loop3A_737 = arith.addi %and3A_37, %parallel_loop3A_736 : vector<16xi32>
          %parallel_loop3A_738 = tpu.vector_load_idx %arg7[%parallel_loop3A_717, %parallel_loop3A_737] : memref<128x64xf32, #tpu.memory_space<vmem>>[vector<16xi32>, vector<16xi32>], vector<16xf32>,
          tpu.vector_store_idx %arg10[%parallel_loop3A_737, %parallel_loop3A_717], %parallel_loop3A_738 : memref<64x128xf32, #tpu.memory_space<vmem>>[vector<16xi32>, vector<16xi32>], vector<16xf32>,
          %parallel_loop3A_739 = vector.broadcast %parallel_loop3A_715 : i32 to vector<16xi32>
          %parallel_loop3A_740 = arith.addi %and3A_43, %parallel_loop3A_739 : vector<16xi32>
          %parallel_loop3A_741 = tpu.vector_load_idx %arg7[%parallel_loop3A_717, %parallel_loop3A_740] : memref<128x64xf32, #tpu.memory_space<vmem>>[vector<16xi32>, vector<16xi32>], vector<16xf32>,
          tpu.vector_store_idx %arg10[%parallel_loop3A_740, %parallel_loop3A_717], %parallel_loop3A_741 : memref<64x128xf32, #tpu.memory_space<vmem>>[vector<16xi32>, vector<16xi32>], vector<16xf32>,
          %parallel_loop3A_742 = vector.broadcast %parallel_loop3A_715 : i32 to vector<16xi32>
          %parallel_loop3A_743 = arith.addi %and3A_49, %parallel_loop3A_742 : vector<16xi32>
          %parallel_loop3A_744 = tpu.vector_load_idx %arg7[%parallel_loop3A_717, %parallel_loop3A_743] : memref<128x64xf32, #tpu.memory_space<vmem>>[vector<16xi32>, vector<16xi32>], vector<16xf32>,
          tpu.vector_store_idx %arg10[%parallel_loop3A_743, %parallel_loop3A_717], %parallel_loop3A_744 : memref<64x128xf32, #tpu.memory_space<vmem>>[vector<16xi32>, vector<16xi32>], vector<16xf32>,
          %parallel_loop3A_745 = vector.broadcast %parallel_loop3A_715 : i32 to vector<16xi32>
          %parallel_loop3A_746 = arith.addi %and3A_55, %parallel_loop3A_745 : vector<16xi32>
          %parallel_loop3A_747 = tpu.vector_load_idx %arg7[%parallel_loop3A_717, %parallel_loop3A_746] : memref<128x64xf32, #tpu.memory_space<vmem>>[vector<16xi32>, vector<16xi32>], vector<16xf32>,
          tpu.vector_store_idx %arg10[%parallel_loop3A_746, %parallel_loop3A_717], %parallel_loop3A_747 : memref<64x128xf32, #tpu.memory_space<vmem>>[vector<16xi32>, vector<16xi32>], vector<16xf32>,
          %parallel_loop3A_748 = vector.broadcast %parallel_loop3A_715 : i32 to vector<16xi32>
          %parallel_loop3A_749 = arith.addi %and3A_61, %parallel_loop3A_748 : vector<16xi32>
          %parallel_loop3A_750 = tpu.vector_load_idx %arg7[%parallel_loop3A_717, %parallel_loop3A_749] : memref<128x64xf32, #tpu.memory_space<vmem>>[vector<16xi32>, vector<16xi32>], vector<16xf32>,
          tpu.vector_store_idx %arg10[%parallel_loop3A_749, %parallel_loop3A_717], %parallel_loop3A_750 : memref<64x128xf32, #tpu.memory_space<vmem>>[vector<16xi32>, vector<16xi32>], vector<16xf32>,
          %parallel_loop3A_751 = vector.broadcast %parallel_loop3A_715 : i32 to vector<16xi32>
          %parallel_loop3A_752 = arith.addi %and3A_67, %parallel_loop3A_751 : vector<16xi32>
          %parallel_loop3A_753 = tpu.vector_load_idx %arg7[%parallel_loop3A_717, %parallel_loop3A_752] : memref<128x64xf32, #tpu.memory_space<vmem>>[vector<16xi32>, vector<16xi32>], vector<16xf32>,
          tpu.vector_store_idx %arg10[%parallel_loop3A_752, %parallel_loop3A_717], %parallel_loop3A_753 : memref<64x128xf32, #tpu.memory_space<vmem>>[vector<16xi32>, vector<16xi32>], vector<16xf32>,
          %parallel_loop3A_754 = vector.broadcast %parallel_loop3A_715 : i32 to vector<16xi32>
          %parallel_loop3A_755 = arith.addi %and3A_73, %parallel_loop3A_754 : vector<16xi32>
          %parallel_loop3A_756 = tpu.vector_load_idx %arg7[%parallel_loop3A_717, %parallel_loop3A_755] : memref<128x64xf32, #tpu.memory_space<vmem>>[vector<16xi32>, vector<16xi32>], vector<16xf32>,
          tpu.vector_store_idx %arg10[%parallel_loop3A_755, %parallel_loop3A_717], %parallel_loop3A_756 : memref<64x128xf32, #tpu.memory_space<vmem>>[vector<16xi32>, vector<16xi32>], vector<16xf32>,
          %parallel_loop3A_757 = vector.broadcast %parallel_loop3A_715 : i32 to vector<16xi32>
          %parallel_loop3A_758 = arith.addi %and3A_79, %parallel_loop3A_757 : vector<16xi32>
          %parallel_loop3A_759 = tpu.vector_load_idx %arg7[%parallel_loop3A_717, %parallel_loop3A_758] : memref<128x64xf32, #tpu.memory_space<vmem>>[vector<16xi32>, vector<16xi32>], vector<16xf32>,
          tpu.vector_store_idx %arg10[%parallel_loop3A_758, %parallel_loop3A_717], %parallel_loop3A_759 : memref<64x128xf32, #tpu.memory_space<vmem>>[vector<16xi32>, vector<16xi32>], vector<16xf32>,
          %parallel_loop3A_760 = vector.broadcast %parallel_loop3A_715 : i32 to vector<16xi32>
          %parallel_loop3A_761 = arith.addi %and3A_85, %parallel_loop3A_760 : vector<16xi32>
          %parallel_loop3A_762 = tpu.vector_load_idx %arg7[%parallel_loop3A_717, %parallel_loop3A_761] : memref<128x64xf32, #tpu.memory_space<vmem>>[vector<16xi32>, vector<16xi32>], vector<16xf32>,
          tpu.vector_store_idx %arg10[%parallel_loop3A_761, %parallel_loop3A_717], %parallel_loop3A_762 : memref<64x128xf32, #tpu.memory_space<vmem>>[vector<16xi32>, vector<16xi32>], vector<16xf32>,
          %parallel_loop3A_763 = vector.broadcast %parallel_loop3A_715 : i32 to vector<16xi32>
          %parallel_loop3A_764 = arith.addi %and3A_91, %parallel_loop3A_763 : vector<16xi32>
          %parallel_loop3A_765 = tpu.vector_load_idx %arg7[%parallel_loop3A_717, %parallel_loop3A_764] : memref<128x64xf32, #tpu.memory_space<vmem>>[vector<16xi32>, vector<16xi32>], vector<16xf32>,
          tpu.vector_store_idx %arg10[%parallel_loop3A_764, %parallel_loop3A_717], %parallel_loop3A_765 : memref<64x128xf32, #tpu.memory_space<vmem>>[vector<16xi32>, vector<16xi32>], vector<16xf32>,
        } {sc.loop_unroll_factor = 4 : i64, sc.parallel_access}
        %dma_start3A_544 = arith.constant 0 : i32
        %dma_start3A_545 = arith.constant 0 : i32
        %dma_start3A_546 = arith.constant 0 : i32
        %dma_start3A_547 = tpu.memref_slice %arg10[%dma_start3A_545, %dma_start3A_546] : memref<64x128xf32, #tpu.memory_space<vmem>> -> memref<8x128xf32, #tpu.memory_space<vmem>>
        %dma_start3A_548 = arith.constant 0 : i32
        %dma_start3A_549 = arith.constant 0 : i32
        %dma_start3A_550 = tpu.memref_slice %arg4[%add3A_516, %dma_start3A_544, %add3A, %dma_start3A_548, %dma_start3A_549] : memref<200x8x32x8x128xf32, #tpu.memory_space<hbm>> -> memref<1x1x1x8x128xf32, #tpu.memory_space<hbm>>
        %dma_start3A_551 = tpu.memref_squeeze %dma_start3A_550 : memref<1x1x1x8x128xf32, #tpu.memory_space<hbm>> -> memref<8x128xf32, #tpu.memory_space<hbm>>
        %dma_start3A_552 = arith.constant 0 : i32
        %dma_start3A_553 = arith.constant 0 : i32
        %dma_start3A_554 = tpu.memref_slice %arg4[%add3A_516, %dma_start3A_544, %add3A, %dma_start3A_552, %dma_start3A_553] : memref<200x8x32x8x128xf32, #tpu.memory_space<hbm>> -> memref<1x1x1x8x128xf32, #tpu.memory_space<hbm>>
        %dma_start3A_555 = tpu.memref_squeeze %dma_start3A_554 : memref<1x1x1x8x128xf32, #tpu.memory_space<hbm>> -> memref<8x128xf32, #tpu.memory_space<hbm>>
        %dma_start3A_556 = arith.constant 0 : i32
        %dma_start3A_557 = arith.constant 0 : i32
        %dma_start3A_558 = tpu.memref_slice %arg10[%dma_start3A_556, %dma_start3A_557] : memref<64x128xf32, #tpu.memory_space<vmem>> -> memref<8x128xf32, #tpu.memory_space<vmem>>
        tpu.enqueue_dma source(%dma_start3A_558 : memref<8x128xf32, #tpu.memory_space<vmem>>) target(%dma_start3A_555 : memref<8x128xf32, #tpu.memory_space<hbm>>) target_semaphore(%arg16 : memref<!tpu.dma_semaphore, #tpu.memory_space<semaphore_mem>>)
        %dma_start3A_559 = arith.constant 1 : i32
        %dma_start3A_560 = arith.constant 8 : i32
        %dma_start3A_561 = arith.constant 0 : i32
        %dma_start3A_562 = tpu.memref_slice %arg10[%dma_start3A_560, %dma_start3A_561] : memref<64x128xf32, #tpu.memory_space<vmem>> -> memref<8x128xf32, #tpu.memory_space<vmem>>
        %dma_start3A_563 = arith.constant 0 : i32
        %dma_start3A_564 = arith.constant 0 : i32
        %dma_start3A_565 = tpu.memref_slice %arg4[%add3A_516, %dma_start3A_559, %add3A, %dma_start3A_563, %dma_start3A_564] : memref<200x8x32x8x128xf32, #tpu.memory_space<hbm>> -> memref<1x1x1x8x128xf32, #tpu.memory_space<hbm>>
        %dma_start3A_566 = tpu.memref_squeeze %dma_start3A_565 : memref<1x1x1x8x128xf32, #tpu.memory_space<hbm>> -> memref<8x128xf32, #tpu.memory_space<hbm>>
        %dma_start3A_567 = arith.constant 0 : i32
        %dma_start3A_568 = arith.constant 0 : i32
        %dma_start3A_569 = tpu.memref_slice %arg4[%add3A_516, %dma_start3A_559, %add3A, %dma_start3A_567, %dma_start3A_568] : memref<200x8x32x8x128xf32, #tpu.memory_space<hbm>> -> memref<1x1x1x8x128xf32, #tpu.memory_space<hbm>>
        %dma_start3A_570 = tpu.memref_squeeze %dma_start3A_569 : memref<1x1x1x8x128xf32, #tpu.memory_space<hbm>> -> memref<8x128xf32, #tpu.memory_space<hbm>>
        %dma_start3A_571 = arith.constant 8 : i32
        %dma_start3A_572 = arith.constant 0 : i32
        %dma_start3A_573 = tpu.memref_slice %arg10[%dma_start3A_571, %dma_start3A_572] : memref<64x128xf32, #tpu.memory_space<vmem>> -> memref<8x128xf32, #tpu.memory_space<vmem>>
        tpu.enqueue_dma source(%dma_start3A_573 : memref<8x128xf32, #tpu.memory_space<vmem>>) target(%dma_start3A_570 : memref<8x128xf32, #tpu.memory_space<hbm>>) target_semaphore(%arg16 : memref<!tpu.dma_semaphore, #tpu.memory_space<semaphore_mem>>)
        %dma_start3A_574 = arith.constant 2 : i32
        %dma_start3A_575 = arith.constant 16 : i32
        %dma_start3A_576 = arith.constant 0 : i32
        %dma_start3A_577 = tpu.memref_slice %arg10[%dma_start3A_575, %dma_start3A_576] : memref<64x128xf32, #tpu.memory_space<vmem>> -> memref<8x128xf32, #tpu.memory_space<vmem>>
        %dma_start3A_578 = arith.constant 0 : i32
        %dma_start3A_579 = arith.constant 0 : i32
        %dma_start3A_580 = tpu.memref_slice %arg4[%add3A_516, %dma_start3A_574, %add3A, %dma_start3A_578, %dma_start3A_579] : memref<200x8x32x8x128xf32, #tpu.memory_space<hbm>> -> memref<1x1x1x8x128xf32, #tpu.memory_space<hbm>>
        %dma_start3A_581 = tpu.memref_squeeze %dma_start3A_580 : memref<1x1x1x8x128xf32, #tpu.memory_space<hbm>> -> memref<8x128xf32, #tpu.memory_space<hbm>>
        %dma_start3A_582 = arith.constant 0 : i32
        %dma_start3A_583 = arith.constant 0 : i32
        %dma_start3A_584 = tpu.memref_slice %arg4[%add3A_516, %dma_start3A_574, %add3A, %dma_start3A_582, %dma_start3A_583] : memref<200x8x32x8x128xf32, #tpu.memory_space<hbm>> -> memref<1x1x1x8x128xf32, #tpu.memory_space<hbm>>
        %dma_start3A_585 = tpu.memref_squeeze %dma_start3A_584 : memref<1x1x1x8x128xf32, #tpu.memory_space<hbm>> -> memref<8x128xf32, #tpu.memory_space<hbm>>
        %dma_start3A_586 = arith.constant 16 : i32
        %dma_start3A_587 = arith.constant 0 : i32
        %dma_start3A_588 = tpu.memref_slice %arg10[%dma_start3A_586, %dma_start3A_587] : memref<64x128xf32, #tpu.memory_space<vmem>> -> memref<8x128xf32, #tpu.memory_space<vmem>>
        tpu.enqueue_dma source(%dma_start3A_588 : memref<8x128xf32, #tpu.memory_space<vmem>>) target(%dma_start3A_585 : memref<8x128xf32, #tpu.memory_space<hbm>>) target_semaphore(%arg16 : memref<!tpu.dma_semaphore, #tpu.memory_space<semaphore_mem>>)
        %dma_start3A_589 = arith.constant 3 : i32
        %dma_start3A_590 = arith.constant 24 : i32
        %dma_start3A_591 = arith.constant 0 : i32
        %dma_start3A_592 = tpu.memref_slice %arg10[%dma_start3A_590, %dma_start3A_591] : memref<64x128xf32, #tpu.memory_space<vmem>> -> memref<8x128xf32, #tpu.memory_space<vmem>>
        %dma_start3A_593 = arith.constant 0 : i32
        %dma_start3A_594 = arith.constant 0 : i32
        %dma_start3A_595 = tpu.memref_slice %arg4[%add3A_516, %dma_start3A_589, %add3A, %dma_start3A_593, %dma_start3A_594] : memref<200x8x32x8x128xf32, #tpu.memory_space<hbm>> -> memref<1x1x1x8x128xf32, #tpu.memory_space<hbm>>
        %dma_start3A_596 = tpu.memref_squeeze %dma_start3A_595 : memref<1x1x1x8x128xf32, #tpu.memory_space<hbm>> -> memref<8x128xf32, #tpu.memory_space<hbm>>
        %dma_start3A_597 = arith.constant 0 : i32
        %dma_start3A_598 = arith.constant 0 : i32
        %dma_start3A_599 = tpu.memref_slice %arg4[%add3A_516, %dma_start3A_589, %add3A, %dma_start3A_597, %dma_start3A_598] : memref<200x8x32x8x128xf32, #tpu.memory_space<hbm>> -> memref<1x1x1x8x128xf32, #tpu.memory_space<hbm>>
        %dma_start3A_600 = tpu.memref_squeeze %dma_start3A_599 : memref<1x1x1x8x128xf32, #tpu.memory_space<hbm>> -> memref<8x128xf32, #tpu.memory_space<hbm>>
        %dma_start3A_601 = arith.constant 24 : i32
        %dma_start3A_602 = arith.constant 0 : i32
        %dma_start3A_603 = tpu.memref_slice %arg10[%dma_start3A_601, %dma_start3A_602] : memref<64x128xf32, #tpu.memory_space<vmem>> -> memref<8x128xf32, #tpu.memory_space<vmem>>
        tpu.enqueue_dma source(%dma_start3A_603 : memref<8x128xf32, #tpu.memory_space<vmem>>) target(%dma_start3A_600 : memref<8x128xf32, #tpu.memory_space<hbm>>) target_semaphore(%arg16 : memref<!tpu.dma_semaphore, #tpu.memory_space<semaphore_mem>>)
        %dma_start3A_604 = arith.constant 4 : i32
        %dma_start3A_605 = arith.constant 32 : i32
        %dma_start3A_606 = arith.constant 0 : i32
        %dma_start3A_607 = tpu.memref_slice %arg10[%dma_start3A_605, %dma_start3A_606] : memref<64x128xf32, #tpu.memory_space<vmem>> -> memref<8x128xf32, #tpu.memory_space<vmem>>
        %dma_start3A_608 = arith.constant 0 : i32
        %dma_start3A_609 = arith.constant 0 : i32
        %dma_start3A_610 = tpu.memref_slice %arg4[%add3A_516, %dma_start3A_604, %add3A, %dma_start3A_608, %dma_start3A_609] : memref<200x8x32x8x128xf32, #tpu.memory_space<hbm>> -> memref<1x1x1x8x128xf32, #tpu.memory_space<hbm>>
        %dma_start3A_611 = tpu.memref_squeeze %dma_start3A_610 : memref<1x1x1x8x128xf32, #tpu.memory_space<hbm>> -> memref<8x128xf32, #tpu.memory_space<hbm>>
        %dma_start3A_612 = arith.constant 0 : i32
        %dma_start3A_613 = arith.constant 0 : i32
        %dma_start3A_614 = tpu.memref_slice %arg4[%add3A_516, %dma_start3A_604, %add3A, %dma_start3A_612, %dma_start3A_613] : memref<200x8x32x8x128xf32, #tpu.memory_space<hbm>> -> memref<1x1x1x8x128xf32, #tpu.memory_space<hbm>>
        %dma_start3A_615 = tpu.memref_squeeze %dma_start3A_614 : memref<1x1x1x8x128xf32, #tpu.memory_space<hbm>> -> memref<8x128xf32, #tpu.memory_space<hbm>>
        %dma_start3A_616 = arith.constant 32 : i32
        %dma_start3A_617 = arith.constant 0 : i32
        %dma_start3A_618 = tpu.memref_slice %arg10[%dma_start3A_616, %dma_start3A_617] : memref<64x128xf32, #tpu.memory_space<vmem>> -> memref<8x128xf32, #tpu.memory_space<vmem>>
        tpu.enqueue_dma source(%dma_start3A_618 : memref<8x128xf32, #tpu.memory_space<vmem>>) target(%dma_start3A_615 : memref<8x128xf32, #tpu.memory_space<hbm>>) target_semaphore(%arg16 : memref<!tpu.dma_semaphore, #tpu.memory_space<semaphore_mem>>)
        %dma_start3A_619 = arith.constant 5 : i32
        %dma_start3A_620 = arith.constant 40 : i32
        %dma_start3A_621 = arith.constant 0 : i32
        %dma_start3A_622 = tpu.memref_slice %arg10[%dma_start3A_620, %dma_start3A_621] : memref<64x128xf32, #tpu.memory_space<vmem>> -> memref<8x128xf32, #tpu.memory_space<vmem>>
        %dma_start3A_623 = arith.constant 0 : i32
        %dma_start3A_624 = arith.constant 0 : i32
        %dma_start3A_625 = tpu.memref_slice %arg4[%add3A_516, %dma_start3A_619, %add3A, %dma_start3A_623, %dma_start3A_624] : memref<200x8x32x8x128xf32, #tpu.memory_space<hbm>> -> memref<1x1x1x8x128xf32, #tpu.memory_space<hbm>>
        %dma_start3A_626 = tpu.memref_squeeze %dma_start3A_625 : memref<1x1x1x8x128xf32, #tpu.memory_space<hbm>> -> memref<8x128xf32, #tpu.memory_space<hbm>>
        %dma_start3A_627 = arith.constant 0 : i32
        %dma_start3A_628 = arith.constant 0 : i32
        %dma_start3A_629 = tpu.memref_slice %arg4[%add3A_516, %dma_start3A_619, %add3A, %dma_start3A_627, %dma_start3A_628] : memref<200x8x32x8x128xf32, #tpu.memory_space<hbm>> -> memref<1x1x1x8x128xf32, #tpu.memory_space<hbm>>
        %dma_start3A_630 = tpu.memref_squeeze %dma_start3A_629 : memref<1x1x1x8x128xf32, #tpu.memory_space<hbm>> -> memref<8x128xf32, #tpu.memory_space<hbm>>
        %dma_start3A_631 = arith.constant 40 : i32
        %dma_start3A_632 = arith.constant 0 : i32
        %dma_start3A_633 = tpu.memref_slice %arg10[%dma_start3A_631, %dma_start3A_632] : memref<64x128xf32, #tpu.memory_space<vmem>> -> memref<8x128xf32, #tpu.memory_space<vmem>>
        tpu.enqueue_dma source(%dma_start3A_633 : memref<8x128xf32, #tpu.memory_space<vmem>>) target(%dma_start3A_630 : memref<8x128xf32, #tpu.memory_space<hbm>>) target_semaphore(%arg16 : memref<!tpu.dma_semaphore, #tpu.memory_space<semaphore_mem>>)
        %dma_start3A_634 = arith.constant 6 : i32
        %dma_start3A_635 = arith.constant 48 : i32
        %dma_start3A_636 = arith.constant 0 : i32
        %dma_start3A_637 = tpu.memref_slice %arg10[%dma_start3A_635, %dma_start3A_636] : memref<64x128xf32, #tpu.memory_space<vmem>> -> memref<8x128xf32, #tpu.memory_space<vmem>>
        %dma_start3A_638 = arith.constant 0 : i32
        %dma_start3A_639 = arith.constant 0 : i32
        %dma_start3A_640 = tpu.memref_slice %arg4[%add3A_516, %dma_start3A_634, %add3A, %dma_start3A_638, %dma_start3A_639] : memref<200x8x32x8x128xf32, #tpu.memory_space<hbm>> -> memref<1x1x1x8x128xf32, #tpu.memory_space<hbm>>
        %dma_start3A_641 = tpu.memref_squeeze %dma_start3A_640 : memref<1x1x1x8x128xf32, #tpu.memory_space<hbm>> -> memref<8x128xf32, #tpu.memory_space<hbm>>
        %dma_start3A_642 = arith.constant 0 : i32
        %dma_start3A_643 = arith.constant 0 : i32
        %dma_start3A_644 = tpu.memref_slice %arg4[%add3A_516, %dma_start3A_634, %add3A, %dma_start3A_642, %dma_start3A_643] : memref<200x8x32x8x128xf32, #tpu.memory_space<hbm>> -> memref<1x1x1x8x128xf32, #tpu.memory_space<hbm>>
        %dma_start3A_645 = tpu.memref_squeeze %dma_start3A_644 : memref<1x1x1x8x128xf32, #tpu.memory_space<hbm>> -> memref<8x128xf32, #tpu.memory_space<hbm>>
        %dma_start3A_646 = arith.constant 48 : i32
        %dma_start3A_647 = arith.constant 0 : i32
        %dma_start3A_648 = tpu.memref_slice %arg10[%dma_start3A_646, %dma_start3A_647] : memref<64x128xf32, #tpu.memory_space<vmem>> -> memref<8x128xf32, #tpu.memory_space<vmem>>
        tpu.enqueue_dma source(%dma_start3A_648 : memref<8x128xf32, #tpu.memory_space<vmem>>) target(%dma_start3A_645 : memref<8x128xf32, #tpu.memory_space<hbm>>) target_semaphore(%arg16 : memref<!tpu.dma_semaphore, #tpu.memory_space<semaphore_mem>>)
        %dma_start3A_649 = arith.constant 7 : i32
        %dma_start3A_650 = arith.constant 56 : i32
        %dma_start3A_651 = arith.constant 0 : i32
        %dma_start3A_652 = tpu.memref_slice %arg10[%dma_start3A_650, %dma_start3A_651] : memref<64x128xf32, #tpu.memory_space<vmem>> -> memref<8x128xf32, #tpu.memory_space<vmem>>
        %dma_start3A_653 = arith.constant 0 : i32
        %dma_start3A_654 = arith.constant 0 : i32
        %dma_start3A_655 = tpu.memref_slice %arg4[%add3A_516, %dma_start3A_649, %add3A, %dma_start3A_653, %dma_start3A_654] : memref<200x8x32x8x128xf32, #tpu.memory_space<hbm>> -> memref<1x1x1x8x128xf32, #tpu.memory_space<hbm>>
        %dma_start3A_656 = tpu.memref_squeeze %dma_start3A_655 : memref<1x1x1x8x128xf32, #tpu.memory_space<hbm>> -> memref<8x128xf32, #tpu.memory_space<hbm>>
        %dma_start3A_657 = arith.constant 0 : i32
        %dma_start3A_658 = arith.constant 0 : i32
        %dma_start3A_659 = tpu.memref_slice %arg4[%add3A_516, %dma_start3A_649, %add3A, %dma_start3A_657, %dma_start3A_658] : memref<200x8x32x8x128xf32, #tpu.memory_space<hbm>> -> memref<1x1x1x8x128xf32, #tpu.memory_space<hbm>>
        %dma_start3A_660 = tpu.memref_squeeze %dma_start3A_659 : memref<1x1x1x8x128xf32, #tpu.memory_space<hbm>> -> memref<8x128xf32, #tpu.memory_space<hbm>>
        %dma_start3A_661 = arith.constant 56 : i32
        %dma_start3A_662 = arith.constant 0 : i32
        %dma_start3A_663 = tpu.memref_slice %arg10[%dma_start3A_661, %dma_start3A_662] : memref<64x128xf32, #tpu.memory_space<vmem>> -> memref<8x128xf32, #tpu.memory_space<vmem>>
        tpu.enqueue_dma source(%dma_start3A_663 : memref<8x128xf32, #tpu.memory_space<vmem>>) target(%dma_start3A_660 : memref<8x128xf32, #tpu.memory_space<hbm>>) target_semaphore(%arg16 : memref<!tpu.dma_semaphore, #tpu.memory_space<semaphore_mem>>)
        %add3A_664 = arith.constant 3 : i32
        %add3A_665 = arith.addi %add3A_516, %add3A_664 : i32
        %lt3A_666 = arith.constant 200 : i32
        %lt3A_667 = arith.cmpi slt, %add3A_665, %lt3A_666 : i32
        %convert_element_type3A_668 = arith.extui %lt3A_667 : i1 to i32
        %cond3A_669 = arith.constant 0 : i32
        %cond3A_670 = arith.cmpi ne, %convert_element_type3A_668, %cond3A_669 : i32
        scf.if %cond3A_670 {
          %add3A_671 = arith.constant 3 : i32
          %add3A_672 = arith.addi %add3A_516, %add3A_671 : i32
          %dma_start3A_673 = arith.constant 0 : i32
          %dma_start3A_674 = tpu.memref_slice %arg5[%add3A_672, %dma_start3A_673] : memref<200x128xi32, #tpu.memory_space<vmem>> -> memref<1x128xi32, #tpu.memory_space<vmem>>
          %dma_start3A_675 = tpu.memref_squeeze %dma_start3A_674 : memref<1x128xi32, #tpu.memory_space<vmem>> -> memref<128xi32, #tpu.memory_space<vmem>>
          %dma_start3A_676 = arith.constant 0 : i32
          %dma_start3A_677 = arith.constant 0 : i32
          %dma_start3A_678 = tpu.memref_slice %arg3[%dma_start3A_676, %dma_start3A_677] : memref<2000000x64xf32, #tpu.memory_space<hbm>> -> memref<2000000x64xf32, #tpu.memory_space<hbm>>
          tpu.enqueue_indirect_dma source(%dma_start3A_678 : memref<2000000x64xf32, #tpu.memory_space<hbm>>) target(%arg7 : memref<128x64xf32, #tpu.memory_space<vmem>>) offsets(%dma_start3A_675 : memref<128xi32, #tpu.memory_space<vmem>>) semaphore(%arg13 : memref<!tpu.dma_semaphore, #tpu.memory_space<semaphore_mem>>)
        } else {
        }
      } else {
      }
      %mul3A_522 = arith.constant 3 : i32
      %mul3A_523 = arith.muli %mul3A_522, %scan3A_506 : i32
      %add3A_524 = arith.constant 2 : i32
      %add3A_525 = arith.addi %mul3A_523, %add3A_524 : i32
      %lt3A_526 = arith.constant 200 : i32
      %lt3A_527 = arith.cmpi slt, %add3A_525, %lt3A_526 : i32
      %convert_element_type3A_528 = arith.extui %lt3A_527 : i1 to i32
      %cond3A_529 = arith.constant 0 : i32
      %cond3A_530 = arith.cmpi ne, %convert_element_type3A_528, %cond3A_529 : i32
      scf.if %cond3A_530 {
        %dma_wait3A_531 = arith.constant 0 : i32
        %dma_wait3A_532 = arith.constant 0 : i32
        %dma_wait3A_533 = tpu.memref_slice %arg5[%dma_wait3A_531, %dma_wait3A_532] : memref<200x128xi32, #tpu.memory_space<vmem>> -> memref<1x128xi32, #tpu.memory_space<vmem>>
        %dma_wait3A_534 = tpu.memref_squeeze %dma_wait3A_533 : memref<1x128xi32, #tpu.memory_space<vmem>> -> memref<128xi32, #tpu.memory_space<vmem>>
        %dma_wait3A_535 = arith.constant 0 : i32
        %dma_wait3A_536 = arith.constant 0 : i32
        %dma_wait3A_537 = tpu.memref_slice %arg3[%dma_wait3A_535, %dma_wait3A_536] : memref<2000000x64xf32, #tpu.memory_space<hbm>> -> memref<2000000x64xf32, #tpu.memory_space<hbm>>
        tpu.wait_indirect_dma semaphore(%arg14 : memref<!tpu.dma_semaphore, #tpu.memory_space<semaphore_mem>>) src(%dma_wait3A_537 : memref<2000000x64xf32, #tpu.memory_space<hbm>>) dst(%arg8 : memref<128x64xf32, #tpu.memory_space<vmem>>)
        %gt3A = arith.constant 0 : i32
        %gt3A_538 = arith.cmpi sgt, %scan3A_506, %gt3A : i32
        %convert_element_type3A_539 = arith.extui %gt3A_538 : i1 to i32
        %cond3A_540 = arith.constant 0 : i32
        %cond3A_541 = arith.cmpi ne, %convert_element_type3A_539, %cond3A_540 : i32
        scf.if %cond3A_541 {
          %dma_wait3A_671 = arith.constant 0 : i32
          %dma_wait3A_672 = arith.constant 0 : i32
          %dma_wait3A_673 = arith.constant 0 : i32
          %dma_wait3A_674 = arith.constant 0 : i32
          %dma_wait3A_675 = tpu.memref_slice %arg11[%dma_wait3A_673, %dma_wait3A_674] : memref<64x128xf32, #tpu.memory_space<vmem>> -> memref<8x128xf32, #tpu.memory_space<vmem>>
          %dma_wait3A_676 = arith.constant 0 : i32
          %dma_wait3A_677 = arith.constant 0 : i32
          %dma_wait3A_678 = tpu.memref_slice %arg4[%dma_wait3A_671, %dma_wait3A_672, %add3A, %dma_wait3A_676, %dma_wait3A_677] : memref<200x8x32x8x128xf32, #tpu.memory_space<hbm>> -> memref<1x1x1x8x128xf32, #tpu.memory_space<hbm>>
          %dma_wait3A_679 = tpu.memref_squeeze %dma_wait3A_678 : memref<1x1x1x8x128xf32, #tpu.memory_space<hbm>> -> memref<8x128xf32, #tpu.memory_space<hbm>>
          %dma_wait3A_680 = arith.constant 0 : i32
          %dma_wait3A_681 = arith.constant 0 : i32
          %dma_wait3A_682 = tpu.memref_slice %arg4[%dma_wait3A_671, %dma_wait3A_672, %add3A, %dma_wait3A_680, %dma_wait3A_681] : memref<200x8x32x8x128xf32, #tpu.memory_space<hbm>> -> memref<1x1x1x8x128xf32, #tpu.memory_space<hbm>>
          %dma_wait3A_683 = tpu.memref_squeeze %dma_wait3A_682 : memref<1x1x1x8x128xf32, #tpu.memory_space<hbm>> -> memref<8x128xf32, #tpu.memory_space<hbm>>
          %dma_wait3A_684 = arith.constant 0 : i32
          %dma_wait3A_685 = arith.constant 0 : i32
          %dma_wait3A_686 = tpu.memref_slice %arg11[%dma_wait3A_684, %dma_wait3A_685] : memref<64x128xf32, #tpu.memory_space<vmem>> -> memref<8x128xf32, #tpu.memory_space<vmem>>
          tpu.wait_dma2 semaphore(%arg17 : memref<!tpu.dma_semaphore, #tpu.memory_space<semaphore_mem>>) src(%dma_wait3A_686 : memref<8x128xf32, #tpu.memory_space<vmem>>) dst(%dma_wait3A_683 : memref<8x128xf32, #tpu.memory_space<hbm>>)
          %dma_wait3A_687 = arith.constant 0 : i32
          %dma_wait3A_688 = arith.constant 1 : i32
          %dma_wait3A_689 = arith.constant 8 : i32
          %dma_wait3A_690 = arith.constant 0 : i32
          %dma_wait3A_691 = tpu.memref_slice %arg11[%dma_wait3A_689, %dma_wait3A_690] : memref<64x128xf32, #tpu.memory_space<vmem>> -> memref<8x128xf32, #tpu.memory_space<vmem>>
          %dma_wait3A_692 = arith.constant 0 : i32
          %dma_wait3A_693 = arith.constant 0 : i32
          %dma_wait3A_694 = tpu.memref_slice %arg4[%dma_wait3A_687, %dma_wait3A_688, %add3A, %dma_wait3A_692, %dma_wait3A_693] : memref<200x8x32x8x128xf32, #tpu.memory_space<hbm>> -> memref<1x1x1x8x128xf32, #tpu.memory_space<hbm>>
          %dma_wait3A_695 = tpu.memref_squeeze %dma_wait3A_694 : memref<1x1x1x8x128xf32, #tpu.memory_space<hbm>> -> memref<8x128xf32, #tpu.memory_space<hbm>>
          %dma_wait3A_696 = arith.constant 0 : i32
          %dma_wait3A_697 = arith.constant 0 : i32
          %dma_wait3A_698 = tpu.memref_slice %arg4[%dma_wait3A_687, %dma_wait3A_688, %add3A, %dma_wait3A_696, %dma_wait3A_697] : memref<200x8x32x8x128xf32, #tpu.memory_space<hbm>> -> memref<1x1x1x8x128xf32, #tpu.memory_space<hbm>>
          %dma_wait3A_699 = tpu.memref_squeeze %dma_wait3A_698 : memref<1x1x1x8x128xf32, #tpu.memory_space<hbm>> -> memref<8x128xf32, #tpu.memory_space<hbm>>
          %dma_wait3A_700 = arith.constant 8 : i32
          %dma_wait3A_701 = arith.constant 0 : i32
          %dma_wait3A_702 = tpu.memref_slice %arg11[%dma_wait3A_700, %dma_wait3A_701] : memref<64x128xf32, #tpu.memory_space<vmem>> -> memref<8x128xf32, #tpu.memory_space<vmem>>
          tpu.wait_dma2 semaphore(%arg17 : memref<!tpu.dma_semaphore, #tpu.memory_space<semaphore_mem>>) src(%dma_wait3A_702 : memref<8x128xf32, #tpu.memory_space<vmem>>) dst(%dma_wait3A_699 : memref<8x128xf32, #tpu.memory_space<hbm>>)
          %dma_wait3A_703 = arith.constant 0 : i32
          %dma_wait3A_704 = arith.constant 2 : i32
          %dma_wait3A_705 = arith.constant 16 : i32
          %dma_wait3A_706 = arith.constant 0 : i32
          %dma_wait3A_707 = tpu.memref_slice %arg11[%dma_wait3A_705, %dma_wait3A_706] : memref<64x128xf32, #tpu.memory_space<vmem>> -> memref<8x128xf32, #tpu.memory_space<vmem>>
          %dma_wait3A_708 = arith.constant 0 : i32
          %dma_wait3A_709 = arith.constant 0 : i32
          %dma_wait3A_710 = tpu.memref_slice %arg4[%dma_wait3A_703, %dma_wait3A_704, %add3A, %dma_wait3A_708, %dma_wait3A_709] : memref<200x8x32x8x128xf32, #tpu.memory_space<hbm>> -> memref<1x1x1x8x128xf32, #tpu.memory_space<hbm>>
          %dma_wait3A_711 = tpu.memref_squeeze %dma_wait3A_710 : memref<1x1x1x8x128xf32, #tpu.memory_space<hbm>> -> memref<8x128xf32, #tpu.memory_space<hbm>>
          %dma_wait3A_712 = arith.constant 0 : i32
          %dma_wait3A_713 = arith.constant 0 : i32
          %dma_wait3A_714 = tpu.memref_slice %arg4[%dma_wait3A_703, %dma_wait3A_704, %add3A, %dma_wait3A_712, %dma_wait3A_713] : memref<200x8x32x8x128xf32, #tpu.memory_space<hbm>> -> memref<1x1x1x8x128xf32, #tpu.memory_space<hbm>>
          %dma_wait3A_715 = tpu.memref_squeeze %dma_wait3A_714 : memref<1x1x1x8x128xf32, #tpu.memory_space<hbm>> -> memref<8x128xf32, #tpu.memory_space<hbm>>
          %dma_wait3A_716 = arith.constant 16 : i32
          %dma_wait3A_717 = arith.constant 0 : i32
          %dma_wait3A_718 = tpu.memref_slice %arg11[%dma_wait3A_716, %dma_wait3A_717] : memref<64x128xf32, #tpu.memory_space<vmem>> -> memref<8x128xf32, #tpu.memory_space<vmem>>
          tpu.wait_dma2 semaphore(%arg17 : memref<!tpu.dma_semaphore, #tpu.memory_space<semaphore_mem>>) src(%dma_wait3A_718 : memref<8x128xf32, #tpu.memory_space<vmem>>) dst(%dma_wait3A_715 : memref<8x128xf32, #tpu.memory_space<hbm>>)
          %dma_wait3A_719 = arith.constant 0 : i32
          %dma_wait3A_720 = arith.constant 3 : i32
          %dma_wait3A_721 = arith.constant 24 : i32
          %dma_wait3A_722 = arith.constant 0 : i32
          %dma_wait3A_723 = tpu.memref_slice %arg11[%dma_wait3A_721, %dma_wait3A_722] : memref<64x128xf32, #tpu.memory_space<vmem>> -> memref<8x128xf32, #tpu.memory_space<vmem>>
          %dma_wait3A_724 = arith.constant 0 : i32
          %dma_wait3A_725 = arith.constant 0 : i32
          %dma_wait3A_726 = tpu.memref_slice %arg4[%dma_wait3A_719, %dma_wait3A_720, %add3A, %dma_wait3A_724, %dma_wait3A_725] : memref<200x8x32x8x128xf32, #tpu.memory_space<hbm>> -> memref<1x1x1x8x128xf32, #tpu.memory_space<hbm>>
          %dma_wait3A_727 = tpu.memref_squeeze %dma_wait3A_726 : memref<1x1x1x8x128xf32, #tpu.memory_space<hbm>> -> memref<8x128xf32, #tpu.memory_space<hbm>>
          %dma_wait3A_728 = arith.constant 0 : i32
          %dma_wait3A_729 = arith.constant 0 : i32
          %dma_wait3A_730 = tpu.memref_slice %arg4[%dma_wait3A_719, %dma_wait3A_720, %add3A, %dma_wait3A_728, %dma_wait3A_729] : memref<200x8x32x8x128xf32, #tpu.memory_space<hbm>> -> memref<1x1x1x8x128xf32, #tpu.memory_space<hbm>>
          %dma_wait3A_731 = tpu.memref_squeeze %dma_wait3A_730 : memref<1x1x1x8x128xf32, #tpu.memory_space<hbm>> -> memref<8x128xf32, #tpu.memory_space<hbm>>
          %dma_wait3A_732 = arith.constant 24 : i32
          %dma_wait3A_733 = arith.constant 0 : i32
          %dma_wait3A_734 = tpu.memref_slice %arg11[%dma_wait3A_732, %dma_wait3A_733] : memref<64x128xf32, #tpu.memory_space<vmem>> -> memref<8x128xf32, #tpu.memory_space<vmem>>
          tpu.wait_dma2 semaphore(%arg17 : memref<!tpu.dma_semaphore, #tpu.memory_space<semaphore_mem>>) src(%dma_wait3A_734 : memref<8x128xf32, #tpu.memory_space<vmem>>) dst(%dma_wait3A_731 : memref<8x128xf32, #tpu.memory_space<hbm>>)
          %dma_wait3A_735 = arith.constant 0 : i32
          %dma_wait3A_736 = arith.constant 4 : i32
          %dma_wait3A_737 = arith.constant 32 : i32
          %dma_wait3A_738 = arith.constant 0 : i32
          %dma_wait3A_739 = tpu.memref_slice %arg11[%dma_wait3A_737, %dma_wait3A_738] : memref<64x128xf32, #tpu.memory_space<vmem>> -> memref<8x128xf32, #tpu.memory_space<vmem>>
          %dma_wait3A_740 = arith.constant 0 : i32
          %dma_wait3A_741 = arith.constant 0 : i32
          %dma_wait3A_742 = tpu.memref_slice %arg4[%dma_wait3A_735, %dma_wait3A_736, %add3A, %dma_wait3A_740, %dma_wait3A_741] : memref<200x8x32x8x128xf32, #tpu.memory_space<hbm>> -> memref<1x1x1x8x128xf32, #tpu.memory_space<hbm>>
          %dma_wait3A_743 = tpu.memref_squeeze %dma_wait3A_742 : memref<1x1x1x8x128xf32, #tpu.memory_space<hbm>> -> memref<8x128xf32, #tpu.memory_space<hbm>>
          %dma_wait3A_744 = arith.constant 0 : i32
          %dma_wait3A_745 = arith.constant 0 : i32
          %dma_wait3A_746 = tpu.memref_slice %arg4[%dma_wait3A_735, %dma_wait3A_736, %add3A, %dma_wait3A_744, %dma_wait3A_745] : memref<200x8x32x8x128xf32, #tpu.memory_space<hbm>> -> memref<1x1x1x8x128xf32, #tpu.memory_space<hbm>>
          %dma_wait3A_747 = tpu.memref_squeeze %dma_wait3A_746 : memref<1x1x1x8x128xf32, #tpu.memory_space<hbm>> -> memref<8x128xf32, #tpu.memory_space<hbm>>
          %dma_wait3A_748 = arith.constant 32 : i32
          %dma_wait3A_749 = arith.constant 0 : i32
          %dma_wait3A_750 = tpu.memref_slice %arg11[%dma_wait3A_748, %dma_wait3A_749] : memref<64x128xf32, #tpu.memory_space<vmem>> -> memref<8x128xf32, #tpu.memory_space<vmem>>
          tpu.wait_dma2 semaphore(%arg17 : memref<!tpu.dma_semaphore, #tpu.memory_space<semaphore_mem>>) src(%dma_wait3A_750 : memref<8x128xf32, #tpu.memory_space<vmem>>) dst(%dma_wait3A_747 : memref<8x128xf32, #tpu.memory_space<hbm>>)
          %dma_wait3A_751 = arith.constant 0 : i32
          %dma_wait3A_752 = arith.constant 5 : i32
          %dma_wait3A_753 = arith.constant 40 : i32
          %dma_wait3A_754 = arith.constant 0 : i32
          %dma_wait3A_755 = tpu.memref_slice %arg11[%dma_wait3A_753, %dma_wait3A_754] : memref<64x128xf32, #tpu.memory_space<vmem>> -> memref<8x128xf32, #tpu.memory_space<vmem>>
          %dma_wait3A_756 = arith.constant 0 : i32
          %dma_wait3A_757 = arith.constant 0 : i32
          %dma_wait3A_758 = tpu.memref_slice %arg4[%dma_wait3A_751, %dma_wait3A_752, %add3A, %dma_wait3A_756, %dma_wait3A_757] : memref<200x8x32x8x128xf32, #tpu.memory_space<hbm>> -> memref<1x1x1x8x128xf32, #tpu.memory_space<hbm>>
          %dma_wait3A_759 = tpu.memref_squeeze %dma_wait3A_758 : memref<1x1x1x8x128xf32, #tpu.memory_space<hbm>> -> memref<8x128xf32, #tpu.memory_space<hbm>>
          %dma_wait3A_760 = arith.constant 0 : i32
          %dma_wait3A_761 = arith.constant 0 : i32
          %dma_wait3A_762 = tpu.memref_slice %arg4[%dma_wait3A_751, %dma_wait3A_752, %add3A, %dma_wait3A_760, %dma_wait3A_761] : memref<200x8x32x8x128xf32, #tpu.memory_space<hbm>> -> memref<1x1x1x8x128xf32, #tpu.memory_space<hbm>>
          %dma_wait3A_763 = tpu.memref_squeeze %dma_wait3A_762 : memref<1x1x1x8x128xf32, #tpu.memory_space<hbm>> -> memref<8x128xf32, #tpu.memory_space<hbm>>
          %dma_wait3A_764 = arith.constant 40 : i32
          %dma_wait3A_765 = arith.constant 0 : i32
          %dma_wait3A_766 = tpu.memref_slice %arg11[%dma_wait3A_764, %dma_wait3A_765] : memref<64x128xf32, #tpu.memory_space<vmem>> -> memref<8x128xf32, #tpu.memory_space<vmem>>
          tpu.wait_dma2 semaphore(%arg17 : memref<!tpu.dma_semaphore, #tpu.memory_space<semaphore_mem>>) src(%dma_wait3A_766 : memref<8x128xf32, #tpu.memory_space<vmem>>) dst(%dma_wait3A_763 : memref<8x128xf32, #tpu.memory_space<hbm>>)
          %dma_wait3A_767 = arith.constant 0 : i32
          %dma_wait3A_768 = arith.constant 6 : i32
          %dma_wait3A_769 = arith.constant 48 : i32
          %dma_wait3A_770 = arith.constant 0 : i32
          %dma_wait3A_771 = tpu.memref_slice %arg11[%dma_wait3A_769, %dma_wait3A_770] : memref<64x128xf32, #tpu.memory_space<vmem>> -> memref<8x128xf32, #tpu.memory_space<vmem>>
          %dma_wait3A_772 = arith.constant 0 : i32
          %dma_wait3A_773 = arith.constant 0 : i32
          %dma_wait3A_774 = tpu.memref_slice %arg4[%dma_wait3A_767, %dma_wait3A_768, %add3A, %dma_wait3A_772, %dma_wait3A_773] : memref<200x8x32x8x128xf32, #tpu.memory_space<hbm>> -> memref<1x1x1x8x128xf32, #tpu.memory_space<hbm>>
          %dma_wait3A_775 = tpu.memref_squeeze %dma_wait3A_774 : memref<1x1x1x8x128xf32, #tpu.memory_space<hbm>> -> memref<8x128xf32, #tpu.memory_space<hbm>>
          %dma_wait3A_776 = arith.constant 0 : i32
          %dma_wait3A_777 = arith.constant 0 : i32
          %dma_wait3A_778 = tpu.memref_slice %arg4[%dma_wait3A_767, %dma_wait3A_768, %add3A, %dma_wait3A_776, %dma_wait3A_777] : memref<200x8x32x8x128xf32, #tpu.memory_space<hbm>> -> memref<1x1x1x8x128xf32, #tpu.memory_space<hbm>>
          %dma_wait3A_779 = tpu.memref_squeeze %dma_wait3A_778 : memref<1x1x1x8x128xf32, #tpu.memory_space<hbm>> -> memref<8x128xf32, #tpu.memory_space<hbm>>
          %dma_wait3A_780 = arith.constant 48 : i32
          %dma_wait3A_781 = arith.constant 0 : i32
          %dma_wait3A_782 = tpu.memref_slice %arg11[%dma_wait3A_780, %dma_wait3A_781] : memref<64x128xf32, #tpu.memory_space<vmem>> -> memref<8x128xf32, #tpu.memory_space<vmem>>
          tpu.wait_dma2 semaphore(%arg17 : memref<!tpu.dma_semaphore, #tpu.memory_space<semaphore_mem>>) src(%dma_wait3A_782 : memref<8x128xf32, #tpu.memory_space<vmem>>) dst(%dma_wait3A_779 : memref<8x128xf32, #tpu.memory_space<hbm>>)
          %dma_wait3A_783 = arith.constant 0 : i32
          %dma_wait3A_784 = arith.constant 7 : i32
          %dma_wait3A_785 = arith.constant 56 : i32
          %dma_wait3A_786 = arith.constant 0 : i32
          %dma_wait3A_787 = tpu.memref_slice %arg11[%dma_wait3A_785, %dma_wait3A_786] : memref<64x128xf32, #tpu.memory_space<vmem>> -> memref<8x128xf32, #tpu.memory_space<vmem>>
          %dma_wait3A_788 = arith.constant 0 : i32
          %dma_wait3A_789 = arith.constant 0 : i32
          %dma_wait3A_790 = tpu.memref_slice %arg4[%dma_wait3A_783, %dma_wait3A_784, %add3A, %dma_wait3A_788, %dma_wait3A_789] : memref<200x8x32x8x128xf32, #tpu.memory_space<hbm>> -> memref<1x1x1x8x128xf32, #tpu.memory_space<hbm>>
          %dma_wait3A_791 = tpu.memref_squeeze %dma_wait3A_790 : memref<1x1x1x8x128xf32, #tpu.memory_space<hbm>> -> memref<8x128xf32, #tpu.memory_space<hbm>>
          %dma_wait3A_792 = arith.constant 0 : i32
          %dma_wait3A_793 = arith.constant 0 : i32
          %dma_wait3A_794 = tpu.memref_slice %arg4[%dma_wait3A_783, %dma_wait3A_784, %add3A, %dma_wait3A_792, %dma_wait3A_793] : memref<200x8x32x8x128xf32, #tpu.memory_space<hbm>> -> memref<1x1x1x8x128xf32, #tpu.memory_space<hbm>>
          %dma_wait3A_795 = tpu.memref_squeeze %dma_wait3A_794 : memref<1x1x1x8x128xf32, #tpu.memory_space<hbm>> -> memref<8x128xf32, #tpu.memory_space<hbm>>
          %dma_wait3A_796 = arith.constant 56 : i32
          %dma_wait3A_797 = arith.constant 0 : i32
          %dma_wait3A_798 = tpu.memref_slice %arg11[%dma_wait3A_796, %dma_wait3A_797] : memref<64x128xf32, #tpu.memory_space<vmem>> -> memref<8x128xf32, #tpu.memory_space<vmem>>
          tpu.wait_dma2 semaphore(%arg17 : memref<!tpu.dma_semaphore, #tpu.memory_space<semaphore_mem>>) src(%dma_wait3A_798 : memref<8x128xf32, #tpu.memory_space<vmem>>) dst(%dma_wait3A_795 : memref<8x128xf32, #tpu.memory_space<hbm>>)
        } else {
        }
        %parallel_loop3A = arith.constant 0 : i32
        %parallel_loop3A_542 = arith.constant 32 : i32
        %parallel_loop3A_543 = arith.constant 1 : i32
        scf.for %parallel_loop3A_671 = %parallel_loop3A to %parallel_loop3A_542 step %parallel_loop3A_543  : i32 {
          %parallel_loop3A_672 = arith.constant 8 : i32
          %parallel_loop3A_673 = arith.constant 0 : i32
          %parallel_loop3A_674 = arith.cmpi eq, %parallel_loop3A_672, %parallel_loop3A_673 : i32
          %parallel_loop3A_675 = arith.constant 1 : i32
          %parallel_loop3A_676 = arith.select %parallel_loop3A_674, %parallel_loop3A_675, %parallel_loop3A_672 : i32
          %parallel_loop3A_677 = arith.remsi %parallel_loop3A_671, %parallel_loop3A_676 : i32
          %parallel_loop3A_678 = arith.constant 0 : i32
          %parallel_loop3A_679 = arith.cmpi ne, %parallel_loop3A_677, %parallel_loop3A_678 : i32
          %parallel_loop3A_680 = arith.constant 0 : i32
          %parallel_loop3A_681 = arith.cmpi slt, %parallel_loop3A_677, %parallel_loop3A_680 : i32
          %parallel_loop3A_682 = arith.constant 0 : i32
          %parallel_loop3A_683 = arith.cmpi slt, %parallel_loop3A_676, %parallel_loop3A_682 : i32
          %parallel_loop3A_684 = arith.xori %parallel_loop3A_681, %parallel_loop3A_683 : i1
          %parallel_loop3A_685 = arith.andi %parallel_loop3A_684, %parallel_loop3A_679 : i1
          %parallel_loop3A_686 = arith.addi %parallel_loop3A_677, %parallel_loop3A_676 : i32
          %parallel_loop3A_687 = arith.select %parallel_loop3A_685, %parallel_loop3A_686, %parallel_loop3A_677 : i32
          %parallel_loop3A_688 = arith.constant 16 : i32
          %parallel_loop3A_689 = arith.muli %parallel_loop3A_687, %parallel_loop3A_688 : i32
          %parallel_loop3A_690 = arith.constant 8 : i32
          %parallel_loop3A_691 = arith.divsi %parallel_loop3A_671, %parallel_loop3A_690 : i32
          %parallel_loop3A_692 = arith.constant 0 : i32
          %parallel_loop3A_693 = arith.cmpi sgt, %parallel_loop3A_671, %parallel_loop3A_692 : i32
          %parallel_loop3A_694 = arith.extui %parallel_loop3A_693 : i1 to i32
          %parallel_loop3A_695 = arith.constant 0 : i32
          %parallel_loop3A_696 = arith.cmpi slt, %parallel_loop3A_671, %parallel_loop3A_695 : i32
          %parallel_loop3A_697 = arith.extui %parallel_loop3A_696 : i1 to i32
          %parallel_loop3A_698 = arith.subi %parallel_loop3A_694, %parallel_loop3A_697 : i32
          %parallel_loop3A_699 = arith.constant 0 : i32
          %parallel_loop3A_700 = arith.cmpi sgt, %parallel_loop3A_690, %parallel_loop3A_699 : i32
          %parallel_loop3A_701 = arith.extui %parallel_loop3A_700 : i1 to i32
          %parallel_loop3A_702 = arith.constant 0 : i32
          %parallel_loop3A_703 = arith.cmpi slt, %parallel_loop3A_690, %parallel_loop3A_702 : i32
          %parallel_loop3A_704 = arith.extui %parallel_loop3A_703 : i1 to i32
          %parallel_loop3A_705 = arith.subi %parallel_loop3A_701, %parallel_loop3A_704 : i32
          %parallel_loop3A_706 = arith.cmpi ne, %parallel_loop3A_698, %parallel_loop3A_705 : i32
          %parallel_loop3A_707 = arith.remsi %parallel_loop3A_671, %parallel_loop3A_690 : i32
          %parallel_loop3A_708 = arith.constant 0 : i32
          %parallel_loop3A_709 = arith.cmpi ne, %parallel_loop3A_707, %parallel_loop3A_708 : i32
          %parallel_loop3A_710 = arith.andi %parallel_loop3A_706, %parallel_loop3A_709 : i1
          %parallel_loop3A_711 = arith.constant 1 : i32
          %parallel_loop3A_712 = arith.subi %parallel_loop3A_691, %parallel_loop3A_711 : i32
          %parallel_loop3A_713 = arith.select %parallel_loop3A_710, %parallel_loop3A_712, %parallel_loop3A_691 : i32
          %parallel_loop3A_714 = arith.constant 16 : i32
          %parallel_loop3A_715 = arith.muli %parallel_loop3A_713, %parallel_loop3A_714 : i32
          %parallel_loop3A_716 = vector.broadcast %parallel_loop3A_689 : i32 to vector<16xi32>
          %parallel_loop3A_717 = arith.addi %iota3A, %parallel_loop3A_716 : vector<16xi32>
          %parallel_loop3A_718 = vector.broadcast %parallel_loop3A_715 : i32 to vector<16xi32>
          %parallel_loop3A_719 = arith.addi %iota3A, %parallel_loop3A_718 : vector<16xi32>
          %parallel_loop3A_720 = tpu.vector_load_idx %arg8[%parallel_loop3A_717, %parallel_loop3A_719] : memref<128x64xf32, #tpu.memory_space<vmem>>[vector<16xi32>, vector<16xi32>], vector<16xf32>,
          tpu.vector_store_idx %arg11[%parallel_loop3A_719, %parallel_loop3A_717], %parallel_loop3A_720 : memref<64x128xf32, #tpu.memory_space<vmem>>[vector<16xi32>, vector<16xi32>], vector<16xf32>,
          %parallel_loop3A_721 = vector.broadcast %parallel_loop3A_715 : i32 to vector<16xi32>
          %parallel_loop3A_722 = arith.addi %and3A_7, %parallel_loop3A_721 : vector<16xi32>
          %parallel_loop3A_723 = tpu.vector_load_idx %arg8[%parallel_loop3A_717, %parallel_loop3A_722] : memref<128x64xf32, #tpu.memory_space<vmem>>[vector<16xi32>, vector<16xi32>], vector<16xf32>,
          tpu.vector_store_idx %arg11[%parallel_loop3A_722, %parallel_loop3A_717], %parallel_loop3A_723 : memref<64x128xf32, #tpu.memory_space<vmem>>[vector<16xi32>, vector<16xi32>], vector<16xf32>,
          %parallel_loop3A_724 = vector.broadcast %parallel_loop3A_715 : i32 to vector<16xi32>
          %parallel_loop3A_725 = arith.addi %and3A_13, %parallel_loop3A_724 : vector<16xi32>
          %parallel_loop3A_726 = tpu.vector_load_idx %arg8[%parallel_loop3A_717, %parallel_loop3A_725] : memref<128x64xf32, #tpu.memory_space<vmem>>[vector<16xi32>, vector<16xi32>], vector<16xf32>,
          tpu.vector_store_idx %arg11[%parallel_loop3A_725, %parallel_loop3A_717], %parallel_loop3A_726 : memref<64x128xf32, #tpu.memory_space<vmem>>[vector<16xi32>, vector<16xi32>], vector<16xf32>,
          %parallel_loop3A_727 = vector.broadcast %parallel_loop3A_715 : i32 to vector<16xi32>
          %parallel_loop3A_728 = arith.addi %and3A_19, %parallel_loop3A_727 : vector<16xi32>
          %parallel_loop3A_729 = tpu.vector_load_idx %arg8[%parallel_loop3A_717, %parallel_loop3A_728] : memref<128x64xf32, #tpu.memory_space<vmem>>[vector<16xi32>, vector<16xi32>], vector<16xf32>,
          tpu.vector_store_idx %arg11[%parallel_loop3A_728, %parallel_loop3A_717], %parallel_loop3A_729 : memref<64x128xf32, #tpu.memory_space<vmem>>[vector<16xi32>, vector<16xi32>], vector<16xf32>,
          %parallel_loop3A_730 = vector.broadcast %parallel_loop3A_715 : i32 to vector<16xi32>
          %parallel_loop3A_731 = arith.addi %and3A_25, %parallel_loop3A_730 : vector<16xi32>
          %parallel_loop3A_732 = tpu.vector_load_idx %arg8[%parallel_loop3A_717, %parallel_loop3A_731] : memref<128x64xf32, #tpu.memory_space<vmem>>[vector<16xi32>, vector<16xi32>], vector<16xf32>,
          tpu.vector_store_idx %arg11[%parallel_loop3A_731, %parallel_loop3A_717], %parallel_loop3A_732 : memref<64x128xf32, #tpu.memory_space<vmem>>[vector<16xi32>, vector<16xi32>], vector<16xf32>,
          %parallel_loop3A_733 = vector.broadcast %parallel_loop3A_715 : i32 to vector<16xi32>
          %parallel_loop3A_734 = arith.addi %and3A_31, %parallel_loop3A_733 : vector<16xi32>
          %parallel_loop3A_735 = tpu.vector_load_idx %arg8[%parallel_loop3A_717, %parallel_loop3A_734] : memref<128x64xf32, #tpu.memory_space<vmem>>[vector<16xi32>, vector<16xi32>], vector<16xf32>,
          tpu.vector_store_idx %arg11[%parallel_loop3A_734, %parallel_loop3A_717], %parallel_loop3A_735 : memref<64x128xf32, #tpu.memory_space<vmem>>[vector<16xi32>, vector<16xi32>], vector<16xf32>,
          %parallel_loop3A_736 = vector.broadcast %parallel_loop3A_715 : i32 to vector<16xi32>
          %parallel_loop3A_737 = arith.addi %and3A_37, %parallel_loop3A_736 : vector<16xi32>
          %parallel_loop3A_738 = tpu.vector_load_idx %arg8[%parallel_loop3A_717, %parallel_loop3A_737] : memref<128x64xf32, #tpu.memory_space<vmem>>[vector<16xi32>, vector<16xi32>], vector<16xf32>,
          tpu.vector_store_idx %arg11[%parallel_loop3A_737, %parallel_loop3A_717], %parallel_loop3A_738 : memref<64x128xf32, #tpu.memory_space<vmem>>[vector<16xi32>, vector<16xi32>], vector<16xf32>,
          %parallel_loop3A_739 = vector.broadcast %parallel_loop3A_715 : i32 to vector<16xi32>
          %parallel_loop3A_740 = arith.addi %and3A_43, %parallel_loop3A_739 : vector<16xi32>
          %parallel_loop3A_741 = tpu.vector_load_idx %arg8[%parallel_loop3A_717, %parallel_loop3A_740] : memref<128x64xf32, #tpu.memory_space<vmem>>[vector<16xi32>, vector<16xi32>], vector<16xf32>,
          tpu.vector_store_idx %arg11[%parallel_loop3A_740, %parallel_loop3A_717], %parallel_loop3A_741 : memref<64x128xf32, #tpu.memory_space<vmem>>[vector<16xi32>, vector<16xi32>], vector<16xf32>,
          %parallel_loop3A_742 = vector.broadcast %parallel_loop3A_715 : i32 to vector<16xi32>
          %parallel_loop3A_743 = arith.addi %and3A_49, %parallel_loop3A_742 : vector<16xi32>
          %parallel_loop3A_744 = tpu.vector_load_idx %arg8[%parallel_loop3A_717, %parallel_loop3A_743] : memref<128x64xf32, #tpu.memory_space<vmem>>[vector<16xi32>, vector<16xi32>], vector<16xf32>,
          tpu.vector_store_idx %arg11[%parallel_loop3A_743, %parallel_loop3A_717], %parallel_loop3A_744 : memref<64x128xf32, #tpu.memory_space<vmem>>[vector<16xi32>, vector<16xi32>], vector<16xf32>,
          %parallel_loop3A_745 = vector.broadcast %parallel_loop3A_715 : i32 to vector<16xi32>
          %parallel_loop3A_746 = arith.addi %and3A_55, %parallel_loop3A_745 : vector<16xi32>
          %parallel_loop3A_747 = tpu.vector_load_idx %arg8[%parallel_loop3A_717, %parallel_loop3A_746] : memref<128x64xf32, #tpu.memory_space<vmem>>[vector<16xi32>, vector<16xi32>], vector<16xf32>,
          tpu.vector_store_idx %arg11[%parallel_loop3A_746, %parallel_loop3A_717], %parallel_loop3A_747 : memref<64x128xf32, #tpu.memory_space<vmem>>[vector<16xi32>, vector<16xi32>], vector<16xf32>,
          %parallel_loop3A_748 = vector.broadcast %parallel_loop3A_715 : i32 to vector<16xi32>
          %parallel_loop3A_749 = arith.addi %and3A_61, %parallel_loop3A_748 : vector<16xi32>
          %parallel_loop3A_750 = tpu.vector_load_idx %arg8[%parallel_loop3A_717, %parallel_loop3A_749] : memref<128x64xf32, #tpu.memory_space<vmem>>[vector<16xi32>, vector<16xi32>], vector<16xf32>,
          tpu.vector_store_idx %arg11[%parallel_loop3A_749, %parallel_loop3A_717], %parallel_loop3A_750 : memref<64x128xf32, #tpu.memory_space<vmem>>[vector<16xi32>, vector<16xi32>], vector<16xf32>,
          %parallel_loop3A_751 = vector.broadcast %parallel_loop3A_715 : i32 to vector<16xi32>
          %parallel_loop3A_752 = arith.addi %and3A_67, %parallel_loop3A_751 : vector<16xi32>
          %parallel_loop3A_753 = tpu.vector_load_idx %arg8[%parallel_loop3A_717, %parallel_loop3A_752] : memref<128x64xf32, #tpu.memory_space<vmem>>[vector<16xi32>, vector<16xi32>], vector<16xf32>,
          tpu.vector_store_idx %arg11[%parallel_loop3A_752, %parallel_loop3A_717], %parallel_loop3A_753 : memref<64x128xf32, #tpu.memory_space<vmem>>[vector<16xi32>, vector<16xi32>], vector<16xf32>,
          %parallel_loop3A_754 = vector.broadcast %parallel_loop3A_715 : i32 to vector<16xi32>
          %parallel_loop3A_755 = arith.addi %and3A_73, %parallel_loop3A_754 : vector<16xi32>
          %parallel_loop3A_756 = tpu.vector_load_idx %arg8[%parallel_loop3A_717, %parallel_loop3A_755] : memref<128x64xf32, #tpu.memory_space<vmem>>[vector<16xi32>, vector<16xi32>], vector<16xf32>,
          tpu.vector_store_idx %arg11[%parallel_loop3A_755, %parallel_loop3A_717], %parallel_loop3A_756 : memref<64x128xf32, #tpu.memory_space<vmem>>[vector<16xi32>, vector<16xi32>], vector<16xf32>,
          %parallel_loop3A_757 = vector.broadcast %parallel_loop3A_715 : i32 to vector<16xi32>
          %parallel_loop3A_758 = arith.addi %and3A_79, %parallel_loop3A_757 : vector<16xi32>
          %parallel_loop3A_759 = tpu.vector_load_idx %arg8[%parallel_loop3A_717, %parallel_loop3A_758] : memref<128x64xf32, #tpu.memory_space<vmem>>[vector<16xi32>, vector<16xi32>], vector<16xf32>,
          tpu.vector_store_idx %arg11[%parallel_loop3A_758, %parallel_loop3A_717], %parallel_loop3A_759 : memref<64x128xf32, #tpu.memory_space<vmem>>[vector<16xi32>, vector<16xi32>], vector<16xf32>,
          %parallel_loop3A_760 = vector.broadcast %parallel_loop3A_715 : i32 to vector<16xi32>
          %parallel_loop3A_761 = arith.addi %and3A_85, %parallel_loop3A_760 : vector<16xi32>
          %parallel_loop3A_762 = tpu.vector_load_idx %arg8[%parallel_loop3A_717, %parallel_loop3A_761] : memref<128x64xf32, #tpu.memory_space<vmem>>[vector<16xi32>, vector<16xi32>], vector<16xf32>,
          tpu.vector_store_idx %arg11[%parallel_loop3A_761, %parallel_loop3A_717], %parallel_loop3A_762 : memref<64x128xf32, #tpu.memory_space<vmem>>[vector<16xi32>, vector<16xi32>], vector<16xf32>,
          %parallel_loop3A_763 = vector.broadcast %parallel_loop3A_715 : i32 to vector<16xi32>
          %parallel_loop3A_764 = arith.addi %and3A_91, %parallel_loop3A_763 : vector<16xi32>
          %parallel_loop3A_765 = tpu.vector_load_idx %arg8[%parallel_loop3A_717, %parallel_loop3A_764] : memref<128x64xf32, #tpu.memory_space<vmem>>[vector<16xi32>, vector<16xi32>], vector<16xf32>,
          tpu.vector_store_idx %arg11[%parallel_loop3A_764, %parallel_loop3A_717], %parallel_loop3A_765 : memref<64x128xf32, #tpu.memory_space<vmem>>[vector<16xi32>, vector<16xi32>], vector<16xf32>,
        } {sc.loop_unroll_factor = 4 : i64, sc.parallel_access}
        %dma_start3A_544 = arith.constant 0 : i32
        %dma_start3A_545 = arith.constant 0 : i32
        %dma_start3A_546 = arith.constant 0 : i32
        %dma_start3A_547 = tpu.memref_slice %arg11[%dma_start3A_545, %dma_start3A_546] : memref<64x128xf32, #tpu.memory_space<vmem>> -> memref<8x128xf32, #tpu.memory_space<vmem>>
        %dma_start3A_548 = arith.constant 0 : i32
        %dma_start3A_549 = arith.constant 0 : i32
        %dma_start3A_550 = tpu.memref_slice %arg4[%add3A_525, %dma_start3A_544, %add3A, %dma_start3A_548, %dma_start3A_549] : memref<200x8x32x8x128xf32, #tpu.memory_space<hbm>> -> memref<1x1x1x8x128xf32, #tpu.memory_space<hbm>>
        %dma_start3A_551 = tpu.memref_squeeze %dma_start3A_550 : memref<1x1x1x8x128xf32, #tpu.memory_space<hbm>> -> memref<8x128xf32, #tpu.memory_space<hbm>>
        %dma_start3A_552 = arith.constant 0 : i32
        %dma_start3A_553 = arith.constant 0 : i32
        %dma_start3A_554 = tpu.memref_slice %arg4[%add3A_525, %dma_start3A_544, %add3A, %dma_start3A_552, %dma_start3A_553] : memref<200x8x32x8x128xf32, #tpu.memory_space<hbm>> -> memref<1x1x1x8x128xf32, #tpu.memory_space<hbm>>
        %dma_start3A_555 = tpu.memref_squeeze %dma_start3A_554 : memref<1x1x1x8x128xf32, #tpu.memory_space<hbm>> -> memref<8x128xf32, #tpu.memory_space<hbm>>
        %dma_start3A_556 = arith.constant 0 : i32
        %dma_start3A_557 = arith.constant 0 : i32
        %dma_start3A_558 = tpu.memref_slice %arg11[%dma_start3A_556, %dma_start3A_557] : memref<64x128xf32, #tpu.memory_space<vmem>> -> memref<8x128xf32, #tpu.memory_space<vmem>>
        tpu.enqueue_dma source(%dma_start3A_558 : memref<8x128xf32, #tpu.memory_space<vmem>>) target(%dma_start3A_555 : memref<8x128xf32, #tpu.memory_space<hbm>>) target_semaphore(%arg17 : memref<!tpu.dma_semaphore, #tpu.memory_space<semaphore_mem>>)
        %dma_start3A_559 = arith.constant 1 : i32
        %dma_start3A_560 = arith.constant 8 : i32
        %dma_start3A_561 = arith.constant 0 : i32
        %dma_start3A_562 = tpu.memref_slice %arg11[%dma_start3A_560, %dma_start3A_561] : memref<64x128xf32, #tpu.memory_space<vmem>> -> memref<8x128xf32, #tpu.memory_space<vmem>>
        %dma_start3A_563 = arith.constant 0 : i32
        %dma_start3A_564 = arith.constant 0 : i32
        %dma_start3A_565 = tpu.memref_slice %arg4[%add3A_525, %dma_start3A_559, %add3A, %dma_start3A_563, %dma_start3A_564] : memref<200x8x32x8x128xf32, #tpu.memory_space<hbm>> -> memref<1x1x1x8x128xf32, #tpu.memory_space<hbm>>
        %dma_start3A_566 = tpu.memref_squeeze %dma_start3A_565 : memref<1x1x1x8x128xf32, #tpu.memory_space<hbm>> -> memref<8x128xf32, #tpu.memory_space<hbm>>
        %dma_start3A_567 = arith.constant 0 : i32
        %dma_start3A_568 = arith.constant 0 : i32
        %dma_start3A_569 = tpu.memref_slice %arg4[%add3A_525, %dma_start3A_559, %add3A, %dma_start3A_567, %dma_start3A_568] : memref<200x8x32x8x128xf32, #tpu.memory_space<hbm>> -> memref<1x1x1x8x128xf32, #tpu.memory_space<hbm>>
        %dma_start3A_570 = tpu.memref_squeeze %dma_start3A_569 : memref<1x1x1x8x128xf32, #tpu.memory_space<hbm>> -> memref<8x128xf32, #tpu.memory_space<hbm>>
        %dma_start3A_571 = arith.constant 8 : i32
        %dma_start3A_572 = arith.constant 0 : i32
        %dma_start3A_573 = tpu.memref_slice %arg11[%dma_start3A_571, %dma_start3A_572] : memref<64x128xf32, #tpu.memory_space<vmem>> -> memref<8x128xf32, #tpu.memory_space<vmem>>
        tpu.enqueue_dma source(%dma_start3A_573 : memref<8x128xf32, #tpu.memory_space<vmem>>) target(%dma_start3A_570 : memref<8x128xf32, #tpu.memory_space<hbm>>) target_semaphore(%arg17 : memref<!tpu.dma_semaphore, #tpu.memory_space<semaphore_mem>>)
        %dma_start3A_574 = arith.constant 2 : i32
        %dma_start3A_575 = arith.constant 16 : i32
        %dma_start3A_576 = arith.constant 0 : i32
        %dma_start3A_577 = tpu.memref_slice %arg11[%dma_start3A_575, %dma_start3A_576] : memref<64x128xf32, #tpu.memory_space<vmem>> -> memref<8x128xf32, #tpu.memory_space<vmem>>
        %dma_start3A_578 = arith.constant 0 : i32
        %dma_start3A_579 = arith.constant 0 : i32
        %dma_start3A_580 = tpu.memref_slice %arg4[%add3A_525, %dma_start3A_574, %add3A, %dma_start3A_578, %dma_start3A_579] : memref<200x8x32x8x128xf32, #tpu.memory_space<hbm>> -> memref<1x1x1x8x128xf32, #tpu.memory_space<hbm>>
        %dma_start3A_581 = tpu.memref_squeeze %dma_start3A_580 : memref<1x1x1x8x128xf32, #tpu.memory_space<hbm>> -> memref<8x128xf32, #tpu.memory_space<hbm>>
        %dma_start3A_582 = arith.constant 0 : i32
        %dma_start3A_583 = arith.constant 0 : i32
        %dma_start3A_584 = tpu.memref_slice %arg4[%add3A_525, %dma_start3A_574, %add3A, %dma_start3A_582, %dma_start3A_583] : memref<200x8x32x8x128xf32, #tpu.memory_space<hbm>> -> memref<1x1x1x8x128xf32, #tpu.memory_space<hbm>>
        %dma_start3A_585 = tpu.memref_squeeze %dma_start3A_584 : memref<1x1x1x8x128xf32, #tpu.memory_space<hbm>> -> memref<8x128xf32, #tpu.memory_space<hbm>>
        %dma_start3A_586 = arith.constant 16 : i32
        %dma_start3A_587 = arith.constant 0 : i32
        %dma_start3A_588 = tpu.memref_slice %arg11[%dma_start3A_586, %dma_start3A_587] : memref<64x128xf32, #tpu.memory_space<vmem>> -> memref<8x128xf32, #tpu.memory_space<vmem>>
        tpu.enqueue_dma source(%dma_start3A_588 : memref<8x128xf32, #tpu.memory_space<vmem>>) target(%dma_start3A_585 : memref<8x128xf32, #tpu.memory_space<hbm>>) target_semaphore(%arg17 : memref<!tpu.dma_semaphore, #tpu.memory_space<semaphore_mem>>)
        %dma_start3A_589 = arith.constant 3 : i32
        %dma_start3A_590 = arith.constant 24 : i32
        %dma_start3A_591 = arith.constant 0 : i32
        %dma_start3A_592 = tpu.memref_slice %arg11[%dma_start3A_590, %dma_start3A_591] : memref<64x128xf32, #tpu.memory_space<vmem>> -> memref<8x128xf32, #tpu.memory_space<vmem>>
        %dma_start3A_593 = arith.constant 0 : i32
        %dma_start3A_594 = arith.constant 0 : i32
        %dma_start3A_595 = tpu.memref_slice %arg4[%add3A_525, %dma_start3A_589, %add3A, %dma_start3A_593, %dma_start3A_594] : memref<200x8x32x8x128xf32, #tpu.memory_space<hbm>> -> memref<1x1x1x8x128xf32, #tpu.memory_space<hbm>>
        %dma_start3A_596 = tpu.memref_squeeze %dma_start3A_595 : memref<1x1x1x8x128xf32, #tpu.memory_space<hbm>> -> memref<8x128xf32, #tpu.memory_space<hbm>>
        %dma_start3A_597 = arith.constant 0 : i32
        %dma_start3A_598 = arith.constant 0 : i32
        %dma_start3A_599 = tpu.memref_slice %arg4[%add3A_525, %dma_start3A_589, %add3A, %dma_start3A_597, %dma_start3A_598] : memref<200x8x32x8x128xf32, #tpu.memory_space<hbm>> -> memref<1x1x1x8x128xf32, #tpu.memory_space<hbm>>
        %dma_start3A_600 = tpu.memref_squeeze %dma_start3A_599 : memref<1x1x1x8x128xf32, #tpu.memory_space<hbm>> -> memref<8x128xf32, #tpu.memory_space<hbm>>
        %dma_start3A_601 = arith.constant 24 : i32
        %dma_start3A_602 = arith.constant 0 : i32
        %dma_start3A_603 = tpu.memref_slice %arg11[%dma_start3A_601, %dma_start3A_602] : memref<64x128xf32, #tpu.memory_space<vmem>> -> memref<8x128xf32, #tpu.memory_space<vmem>>
        tpu.enqueue_dma source(%dma_start3A_603 : memref<8x128xf32, #tpu.memory_space<vmem>>) target(%dma_start3A_600 : memref<8x128xf32, #tpu.memory_space<hbm>>) target_semaphore(%arg17 : memref<!tpu.dma_semaphore, #tpu.memory_space<semaphore_mem>>)
        %dma_start3A_604 = arith.constant 4 : i32
        %dma_start3A_605 = arith.constant 32 : i32
        %dma_start3A_606 = arith.constant 0 : i32
        %dma_start3A_607 = tpu.memref_slice %arg11[%dma_start3A_605, %dma_start3A_606] : memref<64x128xf32, #tpu.memory_space<vmem>> -> memref<8x128xf32, #tpu.memory_space<vmem>>
        %dma_start3A_608 = arith.constant 0 : i32
        %dma_start3A_609 = arith.constant 0 : i32
        %dma_start3A_610 = tpu.memref_slice %arg4[%add3A_525, %dma_start3A_604, %add3A, %dma_start3A_608, %dma_start3A_609] : memref<200x8x32x8x128xf32, #tpu.memory_space<hbm>> -> memref<1x1x1x8x128xf32, #tpu.memory_space<hbm>>
        %dma_start3A_611 = tpu.memref_squeeze %dma_start3A_610 : memref<1x1x1x8x128xf32, #tpu.memory_space<hbm>> -> memref<8x128xf32, #tpu.memory_space<hbm>>
        %dma_start3A_612 = arith.constant 0 : i32
        %dma_start3A_613 = arith.constant 0 : i32
        %dma_start3A_614 = tpu.memref_slice %arg4[%add3A_525, %dma_start3A_604, %add3A, %dma_start3A_612, %dma_start3A_613] : memref<200x8x32x8x128xf32, #tpu.memory_space<hbm>> -> memref<1x1x1x8x128xf32, #tpu.memory_space<hbm>>
        %dma_start3A_615 = tpu.memref_squeeze %dma_start3A_614 : memref<1x1x1x8x128xf32, #tpu.memory_space<hbm>> -> memref<8x128xf32, #tpu.memory_space<hbm>>
        %dma_start3A_616 = arith.constant 32 : i32
        %dma_start3A_617 = arith.constant 0 : i32
        %dma_start3A_618 = tpu.memref_slice %arg11[%dma_start3A_616, %dma_start3A_617] : memref<64x128xf32, #tpu.memory_space<vmem>> -> memref<8x128xf32, #tpu.memory_space<vmem>>
        tpu.enqueue_dma source(%dma_start3A_618 : memref<8x128xf32, #tpu.memory_space<vmem>>) target(%dma_start3A_615 : memref<8x128xf32, #tpu.memory_space<hbm>>) target_semaphore(%arg17 : memref<!tpu.dma_semaphore, #tpu.memory_space<semaphore_mem>>)
        %dma_start3A_619 = arith.constant 5 : i32
        %dma_start3A_620 = arith.constant 40 : i32
        %dma_start3A_621 = arith.constant 0 : i32
        %dma_start3A_622 = tpu.memref_slice %arg11[%dma_start3A_620, %dma_start3A_621] : memref<64x128xf32, #tpu.memory_space<vmem>> -> memref<8x128xf32, #tpu.memory_space<vmem>>
        %dma_start3A_623 = arith.constant 0 : i32
        %dma_start3A_624 = arith.constant 0 : i32
        %dma_start3A_625 = tpu.memref_slice %arg4[%add3A_525, %dma_start3A_619, %add3A, %dma_start3A_623, %dma_start3A_624] : memref<200x8x32x8x128xf32, #tpu.memory_space<hbm>> -> memref<1x1x1x8x128xf32, #tpu.memory_space<hbm>>
        %dma_start3A_626 = tpu.memref_squeeze %dma_start3A_625 : memref<1x1x1x8x128xf32, #tpu.memory_space<hbm>> -> memref<8x128xf32, #tpu.memory_space<hbm>>
        %dma_start3A_627 = arith.constant 0 : i32
        %dma_start3A_628 = arith.constant 0 : i32
        %dma_start3A_629 = tpu.memref_slice %arg4[%add3A_525, %dma_start3A_619, %add3A, %dma_start3A_627, %dma_start3A_628] : memref<200x8x32x8x128xf32, #tpu.memory_space<hbm>> -> memref<1x1x1x8x128xf32, #tpu.memory_space<hbm>>
        %dma_start3A_630 = tpu.memref_squeeze %dma_start3A_629 : memref<1x1x1x8x128xf32, #tpu.memory_space<hbm>> -> memref<8x128xf32, #tpu.memory_space<hbm>>
        %dma_start3A_631 = arith.constant 40 : i32
        %dma_start3A_632 = arith.constant 0 : i32
        %dma_start3A_633 = tpu.memref_slice %arg11[%dma_start3A_631, %dma_start3A_632] : memref<64x128xf32, #tpu.memory_space<vmem>> -> memref<8x128xf32, #tpu.memory_space<vmem>>
        tpu.enqueue_dma source(%dma_start3A_633 : memref<8x128xf32, #tpu.memory_space<vmem>>) target(%dma_start3A_630 : memref<8x128xf32, #tpu.memory_space<hbm>>) target_semaphore(%arg17 : memref<!tpu.dma_semaphore, #tpu.memory_space<semaphore_mem>>)
        %dma_start3A_634 = arith.constant 6 : i32
        %dma_start3A_635 = arith.constant 48 : i32
        %dma_start3A_636 = arith.constant 0 : i32
        %dma_start3A_637 = tpu.memref_slice %arg11[%dma_start3A_635, %dma_start3A_636] : memref<64x128xf32, #tpu.memory_space<vmem>> -> memref<8x128xf32, #tpu.memory_space<vmem>>
        %dma_start3A_638 = arith.constant 0 : i32
        %dma_start3A_639 = arith.constant 0 : i32
        %dma_start3A_640 = tpu.memref_slice %arg4[%add3A_525, %dma_start3A_634, %add3A, %dma_start3A_638, %dma_start3A_639] : memref<200x8x32x8x128xf32, #tpu.memory_space<hbm>> -> memref<1x1x1x8x128xf32, #tpu.memory_space<hbm>>
        %dma_start3A_641 = tpu.memref_squeeze %dma_start3A_640 : memref<1x1x1x8x128xf32, #tpu.memory_space<hbm>> -> memref<8x128xf32, #tpu.memory_space<hbm>>
        %dma_start3A_642 = arith.constant 0 : i32
        %dma_start3A_643 = arith.constant 0 : i32
        %dma_start3A_644 = tpu.memref_slice %arg4[%add3A_525, %dma_start3A_634, %add3A, %dma_start3A_642, %dma_start3A_643] : memref<200x8x32x8x128xf32, #tpu.memory_space<hbm>> -> memref<1x1x1x8x128xf32, #tpu.memory_space<hbm>>
        %dma_start3A_645 = tpu.memref_squeeze %dma_start3A_644 : memref<1x1x1x8x128xf32, #tpu.memory_space<hbm>> -> memref<8x128xf32, #tpu.memory_space<hbm>>
        %dma_start3A_646 = arith.constant 48 : i32
        %dma_start3A_647 = arith.constant 0 : i32
        %dma_start3A_648 = tpu.memref_slice %arg11[%dma_start3A_646, %dma_start3A_647] : memref<64x128xf32, #tpu.memory_space<vmem>> -> memref<8x128xf32, #tpu.memory_space<vmem>>
        tpu.enqueue_dma source(%dma_start3A_648 : memref<8x128xf32, #tpu.memory_space<vmem>>) target(%dma_start3A_645 : memref<8x128xf32, #tpu.memory_space<hbm>>) target_semaphore(%arg17 : memref<!tpu.dma_semaphore, #tpu.memory_space<semaphore_mem>>)
        %dma_start3A_649 = arith.constant 7 : i32
        %dma_start3A_650 = arith.constant 56 : i32
        %dma_start3A_651 = arith.constant 0 : i32
        %dma_start3A_652 = tpu.memref_slice %arg11[%dma_start3A_650, %dma_start3A_651] : memref<64x128xf32, #tpu.memory_space<vmem>> -> memref<8x128xf32, #tpu.memory_space<vmem>>
        %dma_start3A_653 = arith.constant 0 : i32
        %dma_start3A_654 = arith.constant 0 : i32
        %dma_start3A_655 = tpu.memref_slice %arg4[%add3A_525, %dma_start3A_649, %add3A, %dma_start3A_653, %dma_start3A_654] : memref<200x8x32x8x128xf32, #tpu.memory_space<hbm>> -> memref<1x1x1x8x128xf32, #tpu.memory_space<hbm>>
        %dma_start3A_656 = tpu.memref_squeeze %dma_start3A_655 : memref<1x1x1x8x128xf32, #tpu.memory_space<hbm>> -> memref<8x128xf32, #tpu.memory_space<hbm>>
        %dma_start3A_657 = arith.constant 0 : i32
        %dma_start3A_658 = arith.constant 0 : i32
        %dma_start3A_659 = tpu.memref_slice %arg4[%add3A_525, %dma_start3A_649, %add3A, %dma_start3A_657, %dma_start3A_658] : memref<200x8x32x8x128xf32, #tpu.memory_space<hbm>> -> memref<1x1x1x8x128xf32, #tpu.memory_space<hbm>>
        %dma_start3A_660 = tpu.memref_squeeze %dma_start3A_659 : memref<1x1x1x8x128xf32, #tpu.memory_space<hbm>> -> memref<8x128xf32, #tpu.memory_space<hbm>>
        %dma_start3A_661 = arith.constant 56 : i32
        %dma_start3A_662 = arith.constant 0 : i32
        %dma_start3A_663 = tpu.memref_slice %arg11[%dma_start3A_661, %dma_start3A_662] : memref<64x128xf32, #tpu.memory_space<vmem>> -> memref<8x128xf32, #tpu.memory_space<vmem>>
        tpu.enqueue_dma source(%dma_start3A_663 : memref<8x128xf32, #tpu.memory_space<vmem>>) target(%dma_start3A_660 : memref<8x128xf32, #tpu.memory_space<hbm>>) target_semaphore(%arg17 : memref<!tpu.dma_semaphore, #tpu.memory_space<semaphore_mem>>)
        %add3A_664 = arith.constant 3 : i32
        %add3A_665 = arith.addi %add3A_525, %add3A_664 : i32
        %lt3A_666 = arith.constant 200 : i32
        %lt3A_667 = arith.cmpi slt, %add3A_665, %lt3A_666 : i32
        %convert_element_type3A_668 = arith.extui %lt3A_667 : i1 to i32
        %cond3A_669 = arith.constant 0 : i32
        %cond3A_670 = arith.cmpi ne, %convert_element_type3A_668, %cond3A_669 : i32
        scf.if %cond3A_670 {
          %add3A_671 = arith.constant 3 : i32
          %add3A_672 = arith.addi %add3A_525, %add3A_671 : i32
          %dma_start3A_673 = arith.constant 0 : i32
          %dma_start3A_674 = tpu.memref_slice %arg5[%add3A_672, %dma_start3A_673] : memref<200x128xi32, #tpu.memory_space<vmem>> -> memref<1x128xi32, #tpu.memory_space<vmem>>
          %dma_start3A_675 = tpu.memref_squeeze %dma_start3A_674 : memref<1x128xi32, #tpu.memory_space<vmem>> -> memref<128xi32, #tpu.memory_space<vmem>>
          %dma_start3A_676 = arith.constant 0 : i32
          %dma_start3A_677 = arith.constant 0 : i32
          %dma_start3A_678 = tpu.memref_slice %arg3[%dma_start3A_676, %dma_start3A_677] : memref<2000000x64xf32, #tpu.memory_space<hbm>> -> memref<2000000x64xf32, #tpu.memory_space<hbm>>
          tpu.enqueue_indirect_dma source(%dma_start3A_678 : memref<2000000x64xf32, #tpu.memory_space<hbm>>) target(%arg8 : memref<128x64xf32, #tpu.memory_space<vmem>>) offsets(%dma_start3A_675 : memref<128xi32, #tpu.memory_space<vmem>>) semaphore(%arg14 : memref<!tpu.dma_semaphore, #tpu.memory_space<semaphore_mem>>)
        } else {
        }
      } else {
      }
    }
    %scan3A_122 = arith.constant 67 : i32
    %dma_wait3A = arith.constant 0 : i32
    %dma_wait3A_123 = arith.constant 0 : i32
    %dma_wait3A_124 = arith.constant 0 : i32
    %dma_wait3A_125 = arith.constant 0 : i32
    %dma_wait3A_126 = tpu.memref_slice %arg9[%dma_wait3A_124, %dma_wait3A_125] : memref<64x128xf32, #tpu.memory_space<vmem>> -> memref<8x128xf32, #tpu.memory_space<vmem>>
    %dma_wait3A_127 = arith.constant 0 : i32
    %dma_wait3A_128 = arith.constant 0 : i32
    %dma_wait3A_129 = tpu.memref_slice %arg4[%dma_wait3A, %dma_wait3A_123, %add3A, %dma_wait3A_127, %dma_wait3A_128] : memref<200x8x32x8x128xf32, #tpu.memory_space<hbm>> -> memref<1x1x1x8x128xf32, #tpu.memory_space<hbm>>
    %dma_wait3A_130 = tpu.memref_squeeze %dma_wait3A_129 : memref<1x1x1x8x128xf32, #tpu.memory_space<hbm>> -> memref<8x128xf32, #tpu.memory_space<hbm>>
    %dma_wait3A_131 = arith.constant 0 : i32
    %dma_wait3A_132 = arith.constant 0 : i32
    %dma_wait3A_133 = tpu.memref_slice %arg4[%dma_wait3A, %dma_wait3A_123, %add3A, %dma_wait3A_131, %dma_wait3A_132] : memref<200x8x32x8x128xf32, #tpu.memory_space<hbm>> -> memref<1x1x1x8x128xf32, #tpu.memory_space<hbm>>
    %dma_wait3A_134 = tpu.memref_squeeze %dma_wait3A_133 : memref<1x1x1x8x128xf32, #tpu.memory_space<hbm>> -> memref<8x128xf32, #tpu.memory_space<hbm>>
    %dma_wait3A_135 = arith.constant 0 : i32
    %dma_wait3A_136 = arith.constant 0 : i32
    %dma_wait3A_137 = tpu.memref_slice %arg9[%dma_wait3A_135, %dma_wait3A_136] : memref<64x128xf32, #tpu.memory_space<vmem>> -> memref<8x128xf32, #tpu.memory_space<vmem>>
    tpu.wait_dma2 semaphore(%arg15 : memref<!tpu.dma_semaphore, #tpu.memory_space<semaphore_mem>>) src(%dma_wait3A_137 : memref<8x128xf32, #tpu.memory_space<vmem>>) dst(%dma_wait3A_134 : memref<8x128xf32, #tpu.memory_space<hbm>>)
    %dma_wait3A_138 = arith.constant 0 : i32
    %dma_wait3A_139 = arith.constant 1 : i32
    %dma_wait3A_140 = arith.constant 8 : i32
    %dma_wait3A_141 = arith.constant 0 : i32
    %dma_wait3A_142 = tpu.memref_slice %arg9[%dma_wait3A_140, %dma_wait3A_141] : memref<64x128xf32, #tpu.memory_space<vmem>> -> memref<8x128xf32, #tpu.memory_space<vmem>>
    %dma_wait3A_143 = arith.constant 0 : i32
    %dma_wait3A_144 = arith.constant 0 : i32
    %dma_wait3A_145 = tpu.memref_slice %arg4[%dma_wait3A_138, %dma_wait3A_139, %add3A, %dma_wait3A_143, %dma_wait3A_144] : memref<200x8x32x8x128xf32, #tpu.memory_space<hbm>> -> memref<1x1x1x8x128xf32, #tpu.memory_space<hbm>>
    %dma_wait3A_146 = tpu.memref_squeeze %dma_wait3A_145 : memref<1x1x1x8x128xf32, #tpu.memory_space<hbm>> -> memref<8x128xf32, #tpu.memory_space<hbm>>
    %dma_wait3A_147 = arith.constant 0 : i32
    %dma_wait3A_148 = arith.constant 0 : i32
    %dma_wait3A_149 = tpu.memref_slice %arg4[%dma_wait3A_138, %dma_wait3A_139, %add3A, %dma_wait3A_147, %dma_wait3A_148] : memref<200x8x32x8x128xf32, #tpu.memory_space<hbm>> -> memref<1x1x1x8x128xf32, #tpu.memory_space<hbm>>
    %dma_wait3A_150 = tpu.memref_squeeze %dma_wait3A_149 : memref<1x1x1x8x128xf32, #tpu.memory_space<hbm>> -> memref<8x128xf32, #tpu.memory_space<hbm>>
    %dma_wait3A_151 = arith.constant 8 : i32
    %dma_wait3A_152 = arith.constant 0 : i32
    %dma_wait3A_153 = tpu.memref_slice %arg9[%dma_wait3A_151, %dma_wait3A_152] : memref<64x128xf32, #tpu.memory_space<vmem>> -> memref<8x128xf32, #tpu.memory_space<vmem>>
    tpu.wait_dma2 semaphore(%arg15 : memref<!tpu.dma_semaphore, #tpu.memory_space<semaphore_mem>>) src(%dma_wait3A_153 : memref<8x128xf32, #tpu.memory_space<vmem>>) dst(%dma_wait3A_150 : memref<8x128xf32, #tpu.memory_space<hbm>>)
    %dma_wait3A_154 = arith.constant 0 : i32
    %dma_wait3A_155 = arith.constant 2 : i32
    %dma_wait3A_156 = arith.constant 16 : i32
    %dma_wait3A_157 = arith.constant 0 : i32
    %dma_wait3A_158 = tpu.memref_slice %arg9[%dma_wait3A_156, %dma_wait3A_157] : memref<64x128xf32, #tpu.memory_space<vmem>> -> memref<8x128xf32, #tpu.memory_space<vmem>>
    %dma_wait3A_159 = arith.constant 0 : i32
    %dma_wait3A_160 = arith.constant 0 : i32
    %dma_wait3A_161 = tpu.memref_slice %arg4[%dma_wait3A_154, %dma_wait3A_155, %add3A, %dma_wait3A_159, %dma_wait3A_160] : memref<200x8x32x8x128xf32, #tpu.memory_space<hbm>> -> memref<1x1x1x8x128xf32, #tpu.memory_space<hbm>>
    %dma_wait3A_162 = tpu.memref_squeeze %dma_wait3A_161 : memref<1x1x1x8x128xf32, #tpu.memory_space<hbm>> -> memref<8x128xf32, #tpu.memory_space<hbm>>
    %dma_wait3A_163 = arith.constant 0 : i32
    %dma_wait3A_164 = arith.constant 0 : i32
    %dma_wait3A_165 = tpu.memref_slice %arg4[%dma_wait3A_154, %dma_wait3A_155, %add3A, %dma_wait3A_163, %dma_wait3A_164] : memref<200x8x32x8x128xf32, #tpu.memory_space<hbm>> -> memref<1x1x1x8x128xf32, #tpu.memory_space<hbm>>
    %dma_wait3A_166 = tpu.memref_squeeze %dma_wait3A_165 : memref<1x1x1x8x128xf32, #tpu.memory_space<hbm>> -> memref<8x128xf32, #tpu.memory_space<hbm>>
    %dma_wait3A_167 = arith.constant 16 : i32
    %dma_wait3A_168 = arith.constant 0 : i32
    %dma_wait3A_169 = tpu.memref_slice %arg9[%dma_wait3A_167, %dma_wait3A_168] : memref<64x128xf32, #tpu.memory_space<vmem>> -> memref<8x128xf32, #tpu.memory_space<vmem>>
    tpu.wait_dma2 semaphore(%arg15 : memref<!tpu.dma_semaphore, #tpu.memory_space<semaphore_mem>>) src(%dma_wait3A_169 : memref<8x128xf32, #tpu.memory_space<vmem>>) dst(%dma_wait3A_166 : memref<8x128xf32, #tpu.memory_space<hbm>>)
    %dma_wait3A_170 = arith.constant 0 : i32
    %dma_wait3A_171 = arith.constant 3 : i32
    %dma_wait3A_172 = arith.constant 24 : i32
    %dma_wait3A_173 = arith.constant 0 : i32
    %dma_wait3A_174 = tpu.memref_slice %arg9[%dma_wait3A_172, %dma_wait3A_173] : memref<64x128xf32, #tpu.memory_space<vmem>> -> memref<8x128xf32, #tpu.memory_space<vmem>>
    %dma_wait3A_175 = arith.constant 0 : i32
    %dma_wait3A_176 = arith.constant 0 : i32
    %dma_wait3A_177 = tpu.memref_slice %arg4[%dma_wait3A_170, %dma_wait3A_171, %add3A, %dma_wait3A_175, %dma_wait3A_176] : memref<200x8x32x8x128xf32, #tpu.memory_space<hbm>> -> memref<1x1x1x8x128xf32, #tpu.memory_space<hbm>>
    %dma_wait3A_178 = tpu.memref_squeeze %dma_wait3A_177 : memref<1x1x1x8x128xf32, #tpu.memory_space<hbm>> -> memref<8x128xf32, #tpu.memory_space<hbm>>
    %dma_wait3A_179 = arith.constant 0 : i32
    %dma_wait3A_180 = arith.constant 0 : i32
    %dma_wait3A_181 = tpu.memref_slice %arg4[%dma_wait3A_170, %dma_wait3A_171, %add3A, %dma_wait3A_179, %dma_wait3A_180] : memref<200x8x32x8x128xf32, #tpu.memory_space<hbm>> -> memref<1x1x1x8x128xf32, #tpu.memory_space<hbm>>
    %dma_wait3A_182 = tpu.memref_squeeze %dma_wait3A_181 : memref<1x1x1x8x128xf32, #tpu.memory_space<hbm>> -> memref<8x128xf32, #tpu.memory_space<hbm>>
    %dma_wait3A_183 = arith.constant 24 : i32
    %dma_wait3A_184 = arith.constant 0 : i32
    %dma_wait3A_185 = tpu.memref_slice %arg9[%dma_wait3A_183, %dma_wait3A_184] : memref<64x128xf32, #tpu.memory_space<vmem>> -> memref<8x128xf32, #tpu.memory_space<vmem>>
    tpu.wait_dma2 semaphore(%arg15 : memref<!tpu.dma_semaphore, #tpu.memory_space<semaphore_mem>>) src(%dma_wait3A_185 : memref<8x128xf32, #tpu.memory_space<vmem>>) dst(%dma_wait3A_182 : memref<8x128xf32, #tpu.memory_space<hbm>>)
    %dma_wait3A_186 = arith.constant 0 : i32
    %dma_wait3A_187 = arith.constant 4 : i32
    %dma_wait3A_188 = arith.constant 32 : i32
    %dma_wait3A_189 = arith.constant 0 : i32
    %dma_wait3A_190 = tpu.memref_slice %arg9[%dma_wait3A_188, %dma_wait3A_189] : memref<64x128xf32, #tpu.memory_space<vmem>> -> memref<8x128xf32, #tpu.memory_space<vmem>>
    %dma_wait3A_191 = arith.constant 0 : i32
    %dma_wait3A_192 = arith.constant 0 : i32
    %dma_wait3A_193 = tpu.memref_slice %arg4[%dma_wait3A_186, %dma_wait3A_187, %add3A, %dma_wait3A_191, %dma_wait3A_192] : memref<200x8x32x8x128xf32, #tpu.memory_space<hbm>> -> memref<1x1x1x8x128xf32, #tpu.memory_space<hbm>>
    %dma_wait3A_194 = tpu.memref_squeeze %dma_wait3A_193 : memref<1x1x1x8x128xf32, #tpu.memory_space<hbm>> -> memref<8x128xf32, #tpu.memory_space<hbm>>
    %dma_wait3A_195 = arith.constant 0 : i32
    %dma_wait3A_196 = arith.constant 0 : i32
    %dma_wait3A_197 = tpu.memref_slice %arg4[%dma_wait3A_186, %dma_wait3A_187, %add3A, %dma_wait3A_195, %dma_wait3A_196] : memref<200x8x32x8x128xf32, #tpu.memory_space<hbm>> -> memref<1x1x1x8x128xf32, #tpu.memory_space<hbm>>
    %dma_wait3A_198 = tpu.memref_squeeze %dma_wait3A_197 : memref<1x1x1x8x128xf32, #tpu.memory_space<hbm>> -> memref<8x128xf32, #tpu.memory_space<hbm>>
    %dma_wait3A_199 = arith.constant 32 : i32
    %dma_wait3A_200 = arith.constant 0 : i32
    %dma_wait3A_201 = tpu.memref_slice %arg9[%dma_wait3A_199, %dma_wait3A_200] : memref<64x128xf32, #tpu.memory_space<vmem>> -> memref<8x128xf32, #tpu.memory_space<vmem>>
    tpu.wait_dma2 semaphore(%arg15 : memref<!tpu.dma_semaphore, #tpu.memory_space<semaphore_mem>>) src(%dma_wait3A_201 : memref<8x128xf32, #tpu.memory_space<vmem>>) dst(%dma_wait3A_198 : memref<8x128xf32, #tpu.memory_space<hbm>>)
    %dma_wait3A_202 = arith.constant 0 : i32
    %dma_wait3A_203 = arith.constant 5 : i32
    %dma_wait3A_204 = arith.constant 40 : i32
    %dma_wait3A_205 = arith.constant 0 : i32
    %dma_wait3A_206 = tpu.memref_slice %arg9[%dma_wait3A_204, %dma_wait3A_205] : memref<64x128xf32, #tpu.memory_space<vmem>> -> memref<8x128xf32, #tpu.memory_space<vmem>>
    %dma_wait3A_207 = arith.constant 0 : i32
    %dma_wait3A_208 = arith.constant 0 : i32
    %dma_wait3A_209 = tpu.memref_slice %arg4[%dma_wait3A_202, %dma_wait3A_203, %add3A, %dma_wait3A_207, %dma_wait3A_208] : memref<200x8x32x8x128xf32, #tpu.memory_space<hbm>> -> memref<1x1x1x8x128xf32, #tpu.memory_space<hbm>>
    %dma_wait3A_210 = tpu.memref_squeeze %dma_wait3A_209 : memref<1x1x1x8x128xf32, #tpu.memory_space<hbm>> -> memref<8x128xf32, #tpu.memory_space<hbm>>
    %dma_wait3A_211 = arith.constant 0 : i32
    %dma_wait3A_212 = arith.constant 0 : i32
    %dma_wait3A_213 = tpu.memref_slice %arg4[%dma_wait3A_202, %dma_wait3A_203, %add3A, %dma_wait3A_211, %dma_wait3A_212] : memref<200x8x32x8x128xf32, #tpu.memory_space<hbm>> -> memref<1x1x1x8x128xf32, #tpu.memory_space<hbm>>
    %dma_wait3A_214 = tpu.memref_squeeze %dma_wait3A_213 : memref<1x1x1x8x128xf32, #tpu.memory_space<hbm>> -> memref<8x128xf32, #tpu.memory_space<hbm>>
    %dma_wait3A_215 = arith.constant 40 : i32
    %dma_wait3A_216 = arith.constant 0 : i32
    %dma_wait3A_217 = tpu.memref_slice %arg9[%dma_wait3A_215, %dma_wait3A_216] : memref<64x128xf32, #tpu.memory_space<vmem>> -> memref<8x128xf32, #tpu.memory_space<vmem>>
    tpu.wait_dma2 semaphore(%arg15 : memref<!tpu.dma_semaphore, #tpu.memory_space<semaphore_mem>>) src(%dma_wait3A_217 : memref<8x128xf32, #tpu.memory_space<vmem>>) dst(%dma_wait3A_214 : memref<8x128xf32, #tpu.memory_space<hbm>>)
    %dma_wait3A_218 = arith.constant 0 : i32
    %dma_wait3A_219 = arith.constant 6 : i32
    %dma_wait3A_220 = arith.constant 48 : i32
    %dma_wait3A_221 = arith.constant 0 : i32
    %dma_wait3A_222 = tpu.memref_slice %arg9[%dma_wait3A_220, %dma_wait3A_221] : memref<64x128xf32, #tpu.memory_space<vmem>> -> memref<8x128xf32, #tpu.memory_space<vmem>>
    %dma_wait3A_223 = arith.constant 0 : i32
    %dma_wait3A_224 = arith.constant 0 : i32
    %dma_wait3A_225 = tpu.memref_slice %arg4[%dma_wait3A_218, %dma_wait3A_219, %add3A, %dma_wait3A_223, %dma_wait3A_224] : memref<200x8x32x8x128xf32, #tpu.memory_space<hbm>> -> memref<1x1x1x8x128xf32, #tpu.memory_space<hbm>>
    %dma_wait3A_226 = tpu.memref_squeeze %dma_wait3A_225 : memref<1x1x1x8x128xf32, #tpu.memory_space<hbm>> -> memref<8x128xf32, #tpu.memory_space<hbm>>
    %dma_wait3A_227 = arith.constant 0 : i32
    %dma_wait3A_228 = arith.constant 0 : i32
    %dma_wait3A_229 = tpu.memref_slice %arg4[%dma_wait3A_218, %dma_wait3A_219, %add3A, %dma_wait3A_227, %dma_wait3A_228] : memref<200x8x32x8x128xf32, #tpu.memory_space<hbm>> -> memref<1x1x1x8x128xf32, #tpu.memory_space<hbm>>
    %dma_wait3A_230 = tpu.memref_squeeze %dma_wait3A_229 : memref<1x1x1x8x128xf32, #tpu.memory_space<hbm>> -> memref<8x128xf32, #tpu.memory_space<hbm>>
    %dma_wait3A_231 = arith.constant 48 : i32
    %dma_wait3A_232 = arith.constant 0 : i32
    %dma_wait3A_233 = tpu.memref_slice %arg9[%dma_wait3A_231, %dma_wait3A_232] : memref<64x128xf32, #tpu.memory_space<vmem>> -> memref<8x128xf32, #tpu.memory_space<vmem>>
    tpu.wait_dma2 semaphore(%arg15 : memref<!tpu.dma_semaphore, #tpu.memory_space<semaphore_mem>>) src(%dma_wait3A_233 : memref<8x128xf32, #tpu.memory_space<vmem>>) dst(%dma_wait3A_230 : memref<8x128xf32, #tpu.memory_space<hbm>>)
    %dma_wait3A_234 = arith.constant 0 : i32
    %dma_wait3A_235 = arith.constant 7 : i32
    %dma_wait3A_236 = arith.constant 56 : i32
    %dma_wait3A_237 = arith.constant 0 : i32
    %dma_wait3A_238 = tpu.memref_slice %arg9[%dma_wait3A_236, %dma_wait3A_237] : memref<64x128xf32, #tpu.memory_space<vmem>> -> memref<8x128xf32, #tpu.memory_space<vmem>>
    %dma_wait3A_239 = arith.constant 0 : i32
    %dma_wait3A_240 = arith.constant 0 : i32
    %dma_wait3A_241 = tpu.memref_slice %arg4[%dma_wait3A_234, %dma_wait3A_235, %add3A, %dma_wait3A_239, %dma_wait3A_240] : memref<200x8x32x8x128xf32, #tpu.memory_space<hbm>> -> memref<1x1x1x8x128xf32, #tpu.memory_space<hbm>>
    %dma_wait3A_242 = tpu.memref_squeeze %dma_wait3A_241 : memref<1x1x1x8x128xf32, #tpu.memory_space<hbm>> -> memref<8x128xf32, #tpu.memory_space<hbm>>
    %dma_wait3A_243 = arith.constant 0 : i32
    %dma_wait3A_244 = arith.constant 0 : i32
    %dma_wait3A_245 = tpu.memref_slice %arg4[%dma_wait3A_234, %dma_wait3A_235, %add3A, %dma_wait3A_243, %dma_wait3A_244] : memref<200x8x32x8x128xf32, #tpu.memory_space<hbm>> -> memref<1x1x1x8x128xf32, #tpu.memory_space<hbm>>
    %dma_wait3A_246 = tpu.memref_squeeze %dma_wait3A_245 : memref<1x1x1x8x128xf32, #tpu.memory_space<hbm>> -> memref<8x128xf32, #tpu.memory_space<hbm>>
    %dma_wait3A_247 = arith.constant 56 : i32
    %dma_wait3A_248 = arith.constant 0 : i32
    %dma_wait3A_249 = tpu.memref_slice %arg9[%dma_wait3A_247, %dma_wait3A_248] : memref<64x128xf32, #tpu.memory_space<vmem>> -> memref<8x128xf32, #tpu.memory_space<vmem>>
    tpu.wait_dma2 semaphore(%arg15 : memref<!tpu.dma_semaphore, #tpu.memory_space<semaphore_mem>>) src(%dma_wait3A_249 : memref<8x128xf32, #tpu.memory_space<vmem>>) dst(%dma_wait3A_246 : memref<8x128xf32, #tpu.memory_space<hbm>>)
    %dma_wait3A_250 = arith.constant 0 : i32
    %dma_wait3A_251 = arith.constant 0 : i32
    %dma_wait3A_252 = arith.constant 0 : i32
    %dma_wait3A_253 = arith.constant 0 : i32
    %dma_wait3A_254 = tpu.memref_slice %arg10[%dma_wait3A_252, %dma_wait3A_253] : memref<64x128xf32, #tpu.memory_space<vmem>> -> memref<8x128xf32, #tpu.memory_space<vmem>>
    %dma_wait3A_255 = arith.constant 0 : i32
    %dma_wait3A_256 = arith.constant 0 : i32
    %dma_wait3A_257 = tpu.memref_slice %arg4[%dma_wait3A_250, %dma_wait3A_251, %add3A, %dma_wait3A_255, %dma_wait3A_256] : memref<200x8x32x8x128xf32, #tpu.memory_space<hbm>> -> memref<1x1x1x8x128xf32, #tpu.memory_space<hbm>>
    %dma_wait3A_258 = tpu.memref_squeeze %dma_wait3A_257 : memref<1x1x1x8x128xf32, #tpu.memory_space<hbm>> -> memref<8x128xf32, #tpu.memory_space<hbm>>
    %dma_wait3A_259 = arith.constant 0 : i32
    %dma_wait3A_260 = arith.constant 0 : i32
    %dma_wait3A_261 = tpu.memref_slice %arg4[%dma_wait3A_250, %dma_wait3A_251, %add3A, %dma_wait3A_259, %dma_wait3A_260] : memref<200x8x32x8x128xf32, #tpu.memory_space<hbm>> -> memref<1x1x1x8x128xf32, #tpu.memory_space<hbm>>
    %dma_wait3A_262 = tpu.memref_squeeze %dma_wait3A_261 : memref<1x1x1x8x128xf32, #tpu.memory_space<hbm>> -> memref<8x128xf32, #tpu.memory_space<hbm>>
    %dma_wait3A_263 = arith.constant 0 : i32
    %dma_wait3A_264 = arith.constant 0 : i32
    %dma_wait3A_265 = tpu.memref_slice %arg10[%dma_wait3A_263, %dma_wait3A_264] : memref<64x128xf32, #tpu.memory_space<vmem>> -> memref<8x128xf32, #tpu.memory_space<vmem>>
    tpu.wait_dma2 semaphore(%arg16 : memref<!tpu.dma_semaphore, #tpu.memory_space<semaphore_mem>>) src(%dma_wait3A_265 : memref<8x128xf32, #tpu.memory_space<vmem>>) dst(%dma_wait3A_262 : memref<8x128xf32, #tpu.memory_space<hbm>>)
    %dma_wait3A_266 = arith.constant 0 : i32
    %dma_wait3A_267 = arith.constant 1 : i32
    %dma_wait3A_268 = arith.constant 8 : i32
    %dma_wait3A_269 = arith.constant 0 : i32
    %dma_wait3A_270 = tpu.memref_slice %arg10[%dma_wait3A_268, %dma_wait3A_269] : memref<64x128xf32, #tpu.memory_space<vmem>> -> memref<8x128xf32, #tpu.memory_space<vmem>>
    %dma_wait3A_271 = arith.constant 0 : i32
    %dma_wait3A_272 = arith.constant 0 : i32
    %dma_wait3A_273 = tpu.memref_slice %arg4[%dma_wait3A_266, %dma_wait3A_267, %add3A, %dma_wait3A_271, %dma_wait3A_272] : memref<200x8x32x8x128xf32, #tpu.memory_space<hbm>> -> memref<1x1x1x8x128xf32, #tpu.memory_space<hbm>>
    %dma_wait3A_274 = tpu.memref_squeeze %dma_wait3A_273 : memref<1x1x1x8x128xf32, #tpu.memory_space<hbm>> -> memref<8x128xf32, #tpu.memory_space<hbm>>
    %dma_wait3A_275 = arith.constant 0 : i32
    %dma_wait3A_276 = arith.constant 0 : i32
    %dma_wait3A_277 = tpu.memref_slice %arg4[%dma_wait3A_266, %dma_wait3A_267, %add3A, %dma_wait3A_275, %dma_wait3A_276] : memref<200x8x32x8x128xf32, #tpu.memory_space<hbm>> -> memref<1x1x1x8x128xf32, #tpu.memory_space<hbm>>
    %dma_wait3A_278 = tpu.memref_squeeze %dma_wait3A_277 : memref<1x1x1x8x128xf32, #tpu.memory_space<hbm>> -> memref<8x128xf32, #tpu.memory_space<hbm>>
    %dma_wait3A_279 = arith.constant 8 : i32
    %dma_wait3A_280 = arith.constant 0 : i32
    %dma_wait3A_281 = tpu.memref_slice %arg10[%dma_wait3A_279, %dma_wait3A_280] : memref<64x128xf32, #tpu.memory_space<vmem>> -> memref<8x128xf32, #tpu.memory_space<vmem>>
    tpu.wait_dma2 semaphore(%arg16 : memref<!tpu.dma_semaphore, #tpu.memory_space<semaphore_mem>>) src(%dma_wait3A_281 : memref<8x128xf32, #tpu.memory_space<vmem>>) dst(%dma_wait3A_278 : memref<8x128xf32, #tpu.memory_space<hbm>>)
    %dma_wait3A_282 = arith.constant 0 : i32
    %dma_wait3A_283 = arith.constant 2 : i32
    %dma_wait3A_284 = arith.constant 16 : i32
    %dma_wait3A_285 = arith.constant 0 : i32
    %dma_wait3A_286 = tpu.memref_slice %arg10[%dma_wait3A_284, %dma_wait3A_285] : memref<64x128xf32, #tpu.memory_space<vmem>> -> memref<8x128xf32, #tpu.memory_space<vmem>>
    %dma_wait3A_287 = arith.constant 0 : i32
    %dma_wait3A_288 = arith.constant 0 : i32
    %dma_wait3A_289 = tpu.memref_slice %arg4[%dma_wait3A_282, %dma_wait3A_283, %add3A, %dma_wait3A_287, %dma_wait3A_288] : memref<200x8x32x8x128xf32, #tpu.memory_space<hbm>> -> memref<1x1x1x8x128xf32, #tpu.memory_space<hbm>>
    %dma_wait3A_290 = tpu.memref_squeeze %dma_wait3A_289 : memref<1x1x1x8x128xf32, #tpu.memory_space<hbm>> -> memref<8x128xf32, #tpu.memory_space<hbm>>
    %dma_wait3A_291 = arith.constant 0 : i32
    %dma_wait3A_292 = arith.constant 0 : i32
    %dma_wait3A_293 = tpu.memref_slice %arg4[%dma_wait3A_282, %dma_wait3A_283, %add3A, %dma_wait3A_291, %dma_wait3A_292] : memref<200x8x32x8x128xf32, #tpu.memory_space<hbm>> -> memref<1x1x1x8x128xf32, #tpu.memory_space<hbm>>
    %dma_wait3A_294 = tpu.memref_squeeze %dma_wait3A_293 : memref<1x1x1x8x128xf32, #tpu.memory_space<hbm>> -> memref<8x128xf32, #tpu.memory_space<hbm>>
    %dma_wait3A_295 = arith.constant 16 : i32
    %dma_wait3A_296 = arith.constant 0 : i32
    %dma_wait3A_297 = tpu.memref_slice %arg10[%dma_wait3A_295, %dma_wait3A_296] : memref<64x128xf32, #tpu.memory_space<vmem>> -> memref<8x128xf32, #tpu.memory_space<vmem>>
    tpu.wait_dma2 semaphore(%arg16 : memref<!tpu.dma_semaphore, #tpu.memory_space<semaphore_mem>>) src(%dma_wait3A_297 : memref<8x128xf32, #tpu.memory_space<vmem>>) dst(%dma_wait3A_294 : memref<8x128xf32, #tpu.memory_space<hbm>>)
    %dma_wait3A_298 = arith.constant 0 : i32
    %dma_wait3A_299 = arith.constant 3 : i32
    %dma_wait3A_300 = arith.constant 24 : i32
    %dma_wait3A_301 = arith.constant 0 : i32
    %dma_wait3A_302 = tpu.memref_slice %arg10[%dma_wait3A_300, %dma_wait3A_301] : memref<64x128xf32, #tpu.memory_space<vmem>> -> memref<8x128xf32, #tpu.memory_space<vmem>>
    %dma_wait3A_303 = arith.constant 0 : i32
    %dma_wait3A_304 = arith.constant 0 : i32
    %dma_wait3A_305 = tpu.memref_slice %arg4[%dma_wait3A_298, %dma_wait3A_299, %add3A, %dma_wait3A_303, %dma_wait3A_304] : memref<200x8x32x8x128xf32, #tpu.memory_space<hbm>> -> memref<1x1x1x8x128xf32, #tpu.memory_space<hbm>>
    %dma_wait3A_306 = tpu.memref_squeeze %dma_wait3A_305 : memref<1x1x1x8x128xf32, #tpu.memory_space<hbm>> -> memref<8x128xf32, #tpu.memory_space<hbm>>
    %dma_wait3A_307 = arith.constant 0 : i32
    %dma_wait3A_308 = arith.constant 0 : i32
    %dma_wait3A_309 = tpu.memref_slice %arg4[%dma_wait3A_298, %dma_wait3A_299, %add3A, %dma_wait3A_307, %dma_wait3A_308] : memref<200x8x32x8x128xf32, #tpu.memory_space<hbm>> -> memref<1x1x1x8x128xf32, #tpu.memory_space<hbm>>
    %dma_wait3A_310 = tpu.memref_squeeze %dma_wait3A_309 : memref<1x1x1x8x128xf32, #tpu.memory_space<hbm>> -> memref<8x128xf32, #tpu.memory_space<hbm>>
    %dma_wait3A_311 = arith.constant 24 : i32
    %dma_wait3A_312 = arith.constant 0 : i32
    %dma_wait3A_313 = tpu.memref_slice %arg10[%dma_wait3A_311, %dma_wait3A_312] : memref<64x128xf32, #tpu.memory_space<vmem>> -> memref<8x128xf32, #tpu.memory_space<vmem>>
    tpu.wait_dma2 semaphore(%arg16 : memref<!tpu.dma_semaphore, #tpu.memory_space<semaphore_mem>>) src(%dma_wait3A_313 : memref<8x128xf32, #tpu.memory_space<vmem>>) dst(%dma_wait3A_310 : memref<8x128xf32, #tpu.memory_space<hbm>>)
    %dma_wait3A_314 = arith.constant 0 : i32
    %dma_wait3A_315 = arith.constant 4 : i32
    %dma_wait3A_316 = arith.constant 32 : i32
    %dma_wait3A_317 = arith.constant 0 : i32
    %dma_wait3A_318 = tpu.memref_slice %arg10[%dma_wait3A_316, %dma_wait3A_317] : memref<64x128xf32, #tpu.memory_space<vmem>> -> memref<8x128xf32, #tpu.memory_space<vmem>>
    %dma_wait3A_319 = arith.constant 0 : i32
    %dma_wait3A_320 = arith.constant 0 : i32
    %dma_wait3A_321 = tpu.memref_slice %arg4[%dma_wait3A_314, %dma_wait3A_315, %add3A, %dma_wait3A_319, %dma_wait3A_320] : memref<200x8x32x8x128xf32, #tpu.memory_space<hbm>> -> memref<1x1x1x8x128xf32, #tpu.memory_space<hbm>>
    %dma_wait3A_322 = tpu.memref_squeeze %dma_wait3A_321 : memref<1x1x1x8x128xf32, #tpu.memory_space<hbm>> -> memref<8x128xf32, #tpu.memory_space<hbm>>
    %dma_wait3A_323 = arith.constant 0 : i32
    %dma_wait3A_324 = arith.constant 0 : i32
    %dma_wait3A_325 = tpu.memref_slice %arg4[%dma_wait3A_314, %dma_wait3A_315, %add3A, %dma_wait3A_323, %dma_wait3A_324] : memref<200x8x32x8x128xf32, #tpu.memory_space<hbm>> -> memref<1x1x1x8x128xf32, #tpu.memory_space<hbm>>
    %dma_wait3A_326 = tpu.memref_squeeze %dma_wait3A_325 : memref<1x1x1x8x128xf32, #tpu.memory_space<hbm>> -> memref<8x128xf32, #tpu.memory_space<hbm>>
    %dma_wait3A_327 = arith.constant 32 : i32
    %dma_wait3A_328 = arith.constant 0 : i32
    %dma_wait3A_329 = tpu.memref_slice %arg10[%dma_wait3A_327, %dma_wait3A_328] : memref<64x128xf32, #tpu.memory_space<vmem>> -> memref<8x128xf32, #tpu.memory_space<vmem>>
    tpu.wait_dma2 semaphore(%arg16 : memref<!tpu.dma_semaphore, #tpu.memory_space<semaphore_mem>>) src(%dma_wait3A_329 : memref<8x128xf32, #tpu.memory_space<vmem>>) dst(%dma_wait3A_326 : memref<8x128xf32, #tpu.memory_space<hbm>>)
    %dma_wait3A_330 = arith.constant 0 : i32
    %dma_wait3A_331 = arith.constant 5 : i32
    %dma_wait3A_332 = arith.constant 40 : i32
    %dma_wait3A_333 = arith.constant 0 : i32
    %dma_wait3A_334 = tpu.memref_slice %arg10[%dma_wait3A_332, %dma_wait3A_333] : memref<64x128xf32, #tpu.memory_space<vmem>> -> memref<8x128xf32, #tpu.memory_space<vmem>>
    %dma_wait3A_335 = arith.constant 0 : i32
    %dma_wait3A_336 = arith.constant 0 : i32
    %dma_wait3A_337 = tpu.memref_slice %arg4[%dma_wait3A_330, %dma_wait3A_331, %add3A, %dma_wait3A_335, %dma_wait3A_336] : memref<200x8x32x8x128xf32, #tpu.memory_space<hbm>> -> memref<1x1x1x8x128xf32, #tpu.memory_space<hbm>>
    %dma_wait3A_338 = tpu.memref_squeeze %dma_wait3A_337 : memref<1x1x1x8x128xf32, #tpu.memory_space<hbm>> -> memref<8x128xf32, #tpu.memory_space<hbm>>
    %dma_wait3A_339 = arith.constant 0 : i32
    %dma_wait3A_340 = arith.constant 0 : i32
    %dma_wait3A_341 = tpu.memref_slice %arg4[%dma_wait3A_330, %dma_wait3A_331, %add3A, %dma_wait3A_339, %dma_wait3A_340] : memref<200x8x32x8x128xf32, #tpu.memory_space<hbm>> -> memref<1x1x1x8x128xf32, #tpu.memory_space<hbm>>
    %dma_wait3A_342 = tpu.memref_squeeze %dma_wait3A_341 : memref<1x1x1x8x128xf32, #tpu.memory_space<hbm>> -> memref<8x128xf32, #tpu.memory_space<hbm>>
    %dma_wait3A_343 = arith.constant 40 : i32
    %dma_wait3A_344 = arith.constant 0 : i32
    %dma_wait3A_345 = tpu.memref_slice %arg10[%dma_wait3A_343, %dma_wait3A_344] : memref<64x128xf32, #tpu.memory_space<vmem>> -> memref<8x128xf32, #tpu.memory_space<vmem>>
    tpu.wait_dma2 semaphore(%arg16 : memref<!tpu.dma_semaphore, #tpu.memory_space<semaphore_mem>>) src(%dma_wait3A_345 : memref<8x128xf32, #tpu.memory_space<vmem>>) dst(%dma_wait3A_342 : memref<8x128xf32, #tpu.memory_space<hbm>>)
    %dma_wait3A_346 = arith.constant 0 : i32
    %dma_wait3A_347 = arith.constant 6 : i32
    %dma_wait3A_348 = arith.constant 48 : i32
    %dma_wait3A_349 = arith.constant 0 : i32
    %dma_wait3A_350 = tpu.memref_slice %arg10[%dma_wait3A_348, %dma_wait3A_349] : memref<64x128xf32, #tpu.memory_space<vmem>> -> memref<8x128xf32, #tpu.memory_space<vmem>>
    %dma_wait3A_351 = arith.constant 0 : i32
    %dma_wait3A_352 = arith.constant 0 : i32
    %dma_wait3A_353 = tpu.memref_slice %arg4[%dma_wait3A_346, %dma_wait3A_347, %add3A, %dma_wait3A_351, %dma_wait3A_352] : memref<200x8x32x8x128xf32, #tpu.memory_space<hbm>> -> memref<1x1x1x8x128xf32, #tpu.memory_space<hbm>>
    %dma_wait3A_354 = tpu.memref_squeeze %dma_wait3A_353 : memref<1x1x1x8x128xf32, #tpu.memory_space<hbm>> -> memref<8x128xf32, #tpu.memory_space<hbm>>
    %dma_wait3A_355 = arith.constant 0 : i32
    %dma_wait3A_356 = arith.constant 0 : i32
    %dma_wait3A_357 = tpu.memref_slice %arg4[%dma_wait3A_346, %dma_wait3A_347, %add3A, %dma_wait3A_355, %dma_wait3A_356] : memref<200x8x32x8x128xf32, #tpu.memory_space<hbm>> -> memref<1x1x1x8x128xf32, #tpu.memory_space<hbm>>
    %dma_wait3A_358 = tpu.memref_squeeze %dma_wait3A_357 : memref<1x1x1x8x128xf32, #tpu.memory_space<hbm>> -> memref<8x128xf32, #tpu.memory_space<hbm>>
    %dma_wait3A_359 = arith.constant 48 : i32
    %dma_wait3A_360 = arith.constant 0 : i32
    %dma_wait3A_361 = tpu.memref_slice %arg10[%dma_wait3A_359, %dma_wait3A_360] : memref<64x128xf32, #tpu.memory_space<vmem>> -> memref<8x128xf32, #tpu.memory_space<vmem>>
    tpu.wait_dma2 semaphore(%arg16 : memref<!tpu.dma_semaphore, #tpu.memory_space<semaphore_mem>>) src(%dma_wait3A_361 : memref<8x128xf32, #tpu.memory_space<vmem>>) dst(%dma_wait3A_358 : memref<8x128xf32, #tpu.memory_space<hbm>>)
    %dma_wait3A_362 = arith.constant 0 : i32
    %dma_wait3A_363 = arith.constant 7 : i32
    %dma_wait3A_364 = arith.constant 56 : i32
    %dma_wait3A_365 = arith.constant 0 : i32
    %dma_wait3A_366 = tpu.memref_slice %arg10[%dma_wait3A_364, %dma_wait3A_365] : memref<64x128xf32, #tpu.memory_space<vmem>> -> memref<8x128xf32, #tpu.memory_space<vmem>>
    %dma_wait3A_367 = arith.constant 0 : i32
    %dma_wait3A_368 = arith.constant 0 : i32
    %dma_wait3A_369 = tpu.memref_slice %arg4[%dma_wait3A_362, %dma_wait3A_363, %add3A, %dma_wait3A_367, %dma_wait3A_368] : memref<200x8x32x8x128xf32, #tpu.memory_space<hbm>> -> memref<1x1x1x8x128xf32, #tpu.memory_space<hbm>>
    %dma_wait3A_370 = tpu.memref_squeeze %dma_wait3A_369 : memref<1x1x1x8x128xf32, #tpu.memory_space<hbm>> -> memref<8x128xf32, #tpu.memory_space<hbm>>
    %dma_wait3A_371 = arith.constant 0 : i32
    %dma_wait3A_372 = arith.constant 0 : i32
    %dma_wait3A_373 = tpu.memref_slice %arg4[%dma_wait3A_362, %dma_wait3A_363, %add3A, %dma_wait3A_371, %dma_wait3A_372] : memref<200x8x32x8x128xf32, #tpu.memory_space<hbm>> -> memref<1x1x1x8x128xf32, #tpu.memory_space<hbm>>
    %dma_wait3A_374 = tpu.memref_squeeze %dma_wait3A_373 : memref<1x1x1x8x128xf32, #tpu.memory_space<hbm>> -> memref<8x128xf32, #tpu.memory_space<hbm>>
    %dma_wait3A_375 = arith.constant 56 : i32
    %dma_wait3A_376 = arith.constant 0 : i32
    %dma_wait3A_377 = tpu.memref_slice %arg10[%dma_wait3A_375, %dma_wait3A_376] : memref<64x128xf32, #tpu.memory_space<vmem>> -> memref<8x128xf32, #tpu.memory_space<vmem>>
    tpu.wait_dma2 semaphore(%arg16 : memref<!tpu.dma_semaphore, #tpu.memory_space<semaphore_mem>>) src(%dma_wait3A_377 : memref<8x128xf32, #tpu.memory_space<vmem>>) dst(%dma_wait3A_374 : memref<8x128xf32, #tpu.memory_space<hbm>>)
    %dma_wait3A_378 = arith.constant 0 : i32
    %dma_wait3A_379 = arith.constant 0 : i32
    %dma_wait3A_380 = arith.constant 0 : i32
    %dma_wait3A_381 = arith.constant 0 : i32
    %dma_wait3A_382 = tpu.memref_slice %arg11[%dma_wait3A_380, %dma_wait3A_381] : memref<64x128xf32, #tpu.memory_space<vmem>> -> memref<8x128xf32, #tpu.memory_space<vmem>>
    %dma_wait3A_383 = arith.constant 0 : i32
    %dma_wait3A_384 = arith.constant 0 : i32
    %dma_wait3A_385 = tpu.memref_slice %arg4[%dma_wait3A_378, %dma_wait3A_379, %add3A, %dma_wait3A_383, %dma_wait3A_384] : memref<200x8x32x8x128xf32, #tpu.memory_space<hbm>> -> memref<1x1x1x8x128xf32, #tpu.memory_space<hbm>>
    %dma_wait3A_386 = tpu.memref_squeeze %dma_wait3A_385 : memref<1x1x1x8x128xf32, #tpu.memory_space<hbm>> -> memref<8x128xf32, #tpu.memory_space<hbm>>
    %dma_wait3A_387 = arith.constant 0 : i32
    %dma_wait3A_388 = arith.constant 0 : i32
    %dma_wait3A_389 = tpu.memref_slice %arg4[%dma_wait3A_378, %dma_wait3A_379, %add3A, %dma_wait3A_387, %dma_wait3A_388] : memref<200x8x32x8x128xf32, #tpu.memory_space<hbm>> -> memref<1x1x1x8x128xf32, #tpu.memory_space<hbm>>
    %dma_wait3A_390 = tpu.memref_squeeze %dma_wait3A_389 : memref<1x1x1x8x128xf32, #tpu.memory_space<hbm>> -> memref<8x128xf32, #tpu.memory_space<hbm>>
    %dma_wait3A_391 = arith.constant 0 : i32
    %dma_wait3A_392 = arith.constant 0 : i32
    %dma_wait3A_393 = tpu.memref_slice %arg11[%dma_wait3A_391, %dma_wait3A_392] : memref<64x128xf32, #tpu.memory_space<vmem>> -> memref<8x128xf32, #tpu.memory_space<vmem>>
    tpu.wait_dma2 semaphore(%arg17 : memref<!tpu.dma_semaphore, #tpu.memory_space<semaphore_mem>>) src(%dma_wait3A_393 : memref<8x128xf32, #tpu.memory_space<vmem>>) dst(%dma_wait3A_390 : memref<8x128xf32, #tpu.memory_space<hbm>>)
    %dma_wait3A_394 = arith.constant 0 : i32
    %dma_wait3A_395 = arith.constant 1 : i32
    %dma_wait3A_396 = arith.constant 8 : i32
    %dma_wait3A_397 = arith.constant 0 : i32
    %dma_wait3A_398 = tpu.memref_slice %arg11[%dma_wait3A_396, %dma_wait3A_397] : memref<64x128xf32, #tpu.memory_space<vmem>> -> memref<8x128xf32, #tpu.memory_space<vmem>>
    %dma_wait3A_399 = arith.constant 0 : i32
    %dma_wait3A_400 = arith.constant 0 : i32
    %dma_wait3A_401 = tpu.memref_slice %arg4[%dma_wait3A_394, %dma_wait3A_395, %add3A, %dma_wait3A_399, %dma_wait3A_400] : memref<200x8x32x8x128xf32, #tpu.memory_space<hbm>> -> memref<1x1x1x8x128xf32, #tpu.memory_space<hbm>>
    %dma_wait3A_402 = tpu.memref_squeeze %dma_wait3A_401 : memref<1x1x1x8x128xf32, #tpu.memory_space<hbm>> -> memref<8x128xf32, #tpu.memory_space<hbm>>
    %dma_wait3A_403 = arith.constant 0 : i32
    %dma_wait3A_404 = arith.constant 0 : i32
    %dma_wait3A_405 = tpu.memref_slice %arg4[%dma_wait3A_394, %dma_wait3A_395, %add3A, %dma_wait3A_403, %dma_wait3A_404] : memref<200x8x32x8x128xf32, #tpu.memory_space<hbm>> -> memref<1x1x1x8x128xf32, #tpu.memory_space<hbm>>
    %dma_wait3A_406 = tpu.memref_squeeze %dma_wait3A_405 : memref<1x1x1x8x128xf32, #tpu.memory_space<hbm>> -> memref<8x128xf32, #tpu.memory_space<hbm>>
    %dma_wait3A_407 = arith.constant 8 : i32
    %dma_wait3A_408 = arith.constant 0 : i32
    %dma_wait3A_409 = tpu.memref_slice %arg11[%dma_wait3A_407, %dma_wait3A_408] : memref<64x128xf32, #tpu.memory_space<vmem>> -> memref<8x128xf32, #tpu.memory_space<vmem>>
    tpu.wait_dma2 semaphore(%arg17 : memref<!tpu.dma_semaphore, #tpu.memory_space<semaphore_mem>>) src(%dma_wait3A_409 : memref<8x128xf32, #tpu.memory_space<vmem>>) dst(%dma_wait3A_406 : memref<8x128xf32, #tpu.memory_space<hbm>>)
    %dma_wait3A_410 = arith.constant 0 : i32
    %dma_wait3A_411 = arith.constant 2 : i32
    %dma_wait3A_412 = arith.constant 16 : i32
    %dma_wait3A_413 = arith.constant 0 : i32
    %dma_wait3A_414 = tpu.memref_slice %arg11[%dma_wait3A_412, %dma_wait3A_413] : memref<64x128xf32, #tpu.memory_space<vmem>> -> memref<8x128xf32, #tpu.memory_space<vmem>>
    %dma_wait3A_415 = arith.constant 0 : i32
    %dma_wait3A_416 = arith.constant 0 : i32
    %dma_wait3A_417 = tpu.memref_slice %arg4[%dma_wait3A_410, %dma_wait3A_411, %add3A, %dma_wait3A_415, %dma_wait3A_416] : memref<200x8x32x8x128xf32, #tpu.memory_space<hbm>> -> memref<1x1x1x8x128xf32, #tpu.memory_space<hbm>>
    %dma_wait3A_418 = tpu.memref_squeeze %dma_wait3A_417 : memref<1x1x1x8x128xf32, #tpu.memory_space<hbm>> -> memref<8x128xf32, #tpu.memory_space<hbm>>
    %dma_wait3A_419 = arith.constant 0 : i32
    %dma_wait3A_420 = arith.constant 0 : i32
    %dma_wait3A_421 = tpu.memref_slice %arg4[%dma_wait3A_410, %dma_wait3A_411, %add3A, %dma_wait3A_419, %dma_wait3A_420] : memref<200x8x32x8x128xf32, #tpu.memory_space<hbm>> -> memref<1x1x1x8x128xf32, #tpu.memory_space<hbm>>
    %dma_wait3A_422 = tpu.memref_squeeze %dma_wait3A_421 : memref<1x1x1x8x128xf32, #tpu.memory_space<hbm>> -> memref<8x128xf32, #tpu.memory_space<hbm>>
    %dma_wait3A_423 = arith.constant 16 : i32
    %dma_wait3A_424 = arith.constant 0 : i32
    %dma_wait3A_425 = tpu.memref_slice %arg11[%dma_wait3A_423, %dma_wait3A_424] : memref<64x128xf32, #tpu.memory_space<vmem>> -> memref<8x128xf32, #tpu.memory_space<vmem>>
    tpu.wait_dma2 semaphore(%arg17 : memref<!tpu.dma_semaphore, #tpu.memory_space<semaphore_mem>>) src(%dma_wait3A_425 : memref<8x128xf32, #tpu.memory_space<vmem>>) dst(%dma_wait3A_422 : memref<8x128xf32, #tpu.memory_space<hbm>>)
    %dma_wait3A_426 = arith.constant 0 : i32
    %dma_wait3A_427 = arith.constant 3 : i32
    %dma_wait3A_428 = arith.constant 24 : i32
    %dma_wait3A_429 = arith.constant 0 : i32
    %dma_wait3A_430 = tpu.memref_slice %arg11[%dma_wait3A_428, %dma_wait3A_429] : memref<64x128xf32, #tpu.memory_space<vmem>> -> memref<8x128xf32, #tpu.memory_space<vmem>>
    %dma_wait3A_431 = arith.constant 0 : i32
    %dma_wait3A_432 = arith.constant 0 : i32
    %dma_wait3A_433 = tpu.memref_slice %arg4[%dma_wait3A_426, %dma_wait3A_427, %add3A, %dma_wait3A_431, %dma_wait3A_432] : memref<200x8x32x8x128xf32, #tpu.memory_space<hbm>> -> memref<1x1x1x8x128xf32, #tpu.memory_space<hbm>>
    %dma_wait3A_434 = tpu.memref_squeeze %dma_wait3A_433 : memref<1x1x1x8x128xf32, #tpu.memory_space<hbm>> -> memref<8x128xf32, #tpu.memory_space<hbm>>
    %dma_wait3A_435 = arith.constant 0 : i32
    %dma_wait3A_436 = arith.constant 0 : i32
    %dma_wait3A_437 = tpu.memref_slice %arg4[%dma_wait3A_426, %dma_wait3A_427, %add3A, %dma_wait3A_435, %dma_wait3A_436] : memref<200x8x32x8x128xf32, #tpu.memory_space<hbm>> -> memref<1x1x1x8x128xf32, #tpu.memory_space<hbm>>
    %dma_wait3A_438 = tpu.memref_squeeze %dma_wait3A_437 : memref<1x1x1x8x128xf32, #tpu.memory_space<hbm>> -> memref<8x128xf32, #tpu.memory_space<hbm>>
    %dma_wait3A_439 = arith.constant 24 : i32
    %dma_wait3A_440 = arith.constant 0 : i32
    %dma_wait3A_441 = tpu.memref_slice %arg11[%dma_wait3A_439, %dma_wait3A_440] : memref<64x128xf32, #tpu.memory_space<vmem>> -> memref<8x128xf32, #tpu.memory_space<vmem>>
    tpu.wait_dma2 semaphore(%arg17 : memref<!tpu.dma_semaphore, #tpu.memory_space<semaphore_mem>>) src(%dma_wait3A_441 : memref<8x128xf32, #tpu.memory_space<vmem>>) dst(%dma_wait3A_438 : memref<8x128xf32, #tpu.memory_space<hbm>>)
    %dma_wait3A_442 = arith.constant 0 : i32
    %dma_wait3A_443 = arith.constant 4 : i32
    %dma_wait3A_444 = arith.constant 32 : i32
    %dma_wait3A_445 = arith.constant 0 : i32
    %dma_wait3A_446 = tpu.memref_slice %arg11[%dma_wait3A_444, %dma_wait3A_445] : memref<64x128xf32, #tpu.memory_space<vmem>> -> memref<8x128xf32, #tpu.memory_space<vmem>>
    %dma_wait3A_447 = arith.constant 0 : i32
    %dma_wait3A_448 = arith.constant 0 : i32
    %dma_wait3A_449 = tpu.memref_slice %arg4[%dma_wait3A_442, %dma_wait3A_443, %add3A, %dma_wait3A_447, %dma_wait3A_448] : memref<200x8x32x8x128xf32, #tpu.memory_space<hbm>> -> memref<1x1x1x8x128xf32, #tpu.memory_space<hbm>>
    %dma_wait3A_450 = tpu.memref_squeeze %dma_wait3A_449 : memref<1x1x1x8x128xf32, #tpu.memory_space<hbm>> -> memref<8x128xf32, #tpu.memory_space<hbm>>
    %dma_wait3A_451 = arith.constant 0 : i32
    %dma_wait3A_452 = arith.constant 0 : i32
    %dma_wait3A_453 = tpu.memref_slice %arg4[%dma_wait3A_442, %dma_wait3A_443, %add3A, %dma_wait3A_451, %dma_wait3A_452] : memref<200x8x32x8x128xf32, #tpu.memory_space<hbm>> -> memref<1x1x1x8x128xf32, #tpu.memory_space<hbm>>
    %dma_wait3A_454 = tpu.memref_squeeze %dma_wait3A_453 : memref<1x1x1x8x128xf32, #tpu.memory_space<hbm>> -> memref<8x128xf32, #tpu.memory_space<hbm>>
    %dma_wait3A_455 = arith.constant 32 : i32
    %dma_wait3A_456 = arith.constant 0 : i32
    %dma_wait3A_457 = tpu.memref_slice %arg11[%dma_wait3A_455, %dma_wait3A_456] : memref<64x128xf32, #tpu.memory_space<vmem>> -> memref<8x128xf32, #tpu.memory_space<vmem>>
    tpu.wait_dma2 semaphore(%arg17 : memref<!tpu.dma_semaphore, #tpu.memory_space<semaphore_mem>>) src(%dma_wait3A_457 : memref<8x128xf32, #tpu.memory_space<vmem>>) dst(%dma_wait3A_454 : memref<8x128xf32, #tpu.memory_space<hbm>>)
    %dma_wait3A_458 = arith.constant 0 : i32
    %dma_wait3A_459 = arith.constant 5 : i32
    %dma_wait3A_460 = arith.constant 40 : i32
    %dma_wait3A_461 = arith.constant 0 : i32
    %dma_wait3A_462 = tpu.memref_slice %arg11[%dma_wait3A_460, %dma_wait3A_461] : memref<64x128xf32, #tpu.memory_space<vmem>> -> memref<8x128xf32, #tpu.memory_space<vmem>>
    %dma_wait3A_463 = arith.constant 0 : i32
    %dma_wait3A_464 = arith.constant 0 : i32
    %dma_wait3A_465 = tpu.memref_slice %arg4[%dma_wait3A_458, %dma_wait3A_459, %add3A, %dma_wait3A_463, %dma_wait3A_464] : memref<200x8x32x8x128xf32, #tpu.memory_space<hbm>> -> memref<1x1x1x8x128xf32, #tpu.memory_space<hbm>>
    %dma_wait3A_466 = tpu.memref_squeeze %dma_wait3A_465 : memref<1x1x1x8x128xf32, #tpu.memory_space<hbm>> -> memref<8x128xf32, #tpu.memory_space<hbm>>
    %dma_wait3A_467 = arith.constant 0 : i32
    %dma_wait3A_468 = arith.constant 0 : i32
    %dma_wait3A_469 = tpu.memref_slice %arg4[%dma_wait3A_458, %dma_wait3A_459, %add3A, %dma_wait3A_467, %dma_wait3A_468] : memref<200x8x32x8x128xf32, #tpu.memory_space<hbm>> -> memref<1x1x1x8x128xf32, #tpu.memory_space<hbm>>
    %dma_wait3A_470 = tpu.memref_squeeze %dma_wait3A_469 : memref<1x1x1x8x128xf32, #tpu.memory_space<hbm>> -> memref<8x128xf32, #tpu.memory_space<hbm>>
    %dma_wait3A_471 = arith.constant 40 : i32
    %dma_wait3A_472 = arith.constant 0 : i32
    %dma_wait3A_473 = tpu.memref_slice %arg11[%dma_wait3A_471, %dma_wait3A_472] : memref<64x128xf32, #tpu.memory_space<vmem>> -> memref<8x128xf32, #tpu.memory_space<vmem>>
    tpu.wait_dma2 semaphore(%arg17 : memref<!tpu.dma_semaphore, #tpu.memory_space<semaphore_mem>>) src(%dma_wait3A_473 : memref<8x128xf32, #tpu.memory_space<vmem>>) dst(%dma_wait3A_470 : memref<8x128xf32, #tpu.memory_space<hbm>>)
    %dma_wait3A_474 = arith.constant 0 : i32
    %dma_wait3A_475 = arith.constant 6 : i32
    %dma_wait3A_476 = arith.constant 48 : i32
    %dma_wait3A_477 = arith.constant 0 : i32
    %dma_wait3A_478 = tpu.memref_slice %arg11[%dma_wait3A_476, %dma_wait3A_477] : memref<64x128xf32, #tpu.memory_space<vmem>> -> memref<8x128xf32, #tpu.memory_space<vmem>>
    %dma_wait3A_479 = arith.constant 0 : i32
    %dma_wait3A_480 = arith.constant 0 : i32
    %dma_wait3A_481 = tpu.memref_slice %arg4[%dma_wait3A_474, %dma_wait3A_475, %add3A, %dma_wait3A_479, %dma_wait3A_480] : memref<200x8x32x8x128xf32, #tpu.memory_space<hbm>> -> memref<1x1x1x8x128xf32, #tpu.memory_space<hbm>>
    %dma_wait3A_482 = tpu.memref_squeeze %dma_wait3A_481 : memref<1x1x1x8x128xf32, #tpu.memory_space<hbm>> -> memref<8x128xf32, #tpu.memory_space<hbm>>
    %dma_wait3A_483 = arith.constant 0 : i32
    %dma_wait3A_484 = arith.constant 0 : i32
    %dma_wait3A_485 = tpu.memref_slice %arg4[%dma_wait3A_474, %dma_wait3A_475, %add3A, %dma_wait3A_483, %dma_wait3A_484] : memref<200x8x32x8x128xf32, #tpu.memory_space<hbm>> -> memref<1x1x1x8x128xf32, #tpu.memory_space<hbm>>
    %dma_wait3A_486 = tpu.memref_squeeze %dma_wait3A_485 : memref<1x1x1x8x128xf32, #tpu.memory_space<hbm>> -> memref<8x128xf32, #tpu.memory_space<hbm>>
    %dma_wait3A_487 = arith.constant 48 : i32
    %dma_wait3A_488 = arith.constant 0 : i32
    %dma_wait3A_489 = tpu.memref_slice %arg11[%dma_wait3A_487, %dma_wait3A_488] : memref<64x128xf32, #tpu.memory_space<vmem>> -> memref<8x128xf32, #tpu.memory_space<vmem>>
    tpu.wait_dma2 semaphore(%arg17 : memref<!tpu.dma_semaphore, #tpu.memory_space<semaphore_mem>>) src(%dma_wait3A_489 : memref<8x128xf32, #tpu.memory_space<vmem>>) dst(%dma_wait3A_486 : memref<8x128xf32, #tpu.memory_space<hbm>>)
    %dma_wait3A_490 = arith.constant 0 : i32
    %dma_wait3A_491 = arith.constant 7 : i32
    %dma_wait3A_492 = arith.constant 56 : i32
    %dma_wait3A_493 = arith.constant 0 : i32
    %dma_wait3A_494 = tpu.memref_slice %arg11[%dma_wait3A_492, %dma_wait3A_493] : memref<64x128xf32, #tpu.memory_space<vmem>> -> memref<8x128xf32, #tpu.memory_space<vmem>>
    %dma_wait3A_495 = arith.constant 0 : i32
    %dma_wait3A_496 = arith.constant 0 : i32
    %dma_wait3A_497 = tpu.memref_slice %arg4[%dma_wait3A_490, %dma_wait3A_491, %add3A, %dma_wait3A_495, %dma_wait3A_496] : memref<200x8x32x8x128xf32, #tpu.memory_space<hbm>> -> memref<1x1x1x8x128xf32, #tpu.memory_space<hbm>>
    %dma_wait3A_498 = tpu.memref_squeeze %dma_wait3A_497 : memref<1x1x1x8x128xf32, #tpu.memory_space<hbm>> -> memref<8x128xf32, #tpu.memory_space<hbm>>
    %dma_wait3A_499 = arith.constant 0 : i32
    %dma_wait3A_500 = arith.constant 0 : i32
    %dma_wait3A_501 = tpu.memref_slice %arg4[%dma_wait3A_490, %dma_wait3A_491, %add3A, %dma_wait3A_499, %dma_wait3A_500] : memref<200x8x32x8x128xf32, #tpu.memory_space<hbm>> -> memref<1x1x1x8x128xf32, #tpu.memory_space<hbm>>
    %dma_wait3A_502 = tpu.memref_squeeze %dma_wait3A_501 : memref<1x1x1x8x128xf32, #tpu.memory_space<hbm>> -> memref<8x128xf32, #tpu.memory_space<hbm>>
    %dma_wait3A_503 = arith.constant 56 : i32
    %dma_wait3A_504 = arith.constant 0 : i32
    %dma_wait3A_505 = tpu.memref_slice %arg11[%dma_wait3A_503, %dma_wait3A_504] : memref<64x128xf32, #tpu.memory_space<vmem>> -> memref<8x128xf32, #tpu.memory_space<vmem>>
    tpu.wait_dma2 semaphore(%arg17 : memref<!tpu.dma_semaphore, #tpu.memory_space<semaphore_mem>>) src(%dma_wait3A_505 : memref<8x128xf32, #tpu.memory_space<vmem>>) dst(%dma_wait3A_502 : memref<8x128xf32, #tpu.memory_space<hbm>>)
    return
  }
}

</mosaic_0001>

<sc_bundles>
// kernel: kernel.3.cloned.1.call-start
scs
__scs_entry_jumppad:
0x0: {  	(pc) =	sbr.rel $0x88, $3  }
0x1: {  	(tag) =	ssettag $0x0;
	lr =	simm.s32 $0x1  }
0x2: {  	[smem:$0x3F9F] =	sst lr;
	_ =	strace $0xD0000000  }
0x3: {  	_ = 	snop  }
0x4: {  	_ = 	snop  }
0x5: {  	_ = 	snop  }
0x6: {  	_ = 	snop  }
0x7: {  	_ = 	snop  }
__scs_overlays_trampoline_lowered:
0x8: {  	[smem:$0x3FAE] =	sst s0  }
0x9: {  	[smem:$0x3FAF] =	sst s1  }
0xa: {  	[smem:$0x3FB0] =	sst s2  }
0xb: {  	[smem:$0x3FB1] =	sst s3  }
0xc: {  	[smem:$0x3FB2] =	sst s4  }
0xd: {  	[smem:$0x3FB3] =	sst s5  }
0xe: {  	[smem:$0x3FB4] =	sst s6  }
0xf: {  	[smem:$0x3FB5] =	sst s7  }
0x10: {  	[smem:$0x3FB6] =	sst s8  }
0x11: {  	[smem:$0x3FB7] =	sst s9;
	s0 =	simm.s32 @!p0 $0x0  }
0x12: {  	s1 =	sld [smem:$0x3F9D];
	s0 =	simm.s32 @p0 $0x1  }
0x13: {  	[smem:$0x3FB8] =	sst s0;
	s0 =	simm.s32 @!p1 $0x0  }
0x14: {  	s2 =	sld [smem:$0x3F9C];
	s0 =	simm.s32 @p1 $0x1  }
0x15: {  	[smem:$0x3FB9] =	sst s0;
	s0 =	simm.s32 @!p2 $0x0  }
0x16: {  	s3 =	sld [smem:$0x3FDB];
	s0 =	simm.s32 @p2 $0x1  }
0x17: {  	s4 =	simm.s32 $0x1BF5;
	[smem:$0x3FBB] =	sst s0  }
0x18: {  	s0 =	sld [smem:$0x3F9E];
	_ =	swait.ge [sflag:s4], $0x0  }
0x19: {  	s7 =	sld [smem:$0x3F9F]  }
0x1a: {  	s8 =	sadd.s32 $0xFFFFE003, lr  }
0x1b: {  	s9 =	sadd.s32 $0xFFFFFEF7, lr;
	s5 =	simm.s32 $0xFFFFFFFF;
	p2 =	slt.u32 s8, $0xFFFFF086  }
0x1c: {  	p1 =	slt.u32 s9, $0xF7A;
	s5 =	simm.s32 @!p2 $0x0  }
0x1d: {  	s5 =	simm.s32 @p1 $0x1;
	p0 =	seq.s32 s7, s2  }
0x1e: {  	s7 =	smul.u32 @!p0 $0xF7A, s2;
	p2 =	seq.s32 @!p0 s5, $0x0  }
0x1f: {  	s9 =	smul.u32 $0xF7A, s1;
	s8 =	simm.s32 @!p0 $0x1BF5;
	p2 =	por !p2, p0  }
0x20: {  	[sflag:s8] =	ssyncset.s32 @!p0 $0xFFFFF086;
	s6 =	sadd.s32 @!p0 s3, s7;
	s7 =	simm.s32 @!p0 $0x108  }
0x21: {  	s3 =	sadd.s32 s3, s9;
	s6 =	sadd.s32 @!p0 $0x88, s6;
	s7 =	simm.s32 @p2 $0x1082  }
0x22: {  	[simem:s7], [sflag:s8] =	dma.local @!p0 [hbm:s6], $0xF7A  }
0x23: {  	s9 =	sor.u32 $0xD0000000, s2;
	s6 =	simm.s32 $0x108;
	_ =	swait.ge @!p0 [sflag:s8], $0x0  }
0x24: {  	s3 =	sadd.s32 $0x88, s3;
	s6 =	simm.s32 @!p1 $0x1082;
	[sflag:s4] =	ssyncset.s32 $0xFFFFF086  }
0x25: {  	[simem:s6], [sflag:s4] =	dma.local [hbm:s3], $0xF7A  }
0x26: {  	[smem:$0x3F9F] =	sst s1;
	(tag) =	ssettag s2;
	_ =	strace s9  }
0x27: {  	s1 =	sld [smem:$0x3FAF]  }
0x28: {  	s2 =	sld [smem:$0x3FB0]  }
0x29: {  	s4 =	sld [smem:$0x3FB2]  }
0x2a: {  	p0 =	seq.s32 s5, $0x0;
	s5 =	sld [smem:$0x3FB3]  }
0x2b: {  	s6 =	sld [smem:$0x3FB4]  }
0x2c: {  	s7 =	sld [smem:$0x3FB5]  }
0x2d: {  	s3 =	simm.s32 $0x108;
	s8 =	sld [smem:$0x3FB6]  }
0x2e: {  	s3 =	simm.s32 @!p0 $0x1082;
	s9 =	sld [smem:$0x3FB7]  }
0x2f: {  	lr =	sadd.s32 s0, s3;
	s0 =	sld [smem:$0x3FAE]  }
0x30: {  	s3 =	sld [smem:$0x3FB1]  }
0x31: {  	[smem:$0x3FBA] =	sst s10  }
0x32: {  	s10 =	sld [smem:$0x3FB8];
	_ =	sdelay $0x3  }
0x33: {  	p0 =	seq.s32 s10, $0x1;
	s10 =	sld [smem:$0x3FBA];
	_ =	sdelay $0x3  }
0x34: {  	[smem:$0x3FBA] =	sst s10  }
0x35: {  	s10 =	sld [smem:$0x3FB9];
	_ =	sdelay $0x3  }
0x36: {  	p1 =	seq.s32 s10, $0x1;
	s10 =	sld [smem:$0x3FBA];
	_ =	sdelay $0x3  }
0x37: {  	[smem:$0x3FBA] =	sst s10  }
0x38: {  	s10 =	sld [smem:$0x3FBB]  }
0x39: {  	_ = 	snop;
	(pc) =	sbr.ind lr, $3  }
0x3a: {  	_ = 	snop  }
0x3b: {  	_ = 	snop  }
0x3c: {  	p2 =	seq.s32 s10, $0x1;
	s10 =	sld [smem:$0x3FBA]  }
0x3d: {  	_ =	shalt  }
0x3e: {  	_ =	shalt  }
0x3f: {  	_ =	shalt  }
0x40: {  	_ =	shalt  }
0x41: {  	_ =	shalt  }
0x42: {  	_ =	shalt  }
0x43: {  	_ =	shalt  }
0x44: {  	_ =	shalt  }
0x45: {  	_ =	shalt  }
0x46: {  	_ =	shalt  }
0x47: {  	_ =	shalt  }
0x48: {  	_ =	shalt  }
0x49: {  	_ =	shalt  }
0x4a: {  	_ =	shalt  }
0x4b: {  	_ =	shalt  }
0x4c: {  	_ =	shalt  }
0x4d: {  	_ =	shalt  }
0x4e: {  	_ =	shalt  }
0x4f: {  	_ =	shalt  }
0x50: {  	_ =	shalt  }
0x51: {  	_ =	shalt  }
0x52: {  	_ =	shalt  }
0x53: {  	_ =	shalt  }
0x54: {  	_ =	shalt  }
0x55: {  	_ =	shalt  }
0x56: {  	_ =	shalt  }
0x57: {  	_ =	shalt  }
0x58: {  	_ =	shalt  }
0x59: {  	_ =	shalt  }
0x5a: {  	_ =	shalt  }
0x5b: {  	_ =	shalt  }
0x5c: {  	_ =	shalt  }
0x5d: {  	_ =	shalt  }
0x5e: {  	_ =	shalt  }
0x5f: {  	_ =	shalt  }
0x60: {  	_ =	shalt  }
0x61: {  	_ =	shalt  }
0x62: {  	_ =	shalt  }
0x63: {  	_ =	shalt  }
0x64: {  	_ =	shalt  }
0x65: {  	_ =	shalt  }
0x66: {  	_ =	shalt  }
0x67: {  	_ =	shalt  }
0x68: {  	_ =	shalt  }
0x69: {  	_ =	shalt  }
0x6a: {  	_ =	shalt  }
0x6b: {  	_ =	shalt  }
0x6c: {  	_ =	shalt  }
0x6d: {  	_ =	shalt  }
0x6e: {  	_ =	shalt  }
0x6f: {  	_ =	shalt  }
0x70: {  	_ =	shalt  }
0x71: {  	_ =	shalt  }
0x72: {  	_ =	shalt  }
0x73: {  	_ =	shalt  }
0x74: {  	_ =	shalt  }
0x75: {  	_ =	shalt  }
0x76: {  	_ =	shalt  }
0x77: {  	_ =	shalt  }
0x78: {  	_ =	shalt  }
0x79: {  	_ =	shalt  }
0x7a: {  	_ =	shalt  }
0x7b: {  	_ =	shalt  }
0x7c: {  	_ =	shalt  }
0x7d: {  	_ =	shalt  }
0x7e: {  	_ =	shalt  }
0x7f: {  	_ =	shalt  }
0x80: {  	_ =	shalt  }
0x81: {  	_ =	shalt  }
0x82: {  	_ =	shalt  }
0x83: {  	_ =	shalt  }
0x84: {  	_ =	shalt  }
0x85: {  	_ =	shalt  }
0x86: {  	_ =	shalt  }
0x87: {  	_ =	shalt  }
.Lfunc_end0:
.L_simem_size_0:
called_computation.1_lowered:
.L_overlay_start_0:
0x88: {  	s2 =	sld [smem:$0x3FD9]  }
0x89: {  	s3 =	sld [smem:$0x3FFE];
	_ =	sdelay $0x1  }
0x8a: {  	s1 =	srdreg.scid  }
0x8b: {  	s0 =	sand.u32 $0x1, s1  }
0x8c: {  	s17 =	sshll.u32 s0, $0xA;
	s2 =	sadd.s32 s3, s2  }
0x8d: {  	s2 =	sadd.s32 s2, s17  }
0x8e: {  	[smem:$0x3FC6] =	sst s2  }
0x8f: {  	_ = 	snop  }
0x90: {  	s2 =	sld [smem:$0x3FD0];
	(tm) =	ssettm $0x1  }
0x91: {  	s18 =	sld [smem:$0x3FFB];
	_ =	sdelay $0x3  }
0x92: {  	_ =	strace s18  }
0x93: {  	s3 =	sld [smem:$0x3FFC];
	_ =	sdelay $0x3  }
0x94: {  	_ =	strace s3  }
0x95: {  	s3 =	sld [smem:$0x3FFD];
	_ =	sdelay $0x3  }
0x96: {  	_ =	strace s3  }
0x97: {  	_ =	strace $0x8FFFFFFF  }
0x98: {  	s19 =	sld [smem:$0x3FDB];
	_ =	sdelay $0x1  }
0x99: {  	s4 =	simm.s32 $_scs_section_size  }
0x9a: {  	s5 =	simm.s32 $_size__tile_overlayer_lowered;
	s6 =	simm.s32 $_tile_overlayer_lowered  }
0x9b: {  	s22 =	simm.s32 $0x1BFF;
	s21 =	sshll.u32 s6, $0x1;
	s3 =	sadd.s32 s4, s19  }
0x9c: {  	s7 =	simm.s32 $0x0;
	s20 =	sshll.u32 s5, $0x1;
	s5 =	sadd.s32 s21, s3  }
0x9d: {  	[timem:s7], [sflag:s22] =	dma.local [hbm:s5], s20  }
0x9e: {  	_ =	swait.ge [sflag:s22], s20  }
0x9f: {  	s4 =	ssub.s32 $0x0, s20;
	[sflag:s22] =	ssyncset.done $0x0  }
0xa0: {  	[sflag:s22] =	ssyncadd.s32 s4;
	_ =	sdelay $0x1  }
0xa1: {  	s23 =	simm.s32 $0x1B8B  }
0xa2: {  	_ =	swait.ge [sflag:s23], $0x1  }
0xa3: {  	[sflag:s23] =	ssyncset.done $0x0  }
0xa4: {  	s25 =	simm.s32 $0x1B8E;
	s24 =	sld [smem:$0x3FFE];
	[sflag:s23] =	ssyncadd.s32 $0xFFFFFFFF  }
0xa5: {  	s26 =	simm.s32 $execute0_lowered;
	[smem:$0x3FD2] =	sst s25  }
0xa6: {  	s5 =	sshll.u32 s26, $0x1;
	_ =	strace $0x80000049;
	[dreg:$0x1] =	wrdreg $0xFFFFFFFF  }
0xa7: {  	s28 =	simm.s32 $_size_execute0_lowered;
	s3 =	sadd.s32 s3, s5;
	[dreg:$0x0] =	wrdreg $0x0  }
0xa8: {  	s5 =	sshll.u32 s28, $0x1;
	[dreg:$0x2] =	wrdreg s3  }
0xa9: {  	[dreg:$0x3] =	wrdreg s5  }
0xaa: {  	[dreg:$0x4] =	wrdreg $0xC0  }
0xab: {  	_ =	task [dreg:s7], $0x5FFFF  }
0xac: {  	[dreg:$0x1] =	wrdreg $0xFFFFFFFF  }
0xad: {  	[dreg:$0x0] =	wrdreg $0x60  }
0xae: {  	[dreg:$0x2] =	wrdreg s24  }
0xaf: {  	[dreg:$0x3] =	wrdreg s2  }
0xb0: {  	[dreg:$0x4] =	wrdreg $0x9  }
0xb1: {  	_ =	task.clear_ibuf [dreg:s7], $0x5FFFF;
	_ =	strace $0x90000049  }
0xb2: {  	s29 =	simm.s32 $0x9;
	_ =	strace $0x8000004B  }
0xb3: {  	_ =	swait.ge [sflag:s29], $0x1  }
0xb4: {  	[sflag:s29] =	ssyncadd.s32 $0xFFFFFFFF  }
0xb5: {  	_ =	strace $0x9000004B  }
0xb6: {  	_ =	sfence  }
0xb7: {  	s30 =	sld [smem:$0x0];
	_ =	sdelay $0x2  }
0xb8: {  	s31 =	sshll.u32 s1, $0xD;
	s1 =	sshrl.u32 s1, $0x2  }
0xb9: {  	s3 =	sand.u32 $0x4000, s31;
	s1 =	sadd.s32 s1, s30  }
0xba: {  	s0 =	sor.u32 s3, s0;
	s1 =	sshll.u32 s1, $0x11  }
0xbb: {  	s0 =	sor.u32 s1, s0  }
0xbc: {  	s0 =	sadd.s32 $0x8F2B, s0  }
0xbd: {  	[sflag:s0] =	ssyncadd.remote.s32 $0x1  }
0xbe: {  	_ =	sfence.sel $0xFFFF  }
0xbf: {  	[dreg:$0x0] =	wrdreg $0xFFFFFFFF;
	(pc) =	sbr.abs _section_cstart, $3  }
0xc0: {  	[dreg:$0x1] =	wrdreg $0xFFFFFFFF  }
0xc1: {  	_ =	task.clear_ibuf [dreg:s7], $0x2FFFF;
	_ =	strace $0x9FFFFFFF  }
0xc2: {  	(tm) =	ssettm $0x7FFFFFFF  }
0xc3: {  	_ =	shalt  }
tec
execute0_lowered:
.L_overlay_start_1:
0x0: {  	(tag) =	ssettag $0x1  }
0x1: {  	v0 =	vimm.s32 $0xFEDCBA9;
	v1 =	vimm.s32 $0x87654321  }
0x2: {  	v3 =	vimm.s32 $0x10FEDCBA;
	v4 =	vimm.s32 $0x98765432;
	v5 =	vimm.s32 $0x383F3E3D  }
0x3: {  	vm0 =	vcmask $0x1F10;
	v6 =	vimm.s32 $0xA9876543;
	v9 =	vimm.s32 $0x39383F3E  }
0x4: {  	v23 =	vimm.s32 $0xCBA98765;
	v24 =	vimm.s32 $0x3B3A3938;
	v28 =	vimm.s32 $0xFEDCBA98  }
0x5: {  	v29 =	vimm.s32 $0x76543210;
	v0 =	vunpack.c.l.s4.s8 v0;
	v1 =	vunpack.c.l.s4.s8 v1  }
0x6: {  	v3 =	vunpack.c.l.s4.s8 v3;
	v4 =	vunpack.c.l.s4.s8 v4;
	v11 =	vunpack.c.0.s8.s32 v5  }
0x7: {  	v6 =	vunpack.c.l.s4.s8 v6;
	v13 =	vunpack.c.0.s8.s32 v9;
	v23 =	vunpack.c.l.s4.s8 v23  }
0x8: {  	v24 =	vunpack.c.0.s8.s32 v24;
	v28 =	vunpack.c.l.s4.s8 v28;
	v16 =	vunpack.c.0.s8.s32 v0  }
0x9: {  	v17 =	vunpack.c.0.s8.s32 v1;
	v0 =	vlaneseq.u32;
	v18 =	vunpack.c.0.s8.s32 v3  }
0xa: {  	v3 =	vunpack.c.0.s8.s32 v4;
	v4 =	vimm.s32 $0x210FEDCB;
	v20 =	vunpack.c.0.s8.s32 v6  }
0xb: {  	v6 =	vimm.s32 $0x3E3D3C3B;
	v23 =	vunpack.c.0.s8.s32 v23;
	v34 =	vor.u32 $0x38, v0  }
0xc: {  	v32 =	vor.u32 $0x48, v0;
	v8 =	vunpack.c.l.s4.s8 v4;
	v14 =	vunpack.c.0.s8.s32 v6  }
0xd: {  	v6 =	vimm.s32 $0x3A39383F;
	v2 =	vcombine.low v17, v16;
	v5 =	vcombine.low v3, v18  }
0xe: {  	v15 =	vunpack.c.0.s8.s32 v6;
	v6 =	vimm.s32 $0x3210FEDC;
	v3 =	vcombine.low v18, v3  }
0xf: {  	s0 =	srdreg.scid;
	s2 =	stileid.u32;
	v19 =	vunpack.c.0.s8.s32 v8;
	v8 =	vimm.s32 $0xBA987654;
	v10 =	vunpack.c.l.s4.s8 v6  }
0x10: {  	s0 =	sand.u32 $0x1, s0;
	s3 =	sshll.u32 s2, $0x1;
	v57 =	vand.u32 $0xF, v2;
	v2 =	vimm.s32 $0x3C3B3A39;
	v5 =	vand.u32 $0xF, v5  }
0x11: {  	s1 =	rddreg [dreg:$0x0];
	s5 =	sor.u32 s0, s3;
	s3 =	simm.s32 $0x0;
	v21 =	vunpack.c.l.s4.s8 v8;
	v8 =	vsel vm0, v15, v14;
	v14 =	vsel vm0, v14, v15  }
0x12: {  	[smem:$0x7FF] =	sst s3;
	v15 =	vunpack.c.0.s8.s32 v28;
	v3 =	vand.u32 $0xF, v3;
	v2 =	vunpack.c.0.s8.s32 v2  }
0x13: {  	s2 =	rddreg [dreg:$0x1];
	_ =	strace $0x8000004A;
	[tilespmem:$0x1FEE0] =	vst v34;
	v62 =	vcombine.low v8, v8;
	v22 =	vunpack.c.0.s8.s32 v10;
	v10 =	vimm.s32 $0x43210FED  }
0x14: {  	[tilespmem:$0x1FF00] =	vst v32;
	v21 =	vunpack.c.0.s8.s32 v21;
	v10 =	vunpack.c.l.s4.s8 v10;
	v7 =	vsel vm0, v11, v2  }
0x15: {  	[tilespmem:$0x1FEA0] =	vst v3;
	v2 =	vsel vm0, v2, v11;
	v4 =	vcombine.low v7, v7;
	v7 =	vimm.s32 $0x3D3C3B3A  }
0x16: {  	[tilespmem:$0x1FF10] =	vst v5;
	v25 =	vcombine.low v21, v22;
	v27 =	vunpack.c.0.s8.s32 v10;
	v8 =	vcombine.low v22, v21  }
0x17: {  	[tilespmem:$0x1FFD0] =	vst v57;
	v11 =	vcombine.low v2, v2;
	v12 =	vunpack.c.0.s8.s32 v7;
	v7 =	vcombine.low v20, v19  }
0x18: {  	[tilespmem:$0x1FF60] =	vst v62;
	v10 =	vimm.s32 $0x543210FE;
	v20 =	vcombine.low v19, v20;
	v58 =	vand.u32 $0xF, v8  }
0x19: {  	[tilespmem:$0x1FF40] =	vst v11;
	v9 =	vsel vm0, v13, v12;
	v51 =	vand.u32 $0xF, v7;
	v12 =	vsel vm0, v12, v13  }
0x1a: {  	v13 =	vimm.s32 $0x6543210F;
	[tilespmem:$0x1FFE0] =	vst v58;
	v6 =	vcombine.low v9, v9;
	v9 =	vimm.s32 $0x3F3E3D3C  }
0x1b: {  	v7 =	vand.u32 $0xF, v20;
	v13 =	vunpack.c.l.s4.s8 v13;
	[tilespmem:$0x1FEC0] =	vst v51;
	v26 =	vunpack.c.0.s8.s32 v9  }
0x1c: {  	v1 =	vand.u32 $0xF, v25;
	v25 =	vunpack.c.l.s4.s8 v10;
	v12 =	vcombine.low v12, v12;
	[tilespmem:$0x1FFB0] =	vst v7  }
0x1d: {  	v22 =	vcombine.low v27, v23;
	v30 =	vunpack.c.0.s8.s32 v13;
	[tilespmem:$0x1FF20] =	vst v6;
	v24 =	vsel vm0, v24, v26  }
0x1e: {  	v13 =	vunpack.c.l.s4.s8 v29;
	[tilespmem:$0x1FF50] =	vst v12;
	v63 =	vcombine.low v24, v24;
	v24 =	vcombine.low v23, v27;
	v23 =	vmovc v4  }
0x1f: {  	v2 =	vunpack.c.0.s8.s32 v25;
	v4 =	vand.u32 $0xF, v22;
	v22 =	vor.u32 $0x68, v0;
	[tilespmem:$0x1FEF0] =	vst v23  }
0x20: {  	v25 =	vimm.s32 $0xDCBA9876;
	v29 =	vunpack.c.0.s8.s32 v13;
	v13 =	vcombine.low v14, v14;
	[tilespmem:$0x1FFA0] =	vst v22  }
0x21: {  	v25 =	vunpack.c.l.s4.s8 v25;
	v26 =	vimm.s32 $0xEDCBA987;
	[tilespmem:$0x1FFF0] =	vst v4  }
0x22: {  	s19 =	simm.s32 $0x6400;
	s20 =	simm.s32 $0x8400;
	v15 =	vand.u32 $0xF, v15;
	v26 =	vunpack.c.l.s4.s8 v26;
	[tilespmem:$0x1FF30] =	vst v13  }
0x23: {  	s22 =	simm.s32 $0xA400;
	s23 =	simm.s32 $0x1;
	s24 =	simm.s32 $0xC400;
	v25 =	vunpack.c.0.s8.s32 v25;
	v9 =	vand.u32 $0xF, v24;
	[tilespmem:$0x1FF70] =	vst v63  }
0x24: {  	s21 =	simm.s32 $0x5;
	s16 =	simm.s32 $0x3;
	s17 =	simm.s32 $0x10400;
	v26 =	vunpack.c.0.s8.s32 v26;
	v24 =	vcombine.low v16, v17;
	v17 =	vor.u32 $0x78, v0;
	[tilespmem:$0x1FE50] =	vst v9  }
0x25: {  	s14 =	simm.s32 $0x0;
	s0 =	ssub.s32 $0x2, s0;
	s8 =	sadd.s32 $0x2000, s2;
	v61 =	vcombine.low v25, v2;
	v9 =	vcombine.low v15, v29;
	v15 =	vmov v1;
	[tilespmem:$0x1FED0] =	vst v17  }
0x26: {  	s9 =	sadd.s32 $0x3000, s2;
	s10 =	sadd.s32 $0x4000, s2;
	s11 =	sadd.s32 $0x5000, s2;
	v31 =	vcombine.low v26, v30;
	[tilespmem:$0x1FEB0] =	vst v15  }
0x27: {  	s4 =	smul.u32 $0xC80, s5;
	s7 =	sshrl.u32 s0, $0x1;
	s31 =	sshll.u32 s5, $0xA;
	[tilespmem:$0x1FE60] =	vst v9;
	v9 =	vand.u32 $0xF, v61  }
0x28: {  	s12 =	sadd.s32 $0x6000, s2;
	s0 =	ssub.s32 s0, s7;
	s5 =	sor.u32 $0x40000, s31;
	v2 =	vcombine.low v2, v25;
	[tilespmem:$0x1FE70] =	vst v9;
	v9 =	vand.u32 $0xF, v31  }
.Ltmp0:
0x29: {  	[dreg:$0x4] =	wrdreg s31;
	s6 =	sadd.s32 s4, s1;
	[tilespmem:$0x1FE80] =	vst v9;
	v9 =	vand.u32 $0xF, v24;
	v24 =	vcombine.low v30, v26;
	(pc) =	sbr.rel .LBB2_1-.Ltmp0, $4  }
0x2a: {  	s4 =	sadd.s32 $0xF5BE00, s1;
	[dreg:$0x5] =	wrdreg s5;
	s1 =	sor.u32 $0x80000, s31;
	[tilespmem:$0x1FE90] =	vst v9;
	v9 =	vand.u32 $0xF, v2  }
0x2b: {  	s13 =	sadd.s32 $0x7000, s2;
	s0 =	smax.u32 s0, $0x1;
	[dreg:$0x6] =	wrdreg s1;
	v16 =	vand.u32 $0xF, v24;
	[tilespmem:$0x1FF90] =	vst v9  }
0x2c: {  	s7 =	sadd.s32 $0x1000, s2;
	s30 =	sadd.s32 $0xF42E00, s6;
	[dreg:$0x7] =	wrdreg s0;
	v24 =	vor.u32 $0x58, v0;
	[tilespmem:$0x1FF80] =	vst v16  }
0x2d: {  	s5 =	simm.s32 $0xE400;
	s0 =	simm.s32 $0x2;
	[dreg:$0x3] =	wrdreg s30;
	v18 =	vmov v5;
	v14 =	vmov v32;
	v1 =	vmov v34;
	[tilespmem:$0x1FFC0] =	vst v24  }
.LBB2_14:
0x2e: {  	s1 =	simm.s32 $0x4  }
0x2f: {  	_ =	swait.ge [sflag:s1], $0x400  }
0x30: {  	[sflag:s1] =	ssyncset.done $0x0  }
0x31: {  	[sflag:s1] =	ssyncadd.s32 $0xFFFFFC00  }
0x32: {  	_ =	swait.ge [sflag:s1], $0x400  }
0x33: {  	[sflag:s1] =	ssyncset.done $0x0  }
0x34: {  	[sflag:s1] =	ssyncadd.s32 $0xFFFFFC00  }
0x35: {  	_ =	swait.ge [sflag:s1], $0x400  }
0x36: {  	[sflag:s1] =	ssyncset.done $0x0  }
0x37: {  	[sflag:s1] =	ssyncadd.s32 $0xFFFFFC00  }
0x38: {  	_ =	swait.ge [sflag:s1], $0x400  }
0x39: {  	[sflag:s1] =	ssyncset.done $0x0  }
0x3a: {  	[sflag:s1] =	ssyncadd.s32 $0xFFFFFC00  }
0x3b: {  	_ =	swait.ge [sflag:s1], $0x400  }
0x3c: {  	[sflag:s1] =	ssyncset.done $0x0  }
0x3d: {  	[sflag:s1] =	ssyncadd.s32 $0xFFFFFC00  }
0x3e: {  	_ =	swait.ge [sflag:s1], $0x400  }
0x3f: {  	[sflag:s1] =	ssyncset.done $0x0  }
0x40: {  	[sflag:s1] =	ssyncadd.s32 $0xFFFFFC00  }
0x41: {  	_ =	swait.ge [sflag:s1], $0x400  }
0x42: {  	[sflag:s1] =	ssyncset.done $0x0  }
0x43: {  	[sflag:s1] =	ssyncadd.s32 $0xFFFFFC00  }
0x44: {  	_ =	swait.ge [sflag:s1], $0x400  }
0x45: {  	[sflag:s1] =	ssyncset.done $0x0  }
0x46: {  	[sflag:s1] =	ssyncadd.s32 $0xFFFFFC00  }
0x47: {  	_ =	swait.ge [sflag:s21], $0x400  }
0x48: {  	[sflag:s21] =	ssyncset.done $0x0  }
0x49: {  	[sflag:s21] =	ssyncadd.s32 $0xFFFFFC00  }
0x4a: {  	_ =	swait.ge [sflag:s21], $0x400  }
0x4b: {  	[sflag:s21] =	ssyncset.done $0x0  }
0x4c: {  	[sflag:s21] =	ssyncadd.s32 $0xFFFFFC00  }
0x4d: {  	_ =	swait.ge [sflag:s21], $0x400  }
0x4e: {  	[sflag:s21] =	ssyncset.done $0x0  }
0x4f: {  	[sflag:s21] =	ssyncadd.s32 $0xFFFFFC00  }
0x50: {  	_ =	swait.ge [sflag:s21], $0x400  }
0x51: {  	[sflag:s21] =	ssyncset.done $0x0  }
0x52: {  	[sflag:s21] =	ssyncadd.s32 $0xFFFFFC00  }
0x53: {  	_ =	swait.ge [sflag:s21], $0x400  }
0x54: {  	[sflag:s21] =	ssyncset.done $0x0  }
0x55: {  	[sflag:s21] =	ssyncadd.s32 $0xFFFFFC00  }
0x56: {  	_ =	swait.ge [sflag:s21], $0x400  }
0x57: {  	[sflag:s21] =	ssyncset.done $0x0  }
0x58: {  	[sflag:s21] =	ssyncadd.s32 $0xFFFFFC00  }
0x59: {  	_ =	swait.ge [sflag:s21], $0x400  }
0x5a: {  	[sflag:s21] =	ssyncset.done $0x0  }
0x5b: {  	[sflag:s21] =	ssyncadd.s32 $0xFFFFFC00  }
0x5c: {  	_ =	swait.ge [sflag:s21], $0x400  }
0x5d: {  	[sflag:s21] =	ssyncset.done $0x0  }
0x5e: {  	s6 =	simm.s32 $0x6;
	[sflag:s21] =	ssyncadd.s32 $0xFFFFFC00  }
0x5f: {  	_ =	swait.ge [sflag:s6], $0x400  }
0x60: {  	[sflag:s6] =	ssyncset.done $0x0  }
0x61: {  	[sflag:s6] =	ssyncadd.s32 $0xFFFFFC00  }
0x62: {  	_ =	swait.ge [sflag:s6], $0x400  }
0x63: {  	[sflag:s6] =	ssyncset.done $0x0  }
0x64: {  	[sflag:s6] =	ssyncadd.s32 $0xFFFFFC00  }
0x65: {  	_ =	swait.ge [sflag:s6], $0x400  }
0x66: {  	[sflag:s6] =	ssyncset.done $0x0  }
0x67: {  	[sflag:s6] =	ssyncadd.s32 $0xFFFFFC00  }
0x68: {  	_ =	swait.ge [sflag:s6], $0x400  }
0x69: {  	[sflag:s6] =	ssyncset.done $0x0  }
0x6a: {  	[sflag:s6] =	ssyncadd.s32 $0xFFFFFC00  }
0x6b: {  	_ =	swait.ge [sflag:s6], $0x400  }
0x6c: {  	[sflag:s6] =	ssyncset.done $0x0  }
0x6d: {  	[sflag:s6] =	ssyncadd.s32 $0xFFFFFC00  }
0x6e: {  	_ =	swait.ge [sflag:s6], $0x400  }
0x6f: {  	[sflag:s6] =	ssyncset.done $0x0  }
0x70: {  	[sflag:s6] =	ssyncadd.s32 $0xFFFFFC00  }
0x71: {  	_ =	swait.ge [sflag:s6], $0x400  }
0x72: {  	[sflag:s6] =	ssyncset.done $0x0  }
0x73: {  	[sflag:s6] =	ssyncadd.s32 $0xFFFFFC00  }
0x74: {  	_ =	swait.ge [sflag:s6], $0x400  }
0x75: {  	s14 =	rddreg [dreg:$0x8]  }
0x76: {  	s31 =	rddreg [dreg:$0x7];
	s14 =	sadd.s32 $0x1, s14  }
0x77: {  	p0 =	sne.s32 s14, s31  }
.Ltmp1:
0x78: {  	_ = 	snop;
	(pc) =	sbr.rel @!p0 .LBB2_15-.Ltmp1, $3  }
0x79: {  	_ =	sdelay $0x1  }
0x7a: {  	[sflag:s6] =	ssyncset.done $0x0  }
0x7b: {  	[sflag:s6] =	ssyncadd.s32 $0xFFFFFC00  }
.LBB2_1:
0x7c: {  	[dreg:$0x8] =	wrdreg s14  }
0x7d: {  	s1 =	rddreg [dreg:$0x3];
	s30 =	simm.s32 $0x7  }
0x7e: {  	[tilespmem:s3], [sflag:$0x7] =	stream.linear.gather [hbm4b:s1+s3], $0x6400, $0x38;
	[tilespmem:$0x12400] =	vst v63  }
0x7f: {  	_ =	swait.ge [sflag:s30], $0x6400  }
0x80: {  	[sflag:s30] =	ssyncset.done $0x0  }
0x81: {  	s31 =	simm.s32 $0x80;
	[sflag:s30] =	ssyncadd.s32 $0xFFFF9C00  }
0x82: {  	[tilespmem:s19], [sflag:$0x1] =	stream.indirect.gather [hbm4b:s4+s31], $0x40, s3, s31, $0xb8;
	[tilespmem:$0x12400] =	vst v63  }
0x83: {  	_ = 	snop  }
0x84: {  	[tilespmem:s20], [sflag:$0x2] =	stream.indirect.gather [hbm4b:s4+s31], $0x40, s31, s31, $0xb8;
	[tilespmem:$0x12400] =	vst v63  }
0x85: {  	s6 =	simm.s32 $0x100;
	s25 =	simm.s32 $0x0  }
0x86: {  	[tilespmem:s22], [sflag:$0x3] =	stream.indirect.gather [hbm4b:s4+s31], $0x40, s6, s31, $0xb8;
	[tilespmem:$0x12400] =	vst v63  }
.LBB2_2:
0x87: {  	_ =	swait.ge [sflag:s23], $0x2000  }
0x88: {  	p0 =	seq.s32 s25, $0x0;
	[sflag:s23] =	ssyncset.done $0x0  }
0x89: {  	s18 =	simm.s32 @!p0 $0x4;
	[sflag:s23] =	ssyncadd.s32 $0xFFFFE000  }
0x8a: {  	_ =	swait.ge @!p0 [sflag:s18], $0x400  }
0x8b: {  	[sflag:s18] =	ssyncset.done @!p0 $0x0  }
0x8c: {  	[sflag:s18] =	ssyncadd.s32 @!p0 $0xFFFFFC00  }
0x8d: {  	_ =	swait.ge @!p0 [sflag:s18], $0x400  }
0x8e: {  	[sflag:s18] =	ssyncset.done @!p0 $0x0  }
0x8f: {  	[sflag:s18] =	ssyncadd.s32 @!p0 $0xFFFFFC00  }
0x90: {  	_ =	swait.ge @!p0 [sflag:s18], $0x400  }
0x91: {  	[sflag:s18] =	ssyncset.done @!p0 $0x0  }
0x92: {  	[sflag:s18] =	ssyncadd.s32 @!p0 $0xFFFFFC00  }
0x93: {  	_ =	swait.ge @!p0 [sflag:s18], $0x400  }
0x94: {  	[sflag:s18] =	ssyncset.done @!p0 $0x0  }
0x95: {  	[sflag:s18] =	ssyncadd.s32 @!p0 $0xFFFFFC00  }
0x96: {  	_ =	swait.ge @!p0 [sflag:s18], $0x400  }
0x97: {  	[sflag:s18] =	ssyncset.done @!p0 $0x0  }
0x98: {  	s1 =	simm.s32 $0x0;
	[sflag:s18] =	ssyncadd.s32 @!p0 $0xFFFFFC00  }
0x99: {  	s26 =	sand.u32 $0x40, s1;
	_ =	swait.ge @!p0 [sflag:s18], $0x400  }
0x9a: {  	s1 =	sand.u32 $0x30, s1;
	s28 =	sor.u32 $0x30, s26;
	[sflag:s18] =	ssyncset.done @!p0 $0x0  }
0x9b: {  	v2 =	vor.u32 s1, v0;
	s29 =	sor.u32 $0x10, s26;
	v3 =	vor.u32 s28, v0;
	[sflag:s18] =	ssyncadd.s32 @!p0 $0xFFFFFC00  }
0x9c: {  	s28 =	sor.u32 $0x20, s26;
	v29 =	vand.u32 v1, v2;
	v31 =	vor.u32 s29, v0;
	v35 =	vshll.u32 v3, $0x6;
	_ =	swait.ge @!p0 [sflag:s18], $0x400  }
0x9d: {  	v52 =	vshll.u32 v31, $0x6;
	v32 =	vor.u32 s28, v0;
	v36 =	vor.u32 v35, v29;
	[sflag:s18] =	ssyncset.done @!p0 $0x0  }
0x9e: {  	v37 =	vor.u32 s26, v0;
	v38 =	vor.u32 v52, v29;
	v25 =	vshll.u32 v32, $0x6;
	[sflag:s18] =	ssyncadd.s32 @!p0 $0xFFFFFC00  }
0x9f: {  	v26 =	vshll.u32 v37, $0x6;
	v39 =	vor.u32 v25, v29;
	_ =	swait.ge @!p0 [sflag:s18], $0x400  }
0xa0: {  	v40 =	vor.u32 v26, v29;
	[sflag:s18] =	ssyncset.done @!p0 $0x0  }
0xa1: {  	v41 =	vor.u32 s1, v57;
	v2 =	vshll.u32 v2, $0x7;
	v34 =	vand.u32 v17, v3;
	[sflag:s18] =	ssyncadd.s32 @!p0 $0xFFFFFC00  }
0xa2: {  	v19 =	vand.u32 v23, v41;
	v55 =	vand.u32 v24, v31;
	v42 =	vor.u32 v2, v34;
	v3 =	vld.idx.msk [tilespmem:v36+s19+$0x0], $0xffff  }
0xa3: {  	v54 =	vand.u32 v22, v32;
	v43 =	vor.u32 v2, v55;
	v44 =	vor.u32 v35, v19;
	v38 =	vld.idx.msk [tilespmem:v38+s19+$0x0], $0xffff  }
0xa4: {  	v27 =	vand.u32 v14, v37;
	v33 =	vor.u32 v52, v19;
	v45 =	vor.u32 v2, v54;
	v32 =	vld.idx.msk [tilespmem:v39+s19+$0x0], $0xffff  }
0xa5: {  	v2 =	vor.u32 v2, v27;
	v46 =	vor.u32 v25, v19;
	v40 =	vld.idx.msk [tilespmem:v40+s19+$0x0], $0xffff;
	_ =	sdelay $0x1  }
0xa6: {  	v48 =	vor.u32 s1, v18;
	v36 =	vor.u32 v26, v19;
	[tilespmem:v42+s24+$0x0] =	vst.idx.msk $0xffff, v3;
	v3 =	vshll.u32 v41, $0x7  }
0xa7: {  	v50 =	vand.u32 v6, v48;
	[tilespmem:v43+s24+$0x0] =	vst.idx.msk $0xffff, v38;
	v49 =	vld.idx.msk [tilespmem:v44+s19+$0x0], $0xffff;
	v53 =	vor.u32 v3, v34  }
0xa8: {  	v59 =	vor.u32 v35, v50;
	[tilespmem:v45+s24+$0x0] =	vst.idx.msk $0xffff, v32;
	v39 =	vld.idx.msk [tilespmem:v33+s19+$0x0], $0xffff;
	v56 =	vor.u32 v3, v55  }
0xa9: {  	v60 =	vor.u32 v52, v50;
	[tilespmem:v2+s24+$0x0] =	vst.idx.msk $0xffff, v40;
	v2 =	vld.idx.msk [tilespmem:v46+s19+$0x0], $0xffff;
	v61 =	vor.u32 v3, v54;
	_ =	sdelay $0x1  }
0xaa: {  	v19 =	vor.u32 v25, v50;
	v36 =	vld.idx.msk [tilespmem:v36+s19+$0x0], $0xffff;
	v3 =	vor.u32 v3, v27  }
0xab: {  	v42 =	vor.u32 v26, v50;
	v32 =	vshll.u32 v48, $0x7;
	v33 =	vor.u32 s1, v51;
	[tilespmem:v53+s24+$0x0] =	vst.idx.msk $0xffff, v49  }
0xac: {  	v50 =	vor.u32 v32, v34;
	[tilespmem:v56+s24+$0x0] =	vst.idx.msk $0xffff, v39;
	v49 =	vand.u32 v62, v33;
	v48 =	vld.idx.msk [tilespmem:v59+s19+$0x0], $0xffff  }
0xad: {  	[tilespmem:v61+s24+$0x0] =	vst.idx.msk $0xffff, v2;
	v2 =	vor.u32 v32, v55;
	v40 =	vld.idx.msk [tilespmem:v60+s19+$0x0], $0xffff;
	v53 =	vor.u32 v35, v49;
	_ =	sdelay $0x1  }
0xae: {  	[tilespmem:v3+s24+$0x0] =	vst.idx.msk $0xffff, v36;
	v3 =	vld.idx.msk [tilespmem:v19+s19+$0x0], $0xffff;
	v56 =	vor.u32 v52, v49;
	v59 =	vor.u32 v32, v54  }
0xaf: {  	v38 =	vor.u32 v32, v27;
	v61 =	vshll.u32 v33, $0x7  }
0xb0: {  	v42 =	vld.idx.msk [tilespmem:v42+s19+$0x0], $0xffff;
	v60 =	vor.u32 v25, v49;
	v39 =	vor.u32 v26, v49;
	[tilespmem:v50+s24+$0x0] =	vst.idx.msk $0xffff, v48  }
0xb1: {  	v19 =	vor.u32 s1, v15;
	v33 =	vor.u32 v61, v34;
	[tilespmem:v2+s24+$0x0] =	vst.idx.msk $0xffff, v40;
	v2 =	vld.idx.msk [tilespmem:v53+s19+$0x0], $0xffff  }
0xb2: {  	v32 =	vand.u32 v63, v19  }
0xb3: {  	[tilespmem:v59+s24+$0x0] =	vst.idx.msk $0xffff, v3;
	v3 =	vor.u32 v61, v55;
	v48 =	vor.u32 v35, v32;
	v36 =	vld.idx.msk [tilespmem:v56+s19+$0x0], $0xffff;
	_ =	sdelay $0x1  }
0xb4: {  	[tilespmem:v38+s24+$0x0] =	vst.idx.msk $0xffff, v42;
	v49 =	vld.idx.msk [tilespmem:v60+s19+$0x0], $0xffff  }
0xb5: {  	v53 =	vor.u32 v61, v54;
	v39 =	vld.idx.msk [tilespmem:v39+s19+$0x0], $0xffff;
	[tilespmem:v33+s24+$0x0] =	vst.idx.msk $0xffff, v2  }
0xb6: {  	v37 =	vor.u32 v61, v27;
	v2 =	vshll.u32 v19, $0x7;
	v8 =	vld [tilespmem:$0x1FE50]  }
0xb7: {  	[tilespmem:v3+s24+$0x0] =	vst.idx.msk $0xffff, v36;
	v3 =	vld.idx.msk [tilespmem:v48+s19+$0x0], $0xffff;
	v61 =	vor.u32 v2, v34;
	_ =	sdelay $0x2  }
0xb8: {  	v50 =	vor.u32 v52, v32;
	[tilespmem:v53+s24+$0x0] =	vst.idx.msk $0xffff, v49  }
0xb9: {  	v56 =	vor.u32 v25, v32;
	[tilespmem:v37+s24+$0x0] =	vst.idx.msk $0xffff, v39;
	v59 =	vor.u32 s1, v8  }
0xba: {  	v40 =	vor.u32 v26, v32;
	[tilespmem:v61+s24+$0x0] =	vst.idx.msk $0xffff, v3;
	v60 =	vand.u32 v11, v59  }
0xbb: {  	v5 =	vld [tilespmem:$0x1FE70];
	v33 =	vor.u32 v35, v60;
	_ =	sdelay $0x1  }
0xbc: {  	v32 =	vor.u32 v2, v55;
	v42 =	vld.idx.msk [tilespmem:v50+s19+$0x0], $0xffff  }
0xbd: {  	v48 =	vld.idx.msk [tilespmem:v56+s19+$0x0], $0xffff;
	v50 =	vor.u32 v2, v54;
	v49 =	vor.u32 v52, v60  }
0xbe: {  	v40 =	vld.idx.msk [tilespmem:v40+s19+$0x0], $0xffff;
	v2 =	vor.u32 v2, v27;
	v3 =	vshll.u32 v59, $0x7;
	v53 =	vor.u32 v25, v60  }
0xbf: {  	v36 =	vor.u32 v26, v60;
	v61 =	vor.u32 v3, v34;
	v56 =	vor.u32 s1, v5;
	v59 =	vld.idx.msk [tilespmem:v33+s19+$0x0], $0xffff  }
0xc0: {  	v60 =	vand.u32 v12, v56  }
0xc1: {  	[tilespmem:v32+s24+$0x0] =	vst.idx.msk $0xffff, v42;
	v33 =	vor.u32 v35, v60  }
0xc2: {  	[tilespmem:v50+s24+$0x0] =	vst.idx.msk $0xffff, v48;
	v39 =	vld.idx.msk [tilespmem:v49+s19+$0x0], $0xffff  }
0xc3: {  	[tilespmem:v2+s24+$0x0] =	vst.idx.msk $0xffff, v40;
	v32 =	vor.u32 v3, v55;
	v2 =	vld.idx.msk [tilespmem:v53+s19+$0x0], $0xffff  }
0xc4: {  	v49 =	vor.u32 v3, v54;
	v36 =	vld.idx.msk [tilespmem:v36+s19+$0x0], $0xffff;
	[tilespmem:v61+s24+$0x0] =	vst.idx.msk $0xffff, v59  }
0xc5: {  	v19 =	vmovc v22;
	v22 =	vmov v8;
	v3 =	vor.u32 v3, v27;
	v53 =	vshll.u32 v56, $0x7;
	v8 =	vld [tilespmem:$0x1FE80]  }
0xc6: {  	v48 =	vor.u32 v52, v60;
	v61 =	vor.u32 v53, v34;
	v59 =	vld.idx.msk [tilespmem:v33+s19+$0x0], $0xffff;
	_ =	sdelay $0x1  }
0xc7: {  	[tilespmem:v32+s24+$0x0] =	vst.idx.msk $0xffff, v39  }
0xc8: {  	v50 =	vor.u32 v25, v60;
	[tilespmem:v49+s24+$0x0] =	vst.idx.msk $0xffff, v2  }
0xc9: {  	v42 =	vor.u32 v26, v60;
	[tilespmem:v3+s24+$0x0] =	vst.idx.msk $0xffff, v36;
	v56 =	vor.u32 s1, v8  }
0xca: {  	v2 =	vor.u32 v53, v55;
	v40 =	vld.idx.msk [tilespmem:v48+s19+$0x0], $0xffff;
	[tilespmem:v61+s24+$0x0] =	vst.idx.msk $0xffff, v59;
	v60 =	vand.u32 v13, v56  }
0xcb: {  	v8 =	vld [tilespmem:$0x1FE60];
	v32 =	vor.u32 v35, v60;
	_ =	sdelay $0x1  }
0xcc: {  	v3 =	vld.idx.msk [tilespmem:v50+s19+$0x0], $0xffff;
	v48 =	vor.u32 v53, v54;
	v33 =	vor.u32 v52, v60  }
0xcd: {  	v38 =	vor.u32 v53, v27  }
0xce: {  	v42 =	vld.idx.msk [tilespmem:v42+s19+$0x0], $0xffff;
	v50 =	vshll.u32 v56, $0x7;
	[tilespmem:v2+s24+$0x0] =	vst.idx.msk $0xffff, v40;
	v49 =	vor.u32 v25, v60  }
0xcf: {  	v39 =	vor.u32 v26, v60;
	v59 =	vor.u32 v50, v34;
	v53 =	vor.u32 s1, v8;
	v2 =	vld.idx.msk [tilespmem:v32+s19+$0x0], $0xffff  }
0xd0: {  	v56 =	vand.u32 v1, v53  }
0xd1: {  	[tilespmem:v48+s24+$0x0] =	vst.idx.msk $0xffff, v3;
	v3 =	vor.u32 v50, v55;
	v36 =	vld.idx.msk [tilespmem:v33+s19+$0x0], $0xffff;
	v60 =	vor.u32 v35, v56;
	_ =	sdelay $0x1  }
0xd2: {  	[tilespmem:v38+s24+$0x0] =	vst.idx.msk $0xffff, v42;
	v61 =	vld.idx.msk [tilespmem:v49+s19+$0x0], $0xffff  }
0xd3: {  	v33 =	vor.u32 v50, v54;
	v39 =	vld.idx.msk [tilespmem:v39+s19+$0x0], $0xffff;
	[tilespmem:v59+s24+$0x0] =	vst.idx.msk $0xffff, v2  }
0xd4: {  	v37 =	vor.u32 v50, v27;
	v2 =	vshll.u32 v53, $0x7;
	v8 =	vld [tilespmem:$0x1FE90]  }
0xd5: {  	v32 =	vor.u32 v52, v56;
	[tilespmem:v3+s24+$0x0] =	vst.idx.msk $0xffff, v36;
	v3 =	vld.idx.msk [tilespmem:v60+s19+$0x0], $0xffff;
	v53 =	vor.u32 v2, v34;
	_ =	sdelay $0x2  }
0xd6: {  	v48 =	vor.u32 v25, v56;
	[tilespmem:v33+s24+$0x0] =	vst.idx.msk $0xffff, v61  }
0xd7: {  	v40 =	vor.u32 v26, v56;
	[tilespmem:v37+s24+$0x0] =	vst.idx.msk $0xffff, v39  }
0xd8: {  	v42 =	vld.idx.msk [tilespmem:v32+s19+$0x0], $0xffff;
	v49 =	vor.u32 s1, v8;
	[tilespmem:v53+s24+$0x0] =	vst.idx.msk $0xffff, v3  }
0xd9: {  	v56 =	vor.u32 v2, v55;
	v50 =	vand.u32 v23, v49;
	v8 =	vld [tilespmem:$0x1FEA0]  }
0xda: {  	v59 =	vor.u32 v35, v50  }
0xdb: {  	v61 =	vor.u32 v2, v54;
	v60 =	vld.idx.msk [tilespmem:v48+s19+$0x0], $0xffff  }
0xdc: {  	v2 =	vor.u32 v2, v27;
	v40 =	vld.idx.msk [tilespmem:v40+s19+$0x0], $0xffff  }
0xdd: {  	v32 =	vor.u32 v52, v50  }
0xde: {  	v3 =	vshll.u32 v49, $0x7;
	[tilespmem:v56+s24+$0x0] =	vst.idx.msk $0xffff, v42;
	v33 =	vor.u32 v25, v50;
	v48 =	vor.u32 s1, v8  }
0xdf: {  	s14 =	simm.s32 $0x8;
	v36 =	vor.u32 v26, v50;
	v53 =	vor.u32 v3, v34;
	v49 =	vld.idx.msk [tilespmem:v59+s19+$0x0], $0xffff;
	v50 =	vand.u32 v6, v48  }
0xe0: {  	s29 =	sand.u32 $0x30, s14;
	v46 =	vor.u32 s1, v7;
	[tilespmem:v61+s24+$0x0] =	vst.idx.msk $0xffff, v60;
	v60 =	vor.u32 v35, v50  }
0xe1: {  	s6 =	simm.s32 $0x40;
	v43 =	vor.u32 s29, v0;
	v38 =	vand.u32 v62, v46;
	[tilespmem:v2+s24+$0x0] =	vst.idx.msk $0xffff, v40  }
0xe2: {  	s18 =	sand.u32 $0x40, s6;
	v2 =	vor.u32 v3, v55;
	v40 =	vor.u32 v3, v27;
	v61 =	vld.idx.msk [tilespmem:v32+s19+$0x0], $0xffff;
	v10 =	vor.u32 v26, v50  }
0xe3: {  	v3 =	vor.u32 v3, v54;
	v44 =	vld.idx.msk [tilespmem:v33+s19+$0x0], $0xffff;
	v56 =	vshll.u32 v48, $0x7;
	v48 =	vor.u32 s18, v0;
	[tilespmem:$0x1FE20] =	vst v10  }
0xe4: {  	s15 =	sor.u32 $0x30, s18;
	v45 =	vor.u32 v52, v50;
	v21 =	vor.u32 v25, v50;
	v36 =	vld.idx.msk [tilespmem:v36+s19+$0x0], $0xffff;
	[tilespmem:v53+s24+$0x0] =	vst.idx.msk $0xffff, v49  }
0xe5: {  	s28 =	sor.u32 $0x10, s18;
	v42 =	vor.u32 v56, v34;
	v50 =	vand.u32 v1, v43;
	v49 =	vor.u32 s15, v0;
	v37 =	vld.idx.msk [tilespmem:v60+s19+$0x0], $0xffff  }
0xe6: {  	v28 =	vmovc v57;
	s18 =	sor.u32 $0x20, s18;
	v53 =	vor.u32 s28, v0;
	v60 =	vor.u32 v35, v38;
	v47 =	vshll.u32 v49, $0x6  }
0xe7: {  	v31 =	vmovc v4;
	[tilespmem:v2+s24+$0x0] =	vst.idx.msk $0xffff, v61;
	v2 =	vor.u32 s18, v0;
	v41 =	vshll.u32 v53, $0x6;
	v61 =	vor.u32 v47, v50  }
0xe8: {  	v33 =	vmovc v51;
	v59 =	vshll.u32 v43, $0x7;
	[tilespmem:v3+s24+$0x0] =	vst.idx.msk $0xffff, v44;
	v4 =	vshll.u32 v2, $0x6;
	v3 =	vor.u32 v41, v50  }
0xe9: {  	v20 =	vshll.u32 v48, $0x6;
	v10 =	vmovc v58;
	v58 =	vor.u32 s1, v58;
	v32 =	vor.u32 v4, v50;
	[tilespmem:v40+s24+$0x0] =	vst.idx.msk $0xffff, v36  }
0xea: {  	v43 =	vand.u32 v19, v2;
	[tilespmem:v42+s24+$0x0] =	vst.idx.msk $0xffff, v37;
	v42 =	vand.u32 v24, v53;
	v53 =	vshll.u32 v46, $0x7  }
0xeb: {  	v36 =	vor.u32 v20, v50;
	v46 =	vand.u32 v17, v49;
	v37 =	vld.idx.msk [tilespmem:v60+s19+$0x0], $0xffff;
	v51 =	vor.u32 v53, v34  }
0xec: {  	v39 =	vmovc v10;
	v10 =	vmov v62;
	v50 =	vand.u32 v63, v58;
	v57 =	vld.idx.msk [tilespmem:v61+s19+$0x0], $0xffff;
	v61 =	vor.u32 v59, v46  }
0xed: {  	v40 =	vmovc v9;
	v9 =	vand.u32 v14, v48;
	v49 =	vor.u32 s29, v28;
	v29 =	vld.idx.msk [tilespmem:v3+s19+$0x0], $0xffff;
	v28 =	vor.u32 v59, v42  }
0xee: {  	v48 =	vor.u32 v59, v43;
	v60 =	vor.u32 v35, v50;
	v62 =	vand.u32 v23, v49;
	v44 =	vld.idx.msk [tilespmem:v32+s19+$0x0], $0xffff  }
0xef: {  	v19 =	vmov v63;
	v63 =	vor.u32 v47, v62  }
0xf0: {  	v59 =	vor.u32 v59, v9;
	v36 =	vld.idx.msk [tilespmem:v36+s19+$0x0], $0xffff;
	v3 =	vor.u32 v41, v62;
	[tilespmem:v51+s24+$0x0] =	vst.idx.msk $0xffff, v37  }
0xf1: {  	v30 =	vor.u32 v20, v62;
	v62 =	vor.u32 v4, v62;
	[tilespmem:v61+s24+$0x0] =	vst.idx.msk $0xffff, v57  }
0xf2: {  	v45 =	vld.idx.msk [tilespmem:v45+s19+$0x0], $0xffff;
	v2 =	vor.u32 s29, v18;
	v51 =	vshll.u32 v58, $0x7;
	v58 =	vor.u32 v56, v55;
	[tilespmem:v28+s24+$0x0] =	vst.idx.msk $0xffff, v29  }
0xf3: {  	v49 =	vshll.u32 v49, $0x7;
	v37 =	vor.u32 s1, v31;
	[tilespmem:v48+s24+$0x0] =	vst.idx.msk $0xffff, v44;
	v60 =	vld.idx.msk [tilespmem:v60+s19+$0x0], $0xffff;
	v61 =	vor.u32 v51, v34  }
0xf4: {  	v44 =	vor.u32 v49, v46;
	v48 =	vand.u32 v6, v2;
	v57 =	vand.u32 v11, v37;
	v28 =	vld.idx.msk [tilespmem:v63+s19+$0x0], $0xffff  }
0xf5: {  	v31 =	vld.idx.msk [tilespmem:v3+s19+$0x0], $0xffff;
	[tilespmem:v59+s24+$0x0] =	vst.idx.msk $0xffff, v36;
	v36 =	vor.u32 v49, v42;
	v29 =	vor.u32 v35, v57  }
0xf6: {  	v59 =	vld.idx.msk [tilespmem:v62+s19+$0x0], $0xffff;
	v62 =	vor.u32 v47, v48;
	v63 =	vor.u32 v49, v9;
	v49 =	vor.u32 v49, v43  }
0xf7: {  	v3 =	vor.u32 v41, v48;
	[tilespmem:v58+s24+$0x0] =	vst.idx.msk $0xffff, v45  }
0xf8: {  	v32 =	vor.u32 v20, v48;
	v30 =	vld.idx.msk [tilespmem:v30+s19+$0x0], $0xffff;
	v45 =	vor.u32 v56, v54;
	[tilespmem:v61+s24+$0x0] =	vst.idx.msk $0xffff, v60  }
0xf9: {  	v60 =	vor.u32 v4, v48;
	v48 =	vshll.u32 v37, $0x7;
	[tilespmem:v44+s24+$0x0] =	vst.idx.msk $0xffff, v28;
	v44 =	vld.idx.msk [tilespmem:v21+s19+$0x0], $0xffff  }
0xfa: {  	v2 =	vshll.u32 v2, $0x7;
	[tilespmem:v36+s24+$0x0] =	vst.idx.msk $0xffff, v31;
	v29 =	vld.idx.msk [tilespmem:v29+s19+$0x0], $0xffff;
	v28 =	vor.u32 v48, v34  }
0xfb: {  	[tilespmem:v49+s24+$0x0] =	vst.idx.msk $0xffff, v59;
	v49 =	vor.u32 v2, v46;
	v31 =	vld.idx.msk [tilespmem:v62+s19+$0x0], $0xffff;
	_ =	sdelay $0x1  }
0xfc: {  	v58 =	vor.u32 s29, v33;
	v61 =	vor.u32 s1, v40;
	[tilespmem:v63+s24+$0x0] =	vst.idx.msk $0xffff, v30  }
0xfd: {  	v40 =	vand.u32 v10, v58;
	v21 =	vand.u32 v12, v61;
	v33 =	vld.idx.msk [tilespmem:v3+s19+$0x0], $0xffff;
	[tilespmem:v45+s24+$0x0] =	vst.idx.msk $0xffff, v44  }
0xfe: {  	v30 =	vor.u32 v2, v42;
	v63 =	vor.u32 v2, v9;
	v32 =	vld.idx.msk [tilespmem:v32+s19+$0x0], $0xffff;
	[tilespmem:v28+s24+$0x0] =	vst.idx.msk $0xffff, v29  }
0xff: {  	v3 =	vor.u32 v41, v40;
	v62 =	vor.u32 v35, v21;
	v59 =	vld.idx.msk [tilespmem:v60+s19+$0x0], $0xffff;
	[tilespmem:v49+s24+$0x0] =	vst.idx.msk $0xffff, v31  }
0x100: {  	v37 =	vor.u32 v20, v40;
	v60 =	vor.u32 v47, v40;
	v28 =	vor.u32 v4, v40;
	v40 =	vld [tilespmem:$0x1FE20]  }
0x101: {  	v2 =	vor.u32 v2, v43;
	_ =	sdelay $0x2  }
0x102: {  	v36 =	vshll.u32 v61, $0x7;
	v29 =	vor.u32 v56, v27;
	v56 =	vld.idx.msk [tilespmem:v62+s19+$0x0], $0xffff;
	[tilespmem:v30+s24+$0x0] =	vst.idx.msk $0xffff, v33  }
0x103: {  	v58 =	vshll.u32 v58, $0x7;
	v61 =	vor.u32 s29, v15;
	v31 =	vor.u32 v36, v34;
	[tilespmem:v63+s24+$0x0] =	vst.idx.msk $0xffff, v32;
	v3 =	vld.idx.msk [tilespmem:v3+s19+$0x0], $0xffff  }
0x104: {  	v44 =	vand.u32 v19, v61;
	v32 =	vor.u32 v58, v42;
	v30 =	vld.idx.msk [tilespmem:v60+s19+$0x0], $0xffff;
	[tilespmem:v2+s24+$0x0] =	vst.idx.msk $0xffff, v59  }
0x105: {  	v45 =	vor.u32 s1, v16;
	v2 =	vor.u32 v58, v46;
	v59 =	vor.u32 v47, v44;
	v28 =	vld.idx.msk [tilespmem:v28+s19+$0x0], $0xffff  }
0x106: {  	v60 =	vor.u32 v58, v9;
	v58 =	vor.u32 v58, v43;
	v49 =	vld.idx.msk [tilespmem:v40+s19+$0x0], $0xffff;
	v40 =	vand.u32 v13, v45  }
0x107: {  	v33 =	vor.u32 v35, v40  }
0x108: {  	[tilespmem:v31+s24+$0x0] =	vst.idx.msk $0xffff, v56;
	v31 =	vor.u32 v4, v44  }
0x109: {  	v61 =	vshll.u32 v61, $0x7;
	v16 =	vor.u32 v41, v44;
	v37 =	vld.idx.msk [tilespmem:v37+s19+$0x0], $0xffff;
	[tilespmem:v32+s24+$0x0] =	vst.idx.msk $0xffff, v3  }
0x10a: {  	v63 =	vor.u32 v20, v44;
	v44 =	vshll.u32 v45, $0x7;
	[tilespmem:v2+s24+$0x0] =	vst.idx.msk $0xffff, v30;
	v2 =	vor.u32 v25, v38  }
0x10b: {  	v30 =	vor.u32 v44, v34;
	v32 =	vld.idx.msk [tilespmem:v59+s19+$0x0], $0xffff;
	[tilespmem:v58+s24+$0x0] =	vst.idx.msk $0xffff, v28;
	v28 =	vor.u32 v61, v46  }
0x10c: {  	v35 =	vor.u32 s29, v22;
	[tilespmem:v29+s24+$0x0] =	vst.idx.msk $0xffff, v49;
	v29 =	vor.u32 v52, v38;
	v33 =	vld.idx.msk [tilespmem:v33+s19+$0x0], $0xffff  }
0x10d: {  	v3 =	vor.u32 v26, v38;
	v34 =	vor.u32 v61, v43;
	v31 =	vld.idx.msk [tilespmem:v31+s19+$0x0], $0xffff;
	v38 =	vand.u32 v11, v35  }
0x10e: {  	[tilespmem:v60+s24+$0x0] =	vst.idx.msk $0xffff, v37;
	v37 =	vor.u32 v61, v42;
	v49 =	vld.idx.msk [tilespmem:v16+s19+$0x0], $0xffff;
	v45 =	vor.u32 v47, v38  }
0x10f: {  	v60 =	vld.idx.msk [tilespmem:v63+s19+$0x0], $0xffff  }
0x110: {  	v58 =	vor.u32 v61, v9;
	v2 =	vld.idx.msk [tilespmem:v2+s19+$0x0], $0xffff;
	v16 =	vor.u32 v41, v38;
	[tilespmem:v28+s24+$0x0] =	vst.idx.msk $0xffff, v32  }
0x111: {  	v61 =	vor.u32 v20, v38;
	v29 =	vld.idx.msk [tilespmem:v29+s19+$0x0], $0xffff;
	[tilespmem:v30+s24+$0x0] =	vst.idx.msk $0xffff, v33;
	v33 =	vor.u32 v53, v55  }
0x112: {  	v35 =	vshll.u32 v35, $0x7;
	[tilespmem:v34+s24+$0x0] =	vst.idx.msk $0xffff, v31;
	v30 =	vor.u32 v53, v27;
	v53 =	vor.u32 v53, v54  }
0x113: {  	v38 =	vor.u32 v4, v38;
	v31 =	vor.u32 v35, v46;
	[tilespmem:v37+s24+$0x0] =	vst.idx.msk $0xffff, v49;
	v49 =	vld.idx.msk [tilespmem:v45+s19+$0x0], $0xffff;
	_ =	sdelay $0x1  }
0x114: {  	[tilespmem:v58+s24+$0x0] =	vst.idx.msk $0xffff, v60  }
0x115: {  	[tilespmem:v33+s24+$0x0] =	vst.idx.msk $0xffff, v29  }
0x116: {  	v62 =	vor.u32 s29, v5;
	v28 =	vor.u32 v52, v50;
	v34 =	vld.idx.msk [tilespmem:v16+s19+$0x0], $0xffff;
	[tilespmem:v53+s24+$0x0] =	vst.idx.msk $0xffff, v2  }
0x117: {  	v56 =	vor.u32 v35, v42;
	v45 =	vand.u32 v12, v62;
	v38 =	vld.idx.msk [tilespmem:v38+s19+$0x0], $0xffff;
	[tilespmem:v31+s24+$0x0] =	vst.idx.msk $0xffff, v49  }
0x118: {  	v59 =	vor.u32 v35, v9;
	v35 =	vor.u32 v35, v43;
	v16 =	vor.u32 v47, v45;
	v5 =	vld [tilespmem:$0x1FE80]  }
0x119: {  	v61 =	vld.idx.msk [tilespmem:v61+s19+$0x0], $0xffff;
	v60 =	vor.u32 v41, v45  }
0x11a: {  	v32 =	vor.u32 v25, v50;
	v3 =	vld.idx.msk [tilespmem:v3+s19+$0x0], $0xffff;
	v37 =	vor.u32 v26, v50;
	v63 =	vor.u32 v20, v45  }
0x11b: {  	v50 =	vor.u32 v4, v45;
	v45 =	vshll.u32 v62, $0x7;
	v29 =	vor.u32 v51, v55  }
0x11c: {  	v2 =	vor.u32 v51, v54;
	v31 =	vor.u32 v51, v27;
	v28 =	vld.idx.msk [tilespmem:v28+s19+$0x0], $0xffff;
	[tilespmem:v56+s24+$0x0] =	vst.idx.msk $0xffff, v34  }
0x11d: {  	v53 =	vld.idx.msk [tilespmem:v16+s19+$0x0], $0xffff;
	[tilespmem:v35+s24+$0x0] =	vst.idx.msk $0xffff, v38;
	v16 =	vor.u32 v45, v46;
	v51 =	vor.u32 s29, v5  }
0x11e: {  	v58 =	vor.u32 v45, v42;
	[tilespmem:v59+s24+$0x0] =	vst.idx.msk $0xffff, v61;
	v38 =	vld.idx.msk [tilespmem:v60+s19+$0x0], $0xffff;
	v56 =	vand.u32 v13, v51  }
0x11f: {  	[tilespmem:v30+s24+$0x0] =	vst.idx.msk $0xffff, v3;
	v3 =	vld.idx.msk [tilespmem:v32+s19+$0x0], $0xffff;
	v59 =	vor.u32 v47, v56  }
0x120: {  	v49 =	vor.u32 v45, v43;
	v50 =	vld.idx.msk [tilespmem:v50+s19+$0x0], $0xffff  }
0x121: {  	v60 =	vor.u32 v45, v9;
	v45 =	vld.idx.msk [tilespmem:v63+s19+$0x0], $0xffff;
	[tilespmem:v29+s24+$0x0] =	vst.idx.msk $0xffff, v28  }
0x122: {  	v33 =	vor.u32 v52, v57;
	v34 =	vor.u32 v25, v57;
	v29 =	vld.idx.msk [tilespmem:v37+s19+$0x0], $0xffff;
	[tilespmem:v16+s24+$0x0] =	vst.idx.msk $0xffff, v53  }
0x123: {  	v30 =	vor.u32 v26, v57;
	v37 =	vshll.u32 v51, $0x7;
	v57 =	vld [tilespmem:$0x1FE60];
	[tilespmem:v58+s24+$0x0] =	vst.idx.msk $0xffff, v38;
	v61 =	vor.u32 v41, v56  }
0x124: {  	v63 =	vor.u32 v20, v56;
	v56 =	vor.u32 v4, v56;
	v16 =	vor.u32 v37, v46;
	v51 =	vld.idx.msk [tilespmem:v59+s19+$0x0], $0xffff  }
0x125: {  	[tilespmem:v49+s24+$0x0] =	vst.idx.msk $0xffff, v50  }
0x126: {  	[tilespmem:v60+s24+$0x0] =	vst.idx.msk $0xffff, v45  }
0x127: {  	v32 =	vor.u32 v48, v27;
	v35 =	vor.u32 v48, v54;
	[tilespmem:v2+s24+$0x0] =	vst.idx.msk $0xffff, v3  }
0x128: {  	v28 =	vor.u32 v48, v55;
	[tilespmem:v31+s24+$0x0] =	vst.idx.msk $0xffff, v29;
	v48 =	vor.u32 s29, v57;
	v50 =	vld.idx.msk [tilespmem:v61+s19+$0x0], $0xffff  }
0x129: {  	v57 =	vor.u32 v37, v42;
	v53 =	vand.u32 v1, v48;
	v56 =	vld.idx.msk [tilespmem:v56+s19+$0x0], $0xffff;
	[tilespmem:v16+s24+$0x0] =	vst.idx.msk $0xffff, v51  }
0x12a: {  	v59 =	vor.u32 v37, v9;
	v37 =	vor.u32 v37, v43;
	v45 =	vor.u32 v47, v53;
	v16 =	vld [tilespmem:$0x1FE90]  }
0x12b: {  	v61 =	vld.idx.msk [tilespmem:v63+s19+$0x0], $0xffff;
	v60 =	vor.u32 v41, v53  }
0x12c: {  	v33 =	vld.idx.msk [tilespmem:v33+s19+$0x0], $0xffff;
	v62 =	vor.u32 v20, v53;
	v53 =	vor.u32 v4, v53  }
0x12d: {  	v38 =	vor.u32 v52, v21;
	v3 =	vld.idx.msk [tilespmem:v34+s19+$0x0], $0xffff  }
0x12e: {  	v29 =	vor.u32 v25, v21;
	v30 =	vld.idx.msk [tilespmem:v30+s19+$0x0], $0xffff;
	v34 =	vshll.u32 v48, $0x7;
	[tilespmem:v57+s24+$0x0] =	vst.idx.msk $0xffff, v50  }
0x12f: {  	v49 =	vld.idx.msk [tilespmem:v45+s19+$0x0], $0xffff;
	v45 =	vor.u32 v34, v46;
	[tilespmem:v37+s24+$0x0] =	vst.idx.msk $0xffff, v56;
	v48 =	vor.u32 s29, v16  }
0x130: {  	v37 =	vor.u32 v34, v42;
	[tilespmem:v59+s24+$0x0] =	vst.idx.msk $0xffff, v61;
	v57 =	vld.idx.msk [tilespmem:v60+s19+$0x0], $0xffff;
	v50 =	vand.u32 v23, v48  }
0x131: {  	v59 =	vor.u32 v34, v43;
	[tilespmem:v28+s24+$0x0] =	vst.idx.msk $0xffff, v33;
	v53 =	vld.idx.msk [tilespmem:v53+s19+$0x0], $0xffff;
	v56 =	vor.u32 v47, v50  }
0x132: {  	v34 =	vor.u32 v34, v9;
	[tilespmem:v35+s24+$0x0] =	vst.idx.msk $0xffff, v3;
	v60 =	vld.idx.msk [tilespmem:v62+s19+$0x0], $0xffff;
	v58 =	vor.u32 v41, v50  }
0x133: {  	[tilespmem:v32+s24+$0x0] =	vst.idx.msk $0xffff, v30;
	v61 =	vor.u32 v4, v50  }
0x134: {  	v38 =	vld.idx.msk [tilespmem:v38+s19+$0x0], $0xffff;
	[tilespmem:v45+s24+$0x0] =	vst.idx.msk $0xffff, v49;
	v33 =	vor.u32 v20, v50  }
0x135: {  	v2 =	vor.u32 v26, v21;
	v31 =	vor.u32 v36, v55;
	v29 =	vld.idx.msk [tilespmem:v29+s19+$0x0], $0xffff;
	[tilespmem:v37+s24+$0x0] =	vst.idx.msk $0xffff, v57  }
0x136: {  	v28 =	vor.u32 v36, v54;
	[tilespmem:v59+s24+$0x0] =	vst.idx.msk $0xffff, v53;
	v37 =	vld.idx.msk [tilespmem:v56+s19+$0x0], $0xffff  }
0x137: {  	v3 =	vor.u32 v52, v40;
	v45 =	vshll.u32 v48, $0x7;
	v48 =	vor.u32 s29, v8;
	[tilespmem:v34+s24+$0x0] =	vst.idx.msk $0xffff, v60;
	v51 =	vld.idx.msk [tilespmem:v58+s19+$0x0], $0xffff  }
0x138: {  	v59 =	vor.u32 v25, v40;
	v49 =	vand.u32 v6, v48;
	v50 =	vor.u32 v45, v46;
	v62 =	vld.idx.msk [tilespmem:v61+s19+$0x0], $0xffff  }
0x139: {  	v21 =	vmov v40;
	v52 =	vor.u32 v45, v42;
	v53 =	vor.u32 v47, v49;
	v33 =	vld.idx.msk [tilespmem:v33+s19+$0x0], $0xffff;
	[tilespmem:$0x1FE40] =	vst v44  }
0x13a: {  	v63 =	vor.u32 v45, v43;
	v40 =	vld.idx.msk [tilespmem:v2+s19+$0x0], $0xffff;
	[tilespmem:v31+s24+$0x0] =	vst.idx.msk $0xffff, v38;
	v2 =	vor.u32 v20, v49  }
0x13b: {  	v35 =	vor.u32 v45, v9;
	[tilespmem:$0x1FE30] =	vst v2  }
0x13c: {  	v36 =	vor.u32 v36, v27;
	[tilespmem:v28+s24+$0x0] =	vst.idx.msk $0xffff, v29  }
0x13d: {  	s26 =	simm.s32 $0x80;
	v30 =	vor.u32 v44, v55;
	v58 =	vshll.u32 v48, $0x7;
	v3 =	vld.idx.msk [tilespmem:v3+s19+$0x0], $0xffff;
	[tilespmem:v50+s24+$0x0] =	vst.idx.msk $0xffff, v37  }
0x13e: {  	s1 =	sand.u32 $0x40, s26;
	v34 =	vor.u32 v58, v46;
	[tilespmem:v52+s24+$0x0] =	vst.idx.msk $0xffff, v51;
	v48 =	vld.idx.msk [tilespmem:v53+s19+$0x0], $0xffff  }
0x13f: {  	s28 =	simm.s32 $0x10;
	s30 =	sor.u32 $0x10, s1;
	v37 =	vor.u32 s29, v7;
	[tilespmem:v63+s24+$0x0] =	vst.idx.msk $0xffff, v62  }
0x140: {  	s26 =	sand.u32 $0x30, s28;
	s31 =	sor.u32 $0x30, s1;
	v60 =	vor.u32 s30, v0;
	v44 =	vor.u32 v44, v54;
	[tilespmem:v35+s24+$0x0] =	vst.idx.msk $0xffff, v33;
	v56 =	vand.u32 v10, v37  }
0x141: {  	v51 =	vor.u32 s26, v0;
	v52 =	vor.u32 s31, v0;
	[tilespmem:v36+s24+$0x0] =	vst.idx.msk $0xffff, v40;
	v53 =	vor.u32 v47, v56  }
0x142: {  	v50 =	vor.u32 s1, v0;
	s1 =	sor.u32 $0x20, s1;
	v57 =	vand.u32 v1, v51;
	v31 =	vshll.u32 v52, $0x6;
	[tilespmem:v30+s24+$0x0] =	vst.idx.msk $0xffff, v3  }
0x143: {  	v59 =	vld.idx.msk [tilespmem:v59+s19+$0x0], $0xffff;
	v35 =	vshll.u32 v60, $0x6;
	v29 =	vor.u32 s1, v0;
	v61 =	vor.u32 v31, v57;
	[tilespmem:v34+s24+$0x0] =	vst.idx.msk $0xffff, v48  }
0x144: {  	v33 =	vshll.u32 v50, $0x6;
	v54 =	vor.u32 v35, v57;
	v36 =	vshll.u32 v29, $0x6;
	v25 =	vld [tilespmem:$0x1FFD0]  }
0x145: {  	v40 =	vor.u32 v33, v57;
	v30 =	vor.u32 v36, v57;
	v57 =	vshll.u32 v37, $0x7;
	v22 =	vld [tilespmem:$0x1FFA0]  }
0x146: {  	v34 =	vand.u32 v24, v60;
	v60 =	vor.u32 v57, v46;
	v55 =	vld.idx.msk [tilespmem:v53+s19+$0x0], $0xffff  }
0x147: {  	v45 =	vor.u32 v41, v49;
	v48 =	vor.u32 s29, v39  }
0x148: {  	v51 =	vshll.u32 v51, $0x7;
	v28 =	vand.u32 v17, v52;
	v53 =	vand.u32 v19, v48;
	v61 =	vld.idx.msk [tilespmem:v61+s19+$0x0], $0xffff  }
0x149: {  	v63 =	vor.u32 v51, v28;
	v54 =	vld.idx.msk [tilespmem:v54+s19+$0x0], $0xffff;
	v3 =	vor.u32 v51, v34;
	v62 =	vor.u32 v47, v53  }
0x14a: {  	v39 =	vld.idx.msk [tilespmem:v40+s19+$0x0], $0xffff;
	[tilespmem:v44+s24+$0x0] =	vst.idx.msk $0xffff, v59;
	v52 =	vor.u32 s26, v25;
	v37 =	vand.u32 v22, v29  }
0x14b: {  	v48 =	vshll.u32 v48, $0x7;
	v29 =	vand.u32 v14, v50;
	[tilespmem:v60+s24+$0x0] =	vst.idx.msk $0xffff, v55;
	v2 =	vand.u32 v23, v52  }
0x14c: {  	v32 =	vld.idx.msk [tilespmem:v30+s19+$0x0], $0xffff;
	v30 =	vor.u32 v51, v37;
	v51 =	vor.u32 v51, v29;
	v50 =	vor.u32 v31, v2  }
0x14d: {  	v40 =	vor.u32 v35, v2;
	v55 =	vor.u32 v33, v2;
	v60 =	vor.u32 v36, v2;
	v2 =	vld [tilespmem:$0x1FFF0]  }
0x14e: {  	[tilespmem:v63+s24+$0x0] =	vst.idx.msk $0xffff, v61;
	v61 =	vld.idx.msk [tilespmem:v62+s19+$0x0], $0xffff;
	v62 =	vor.u32 v48, v46;
	_ =	sdelay $0x1  }
0x14f: {  	v49 =	vor.u32 v4, v49;
	[tilespmem:v3+s24+$0x0] =	vst.idx.msk $0xffff, v54  }
0x150: {  	v59 =	vor.u32 v58, v42;
	v3 =	vld.idx.msk [tilespmem:v45+s19+$0x0], $0xffff;
	v45 =	vshll.u32 v52, $0x7;
	[tilespmem:v30+s24+$0x0] =	vst.idx.msk $0xffff, v32  }
0x151: {  	v63 =	vor.u32 v45, v28;
	[tilespmem:v51+s24+$0x0] =	vst.idx.msk $0xffff, v39;
	v44 =	vor.u32 s29, v2;
	v30 =	vld.idx.msk [tilespmem:v50+s19+$0x0], $0xffff  }
0x152: {  	v52 =	vor.u32 s26, v18;
	v38 =	vld.idx.msk [tilespmem:v40+s19+$0x0], $0xffff;
	[tilespmem:v62+s24+$0x0] =	vst.idx.msk $0xffff, v61;
	v5 =	vand.u32 v11, v44  }
0x153: {  	v32 =	vand.u32 v6, v52;
	v8 =	vld [tilespmem:$0x1FF90];
	v54 =	vor.u32 v47, v5  }
0x154: {  	v39 =	vor.u32 v45, v34;
	v51 =	vor.u32 v31, v32;
	v60 =	vld.idx.msk [tilespmem:v60+s19+$0x0], $0xffff  }
0x155: {  	v50 =	vor.u32 v45, v29;
	v45 =	vor.u32 v45, v37;
	v55 =	vld.idx.msk [tilespmem:v55+s19+$0x0], $0xffff;
	[tilespmem:v59+s24+$0x0] =	vst.idx.msk $0xffff, v3  }
0x156: {  	v2 =	vor.u32 v35, v32;
	v40 =	vor.u32 v33, v32;
	v62 =	vld.idx.msk [tilespmem:v49+s19+$0x0], $0xffff;
	[tilespmem:v63+s24+$0x0] =	vst.idx.msk $0xffff, v30  }
0x157: {  	v14 =	vmovc v15;
	v61 =	vor.u32 v36, v32;
	v32 =	vshll.u32 v44, $0x7;
	v3 =	vor.u32 v58, v43;
	v15 =	vld [tilespmem:$0x1FEC0]  }
0x158: {  	v59 =	vor.u32 v32, v46;
	v44 =	vor.u32 s29, v8;
	v54 =	vld.idx.msk [tilespmem:v54+s19+$0x0], $0xffff  }
0x159: {  	v30 =	vshll.u32 v52, $0x7;
	[tilespmem:v39+s24+$0x0] =	vst.idx.msk $0xffff, v38;
	v49 =	vand.u32 v12, v44  }
0x15a: {  	v38 =	vld.idx.msk [tilespmem:v51+s19+$0x0], $0xffff;
	v52 =	vor.u32 v30, v28;
	[tilespmem:v45+s24+$0x0] =	vst.idx.msk $0xffff, v60;
	v39 =	vor.u32 v47, v49  }
0x15b: {  	[tilespmem:v50+s24+$0x0] =	vst.idx.msk $0xffff, v55;
	v2 =	vld.idx.msk [tilespmem:v2+s19+$0x0], $0xffff  }
0x15c: {  	v60 =	vor.u32 v30, v34;
	[tilespmem:v3+s24+$0x0] =	vst.idx.msk $0xffff, v62;
	v50 =	vld.idx.msk [tilespmem:v61+s19+$0x0], $0xffff;
	v61 =	vor.u32 v30, v29  }
0x15d: {  	v40 =	vld.idx.msk [tilespmem:v40+s19+$0x0], $0xffff;
	v30 =	vor.u32 v30, v37;
	v63 =	vor.u32 s26, v15;
	[tilespmem:v59+s24+$0x0] =	vst.idx.msk $0xffff, v54  }
0x15e: {  	v51 =	vshll.u32 v44, $0x7;
	v45 =	vand.u32 v10, v63;
	v3 =	vld [tilespmem:$0x1FF80]  }
0x15f: {  	v55 =	vor.u32 v31, v45;
	v39 =	vld.idx.msk [tilespmem:v39+s19+$0x0], $0xffff;
	[tilespmem:v52+s24+$0x0] =	vst.idx.msk $0xffff, v38;
	v38 =	vor.u32 v51, v46;
	_ =	sdelay $0x1  }
0x160: {  	[tilespmem:v60+s24+$0x0] =	vst.idx.msk $0xffff, v2  }
0x161: {  	[tilespmem:v30+s24+$0x0] =	vst.idx.msk $0xffff, v50  }
0x162: {  	v62 =	vor.u32 s26, v14;
	v44 =	vshll.u32 v63, $0x7;
	v54 =	vor.u32 v35, v45;
	[tilespmem:v61+s24+$0x0] =	vst.idx.msk $0xffff, v40  }
0x163: {  	v59 =	vor.u32 v33, v45;
	v45 =	vor.u32 v36, v45;
	v2 =	vld.idx.msk [tilespmem:v55+s19+$0x0], $0xffff;
	[tilespmem:v38+s24+$0x0] =	vst.idx.msk $0xffff, v39  }
0x164: {  	v60 =	vor.u32 v44, v28;
	v3 =	vor.u32 s29, v3;
	v55 =	vand.u32 v19, v62;
	v8 =	vld [tilespmem:$0x1FE30]  }
0x165: {  	v52 =	vand.u32 v13, v3;
	v50 =	vor.u32 v31, v55  }
0x166: {  	v47 =	vor.u32 v47, v52  }
0x167: {  	v30 =	vor.u32 v44, v34;
	v54 =	vld.idx.msk [tilespmem:v54+s19+$0x0], $0xffff  }
0x168: {  	v40 =	vld.idx.msk [tilespmem:v45+s19+$0x0], $0xffff  }
0x169: {  	v38 =	vld.idx.msk [tilespmem:v59+s19+$0x0], $0xffff;
	[tilespmem:v60+s24+$0x0] =	vst.idx.msk $0xffff, v2  }
0x16a: {  	v39 =	vor.u32 v44, v29;
	v45 =	vor.u32 v35, v55;
	v50 =	vld.idx.msk [tilespmem:v50+s19+$0x0], $0xffff  }
0x16b: {  	v63 =	vor.u32 v44, v37;
	v61 =	vshll.u32 v3, $0x7;
	v3 =	vld.idx.msk [tilespmem:v47+s19+$0x0], $0xffff  }
0x16c: {  	v46 =	vor.u32 v61, v46;
	[tilespmem:v30+s24+$0x0] =	vst.idx.msk $0xffff, v54;
	v47 =	vshll.u32 v62, $0x7;
	v59 =	vld.idx.msk [tilespmem:v8+s19+$0x0], $0xffff  }
0x16d: {  	v60 =	vor.u32 v47, v28;
	v8 =	vld [tilespmem:$0x1FE50]  }
0x16e: {  	v58 =	vor.u32 v58, v9  }
0x16f: {  	v19 =	vor.u32 v36, v55;
	v45 =	vld.idx.msk [tilespmem:v45+s19+$0x0], $0xffff;
	[tilespmem:v39+s24+$0x0] =	vst.idx.msk $0xffff, v38;
	v38 =	vor.u32 v47, v34  }
0x170: {  	[tilespmem:v63+s24+$0x0] =	vst.idx.msk $0xffff, v40  }
0x171: {  	v2 =	vor.u32 v41, v56;
	[tilespmem:v46+s24+$0x0] =	vst.idx.msk $0xffff, v3  }
0x172: {  	v55 =	vor.u32 v33, v55;
	[tilespmem:v60+s24+$0x0] =	vst.idx.msk $0xffff, v50;
	v54 =	vor.u32 s26, v8  }
0x173: {  	v30 =	vor.u32 v4, v56;
	[tilespmem:v58+s24+$0x0] =	vst.idx.msk $0xffff, v59;
	v40 =	vand.u32 v11, v54  }
0x174: {  	v39 =	vld.idx.msk [tilespmem:v19+s19+$0x0], $0xffff;
	[tilespmem:v38+s24+$0x0] =	vst.idx.msk $0xffff, v45;
	v19 =	vor.u32 v31, v40  }
0x175: {  	v59 =	vor.u32 v47, v37;
	v8 =	vld [tilespmem:$0x1FE70];
	v58 =	vor.u32 v35, v40  }
0x176: {  	v2 =	vld.idx.msk [tilespmem:v2+s19+$0x0], $0xffff;
	v46 =	vor.u32 v20, v56;
	v56 =	vor.u32 v57, v42  }
0x177: {  	v55 =	vld.idx.msk [tilespmem:v55+s19+$0x0], $0xffff;
	v47 =	vor.u32 v47, v29;
	v3 =	vor.u32 v36, v40  }
0x178: {  	v30 =	vld.idx.msk [tilespmem:v30+s19+$0x0], $0xffff;
	v50 =	vor.u32 v57, v43;
	v54 =	vshll.u32 v54, $0x7;
	v40 =	vor.u32 v33, v40  }
0x179: {  	v60 =	vor.u32 v41, v53;
	v44 =	vld.idx.msk [tilespmem:v19+s19+$0x0], $0xffff;
	v19 =	vor.u32 v54, v28  }
0x17a: {  	[tilespmem:v59+s24+$0x0] =	vst.idx.msk $0xffff, v39;
	v59 =	vor.u32 v54, v34;
	v38 =	vor.u32 s26, v8;
	v58 =	vld.idx.msk [tilespmem:v58+s19+$0x0], $0xffff  }
0x17b: {  	[tilespmem:v56+s24+$0x0] =	vst.idx.msk $0xffff, v2;
	v39 =	vand.u32 v12, v38  }
0x17c: {  	[tilespmem:v47+s24+$0x0] =	vst.idx.msk $0xffff, v55;
	v55 =	vor.u32 v54, v37;
	v3 =	vld.idx.msk [tilespmem:v3+s19+$0x0], $0xffff;
	v47 =	vor.u32 v31, v39  }
0x17d: {  	v62 =	vor.u32 v54, v29;
	[tilespmem:v50+s24+$0x0] =	vst.idx.msk $0xffff, v30;
	v2 =	vld.idx.msk [tilespmem:v40+s19+$0x0], $0xffff;
	v63 =	vor.u32 v35, v39  }
0x17e: {  	v46 =	vld.idx.msk [tilespmem:v46+s19+$0x0], $0xffff;
	[tilespmem:v19+s24+$0x0] =	vst.idx.msk $0xffff, v44  }
0x17f: {  	v30 =	vor.u32 v57, v9;
	v45 =	vld.idx.msk [tilespmem:v60+s19+$0x0], $0xffff;
	[tilespmem:v59+s24+$0x0] =	vst.idx.msk $0xffff, v58  }
0x180: {  	v60 =	vor.u32 v48, v42;
	v38 =	vshll.u32 v38, $0x7;
	v8 =	vld [tilespmem:$0x1FE80]  }
0x181: {  	v47 =	vld.idx.msk [tilespmem:v47+s19+$0x0], $0xffff;
	[tilespmem:v55+s24+$0x0] =	vst.idx.msk $0xffff, v3;
	v3 =	vor.u32 v38, v28  }
0x182: {  	v40 =	vor.u32 v38, v34;
	v19 =	vor.u32 v36, v39;
	[tilespmem:v62+s24+$0x0] =	vst.idx.msk $0xffff, v2;
	v2 =	vld.idx.msk [tilespmem:v63+s19+$0x0], $0xffff;
	_ =	sdelay $0x1  }
0x183: {  	v39 =	vor.u32 v33, v39;
	[tilespmem:v30+s24+$0x0] =	vst.idx.msk $0xffff, v46  }
0x184: {  	[tilespmem:v60+s24+$0x0] =	vst.idx.msk $0xffff, v45;
	v57 =	vor.u32 s26, v8  }
0x185: {  	v56 =	vor.u32 v4, v53;
	[tilespmem:v3+s24+$0x0] =	vst.idx.msk $0xffff, v47;
	v55 =	vand.u32 v13, v57  }
0x186: {  	v30 =	vld.idx.msk [tilespmem:v19+s19+$0x0], $0xffff;
	[tilespmem:v40+s24+$0x0] =	vst.idx.msk $0xffff, v2;
	v62 =	vor.u32 v31, v55  }
0x187: {  	v19 =	vor.u32 v38, v37;
	v2 =	vld [tilespmem:$0x1FE60];
	v63 =	vor.u32 v35, v55  }
0x188: {  	v39 =	vld.idx.msk [tilespmem:v39+s19+$0x0], $0xffff;
	v38 =	vor.u32 v38, v29;
	v60 =	vor.u32 v36, v55  }
0x189: {  	v3 =	vor.u32 v41, v5  }
0x18a: {  	v53 =	vor.u32 v20, v53;
	v56 =	vld.idx.msk [tilespmem:v56+s19+$0x0], $0xffff;
	v45 =	vor.u32 v48, v43;
	v57 =	vshll.u32 v57, $0x7  }
0x18b: {  	v47 =	vor.u32 v4, v5;
	v55 =	vor.u32 v33, v55;
	v40 =	vld.idx.msk [tilespmem:v62+s19+$0x0], $0xffff;
	v62 =	vor.u32 v57, v28  }
0x18c: {  	[tilespmem:v19+s24+$0x0] =	vst.idx.msk $0xffff, v30;
	v2 =	vor.u32 s26, v2;
	v44 =	vld.idx.msk [tilespmem:v63+s19+$0x0], $0xffff;
	v63 =	vor.u32 v57, v34  }
0x18d: {  	[tilespmem:v38+s24+$0x0] =	vst.idx.msk $0xffff, v39;
	v19 =	vor.u32 v57, v37;
	v30 =	vand.u32 v1, v2;
	v38 =	vld.idx.msk [tilespmem:v60+s19+$0x0], $0xffff  }
0x18e: {  	v59 =	vor.u32 v32, v42;
	v3 =	vld.idx.msk [tilespmem:v3+s19+$0x0], $0xffff;
	v60 =	vor.u32 v36, v30  }
0x18f: {  	[tilespmem:v45+s24+$0x0] =	vst.idx.msk $0xffff, v56;
	v39 =	vor.u32 v31, v30  }
0x190: {  	v45 =	vld.idx.msk [tilespmem:v55+s19+$0x0], $0xffff;
	v55 =	vor.u32 v57, v29;
	v56 =	vor.u32 v35, v30;
	[tilespmem:v62+s24+$0x0] =	vst.idx.msk $0xffff, v40  }
0x191: {  	v48 =	vor.u32 v48, v9;
	v53 =	vld.idx.msk [tilespmem:v53+s19+$0x0], $0xffff;
	v30 =	vor.u32 v33, v30;
	[tilespmem:v63+s24+$0x0] =	vst.idx.msk $0xffff, v44  }
0x192: {  	v2 =	vshll.u32 v2, $0x7;
	v62 =	vor.u32 v32, v43;
	v63 =	vld.idx.msk [tilespmem:v47+s19+$0x0], $0xffff;
	[tilespmem:v19+s24+$0x0] =	vst.idx.msk $0xffff, v38  }
0x193: {  	v58 =	vor.u32 v20, v5;
	[tilespmem:v59+s24+$0x0] =	vst.idx.msk $0xffff, v3;
	v3 =	vor.u32 v2, v37;
	v57 =	vld.idx.msk [tilespmem:v60+s19+$0x0], $0xffff  }
0x194: {  	v54 =	vor.u32 v2, v28;
	v59 =	vor.u32 s26, v16;
	v19 =	vld.idx.msk [tilespmem:v39+s19+$0x0], $0xffff  }
0x195: {  	v16 =	vor.u32 v26, v21;
	[tilespmem:v55+s24+$0x0] =	vst.idx.msk $0xffff, v45;
	v55 =	vld.idx.msk [tilespmem:v56+s19+$0x0], $0xffff;
	v56 =	vor.u32 v2, v34  }
0x196: {  	[tilespmem:v48+s24+$0x0] =	vst.idx.msk $0xffff, v53;
	v30 =	vld.idx.msk [tilespmem:v30+s19+$0x0], $0xffff;
	v2 =	vor.u32 v2, v29;
	v60 =	vor.u32 v41, v49  }
0x197: {  	[tilespmem:v62+s24+$0x0] =	vst.idx.msk $0xffff, v63  }
0x198: {  	v53 =	vor.u32 v32, v9;
	v48 =	vld.idx.msk [tilespmem:v58+s19+$0x0], $0xffff;
	[tilespmem:v3+s24+$0x0] =	vst.idx.msk $0xffff, v57;
	v3 =	vor.u32 v4, v49  }
0x199: {  	[tilespmem:v54+s24+$0x0] =	vst.idx.msk $0xffff, v19  }
0x19a: {  	v32 =	vld.idx.msk [tilespmem:v16+s19+$0x0], $0xffff;
	v16 =	vor.u32 v20, v49;
	v62 =	vand.u32 v23, v59;
	[tilespmem:v56+s24+$0x0] =	vst.idx.msk $0xffff, v55  }
0x19b: {  	v63 =	vor.u32 v31, v62;
	[tilespmem:v2+s24+$0x0] =	vst.idx.msk $0xffff, v30;
	v40 =	vld.idx.msk [tilespmem:v60+s19+$0x0], $0xffff  }
0x19c: {  	v47 =	vor.u32 v4, v52;
	v45 =	vor.u32 v20, v52;
	v19 =	vor.u32 v35, v62;
	v8 =	vld [tilespmem:$0x1FE40]  }
0x19d: {  	v41 =	vor.u32 v41, v52;
	v55 =	vor.u32 v36, v62;
	[tilespmem:v53+s24+$0x0] =	vst.idx.msk $0xffff, v48;
	v52 =	vld.idx.msk [tilespmem:v3+s19+$0x0], $0xffff  }
0x19e: {  	v2 =	vor.u32 v51, v42;
	v57 =	vor.u32 v33, v62;
	v3 =	vld [tilespmem:$0x1FEA0]  }
0x19f: {  	v56 =	vshll.u32 v59, $0x7;
	v53 =	vld.idx.msk [tilespmem:v16+s19+$0x0], $0xffff  }
0x1a0: {  	v60 =	vor.u32 v56, v28;
	v38 =	vld.idx.msk [tilespmem:v63+s19+$0x0], $0xffff  }
0x1a1: {  	v10 =	vmovc v15;
	v50 =	vor.u32 v61, v42;
	v12 =	vmov v17;
	v46 =	vor.u32 v51, v9;
	v62 =	vld.idx.msk [tilespmem:v19+s19+$0x0], $0xffff  }
0x1a2: {  	v44 =	vor.u32 v61, v43;
	v49 =	vor.u32 v51, v43;
	v54 =	vor.u32 v56, v37;
	v59 =	vld.idx.msk [tilespmem:v55+s19+$0x0], $0xffff  }
0x1a3: {  	v26 =	vmov v14;
	v48 =	vor.u32 v61, v9;
	[tilespmem:v2+s24+$0x0] =	vst.idx.msk $0xffff, v40;
	v58 =	vld.idx.msk [tilespmem:v57+s19+$0x0], $0xffff;
	v51 =	vor.u32 s26, v3  }
0x1a4: {  	v2 =	vor.u32 v56, v34;
	v30 =	vor.u32 v8, v27;
	v57 =	vld.idx.msk [tilespmem:v41+s19+$0x0], $0xffff;
	v19 =	vand.u32 v6, v51  }
0x1a5: {  	v27 =	vmov v18;
	[tilespmem:v60+s24+$0x0] =	vst.idx.msk $0xffff, v38;
	v60 =	vor.u32 v56, v29;
	v3 =	vor.u32 v31, v19  }
0x1a6: {  	s30 =	simm.s32 $0xC0;
	s29 =	simm.s32 $0x8;
	v6 =	vmovc v24;
	v63 =	vor.u32 v35, v19;
	v55 =	vor.u32 v33, v19;
	v61 =	vor.u32 v36, v19  }
.LBB2_3:
0x1a7: {  	v19 =	vld [tilespmem:$0x1FF60]  }
0x1a8: {  	v4 =	vld [tilespmem:$0x1FFE0]  }
0x1a9: {  	s18 =	sand.u32 $0x40, s30;
	s28 =	sadd.s32 $0x8, s28;
	v11 =	vld [tilespmem:$0x1FF70]  }
0x1aa: {  	v56 =	vshll.u32 v51, $0x7;
	v42 =	vor.u32 s26, v7;
	v13 =	vld [tilespmem:$0x1FEF0];
	s1 =	sand.u32 $0x30, s28;
	s15 =	sor.u32 $0x10, s18  }
0x1ab: {  	v8 =	vld [tilespmem:$0x1FF00];
	v41 =	vor.u32 v56, v28;
	v43 =	vor.u32 s1, v0;
	v5 =	vor.u32 s15, v0;
	[tilespmem:v2+s24+$0x0] =	vst.idx.msk $0xffff, v62  }
0x1ac: {  	v2 =	vld.idx.msk [tilespmem:v3+s19+$0x0], $0xffff;
	v3 =	vor.u32 s18, v0;
	[tilespmem:v60+s24+$0x0] =	vst.idx.msk $0xffff, v58;
	v38 =	vshll.u32 v5, $0x6;
	v51 =	vand.u32 v19, v42  }
0x1ad: {  	s31 =	sor.u32 $0x30, s18;
	[tilespmem:v54+s24+$0x0] =	vst.idx.msk $0xffff, v59;
	v60 =	vld.idx.msk [tilespmem:v63+s19+$0x0], $0xffff;
	v63 =	vand.u32 v1, v43;
	v62 =	vor.u32 v31, v51  }
0x1ae: {  	s18 =	sor.u32 $0x20, s18;
	v59 =	vor.u32 s31, v0;
	v55 =	vld.idx.msk [tilespmem:v55+s19+$0x0], $0xffff;
	[tilespmem:v46+s24+$0x0] =	vst.idx.msk $0xffff, v53;
	v39 =	vshll.u32 v3, $0x6;
	v17 =	vor.u32 v38, v63  }
0x1af: {  	v54 =	vshll.u32 v59, $0x6;
	v58 =	vld.idx.msk [tilespmem:v61+s19+$0x0], $0xffff;
	[tilespmem:v49+s24+$0x0] =	vst.idx.msk $0xffff, v52;
	v52 =	vor.u32 s18, v0;
	v18 =	vor.u32 v39, v63  }
0x1b0: {  	[tilespmem:v50+s24+$0x0] =	vst.idx.msk $0xffff, v57;
	v53 =	vshll.u32 v42, $0x7;
	v16 =	vor.u32 v54, v63;
	v40 =	vshll.u32 v52, $0x6;
	v47 =	vld.idx.msk [tilespmem:v47+s19+$0x0], $0xffff  }
0x1b1: {  	v57 =	vand.u32 v12, v59;
	v63 =	vor.u32 v40, v63;
	[tilespmem:v41+s24+$0x0] =	vst.idx.msk $0xffff, v2;
	v2 =	vld.idx.msk [tilespmem:v45+s19+$0x0], $0xffff  }
0x1b2: {  	v42 =	vand.u32 v22, v52;
	[tilespmem:v30+s24+$0x0] =	vst.idx.msk $0xffff, v32;
	v32 =	vor.u32 v53, v28;
	v45 =	vld.idx.msk [tilespmem:v62+s19+$0x0], $0xffff  }
0x1b3: {  	v41 =	vand.u32 v6, v5;
	v5 =	vor.u32 s26, v4;
	v30 =	vmovc v48;
	v48 =	vshll.u32 v43, $0x7;
	v9 =	vld.idx.msk [tilespmem:v17+s19+$0x0], $0xffff  }
0x1b4: {  	v43 =	vand.u32 v8, v3;
	v49 =	vand.u32 v11, v5;
	v3 =	vor.u32 v48, v41;
	v50 =	vld.idx.msk [tilespmem:v18+s19+$0x0], $0xffff  }
0x1b5: {  	v4 =	vmovc v7;
	v46 =	vor.u32 v48, v57;
	v15 =	vor.u32 v48, v43;
	v62 =	vor.u32 s1, v25;
	v61 =	vld.idx.msk [tilespmem:v16+s19+$0x0], $0xffff  }
0x1b6: {  	v59 =	vor.u32 v31, v49;
	v7 =	vand.u32 v13, v62;
	v63 =	vld.idx.msk [tilespmem:v63+s19+$0x0], $0xffff;
	[tilespmem:v44+s24+$0x0] =	vst.idx.msk $0xffff, v47  }
0x1b7: {  	v48 =	vor.u32 v48, v42;
	v16 =	vor.u32 v38, v7;
	[tilespmem:v32+s24+$0x0] =	vst.idx.msk $0xffff, v45;
	v32 =	vmov v2;
	v2 =	vld [tilespmem:$0x1FFF0]  }
0x1b8: {  	v23 =	vld [tilespmem:$0x1FF40];
	v14 =	vor.u32 v54, v7;
	v17 =	vor.u32 v39, v7;
	v7 =	vor.u32 v40, v7  }
0x1b9: {  	v24 =	vld [tilespmem:$0x1FF50];
	[tilespmem:v3+s24+$0x0] =	vst.idx.msk $0xffff, v9  }
0x1ba: {  	v8 =	vld [tilespmem:$0x1FF20];
	v52 =	vshll.u32 v5, $0x7;
	v5 =	vor.u32 v56, v34;
	v47 =	vshll.u32 v62, $0x7;
	[tilespmem:v15+s24+$0x0] =	vst.idx.msk $0xffff, v50  }
0x1bb: {  	v44 =	vor.u32 v52, v28;
	v62 =	vor.u32 v47, v43;
	v45 =	vld.idx.msk [tilespmem:v59+s19+$0x0], $0xffff;
	[tilespmem:v46+s24+$0x0] =	vst.idx.msk $0xffff, v61  }
0x1bc: {  	v15 =	vor.u32 v47, v41;
	[tilespmem:v48+s24+$0x0] =	vst.idx.msk $0xffff, v63;
	v16 =	vld.idx.msk [tilespmem:v16+s19+$0x0], $0xffff;
	v2 =	vor.u32 s26, v2  }
0x1bd: {  	v59 =	vor.u32 s1, v27;
	v48 =	vor.u32 v47, v57;
	v7 =	vld.idx.msk [tilespmem:v7+s19+$0x0], $0xffff;
	v46 =	vand.u32 v23, v2  }
0x1be: {  	v47 =	vor.u32 v47, v42;
	v50 =	vshll.u32 v2, $0x7;
	v2 =	vld [tilespmem:$0x1FF90];
	v9 =	vor.u32 v31, v46  }
0x1bf: {  	v3 =	vld.idx.msk [tilespmem:v14+s19+$0x0], $0xffff;
	v14 =	vand.u32 v8, v59  }
0x1c0: {  	[tilespmem:v5+s24+$0x0] =	vst.idx.msk $0xffff, v60;
	v61 =	vor.u32 v54, v14  }
0x1c1: {  	v17 =	vld.idx.msk [tilespmem:v17+s19+$0x0], $0xffff;
	v63 =	vor.u32 v38, v14;
	[tilespmem:v44+s24+$0x0] =	vst.idx.msk $0xffff, v45  }
0x1c2: {  	v21 =	vld [tilespmem:$0x1FF30];
	v18 =	vor.u32 v39, v14;
	v14 =	vor.u32 v40, v14;
	[tilespmem:v15+s24+$0x0] =	vst.idx.msk $0xffff, v16  }
0x1c3: {  	v5 =	vor.u32 v56, v37;
	v44 =	vshll.u32 v59, $0x7;
	[tilespmem:v47+s24+$0x0] =	vst.idx.msk $0xffff, v7;
	v2 =	vor.u32 s26, v2;
	v9 =	vld.idx.msk [tilespmem:v9+s19+$0x0], $0xffff  }
0x1c4: {  	[tilespmem:v48+s24+$0x0] =	vst.idx.msk $0xffff, v3;
	v45 =	vand.u32 v24, v2;
	v3 =	vor.u32 v50, v28;
	v47 =	vshll.u32 v2, $0x7;
	v2 =	vld [tilespmem:$0x1FF80]  }
0x1c5: {  	v7 =	vor.u32 v44, v57;
	v48 =	vor.u32 s1, v10;
	v15 =	vld.idx.msk [tilespmem:v61+s19+$0x0], $0xffff;
	v16 =	vor.u32 v31, v45  }
0x1c6: {  	[tilespmem:v62+s24+$0x0] =	vst.idx.msk $0xffff, v17;
	v17 =	vor.u32 v44, v41;
	v60 =	vld.idx.msk [tilespmem:v63+s19+$0x0], $0xffff;
	v59 =	vand.u32 v19, v48  }
0x1c7: {  	v14 =	vld.idx.msk [tilespmem:v14+s19+$0x0], $0xffff;
	v19 =	vor.u32 v44, v42;
	v61 =	vor.u32 v54, v59  }
0x1c8: {  	v62 =	vor.u32 v44, v43;
	v18 =	vld.idx.msk [tilespmem:v18+s19+$0x0], $0xffff;
	[tilespmem:v5+s24+$0x0] =	vst.idx.msk $0xffff, v58;
	v63 =	vor.u32 v38, v59  }
0x1c9: {  	v20 =	vor.u32 v39, v59;
	v59 =	vor.u32 v40, v59;
	[tilespmem:v3+s24+$0x0] =	vst.idx.msk $0xffff, v9;
	v2 =	vor.u32 s26, v2  }
0x1ca: {  	v5 =	vld.idx.msk [tilespmem:v16+s19+$0x0], $0xffff;
	[tilespmem:v7+s24+$0x0] =	vst.idx.msk $0xffff, v15;
	v44 =	vand.u32 v21, v2;
	v7 =	vor.u32 v47, v28  }
0x1cb: {  	[tilespmem:v17+s24+$0x0] =	vst.idx.msk $0xffff, v60;
	v3 =	vor.u32 v56, v29;
	v9 =	vshll.u32 v48, $0x7;
	v17 =	vor.u32 v31, v44  }
0x1cc: {  	s26 =	smov.u32 s1;
	[tilespmem:v19+s24+$0x0] =	vst.idx.msk $0xffff, v14;
	v14 =	vor.u32 v9, v57;
	v16 =	vld.idx.msk [tilespmem:v61+s19+$0x0], $0xffff  }
0x1cd: {  	v15 =	vor.u32 s26, v26;
	v56 =	vld.idx.msk [tilespmem:v63+s19+$0x0], $0xffff  }
0x1ce: {  	[tilespmem:v62+s24+$0x0] =	vst.idx.msk $0xffff, v18;
	v18 =	vor.u32 v9, v41;
	v31 =	vand.u32 v11, v15;
	v19 =	vld.idx.msk [tilespmem:v59+s19+$0x0], $0xffff  }
0x1cf: {  	v20 =	vld.idx.msk [tilespmem:v20+s19+$0x0], $0xffff;
	v59 =	vor.u32 v9, v43;
	v58 =	vor.u32 v54, v31;
	[tilespmem:v7+s24+$0x0] =	vst.idx.msk $0xffff, v5  }
0x1d0: {  	v9 =	vor.u32 v9, v42;
	v60 =	vor.u32 v38, v31;
	[tilespmem:v3+s24+$0x0] =	vst.idx.msk $0xffff, v55;
	v3 =	vld.idx.msk [tilespmem:v17+s19+$0x0], $0xffff  }
0x1d1: {  	v62 =	vor.u32 v40, v31;
	[tilespmem:v14+s24+$0x0] =	vst.idx.msk $0xffff, v16;
	v14 =	vshll.u32 v15, $0x7;
	v15 =	vld [tilespmem:$0x1FE50]  }
0x1d2: {  	v61 =	vor.u32 v39, v31  }
0x1d3: {  	v48 =	vshll.u32 v2, $0x7;
	v2 =	vor.u32 v35, v51  }
0x1d4: {  	v5 =	vor.u32 v36, v51;
	v7 =	vor.u32 v48, v28;
	[tilespmem:v18+s24+$0x0] =	vst.idx.msk $0xffff, v56;
	v16 =	vld.idx.msk [tilespmem:v58+s19+$0x0], $0xffff  }
0x1d5: {  	v28 =	vmov v57;
	v17 =	vor.u32 v33, v51;
	[tilespmem:v9+s24+$0x0] =	vst.idx.msk $0xffff, v19;
	v51 =	vld.idx.msk [tilespmem:v60+s19+$0x0], $0xffff  }
0x1d6: {  	[tilespmem:v59+s24+$0x0] =	vst.idx.msk $0xffff, v20;
	v9 =	vor.u32 v14, v28;
	v20 =	vld.idx.msk [tilespmem:v62+s19+$0x0], $0xffff;
	v15 =	vor.u32 s26, v15  }
0x1d7: {  	v31 =	vmov v54;
	v19 =	vor.u32 v14, v41;
	v55 =	vld.idx.msk [tilespmem:v61+s19+$0x0], $0xffff;
	v18 =	vand.u32 v23, v15  }
0x1d8: {  	v62 =	vor.u32 v14, v43;
	v14 =	vor.u32 v14, v42;
	v23 =	vld [tilespmem:$0x1FE70];
	v54 =	vor.u32 v31, v18  }
0x1d9: {  	v2 =	vld.idx.msk [tilespmem:v2+s19+$0x0], $0xffff;
	[tilespmem:v7+s24+$0x0] =	vst.idx.msk $0xffff, v3;
	v63 =	vor.u32 v38, v18  }
0x1da: {  	v5 =	vld.idx.msk [tilespmem:v5+s19+$0x0], $0xffff;
	v3 =	vor.u32 v53, v29;
	v60 =	vor.u32 v39, v18;
	v18 =	vor.u32 v40, v18  }
0x1db: {  	v7 =	vor.u32 v53, v34;
	v53 =	vor.u32 v53, v37;
	[tilespmem:v9+s24+$0x0] =	vst.idx.msk $0xffff, v16;
	v9 =	vld.idx.msk [tilespmem:v17+s19+$0x0], $0xffff  }
0x1dc: {  	v11 =	vld [tilespmem:$0x1FE80];
	v16 =	vor.u32 v35, v49;
	v17 =	vor.u32 v36, v49;
	v15 =	vshll.u32 v15, $0x7;
	[tilespmem:v19+s24+$0x0] =	vst.idx.msk $0xffff, v51  }
0x1dd: {  	[tilespmem:v14+s24+$0x0] =	vst.idx.msk $0xffff, v20;
	v14 =	vor.u32 v15, v28;
	v59 =	vor.u32 s26, v23;
	v19 =	vld.idx.msk [tilespmem:v54+s19+$0x0], $0xffff  }
0x1de: {  	[tilespmem:v62+s24+$0x0] =	vst.idx.msk $0xffff, v55;
	v20 =	vor.u32 v15, v41;
	v51 =	vand.u32 v24, v59;
	v54 =	vld.idx.msk [tilespmem:v63+s19+$0x0], $0xffff  }
0x1df: {  	v57 =	vor.u32 v15, v43;
	v15 =	vor.u32 v15, v42;
	v18 =	vld.idx.msk [tilespmem:v18+s19+$0x0], $0xffff;
	v55 =	vor.u32 v31, v51  }
0x1e0: {  	v49 =	vor.u32 v33, v49;
	v56 =	vld.idx.msk [tilespmem:v60+s19+$0x0], $0xffff;
	[tilespmem:v7+s24+$0x0] =	vst.idx.msk $0xffff, v2;
	v58 =	vor.u32 v38, v51  }
0x1e1: {  	[tilespmem:v53+s24+$0x0] =	vst.idx.msk $0xffff, v5;
	v60 =	vor.u32 v39, v51;
	v51 =	vor.u32 v40, v51;
	v2 =	vld.idx.msk [tilespmem:v16+s19+$0x0], $0xffff  }
0x1e2: {  	v7 =	vor.u32 v52, v34;
	v5 =	vor.u32 v52, v37;
	v17 =	vld.idx.msk [tilespmem:v17+s19+$0x0], $0xffff;
	[tilespmem:v14+s24+$0x0] =	vst.idx.msk $0xffff, v19  }
0x1e3: {  	v61 =	vshll.u32 v59, $0x7;
	v14 =	vor.u32 v52, v29;
	v52 =	vor.u32 s26, v11;
	[tilespmem:v20+s24+$0x0] =	vst.idx.msk $0xffff, v54;
	v11 =	vld [tilespmem:$0x1FE60]  }
0x1e4: {  	v53 =	vor.u32 v36, v46;
	v16 =	vor.u32 v35, v46;
	[tilespmem:v15+s24+$0x0] =	vst.idx.msk $0xffff, v18;
	v20 =	vld.idx.msk [tilespmem:v55+s19+$0x0], $0xffff  }
0x1e5: {  	v15 =	vor.u32 v61, v28;
	[tilespmem:v57+s24+$0x0] =	vst.idx.msk $0xffff, v56;
	v18 =	vor.u32 v61, v41;
	v55 =	vld.idx.msk [tilespmem:v58+s19+$0x0], $0xffff  }
0x1e6: {  	v19 =	vor.u32 v61, v42;
	v54 =	vand.u32 v21, v52;
	v51 =	vld.idx.msk [tilespmem:v51+s19+$0x0], $0xffff;
	v58 =	vor.u32 v61, v43  }
0x1e7: {  	v57 =	vld.idx.msk [tilespmem:v60+s19+$0x0], $0xffff;
	[tilespmem:v3+s24+$0x0] =	vst.idx.msk $0xffff, v9;
	v9 =	vor.u32 v33, v46;
	v56 =	vor.u32 v31, v54  }
0x1e8: {  	[tilespmem:v7+s24+$0x0] =	vst.idx.msk $0xffff, v2;
	v2 =	vor.u32 v50, v34;
	v59 =	vor.u32 v38, v54  }
0x1e9: {  	v7 =	vor.u32 v50, v29;
	v60 =	vor.u32 v39, v54;
	v54 =	vor.u32 v40, v54;
	v3 =	vld.idx.msk [tilespmem:v49+s19+$0x0], $0xffff  }
0x1ea: {  	v21 =	vor.u32 v35, v44;
	v49 =	vor.u32 v47, v37;
	v46 =	vor.u32 s26, v11;
	v11 =	vld [tilespmem:$0x1FE90];
	[tilespmem:v15+s24+$0x0] =	vst.idx.msk $0xffff, v20  }
0x1eb: {  	v15 =	vld.idx.msk [tilespmem:v16+s19+$0x0], $0xffff;
	v16 =	vor.u32 v50, v37;
	v20 =	vshll.u32 v52, $0x7;
	[tilespmem:v18+s24+$0x0] =	vst.idx.msk $0xffff, v55  }
0x1ec: {  	v62 =	vand.u32 v1, v46;
	[tilespmem:v19+s24+$0x0] =	vst.idx.msk $0xffff, v51;
	v18 =	vld.idx.msk [tilespmem:v56+s19+$0x0], $0xffff;
	v19 =	vor.u32 v20, v28  }
0x1ed: {  	[tilespmem:v58+s24+$0x0] =	vst.idx.msk $0xffff, v57;
	v52 =	vld.idx.msk [tilespmem:v59+s19+$0x0], $0xffff;
	v51 =	vor.u32 v20, v41;
	v55 =	vor.u32 v31, v62  }
0x1ee: {  	v54 =	vld.idx.msk [tilespmem:v54+s19+$0x0], $0xffff;
	v57 =	vor.u32 v20, v43;
	v58 =	vor.u32 v38, v62;
	v20 =	vor.u32 v20, v42  }
0x1ef: {  	v50 =	vor.u32 v35, v45;
	v63 =	vshll.u32 v46, $0x7;
	v56 =	vld.idx.msk [tilespmem:v60+s19+$0x0], $0xffff;
	[tilespmem:v5+s24+$0x0] =	vst.idx.msk $0xffff, v17  }
0x1f0: {  	v46 =	vor.u32 v47, v29;
	v60 =	vor.u32 v40, v62;
	[tilespmem:v14+s24+$0x0] =	vst.idx.msk $0xffff, v3;
	v3 =	vld.idx.msk [tilespmem:v53+s19+$0x0], $0xffff  }
0x1f1: {  	v59 =	vor.u32 v39, v62;
	v5 =	vor.u32 v33, v45;
	v9 =	vld.idx.msk [tilespmem:v9+s19+$0x0], $0xffff;
	[tilespmem:v19+s24+$0x0] =	vst.idx.msk $0xffff, v18  }
0x1f2: {  	v14 =	vor.u32 v36, v45;
	v17 =	vor.u32 v47, v34;
	[tilespmem:v51+s24+$0x0] =	vst.idx.msk $0xffff, v52;
	v45 =	vld.idx.msk [tilespmem:v55+s19+$0x0], $0xffff  }
0x1f3: {  	v19 =	vor.u32 s26, v11;
	[tilespmem:v20+s24+$0x0] =	vst.idx.msk $0xffff, v54;
	v20 =	vor.u32 v63, v28;
	v53 =	vld.idx.msk [tilespmem:v58+s19+$0x0], $0xffff  }
0x1f4: {  	v54 =	vor.u32 v63, v41;
	v47 =	vand.u32 v13, v19;
	[tilespmem:v2+s24+$0x0] =	vst.idx.msk $0xffff, v15;
	v2 =	vld [tilespmem:$0x1FEA0]  }
0x1f5: {  	[tilespmem:v57+s24+$0x0] =	vst.idx.msk $0xffff, v56;
	v18 =	vor.u32 v63, v42;
	v55 =	vld.idx.msk [tilespmem:v60+s19+$0x0], $0xffff;
	v56 =	vor.u32 v31, v47  }
0x1f6: {  	v57 =	vld.idx.msk [tilespmem:v59+s19+$0x0], $0xffff;
	v58 =	vor.u32 v63, v43;
	[tilespmem:v16+s24+$0x0] =	vst.idx.msk $0xffff, v3;
	v59 =	vor.u32 v38, v47  }
0x1f7: {  	v60 =	vor.u32 v39, v47;
	v61 =	vor.u32 v40, v47;
	v15 =	vld.idx.msk [tilespmem:v50+s19+$0x0], $0xffff;
	v47 =	vor.u32 v36, v44  }
0x1f8: {  	v35 =	vmov v38;
	v50 =	vor.u32 v48, v34;
	v52 =	vld.idx.msk [tilespmem:v14+s19+$0x0], $0xffff;
	v14 =	vshll.u32 v19, $0x7;
	[tilespmem:v20+s24+$0x0] =	vst.idx.msk $0xffff, v45  }
0x1f9: {  	s29 =	sadd.s32 $0x4, s29;
	v36 =	vmovc v40;
	v34 =	vmov v41;
	v45 =	vor.u32 v33, v44;
	v51 =	vor.u32 s26, v2;
	[tilespmem:v54+s24+$0x0] =	vst.idx.msk $0xffff, v53  }
0x1fa: {  	p1 =	slt.u32 s29, $0x1C;
	v44 =	vor.u32 v48, v37;
	[tilespmem:v18+s24+$0x0] =	vst.idx.msk $0xffff, v55;
	v18 =	vor.u32 v14, v28;
	v16 =	vld.idx.msk [tilespmem:v56+s19+$0x0], $0xffff  }
.Ltmp2:
0x1fb: {  	[tilespmem:v58+s24+$0x0] =	vst.idx.msk $0xffff, v57;
	v2 =	vor.u32 v14, v41;
	v54 =	vor.u32 v14, v42;
	v62 =	vld.idx.msk [tilespmem:v59+s19+$0x0], $0xffff;
	(pc) =	sbr.rel @p1 .LBB2_3-.Ltmp2, $4  }
0x1fc: {  	v48 =	vor.u32 v48, v29;
	v37 =	vand.u32 v8, v51;
	v58 =	vld.idx.msk [tilespmem:v60+s19+$0x0], $0xffff;
	[tilespmem:v7+s24+$0x0] =	vst.idx.msk $0xffff, v9  }
0x1fd: {  	v33 =	vmov v39;
	v29 =	vmov v43;
	v59 =	vld.idx.msk [tilespmem:v61+s19+$0x0], $0xffff;
	v60 =	vor.u32 v14, v43;
	[tilespmem:v17+s24+$0x0] =	vst.idx.msk $0xffff, v15  }
0x1fe: {  	v3 =	vor.u32 v31, v37;
	v63 =	vor.u32 v38, v37;
	v55 =	vor.u32 v39, v37;
	v53 =	vld.idx.msk [tilespmem:v5+s19+$0x0], $0xffff  }
0x1ff: {  	s30 =	sadd.s32 $0x40, s30;
	v7 =	vmov v4;
	v61 =	vor.u32 v40, v37;
	v57 =	vld.idx.msk [tilespmem:v21+s19+$0x0], $0xffff;
	v37 =	vmov v42;
	[tilespmem:v18+s24+$0x0] =	vst.idx.msk $0xffff, v16  }
0x200: {  	v39 =	vld [tilespmem:$0x1FEA0]  }
0x201: {  	v42 =	vld [tilespmem:$0x1FE90]  }
0x202: {  	v41 =	vld [tilespmem:$0x1FE60]  }
0x203: {  	v40 =	vld [tilespmem:$0x1FE80]  }
0x204: {  	v56 =	vld [tilespmem:$0x1FE70]  }
0x205: {  	v43 =	vld [tilespmem:$0x1FE50]  }
0x206: {  	v26 =	vld [tilespmem:$0x1FF00]  }
0x207: {  	v23 =	vld [tilespmem:$0x1FF20]  }
0x208: {  	v8 =	vld [tilespmem:$0x1FEF0];
	[tilespmem:v2+s24+$0x0] =	vst.idx.msk $0xffff, v62  }
0x209: {  	v62 =	vld [tilespmem:$0x1FF60];
	_ =	sdelay $0x1  }
0x20a: {  	v5 =	vshll.u32 v51, $0x7  }
0x20b: {  	v2 =	vld.idx.msk [tilespmem:v3+s19+$0x0], $0xffff;
	v9 =	vor.u32 v5, v28  }
0x20c: {  	v7 =	vor.u32 s26, v7  }
0x20d: {  	v3 =	vand.u32 v62, v7  }
0x20e: {  	v14 =	vld.idx.msk [tilespmem:v63+s19+$0x0], $0xffff;
	[tilespmem:v60+s24+$0x0] =	vst.idx.msk $0xffff, v58;
	v15 =	vor.u32 v31, v3  }
0x20f: {  	[tilespmem:v54+s24+$0x0] =	vst.idx.msk $0xffff, v59;
	v20 =	vld.idx.msk [tilespmem:v55+s19+$0x0], $0xffff  }
0x210: {  	v16 =	vor.u32 v5, v34;
	v18 =	vld.idx.msk [tilespmem:v61+s19+$0x0], $0xffff;
	[tilespmem:v9+s24+$0x0] =	vst.idx.msk $0xffff, v2  }
0x211: {  	v24 =	vmov v27;
	v19 =	vor.u32 v5, v37;
	v5 =	vor.u32 v5, v29;
	v27 =	vld [tilespmem:$0x1FFE0]  }
0x212: {  	v2 =	vshll.u32 v7, $0x7;
	v10 =	vld [tilespmem:$0x1FF70]  }
0x213: {  	v38 =	vor.u32 v2, v28;
	v9 =	vld.idx.msk [tilespmem:v15+s19+$0x0], $0xffff;
	_ =	sdelay $0x1  }
0x214: {  	[tilespmem:v16+s24+$0x0] =	vst.idx.msk $0xffff, v14  }
0x215: {  	v17 =	vor.u32 v35, v3;
	[tilespmem:v5+s24+$0x0] =	vst.idx.msk $0xffff, v20  }
0x216: {  	v21 =	vor.u32 v36, v3;
	[tilespmem:v19+s24+$0x0] =	vst.idx.msk $0xffff, v18;
	v7 =	vor.u32 s26, v27  }
0x217: {  	v3 =	vor.u32 v33, v3;
	v15 =	vand.u32 v10, v7;
	[tilespmem:v38+s24+$0x0] =	vst.idx.msk $0xffff, v9  }
0x218: {  	v14 =	vor.u32 v31, v15;
	v9 =	vld [tilespmem:$0x1FFF0]  }
0x219: {  	v12 =	vld [tilespmem:$0x1FF40]  }
0x21a: {  	v55 =	vor.u32 v2, v34;
	v16 =	vld.idx.msk [tilespmem:v17+s19+$0x0], $0xffff  }
0x21b: {  	v61 =	vor.u32 v2, v37;
	v5 =	vld.idx.msk [tilespmem:v21+s19+$0x0], $0xffff;
	v60 =	vor.u32 v35, v15  }
0x21c: {  	v2 =	vor.u32 v2, v29;
	v3 =	vld.idx.msk [tilespmem:v3+s19+$0x0], $0xffff;
	v7 =	vshll.u32 v7, $0x7;
	v20 =	vor.u32 v36, v15  }
0x21d: {  	v15 =	vor.u32 v33, v15;
	v63 =	vor.u32 v7, v28;
	v14 =	vld.idx.msk [tilespmem:v14+s19+$0x0], $0xffff;
	v58 =	vmovc v9;
	v9 =	vor.u32 s26, v9  }
0x21e: {  	v21 =	vand.u32 v12, v9  }
0x21f: {  	[tilespmem:v55+s24+$0x0] =	vst.idx.msk $0xffff, v16;
	v51 =	vor.u32 v31, v21  }
0x220: {  	v54 =	vor.u32 v7, v34;
	[tilespmem:v61+s24+$0x0] =	vst.idx.msk $0xffff, v5;
	v17 =	vld.idx.msk [tilespmem:v60+s19+$0x0], $0xffff  }
0x221: {  	v55 =	vor.u32 v7, v37;
	[tilespmem:v2+s24+$0x0] =	vst.idx.msk $0xffff, v3;
	v20 =	vld.idx.msk [tilespmem:v20+s19+$0x0], $0xffff  }
0x222: {  	v2 =	vor.u32 v7, v29;
	v7 =	vld.idx.msk [tilespmem:v15+s19+$0x0], $0xffff;
	[tilespmem:v63+s24+$0x0] =	vst.idx.msk $0xffff, v14  }
0x223: {  	v9 =	vshll.u32 v9, $0x7;
	v11 =	vld [tilespmem:$0x1FF90]  }
0x224: {  	v5 =	vor.u32 v35, v21;
	v59 =	vor.u32 v9, v28;
	v16 =	vld.idx.msk [tilespmem:v51+s19+$0x0], $0xffff  }
0x225: {  	v51 =	vld [tilespmem:$0x1FF50];
	[tilespmem:v54+s24+$0x0] =	vst.idx.msk $0xffff, v17  }
0x226: {  	[tilespmem:v55+s24+$0x0] =	vst.idx.msk $0xffff, v20  }
0x227: {  	v3 =	vor.u32 v36, v21;
	[tilespmem:v2+s24+$0x0] =	vst.idx.msk $0xffff, v7  }
0x228: {  	v15 =	vor.u32 v33, v21;
	[tilespmem:v49+s24+$0x0] =	vst.idx.msk $0xffff, v52  }
0x229: {  	v14 =	vor.u32 s26, v11;
	v5 =	vld.idx.msk [tilespmem:v5+s19+$0x0], $0xffff;
	[tilespmem:v59+s24+$0x0] =	vst.idx.msk $0xffff, v16  }
0x22a: {  	v61 =	vor.u32 v9, v34;
	v21 =	vand.u32 v51, v14;
	v11 =	vld [tilespmem:$0x1FF80]  }
0x22b: {  	v60 =	vor.u32 v31, v21;
	v13 =	vld [tilespmem:$0x1FF30]  }
0x22c: {  	v2 =	vor.u32 v9, v37;
	v3 =	vld.idx.msk [tilespmem:v3+s19+$0x0], $0xffff;
	v63 =	vor.u32 v35, v21  }
0x22d: {  	v7 =	vor.u32 v9, v29;
	v15 =	vld.idx.msk [tilespmem:v15+s19+$0x0], $0xffff  }
0x22e: {  	v9 =	vor.u32 v36, v21  }
0x22f: {  	v14 =	vshll.u32 v14, $0x7;
	v20 =	vor.u32 v33, v21;
	[tilespmem:v61+s24+$0x0] =	vst.idx.msk $0xffff, v5;
	v54 =	vor.u32 s26, v11  }
0x230: {  	v55 =	vor.u32 v14, v28;
	[tilespmem:v46+s24+$0x0] =	vst.idx.msk $0xffff, v53;
	v17 =	vld.idx.msk [tilespmem:v60+s19+$0x0], $0xffff;
	v21 =	vand.u32 v13, v54  }
0x231: {  	v59 =	vor.u32 v14, v34;
	[tilespmem:v2+s24+$0x0] =	vst.idx.msk $0xffff, v3;
	v19 =	vld.idx.msk [tilespmem:v63+s19+$0x0], $0xffff;
	v5 =	vor.u32 v31, v21  }
0x232: {  	[tilespmem:v7+s24+$0x0] =	vst.idx.msk $0xffff, v15;
	v15 =	vld.idx.msk [tilespmem:v47+s19+$0x0], $0xffff;
	v60 =	vor.u32 v35, v21  }
0x233: {  	v2 =	vor.u32 v14, v37;
	[tilespmem:v50+s24+$0x0] =	vst.idx.msk $0xffff, v57;
	v3 =	vld.idx.msk [tilespmem:v9+s19+$0x0], $0xffff  }
0x234: {  	v7 =	vor.u32 v14, v29;
	[tilespmem:v30+s24+$0x0] =	vst.idx.msk $0xffff, v32;
	v14 =	vld.idx.msk [tilespmem:v20+s19+$0x0], $0xffff;
	v16 =	vshll.u32 v54, $0x7  }
0x235: {  	v9 =	vor.u32 v36, v21;
	v61 =	vor.u32 v33, v21;
	v21 =	vld.idx.msk [tilespmem:v45+s19+$0x0], $0xffff;
	[tilespmem:v55+s24+$0x0] =	vst.idx.msk $0xffff, v17  }
0x236: {  	v20 =	vor.u32 v16, v28;
	[tilespmem:v59+s24+$0x0] =	vst.idx.msk $0xffff, v19;
	v5 =	vld.idx.msk [tilespmem:v5+s19+$0x0], $0xffff  }
0x237: {  	[tilespmem:v44+s24+$0x0] =	vst.idx.msk $0xffff, v15;
	v63 =	vor.u32 v16, v34;
	v19 =	vld.idx.msk [tilespmem:v60+s19+$0x0], $0xffff  }
0x238: {  	[tilespmem:v2+s24+$0x0] =	vst.idx.msk $0xffff, v3  }
0x239: {  	[tilespmem:v7+s24+$0x0] =	vst.idx.msk $0xffff, v14  }
0x23a: {  	v2 =	vor.u32 v16, v37;
	v3 =	vld.idx.msk [tilespmem:v9+s19+$0x0], $0xffff;
	[tilespmem:v48+s24+$0x0] =	vst.idx.msk $0xffff, v21  }
0x23b: {  	v7 =	vor.u32 v16, v29;
	v9 =	vld.idx.msk [tilespmem:v61+s19+$0x0], $0xffff;
	[tilespmem:v20+s24+$0x0] =	vst.idx.msk $0xffff, v5  }
0x23c: {  	s26 =	smul.u32 $0xC0000, s25;
	[tilespmem:v63+s24+$0x0] =	vst.idx.msk $0xffff, v19  }
0x23d: {  	s1 =	rddreg [dreg:$0x4]  }
0x23e: {  	s1 =	sor.u32 s1, s26  }
0x23f: {  	[tilespmem:v2+s24+$0x0] =	vst.idx.msk $0xffff, v3;
	s1 =	sshrl.u32 s1, $0x3  }
0x240: {  	[tilespmem:v7+s24+$0x0] =	vst.idx.msk $0xffff, v9;
	s15 =	sadd.s32 s2, s1  }
0x241: {  	[hbm4b:s15+s3] =	stream.linear.scatter [tilespmem:s24], [sflag:$0x4], $0x400, $0x38;
	[tilespmem:$0x12400] =	vst v63  }
0x242: {  	s6 =	simm.s32 $0xC800;
	s18 =	sadd.s32 s1, s7  }
0x243: {  	[hbm4b:s18+s3] =	stream.linear.scatter [tilespmem:s6], [sflag:$0x4], $0x400, $0x38;
	[tilespmem:$0x12400] =	vst v63  }
0x244: {  	s29 =	simm.s32 $0xCC00;
	s28 =	sadd.s32 s1, s8  }
0x245: {  	[hbm4b:s28+s3] =	stream.linear.scatter [tilespmem:s29], [sflag:$0x4], $0x400, $0x38;
	[tilespmem:$0x12400] =	vst v63  }
0x246: {  	s31 =	simm.s32 $0xD000;
	s30 =	sadd.s32 s1, s9  }
0x247: {  	[hbm4b:s30+s3] =	stream.linear.scatter [tilespmem:s31], [sflag:$0x4], $0x400, $0x38;
	[tilespmem:$0x12400] =	vst v63  }
0x248: {  	s14 =	simm.s32 $0xD400;
	s6 =	sadd.s32 s1, s10  }
0x249: {  	[hbm4b:s6+s3] =	stream.linear.scatter [tilespmem:s14], [sflag:$0x4], $0x400, $0x38;
	[tilespmem:$0x12400] =	vst v63  }
0x24a: {  	p1 =	sne.s32 s25, $0x42;
	s18 =	sadd.s32 s1, s11;
	s28 =	simm.s32 $0xD800  }
0x24b: {  	[hbm4b:s18+s3] =	stream.linear.scatter [tilespmem:s28], [sflag:$0x4], $0x400, $0x38;
	[tilespmem:$0x12400] =	vst v63  }
.Ltmp3:
0x24c: {  	_ = 	snop;
	(pc) =	sbr.rel @p1 .LBB2_6-.Ltmp3, $4  }
0x24d: {  	s29 =	sadd.s32 s1, s12;
	s30 =	simm.s32 $0xDC00  }
0x24e: {  	[hbm4b:s29+s3] =	stream.linear.scatter [tilespmem:s30], [sflag:$0x4], $0x400, $0x38;
	[tilespmem:$0x12400] =	vst v63  }
0x24f: {  	s1 =	sadd.s32 s1, s13;
	s31 =	simm.s32 $0xE000  }
0x250: {  	v46 =	vmov v27;
	v11 =	vmov v12;
	v12 =	vmov v51;
	[hbm4b:s1+s3] =	stream.linear.scatter [tilespmem:s31], [sflag:$0x4], $0x400, $0x38;
	[tilespmem:$0x12400] =	vst v63  }
.Ltmp4:
0x251: {  	(pc) =	sbr.rel .LBB2_7-.Ltmp4, $4  }
0x252: {  	_ = 	snop  }
0x253: {  	_ =	swait.ge [sflag:s0], $0x2000  }
0x254: {  	[sflag:s0] =	ssyncset.done $0x0  }
0x255: {  	v36 =	vmovc v43;
	v37 =	vmovc v56;
	v38 =	vmov v40;
	v44 =	vmov v42;
	v45 =	vmov v39;
	[sflag:s0] =	ssyncadd.s32 $0xFFFFE000  }
.LBB2_6:
0x256: {  	s1 =	smul.u32 $0x600, s25;
	_ =	sdelay $0x1  }
0x257: {  	s1 =	sshra.s32 s1, $0x2  }
.Ltmp5:
0x258: {  	s6 =	simm.s32 $0x80;
	s1 =	sadd.s32 $0x180, s1;
	(pc) =	sbr.rel @p0 .LBB2_8-.Ltmp5, $4  }
0x259: {  	[tilespmem:s19], [sflag:$0x1] =	stream.indirect.gather [hbm4b:s4+s6], $0x40, s1, s6, $0xb8;
	[tilespmem:$0x12400] =	vst v63  }
0x25a: {  	_ =	swait.ge [sflag:s0], $0x2000  }
0x25b: {  	[sflag:s0] =	ssyncset.done $0x0  }
0x25c: {  	v36 =	vmovc v43;
	v37 =	vmovc v56;
	v38 =	vmov v40;
	v44 =	vmov v42;
	v45 =	vmov v39;
	[sflag:s0] =	ssyncadd.s32 $0xFFFFE000  }
.LBB2_7:
0x25d: {  	_ =	swait.ge [sflag:s21], $0x400  }
0x25e: {  	[sflag:s21] =	ssyncset.done $0x0  }
0x25f: {  	[sflag:s21] =	ssyncadd.s32 $0xFFFFFC00  }
0x260: {  	_ =	swait.ge [sflag:s21], $0x400  }
0x261: {  	[sflag:s21] =	ssyncset.done $0x0  }
0x262: {  	[sflag:s21] =	ssyncadd.s32 $0xFFFFFC00  }
0x263: {  	_ =	swait.ge [sflag:s21], $0x400  }
0x264: {  	[sflag:s21] =	ssyncset.done $0x0  }
0x265: {  	[sflag:s21] =	ssyncadd.s32 $0xFFFFFC00  }
0x266: {  	_ =	swait.ge [sflag:s21], $0x400  }
0x267: {  	[sflag:s21] =	ssyncset.done $0x0  }
0x268: {  	[sflag:s21] =	ssyncadd.s32 $0xFFFFFC00  }
0x269: {  	_ =	swait.ge [sflag:s21], $0x400  }
0x26a: {  	[sflag:s21] =	ssyncset.done $0x0  }
0x26b: {  	[sflag:s21] =	ssyncadd.s32 $0xFFFFFC00  }
0x26c: {  	_ =	swait.ge [sflag:s21], $0x400  }
0x26d: {  	[sflag:s21] =	ssyncset.done $0x0  }
0x26e: {  	[sflag:s21] =	ssyncadd.s32 $0xFFFFFC00  }
0x26f: {  	_ =	swait.ge [sflag:s21], $0x400  }
0x270: {  	[sflag:s21] =	ssyncset.done $0x0  }
0x271: {  	[sflag:s21] =	ssyncadd.s32 $0xFFFFFC00  }
0x272: {  	_ =	swait.ge [sflag:s21], $0x400  }
0x273: {  	[sflag:s21] =	ssyncset.done $0x0  }
0x274: {  	[sflag:s21] =	ssyncadd.s32 $0xFFFFFC00  }
.LBB2_8:
0x275: {  	s1 =	simm.s32 $0x0  }
0x276: {  	s15 =	sand.u32 $0x40, s1  }
0x277: {  	s1 =	sand.u32 $0x30, s1;
	s18 =	sor.u32 $0x30, s15  }
0x278: {  	v2 =	vor.u32 s1, v0;
	s28 =	sor.u32 $0x10, s15;
	v3 =	vor.u32 s18, v0  }
0x279: {  	v48 =	vld [tilespmem:$0x1FED0];
	v5 =	vand.u32 v1, v2;
	v7 =	vor.u32 s28, v0;
	v35 =	vshll.u32 v3, $0x6  }
0x27a: {  	v33 =	vshll.u32 v7, $0x6;
	v14 =	vor.u32 v35, v5  }
0x27b: {  	s14 =	sor.u32 $0x20, s15;
	v16 =	vor.u32 v33, v5  }
0x27c: {  	v15 =	vor.u32 s15, v0;
	v18 =	vor.u32 s1, v25;
	v9 =	vor.u32 s14, v0  }
0x27d: {  	v30 =	vshll.u32 v15, $0x6;
	v2 =	vshll.u32 v2, $0x7;
	v28 =	vshll.u32 v9, $0x6  }
0x27e: {  	v29 =	vand.u32 v6, v7;
	v17 =	vor.u32 v28, v5;
	v34 =	vand.u32 v48, v3  }
0x27f: {  	v7 =	vand.u32 v8, v18;
	v5 =	vor.u32 v30, v5;
	v51 =	vor.u32 v2, v34;
	v3 =	vld.idx.msk [tilespmem:v14+s20+$0x0], $0xffff  }
0x280: {  	v31 =	vand.u32 v22, v9;
	v9 =	vor.u32 v2, v29;
	v19 =	vor.u32 v35, v7;
	v16 =	vld.idx.msk [tilespmem:v16+s20+$0x0], $0xffff;
	_ =	sdelay $0x1  }
0x281: {  	v32 =	vand.u32 v26, v15  }
0x282: {  	v53 =	vor.u32 v33, v7;
	v20 =	vor.u32 v2, v31;
	v21 =	vor.u32 v28, v7;
	v52 =	vld.idx.msk [tilespmem:v17+s20+$0x0], $0xffff  }
0x283: {  	v55 =	vor.u32 s1, v24;
	v2 =	vor.u32 v2, v32;
	v5 =	vld.idx.msk [tilespmem:v5+s20+$0x0], $0xffff;
	[tilespmem:v51+s5+$0x0] =	vst.idx.msk $0xffff, v3;
	v3 =	vshll.u32 v18, $0x7  }
0x284: {  	v7 =	vor.u32 v30, v7;
	[tilespmem:v9+s5+$0x0] =	vst.idx.msk $0xffff, v16;
	v9 =	vld.idx.msk [tilespmem:v19+s20+$0x0], $0xffff;
	v18 =	vor.u32 v3, v34  }
0x285: {  	v56 =	vand.u32 v23, v55  }
0x286: {  	v61 =	vor.u32 v35, v56  }
0x287: {  	[tilespmem:v20+s5+$0x0] =	vst.idx.msk $0xffff, v52;
	v17 =	vld.idx.msk [tilespmem:v53+s20+$0x0], $0xffff  }
0x288: {  	[tilespmem:v2+s5+$0x0] =	vst.idx.msk $0xffff, v5;
	v59 =	vor.u32 v3, v29;
	v2 =	vld.idx.msk [tilespmem:v21+s20+$0x0], $0xffff  }
0x289: {  	v20 =	vor.u32 v3, v31;
	v7 =	vld.idx.msk [tilespmem:v7+s20+$0x0], $0xffff;
	[tilespmem:v18+s5+$0x0] =	vst.idx.msk $0xffff, v9  }
0x28a: {  	v63 =	vmov v1;
	v3 =	vor.u32 v3, v32;
	v9 =	vshll.u32 v55, $0x7;
	v1 =	vld [tilespmem:$0x1FEC0]  }
0x28b: {  	v40 =	vld.idx.msk [tilespmem:v61+s20+$0x0], $0xffff;
	v43 =	vor.u32 v9, v34;
	_ =	sdelay $0x1  }
0x28c: {  	v5 =	vor.u32 v33, v56;
	[tilespmem:v59+s5+$0x0] =	vst.idx.msk $0xffff, v17  }
0x28d: {  	v21 =	vor.u32 v28, v56;
	[tilespmem:v20+s5+$0x0] =	vst.idx.msk $0xffff, v2  }
0x28e: {  	v16 =	vor.u32 v30, v56;
	[tilespmem:v3+s5+$0x0] =	vst.idx.msk $0xffff, v7  }
0x28f: {  	v39 =	vor.u32 s1, v1;
	[tilespmem:v43+s5+$0x0] =	vst.idx.msk $0xffff, v40  }
0x290: {  	v42 =	vand.u32 v62, v39;
	v61 =	vld [tilespmem:$0x1FEB0]  }
0x291: {  	v2 =	vor.u32 v9, v29;
	v5 =	vld.idx.msk [tilespmem:v5+s20+$0x0], $0xffff;
	v47 =	vor.u32 v35, v42  }
0x292: {  	v20 =	vor.u32 v9, v31;
	v3 =	vld.idx.msk [tilespmem:v21+s20+$0x0], $0xffff;
	v7 =	vor.u32 v33, v42  }
0x293: {  	v9 =	vor.u32 v9, v32;
	v16 =	vld.idx.msk [tilespmem:v16+s20+$0x0], $0xffff;
	v21 =	vor.u32 v28, v42  }
0x294: {  	v17 =	vor.u32 v30, v42  }
0x295: {  	v14 =	vshll.u32 v39, $0x7;
	v49 =	vor.u32 s1, v61  }
0x296: {  	[tilespmem:v2+s5+$0x0] =	vst.idx.msk $0xffff, v5;
	v50 =	vor.u32 v14, v34;
	v2 =	vld.idx.msk [tilespmem:v47+s20+$0x0], $0xffff;
	v5 =	vand.u32 v10, v49  }
0x297: {  	[tilespmem:v20+s5+$0x0] =	vst.idx.msk $0xffff, v3;
	v3 =	vor.u32 v14, v29;
	v7 =	vld.idx.msk [tilespmem:v7+s20+$0x0], $0xffff;
	v51 =	vor.u32 v35, v5  }
0x298: {  	[tilespmem:v9+s5+$0x0] =	vst.idx.msk $0xffff, v16;
	v20 =	vor.u32 v14, v31;
	v9 =	vld.idx.msk [tilespmem:v21+s20+$0x0], $0xffff;
	v52 =	vor.u32 v33, v5  }
0x299: {  	v14 =	vor.u32 v14, v32;
	v17 =	vld.idx.msk [tilespmem:v17+s20+$0x0], $0xffff;
	v21 =	vor.u32 v28, v5  }
0x29a: {  	v5 =	vor.u32 v30, v5  }
0x29b: {  	v53 =	vor.u32 s1, v36;
	[tilespmem:v50+s5+$0x0] =	vst.idx.msk $0xffff, v2;
	v2 =	vshll.u32 v49, $0x7  }
0x29c: {  	[tilespmem:v3+s5+$0x0] =	vst.idx.msk $0xffff, v7;
	v7 =	vand.u32 v11, v53;
	v3 =	vld.idx.msk [tilespmem:v51+s20+$0x0], $0xffff;
	v55 =	vor.u32 v2, v34  }
0x29d: {  	[tilespmem:v20+s5+$0x0] =	vst.idx.msk $0xffff, v9;
	v16 =	vld.idx.msk [tilespmem:v52+s20+$0x0], $0xffff;
	v9 =	vor.u32 v2, v29;
	v56 =	vor.u32 v35, v7  }
0x29e: {  	[tilespmem:v14+s5+$0x0] =	vst.idx.msk $0xffff, v17;
	v59 =	vld.idx.msk [tilespmem:v21+s20+$0x0], $0xffff;
	v39 =	vor.u32 v33, v7;
	v20 =	vor.u32 v2, v31  }
0x29f: {  	v5 =	vld.idx.msk [tilespmem:v5+s20+$0x0], $0xffff;
	v2 =	vor.u32 v2, v32;
	v21 =	vor.u32 v28, v7  }
0x2a0: {  	v7 =	vor.u32 v30, v7  }
0x2a1: {  	v40 =	vor.u32 s1, v37;
	[tilespmem:v55+s5+$0x0] =	vst.idx.msk $0xffff, v3;
	v3 =	vshll.u32 v53, $0x7  }
0x2a2: {  	v42 =	vand.u32 v12, v40;
	[tilespmem:v9+s5+$0x0] =	vst.idx.msk $0xffff, v16;
	v9 =	vld.idx.msk [tilespmem:v56+s20+$0x0], $0xffff;
	v43 =	vor.u32 v3, v34  }
0x2a3: {  	v49 =	vor.u32 v35, v42;
	[tilespmem:v20+s5+$0x0] =	vst.idx.msk $0xffff, v59;
	v17 =	vld.idx.msk [tilespmem:v39+s20+$0x0], $0xffff;
	v47 =	vor.u32 v3, v29  }
0x2a4: {  	[tilespmem:v2+s5+$0x0] =	vst.idx.msk $0xffff, v5;
	v5 =	vor.u32 v33, v42;
	v2 =	vld.idx.msk [tilespmem:v21+s20+$0x0], $0xffff;
	v20 =	vor.u32 v3, v31  }
0x2a5: {  	v7 =	vld.idx.msk [tilespmem:v7+s20+$0x0], $0xffff;
	v3 =	vor.u32 v3, v32;
	v21 =	vor.u32 v28, v42  }
0x2a6: {  	v16 =	vor.u32 v30, v42  }
0x2a7: {  	v50 =	vor.u32 s1, v38;
	[tilespmem:v43+s5+$0x0] =	vst.idx.msk $0xffff, v9;
	v9 =	vshll.u32 v40, $0x7  }
0x2a8: {  	v52 =	vand.u32 v13, v50;
	[tilespmem:v47+s5+$0x0] =	vst.idx.msk $0xffff, v17;
	v51 =	vld.idx.msk [tilespmem:v49+s20+$0x0], $0xffff;
	v53 =	vor.u32 v9, v34  }
0x2a9: {  	v55 =	vor.u32 v35, v52;
	[tilespmem:v20+s5+$0x0] =	vst.idx.msk $0xffff, v2;
	v5 =	vld.idx.msk [tilespmem:v5+s20+$0x0], $0xffff;
	v2 =	vor.u32 v9, v29  }
0x2aa: {  	[tilespmem:v3+s5+$0x0] =	vst.idx.msk $0xffff, v7;
	v7 =	vor.u32 v33, v52;
	v3 =	vld.idx.msk [tilespmem:v21+s20+$0x0], $0xffff;
	v20 =	vor.u32 v9, v31  }
0x2ab: {  	v16 =	vld.idx.msk [tilespmem:v16+s20+$0x0], $0xffff;
	v9 =	vor.u32 v9, v32;
	v21 =	vor.u32 v28, v52  }
0x2ac: {  	v17 =	vor.u32 v30, v52  }
0x2ad: {  	v59 =	vor.u32 s1, v41;
	v56 =	vshll.u32 v50, $0x7;
	[tilespmem:v53+s5+$0x0] =	vst.idx.msk $0xffff, v51  }
0x2ae: {  	v39 =	vor.u32 v56, v34;
	[tilespmem:v2+s5+$0x0] =	vst.idx.msk $0xffff, v5;
	v5 =	vand.u32 v63, v59;
	v2 =	vld.idx.msk [tilespmem:v55+s20+$0x0], $0xffff  }
0x2af: {  	[tilespmem:v20+s5+$0x0] =	vst.idx.msk $0xffff, v3;
	v3 =	vor.u32 v56, v29;
	v7 =	vld.idx.msk [tilespmem:v7+s20+$0x0], $0xffff;
	v40 =	vor.u32 v35, v5  }
0x2b0: {  	[tilespmem:v9+s5+$0x0] =	vst.idx.msk $0xffff, v16;
	v20 =	vor.u32 v56, v31;
	v9 =	vld.idx.msk [tilespmem:v21+s20+$0x0], $0xffff;
	v41 =	vor.u32 v33, v5  }
0x2b1: {  	v14 =	vor.u32 v56, v32;
	v17 =	vld.idx.msk [tilespmem:v17+s20+$0x0], $0xffff;
	v21 =	vor.u32 v28, v5  }
0x2b2: {  	v5 =	vor.u32 v30, v5  }
0x2b3: {  	v42 =	vor.u32 s1, v44;
	[tilespmem:v39+s5+$0x0] =	vst.idx.msk $0xffff, v2;
	v2 =	vshll.u32 v59, $0x7  }
0x2b4: {  	[tilespmem:v3+s5+$0x0] =	vst.idx.msk $0xffff, v7;
	v7 =	vand.u32 v8, v42;
	v3 =	vld.idx.msk [tilespmem:v40+s20+$0x0], $0xffff;
	v43 =	vor.u32 v2, v34  }
0x2b5: {  	[tilespmem:v20+s5+$0x0] =	vst.idx.msk $0xffff, v9;
	v16 =	vld.idx.msk [tilespmem:v41+s20+$0x0], $0xffff;
	v9 =	vor.u32 v2, v29;
	v47 =	vor.u32 v35, v7  }
0x2b6: {  	[tilespmem:v14+s5+$0x0] =	vst.idx.msk $0xffff, v17;
	v49 =	vld.idx.msk [tilespmem:v21+s20+$0x0], $0xffff;
	v50 =	vor.u32 v2, v31  }
0x2b7: {  	v5 =	vld.idx.msk [tilespmem:v5+s20+$0x0], $0xffff;
	v2 =	vor.u32 v2, v32  }
0x2b8: {  	v57 =	vmovc v24;
	v24 =	vmov v23;
	s18 =	simm.s32 $0x40;
	v52 =	vor.u32 s1, v45;
	v20 =	vor.u32 v33, v7  }
0x2b9: {  	s15 =	sand.u32 $0x40, s18;
	v21 =	vor.u32 v28, v7;
	v7 =	vor.u32 v30, v7;
	[tilespmem:v43+s5+$0x0] =	vst.idx.msk $0xffff, v3;
	v3 =	vshll.u32 v42, $0x7  }
0x2ba: {  	s6 =	simm.s32 $0x8;
	s14 =	sor.u32 $0x30, s15;
	v53 =	vand.u32 v23, v52;
	[tilespmem:v9+s5+$0x0] =	vst.idx.msk $0xffff, v16;
	v9 =	vld.idx.msk [tilespmem:v47+s20+$0x0], $0xffff;
	v55 =	vor.u32 v3, v34  }
0x2bb: {  	s30 =	sand.u32 $0x30, s6;
	v19 =	vor.u32 s1, v46;
	v1 =	vmovc v37;
	v56 =	vor.u32 v35, v53;
	v40 =	vor.u32 s14, v0;
	[tilespmem:v50+s5+$0x0] =	vst.idx.msk $0xffff, v49  }
0x2bc: {  	v37 =	vor.u32 s30, v0;
	v15 =	vshll.u32 v52, $0x7;
	v23 =	vmovc v46;
	v46 =	vand.u32 v48, v40;
	[tilespmem:v2+s5+$0x0] =	vst.idx.msk $0xffff, v5  }
0x2bd: {  	v16 =	vor.u32 v28, v53;
	v50 =	vor.u32 s1, v4;
	v59 =	vld.idx.msk [tilespmem:v20+s20+$0x0], $0xffff;
	v2 =	vor.u32 v3, v29  }
0x2be: {  	v42 =	vand.u32 v63, v37;
	v5 =	vor.u32 v3, v32;
	v20 =	vor.u32 v33, v53;
	v7 =	vld.idx.msk [tilespmem:v7+s20+$0x0], $0xffff  }
0x2bf: {  	v49 =	vld.idx.msk [tilespmem:v21+s20+$0x0], $0xffff;
	v3 =	vor.u32 v3, v31;
	v21 =	vor.u32 v30, v53;
	[tilespmem:v55+s5+$0x0] =	vst.idx.msk $0xffff, v9  }
0x2c0: {  	v52 =	vand.u32 v62, v50;
	v47 =	vshll.u32 v40, $0x6;
	v55 =	vor.u32 v15, v34;
	v14 =	vld.idx.msk [tilespmem:v56+s20+$0x0], $0xffff  }
0x2c1: {  	v60 =	vmovc v6;
	v27 =	vmovc v26;
	s28 =	sor.u32 $0x10, s15;
	v53 =	vshll.u32 v50, $0x7;
	v43 =	vor.u32 v35, v52;
	v9 =	vor.u32 s15, v0  }
0x2c2: {  	v26 =	vmovc v4;
	s15 =	sor.u32 $0x20, s15;
	[tilespmem:v2+s5+$0x0] =	vst.idx.msk $0xffff, v59;
	v59 =	vor.u32 v47, v42;
	v56 =	vor.u32 s28, v0;
	v39 =	vshll.u32 v9, $0x6  }
0x2c3: {  	v4 =	vmovc v38;
	[tilespmem:v5+s5+$0x0] =	vst.idx.msk $0xffff, v7;
	v2 =	vor.u32 s15, v0;
	v38 =	vshll.u32 v56, $0x6;
	v5 =	vor.u32 v39, v42  }
0x2c4: {  	v50 =	vand.u32 v10, v19;
	[tilespmem:v3+s5+$0x0] =	vst.idx.msk $0xffff, v49;
	v41 =	vshll.u32 v2, $0x6;
	v3 =	vor.u32 v38, v42  }
0x2c5: {  	v6 =	vmov v44;
	v18 =	vor.u32 v53, v34;
	v7 =	vor.u32 v41, v42;
	[tilespmem:v55+s5+$0x0] =	vst.idx.msk $0xffff, v14  }
0x2c6: {  	v51 =	vmovc v8;
	v44 =	vor.u32 v35, v50;
	v42 =	vand.u32 v60, v56;
	v56 =	vshll.u32 v37, $0x7;
	v14 =	vld.idx.msk [tilespmem:v43+s20+$0x0], $0xffff  }
0x2c7: {  	v8 =	vmovc v45;
	v40 =	vand.u32 v27, v9;
	v37 =	vor.u32 s30, v25;
	v45 =	vor.u32 v56, v46;
	v17 =	vld.idx.msk [tilespmem:v59+s20+$0x0], $0xffff  }
0x2c8: {  	v54 =	vmovc v22;
	v22 =	vmov v36;
	v36 =	vor.u32 v56, v40;
	v59 =	vand.u32 v51, v37;
	v5 =	vld.idx.msk [tilespmem:v5+s20+$0x0], $0xffff  }
0x2c9: {  	v9 =	vor.u32 v47, v59;
	v43 =	vand.u32 v54, v2;
	v2 =	vor.u32 v56, v42;
	v3 =	vld.idx.msk [tilespmem:v3+s20+$0x0], $0xffff  }
0x2ca: {  	v25 =	vmov v54;
	v55 =	vor.u32 v39, v59;
	v7 =	vld.idx.msk [tilespmem:v7+s20+$0x0], $0xffff;
	v49 =	vor.u32 v56, v43  }
0x2cb: {  	v51 =	vshll.u32 v19, $0x7;
	v54 =	vor.u32 v38, v59;
	v56 =	vor.u32 v41, v59;
	[tilespmem:v18+s5+$0x0] =	vst.idx.msk $0xffff, v14  }
0x2cc: {  	[tilespmem:v45+s5+$0x0] =	vst.idx.msk $0xffff, v17;
	v17 =	vor.u32 v51, v34;
	v14 =	vor.u32 s1, v58;
	v19 =	vld.idx.msk [tilespmem:v44+s20+$0x0], $0xffff  }
0x2cd: {  	v20 =	vld.idx.msk [tilespmem:v20+s20+$0x0], $0xffff;
	v37 =	vshll.u32 v37, $0x7;
	[tilespmem:v36+s5+$0x0] =	vst.idx.msk $0xffff, v5;
	v48 =	vand.u32 v11, v14  }
0x2ce: {  	v18 =	vor.u32 v15, v29;
	[tilespmem:v2+s5+$0x0] =	vst.idx.msk $0xffff, v3;
	v2 =	vld.idx.msk [tilespmem:v9+s20+$0x0], $0xffff;
	v3 =	vor.u32 v35, v48  }
0x2cf: {  	[tilespmem:v49+s5+$0x0] =	vst.idx.msk $0xffff, v7;
	v7 =	vor.u32 v37, v46;
	v55 =	vld.idx.msk [tilespmem:v55+s20+$0x0], $0xffff  }
0x2d0: {  	v45 =	vld.idx.msk [tilespmem:v54+s20+$0x0], $0xffff  }
0x2d1: {  	v5 =	vor.u32 v37, v42;
	v44 =	vor.u32 s30, v57;
	v36 =	vld.idx.msk [tilespmem:v56+s20+$0x0], $0xffff;
	[tilespmem:v17+s5+$0x0] =	vst.idx.msk $0xffff, v19  }
0x2d2: {  	v57 =	vor.u32 v37, v43;
	v9 =	vand.u32 v24, v44;
	v56 =	vor.u32 v37, v40;
	v37 =	vld [tilespmem:$0x1FF90]  }
0x2d3: {  	v49 =	vshll.u32 v14, $0x7;
	v54 =	vor.u32 v47, v9;
	[tilespmem:v18+s5+$0x0] =	vst.idx.msk $0xffff, v20;
	v3 =	vld.idx.msk [tilespmem:v3+s20+$0x0], $0xffff  }
0x2d4: {  	v58 =	vor.u32 v38, v9;
	[tilespmem:v7+s5+$0x0] =	vst.idx.msk $0xffff, v2;
	v2 =	vor.u32 v49, v34;
	v7 =	vld.idx.msk [tilespmem:v16+s20+$0x0], $0xffff  }
0x2d5: {  	v59 =	vor.u32 v39, v9;
	v9 =	vor.u32 v41, v9;
	v17 =	vor.u32 v15, v31;
	v18 =	vld [tilespmem:$0x1FEC0]  }
0x2d6: {  	[tilespmem:v5+s5+$0x0] =	vst.idx.msk $0xffff, v45  }
0x2d7: {  	v16 =	vshll.u32 v44, $0x7;
	[tilespmem:v57+s5+$0x0] =	vst.idx.msk $0xffff, v36  }
0x2d8: {  	v5 =	vld.idx.msk [tilespmem:v54+s20+$0x0], $0xffff;
	v20 =	vor.u32 v16, v46;
	[tilespmem:v56+s5+$0x0] =	vst.idx.msk $0xffff, v55;
	v54 =	vor.u32 v16, v42  }
0x2d9: {  	v56 =	vor.u32 v16, v40;
	v45 =	vld.idx.msk [tilespmem:v58+s20+$0x0], $0xffff;
	v14 =	vor.u32 s1, v37;
	[tilespmem:v2+s5+$0x0] =	vst.idx.msk $0xffff, v3  }
0x2da: {  	v9 =	vld.idx.msk [tilespmem:v9+s20+$0x0], $0xffff;
	[tilespmem:v17+s5+$0x0] =	vst.idx.msk $0xffff, v7;
	v37 =	vand.u32 v12, v14;
	v18 =	vor.u32 s30, v18  }
0x2db: {  	v16 =	vor.u32 v16, v43;
	v7 =	vld [tilespmem:$0x1FF80];
	v19 =	vor.u32 v35, v37;
	v36 =	vand.u32 v62, v18  }
0x2dc: {  	v57 =	vld.idx.msk [tilespmem:v59+s20+$0x0], $0xffff;
	v55 =	vor.u32 v47, v36  }
0x2dd: {  	v58 =	vor.u32 v38, v36  }
0x2de: {  	v3 =	vor.u32 v15, v32;
	[tilespmem:v20+s5+$0x0] =	vst.idx.msk $0xffff, v5;
	v2 =	vor.u32 v41, v36  }
0x2df: {  	v15 =	vld.idx.msk [tilespmem:v21+s20+$0x0], $0xffff;
	v17 =	vshll.u32 v18, $0x7;
	[tilespmem:v54+s5+$0x0] =	vst.idx.msk $0xffff, v45;
	v59 =	vor.u32 v39, v36;
	v36 =	vshll.u32 v14, $0x7  }
0x2e0: {  	v18 =	vor.u32 s30, v61;
	[tilespmem:v16+s5+$0x0] =	vst.idx.msk $0xffff, v9;
	v5 =	vor.u32 v36, v34;
	v7 =	vor.u32 s1, v7;
	v14 =	vld.idx.msk [tilespmem:v19+s20+$0x0], $0xffff  }
0x2e1: {  	[tilespmem:v56+s5+$0x0] =	vst.idx.msk $0xffff, v57;
	v9 =	vor.u32 v17, v46;
	v44 =	vand.u32 v13, v7;
	v61 =	vld.idx.msk [tilespmem:v55+s20+$0x0], $0xffff  }
0x2e2: {  	v45 =	vand.u32 v10, v18;
	v20 =	vor.u32 v35, v44;
	v21 =	vld.idx.msk [tilespmem:v58+s20+$0x0], $0xffff;
	v35 =	vor.u32 v17, v42  }
0x2e3: {  	v54 =	vor.u32 v47, v45;
	v2 =	vld.idx.msk [tilespmem:v2+s20+$0x0], $0xffff;
	v55 =	vor.u32 v17, v40;
	v17 =	vor.u32 v17, v43  }
0x2e4: {  	v57 =	vor.u32 v38, v45;
	[tilespmem:v3+s5+$0x0] =	vst.idx.msk $0xffff, v15  }
0x2e5: {  	v3 =	vor.u32 v33, v52;
	v56 =	vld.idx.msk [tilespmem:v59+s20+$0x0], $0xffff;
	[tilespmem:v5+s5+$0x0] =	vst.idx.msk $0xffff, v14;
	v5 =	vor.u32 v41, v45  }
0x2e6: {  	v58 =	vor.u32 v39, v45;
	v59 =	vor.u32 s30, v22;
	v45 =	vshll.u32 v7, $0x7;
	[tilespmem:v9+s5+$0x0] =	vst.idx.msk $0xffff, v61  }
0x2e7: {  	v16 =	vshll.u32 v59, $0x7;
	v7 =	vld.idx.msk [tilespmem:v20+s20+$0x0], $0xffff;
	v14 =	vor.u32 v45, v34;
	v61 =	vshll.u32 v18, $0x7;
	[tilespmem:v35+s5+$0x0] =	vst.idx.msk $0xffff, v21  }
0x2e8: {  	v9 =	vor.u32 v28, v52;
	[tilespmem:v17+s5+$0x0] =	vst.idx.msk $0xffff, v2;
	v19 =	vld.idx.msk [tilespmem:v54+s20+$0x0], $0xffff;
	v2 =	vor.u32 v61, v46  }
0x2e9: {  	v18 =	vor.u32 v30, v52;
	v20 =	vand.u32 v11, v59;
	v17 =	vld.idx.msk [tilespmem:v57+s20+$0x0], $0xffff;
	v21 =	vor.u32 v61, v42  }
0x2ea: {  	[tilespmem:v55+s5+$0x0] =	vst.idx.msk $0xffff, v56;
	v34 =	vor.u32 v47, v20;
	v15 =	vor.u32 v61, v43;
	v5 =	vld.idx.msk [tilespmem:v5+s20+$0x0], $0xffff  }
0x2eb: {  	v35 =	vor.u32 v61, v40;
	v52 =	vor.u32 v38, v20;
	v61 =	vld.idx.msk [tilespmem:v58+s20+$0x0], $0xffff;
	v55 =	vor.u32 v39, v20  }
0x2ec: {  	v3 =	vld.idx.msk [tilespmem:v3+s20+$0x0], $0xffff;
	v20 =	vor.u32 v41, v20;
	[tilespmem:v14+s5+$0x0] =	vst.idx.msk $0xffff, v7;
	v7 =	vor.u32 v53, v32  }
0x2ed: {  	v56 =	vor.u32 s30, v1;
	v14 =	vor.u32 v53, v29;
	v53 =	vor.u32 v53, v31;
	[tilespmem:v2+s5+$0x0] =	vst.idx.msk $0xffff, v19  }
0x2ee: {  	v9 =	vld.idx.msk [tilespmem:v9+s20+$0x0], $0xffff;
	v2 =	vor.u32 v33, v50;
	v19 =	vor.u32 v28, v50;
	[tilespmem:v21+s5+$0x0] =	vst.idx.msk $0xffff, v17  }
0x2ef: {  	v17 =	vor.u32 v30, v50;
	v21 =	vld.idx.msk [tilespmem:v34+s20+$0x0], $0xffff;
	[tilespmem:v15+s5+$0x0] =	vst.idx.msk $0xffff, v5;
	v5 =	vor.u32 v16, v46  }
0x2f0: {  	[tilespmem:v35+s5+$0x0] =	vst.idx.msk $0xffff, v61;
	v35 =	vor.u32 v16, v42;
	v34 =	vand.u32 v12, v56;
	v15 =	vld.idx.msk [tilespmem:v52+s20+$0x0], $0xffff  }
0x2f1: {  	v50 =	vor.u32 v47, v34;
	v52 =	vor.u32 v16, v40;
	v16 =	vor.u32 v16, v43;
	v20 =	vld.idx.msk [tilespmem:v20+s20+$0x0], $0xffff  }
0x2f2: {  	v55 =	vld.idx.msk [tilespmem:v55+s20+$0x0], $0xffff;
	v61 =	vor.u32 v38, v34;
	[tilespmem:v14+s5+$0x0] =	vst.idx.msk $0xffff, v3  }
0x2f3: {  	v57 =	vor.u32 v39, v34;
	v34 =	vor.u32 v41, v34;
	[tilespmem:v53+s5+$0x0] =	vst.idx.msk $0xffff, v9  }
0x2f4: {  	v3 =	vor.u32 v51, v29;
	v9 =	vor.u32 v51, v31;
	v14 =	vld.idx.msk [tilespmem:v18+s20+$0x0], $0xffff;
	[tilespmem:v5+s5+$0x0] =	vst.idx.msk $0xffff, v21  }
0x2f5: {  	v2 =	vld.idx.msk [tilespmem:v2+s20+$0x0], $0xffff;
	v5 =	vor.u32 v51, v32;
	v21 =	vshll.u32 v56, $0x7;
	[tilespmem:v35+s5+$0x0] =	vst.idx.msk $0xffff, v15  }
0x2f6: {  	v51 =	vor.u32 s30, v4;
	v35 =	vld.idx.msk [tilespmem:v50+s20+$0x0], $0xffff;
	[tilespmem:v16+s5+$0x0] =	vst.idx.msk $0xffff, v20;
	v16 =	vor.u32 v21, v46  }
0x2f7: {  	[tilespmem:v52+s5+$0x0] =	vst.idx.msk $0xffff, v55;
	v50 =	vand.u32 v13, v51;
	v20 =	vld.idx.msk [tilespmem:v61+s20+$0x0], $0xffff;
	v52 =	vor.u32 v21, v42  }
0x2f8: {  	v54 =	vor.u32 v21, v40;
	v21 =	vor.u32 v21, v43;
	v61 =	vor.u32 v47, v50;
	v34 =	vld.idx.msk [tilespmem:v34+s20+$0x0], $0xffff  }
0x2f9: {  	v56 =	vld.idx.msk [tilespmem:v57+s20+$0x0], $0xffff;
	[tilespmem:v7+s5+$0x0] =	vst.idx.msk $0xffff, v14;
	v55 =	vor.u32 v38, v50  }
0x2fa: {  	v7 =	vld.idx.msk [tilespmem:v19+s20+$0x0], $0xffff;
	[tilespmem:v3+s5+$0x0] =	vst.idx.msk $0xffff, v2  }
0x2fb: {  	v3 =	vld.idx.msk [tilespmem:v17+s20+$0x0], $0xffff;
	[tilespmem:v16+s5+$0x0] =	vst.idx.msk $0xffff, v35  }
0x2fc: {  	v18 =	vor.u32 v33, v48;
	v15 =	vor.u32 v28, v48;
	v59 =	vshll.u32 v51, $0x7;
	v4 =	vld [tilespmem:$0x1FE60];
	[tilespmem:v52+s5+$0x0] =	vst.idx.msk $0xffff, v20  }
0x2fd: {  	v14 =	vor.u32 v30, v48;
	v48 =	vld.idx.msk [tilespmem:v61+s20+$0x0], $0xffff;
	[tilespmem:v21+s5+$0x0] =	vst.idx.msk $0xffff, v34;
	v21 =	vor.u32 v59, v46  }
0x2fe: {  	v57 =	vor.u32 v39, v50;
	v50 =	vor.u32 v41, v50;
	v51 =	vor.u32 v59, v42;
	v34 =	vld.idx.msk [tilespmem:v55+s20+$0x0], $0xffff  }
0x2ff: {  	[tilespmem:v54+s5+$0x0] =	vst.idx.msk $0xffff, v56  }
0x300: {  	[tilespmem:v9+s5+$0x0] =	vst.idx.msk $0xffff, v7  }
0x301: {  	[tilespmem:v5+s5+$0x0] =	vst.idx.msk $0xffff, v3  }
0x302: {  	v2 =	vor.u32 v49, v29;
	v18 =	vld.idx.msk [tilespmem:v18+s20+$0x0], $0xffff;
	v35 =	vor.u32 s30, v4;
	[tilespmem:v21+s5+$0x0] =	vst.idx.msk $0xffff, v48  }
0x303: {  	v20 =	vor.u32 v33, v37;
	v50 =	vld.idx.msk [tilespmem:v50+s20+$0x0], $0xffff;
	v61 =	vand.u32 v63, v35;
	[tilespmem:v51+s5+$0x0] =	vst.idx.msk $0xffff, v34  }
0x304: {  	v19 =	vor.u32 v59, v43;
	v21 =	vor.u32 s30, v6;
	v52 =	vor.u32 v47, v61;
	v6 =	vld [tilespmem:$0x1FEF0]  }
0x305: {  	v17 =	vor.u32 v49, v31;
	v5 =	vld.idx.msk [tilespmem:v15+s20+$0x0], $0xffff;
	v54 =	vor.u32 v38, v61  }
0x306: {  	v53 =	vor.u32 v59, v40;
	v16 =	vor.u32 v49, v32;
	v7 =	vor.u32 v28, v37;
	v55 =	vld.idx.msk [tilespmem:v57+s20+$0x0], $0xffff  }
0x307: {  	v3 =	vor.u32 v30, v37;
	v9 =	vld.idx.msk [tilespmem:v14+s20+$0x0], $0xffff;
	v49 =	vor.u32 v41, v61;
	[tilespmem:v2+s5+$0x0] =	vst.idx.msk $0xffff, v18  }
0x308: {  	v14 =	vor.u32 v36, v29;
	v56 =	vor.u32 v39, v61;
	v61 =	vshll.u32 v35, $0x7;
	v20 =	vld.idx.msk [tilespmem:v20+s20+$0x0], $0xffff  }
0x309: {  	[tilespmem:v19+s5+$0x0] =	vst.idx.msk $0xffff, v50;
	v37 =	vor.u32 v61, v46;
	v34 =	vld.idx.msk [tilespmem:v52+s20+$0x0], $0xffff;
	v35 =	vand.u32 v6, v21  }
0x30a: {  	[tilespmem:v17+s5+$0x0] =	vst.idx.msk $0xffff, v5;
	v58 =	vor.u32 v61, v42;
	v57 =	vld.idx.msk [tilespmem:v54+s20+$0x0], $0xffff;
	v59 =	vor.u32 v47, v35  }
0x30b: {  	[tilespmem:v53+s5+$0x0] =	vst.idx.msk $0xffff, v55;
	v2 =	vor.u32 v36, v31;
	v5 =	vor.u32 v33, v44;
	v7 =	vld.idx.msk [tilespmem:v7+s20+$0x0], $0xffff  }
0x30c: {  	[tilespmem:v16+s5+$0x0] =	vst.idx.msk $0xffff, v9;
	v49 =	vld.idx.msk [tilespmem:v49+s20+$0x0], $0xffff;
	v52 =	vor.u32 v61, v43;
	v51 =	vor.u32 v38, v35  }
0x30d: {  	v15 =	vor.u32 v61, v40;
	v53 =	vld.idx.msk [tilespmem:v56+s20+$0x0], $0xffff;
	v61 =	vor.u32 v41, v35;
	[tilespmem:v14+s5+$0x0] =	vst.idx.msk $0xffff, v20  }
0x30e: {  	v3 =	vld.idx.msk [tilespmem:v3+s20+$0x0], $0xffff;
	v56 =	vshll.u32 v21, $0x7;
	v21 =	vor.u32 s30, v8;
	v55 =	vor.u32 v39, v35;
	[tilespmem:v37+s5+$0x0] =	vst.idx.msk $0xffff, v34  }
0x30f: {  	[tilespmem:v58+s5+$0x0] =	vst.idx.msk $0xffff, v57;
	v58 =	vand.u32 v24, v21;
	v57 =	vld.idx.msk [tilespmem:v59+s20+$0x0], $0xffff;
	v59 =	vor.u32 v56, v46  }
0x310: {  	v36 =	vor.u32 v36, v32;
	v5 =	vld.idx.msk [tilespmem:v5+s20+$0x0], $0xffff;
	v48 =	vor.u32 v47, v58  }
0x311: {  	v9 =	vor.u32 v45, v29;
	[tilespmem:v52+s5+$0x0] =	vst.idx.msk $0xffff, v49;
	v35 =	vld.idx.msk [tilespmem:v51+s20+$0x0], $0xffff  }
0x312: {  	v17 =	vor.u32 v56, v40;
	v37 =	vor.u32 v56, v42;
	[tilespmem:v15+s5+$0x0] =	vst.idx.msk $0xffff, v53;
	v15 =	vld.idx.msk [tilespmem:v61+s20+$0x0], $0xffff  }
0x313: {  	[tilespmem:v2+s5+$0x0] =	vst.idx.msk $0xffff, v7;
	v61 =	vor.u32 v56, v43;
	v18 =	vld.idx.msk [tilespmem:v55+s20+$0x0], $0xffff;
	v14 =	vor.u32 v38, v58  }
0x314: {  	v54 =	vor.u32 v39, v58;
	v19 =	vor.u32 v41, v58;
	v58 =	vshll.u32 v21, $0x7;
	[tilespmem:v59+s5+$0x0] =	vst.idx.msk $0xffff, v57  }
0x315: {  	[tilespmem:v36+s5+$0x0] =	vst.idx.msk $0xffff, v3;
	v59 =	vor.u32 v58, v46;
	v21 =	vld.idx.msk [tilespmem:v48+s20+$0x0], $0xffff  }
0x316: {  	[tilespmem:v9+s5+$0x0] =	vst.idx.msk $0xffff, v5  }
0x317: {  	v20 =	vor.u32 s30, v26;
	[tilespmem:v37+s5+$0x0] =	vst.idx.msk $0xffff, v35  }
0x318: {  	v56 =	vand.u32 v62, v20;
	[tilespmem:v61+s5+$0x0] =	vst.idx.msk $0xffff, v15  }
0x319: {  	s18 =	simm.s32 $0x80;
	v52 =	vor.u32 v47, v56;
	[tilespmem:v17+s5+$0x0] =	vst.idx.msk $0xffff, v18  }
0x31a: {  	s29 =	simm.s32 $0x10;
	s1 =	sand.u32 $0x40, s18;
	v28 =	vor.u32 v28, v44;
	[tilespmem:v59+s5+$0x0] =	vst.idx.msk $0xffff, v21  }
0x31b: {  	s28 =	sand.u32 $0x30, s29;
	s6 =	sor.u32 $0x30, s1;
	s14 =	sor.u32 $0x10, s1;
	v16 =	vor.u32 v45, v31;
	v29 =	vor.u32 s1, v0;
	v1 =	vld [tilespmem:$0x1FED0]  }
0x31c: {  	v55 =	vor.u32 s14, v0;
	v37 =	vor.u32 s28, v0;
	v61 =	vor.u32 s6, v0  }
0x31d: {  	v35 =	vshll.u32 v55, $0x6;
	v57 =	vshll.u32 v20, $0x7;
	v53 =	vand.u32 v63, v37  }
0x31e: {  	s1 =	sor.u32 $0x20, s1;
	v31 =	vshll.u32 v61, $0x6;
	v18 =	vor.u32 v57, v46;
	v3 =	vor.u32 v35, v53;
	v17 =	vld.idx.msk [tilespmem:v52+s20+$0x0], $0xffff  }
0x31f: {  	v2 =	vor.u32 s1, v0;
	v20 =	vld.idx.msk [tilespmem:v28+s20+$0x0], $0xffff;
	v7 =	vor.u32 v31, v53  }
0x320: {  	v33 =	vshll.u32 v29, $0x6;
	v36 =	vshll.u32 v2, $0x6;
	v28 =	vand.u32 v1, v61;
	v1 =	vld [tilespmem:$0x1FFD0]  }
0x321: {  	v34 =	vand.u32 v60, v55;
	v15 =	vor.u32 s30, v23;
	v5 =	vor.u32 v33, v53  }
0x322: {  	v9 =	vor.u32 v36, v53;
	v53 =	vand.u32 v10, v15;
	v21 =	vshll.u32 v37, $0x7  }
0x323: {  	v37 =	vand.u32 v25, v2;
	v3 =	vld.idx.msk [tilespmem:v3+s20+$0x0], $0xffff;
	v2 =	vor.u32 v21, v34;
	[tilespmem:v18+s5+$0x0] =	vst.idx.msk $0xffff, v17  }
0x324: {  	v48 =	vor.u32 v47, v53;
	v7 =	vld.idx.msk [tilespmem:v7+s20+$0x0], $0xffff;
	[tilespmem:v16+s5+$0x0] =	vst.idx.msk $0xffff, v20;
	v50 =	vor.u32 v21, v28  }
0x325: {  	v49 =	vor.u32 s28, v1;
	v1 =	vld [tilespmem:$0x1FFF0]  }
0x326: {  	v29 =	vand.u32 v27, v29  }
0x327: {  	v55 =	vshll.u32 v15, $0x7;
	v9 =	vld.idx.msk [tilespmem:v9+s20+$0x0], $0xffff;
	v59 =	vor.u32 v21, v37;
	v51 =	vand.u32 v6, v49  }
0x328: {  	v5 =	vld.idx.msk [tilespmem:v5+s20+$0x0], $0xffff;
	v21 =	vor.u32 v21, v29;
	[tilespmem:v2+s5+$0x0] =	vst.idx.msk $0xffff, v3;
	v52 =	vor.u32 v31, v51  }
0x329: {  	v20 =	vor.u32 v55, v46;
	[tilespmem:v50+s5+$0x0] =	vst.idx.msk $0xffff, v7;
	v7 =	vld.idx.msk [tilespmem:v48+s20+$0x0], $0xffff;
	v60 =	vor.u32 v35, v51  }
0x32a: {  	v15 =	vor.u32 s30, v1;
	v1 =	vld [tilespmem:$0x1FF10]  }
0x32b: {  	v16 =	vor.u32 v58, v42;
	v2 =	vld.idx.msk [tilespmem:v14+s20+$0x0], $0xffff;
	v61 =	vor.u32 v36, v51  }
0x32c: {  	v17 =	vor.u32 v33, v51;
	[tilespmem:v59+s5+$0x0] =	vst.idx.msk $0xffff, v9  }
0x32d: {  	v3 =	vshll.u32 v49, $0x7;
	[tilespmem:v21+s5+$0x0] =	vst.idx.msk $0xffff, v5;
	v48 =	vand.u32 v11, v15;
	v9 =	vld.idx.msk [tilespmem:v52+s20+$0x0], $0xffff  }
0x32e: {  	v51 =	vor.u32 v3, v28;
	[tilespmem:v20+s5+$0x0] =	vst.idx.msk $0xffff, v7;
	v49 =	vor.u32 v47, v48;
	v5 =	vld.idx.msk [tilespmem:v60+s20+$0x0], $0xffff  }
0x32f: {  	v21 =	vor.u32 v3, v34;
	v59 =	vor.u32 v3, v29;
	v14 =	vor.u32 s28, v1;
	v1 =	vld [tilespmem:$0x1FF90]  }
0x330: {  	v3 =	vor.u32 v3, v37;
	v18 =	vld.idx.msk [tilespmem:v61+s20+$0x0], $0xffff;
	[tilespmem:v16+s5+$0x0] =	vst.idx.msk $0xffff, v2;
	v50 =	vand.u32 v24, v14  }
0x331: {  	v7 =	vld.idx.msk [tilespmem:v17+s20+$0x0], $0xffff;
	v2 =	vor.u32 v58, v43;
	v52 =	vor.u32 v31, v50;
	v60 =	vor.u32 v35, v50  }
0x332: {  	v19 =	vld.idx.msk [tilespmem:v19+s20+$0x0], $0xffff;
	v61 =	vor.u32 v33, v50;
	v17 =	vor.u32 v36, v50;
	v50 =	vshll.u32 v15, $0x7  }
0x333: {  	v16 =	vld.idx.msk [tilespmem:v49+s20+$0x0], $0xffff;
	[tilespmem:v51+s5+$0x0] =	vst.idx.msk $0xffff, v9;
	v20 =	vor.u32 v50, v46  }
0x334: {  	v15 =	vor.u32 s30, v1;
	v1 =	vld [tilespmem:$0x1FEC0];
	[tilespmem:v21+s5+$0x0] =	vst.idx.msk $0xffff, v5  }
0x335: {  	[tilespmem:v3+s5+$0x0] =	vst.idx.msk $0xffff, v18  }
0x336: {  	[tilespmem:v59+s5+$0x0] =	vst.idx.msk $0xffff, v7  }
0x337: {  	[tilespmem:v2+s5+$0x0] =	vst.idx.msk $0xffff, v19  }
0x338: {  	v9 =	vshll.u32 v14, $0x7;
	v49 =	vand.u32 v12, v15;
	v5 =	vld.idx.msk [tilespmem:v52+s20+$0x0], $0xffff;
	[tilespmem:v20+s5+$0x0] =	vst.idx.msk $0xffff, v16  }
0x339: {  	v21 =	vor.u32 v47, v49;
	v52 =	vor.u32 v9, v28;
	v14 =	vor.u32 s28, v1;
	v1 =	vld [tilespmem:$0x1FF80]  }
0x33a: {  	v18 =	vld.idx.msk [tilespmem:v60+s20+$0x0], $0xffff;
	v3 =	vand.u32 v62, v14  }
0x33b: {  	v60 =	vor.u32 v9, v34;
	v7 =	vld.idx.msk [tilespmem:v17+s20+$0x0], $0xffff;
	v17 =	vor.u32 v31, v3  }
0x33c: {  	v59 =	vor.u32 v9, v29;
	v9 =	vor.u32 v9, v37;
	v16 =	vor.u32 v35, v3  }
0x33d: {  	v61 =	vld.idx.msk [tilespmem:v61+s20+$0x0], $0xffff  }
0x33e: {  	v51 =	vshll.u32 v15, $0x7;
	v15 =	vld.idx.msk [tilespmem:v21+s20+$0x0], $0xffff;
	[tilespmem:v52+s5+$0x0] =	vst.idx.msk $0xffff, v5;
	v2 =	vor.u32 s30, v1  }
0x33f: {  	v14 =	vshll.u32 v14, $0x7;
	v5 =	vor.u32 v51, v46;
	v1 =	vld [tilespmem:$0x1FEB0];
	v52 =	vand.u32 v13, v2  }
0x340: {  	[tilespmem:v60+s5+$0x0] =	vst.idx.msk $0xffff, v18;
	v17 =	vld.idx.msk [tilespmem:v17+s20+$0x0], $0xffff;
	v18 =	vor.u32 v47, v52;
	v47 =	vor.u32 v14, v28  }
0x341: {  	v20 =	vor.u32 v33, v3;
	[tilespmem:v9+s5+$0x0] =	vst.idx.msk $0xffff, v7;
	v7 =	vor.u32 v14, v34;
	v16 =	vld.idx.msk [tilespmem:v16+s20+$0x0], $0xffff;
	_ =	sdelay $0x1  }
0x342: {  	v3 =	vor.u32 v36, v3;
	[tilespmem:v59+s5+$0x0] =	vst.idx.msk $0xffff, v61  }
0x343: {  	[tilespmem:v5+s5+$0x0] =	vst.idx.msk $0xffff, v15;
	v19 =	vor.u32 s28, v1  }
0x344: {  	v21 =	vand.u32 v10, v19;
	[tilespmem:v47+s5+$0x0] =	vst.idx.msk $0xffff, v17  }
0x345: {  	v5 =	vld.idx.msk [tilespmem:v20+s20+$0x0], $0xffff;
	v9 =	vor.u32 v31, v21;
	[tilespmem:v7+s5+$0x0] =	vst.idx.msk $0xffff, v16  }
0x346: {  	v60 =	vor.u32 v14, v37;
	v14 =	vor.u32 v14, v29;
	v59 =	vor.u32 v35, v21;
	v1 =	vld [tilespmem:$0x1FE50]  }
0x347: {  	v3 =	vld.idx.msk [tilespmem:v3+s20+$0x0], $0xffff  }
0x348: {  	v61 =	vshll.u32 v2, $0x7;
	v20 =	vld.idx.msk [tilespmem:v54+s20+$0x0], $0xffff;
	v54 =	vor.u32 v58, v40;
	v15 =	vor.u32 v36, v21  }
0x349: {  	v58 =	vshll.u32 v19, $0x7;
	v21 =	vor.u32 v33, v21;
	v17 =	vld.idx.msk [tilespmem:v18+s20+$0x0], $0xffff;
	v18 =	vor.u32 v61, v46  }
0x34a: {  	v2 =	vor.u32 v38, v56;
	v7 =	vor.u32 v41, v56;
	v47 =	vor.u32 v58, v28;
	v9 =	vld.idx.msk [tilespmem:v9+s20+$0x0], $0xffff  }
0x34b: {  	[tilespmem:v14+s5+$0x0] =	vst.idx.msk $0xffff, v5;
	v5 =	vor.u32 v58, v34;
	v46 =	vld.idx.msk [tilespmem:v59+s20+$0x0], $0xffff;
	v19 =	vor.u32 s28, v1  }
0x34c: {  	[tilespmem:v60+s5+$0x0] =	vst.idx.msk $0xffff, v3;
	v3 =	vand.u32 v11, v19  }
0x34d: {  	[tilespmem:v54+s5+$0x0] =	vst.idx.msk $0xffff, v20;
	v14 =	vld.idx.msk [tilespmem:v15+s20+$0x0], $0xffff;
	v60 =	vor.u32 v31, v3  }
0x34e: {  	v54 =	vor.u32 v58, v37;
	v20 =	vld.idx.msk [tilespmem:v21+s20+$0x0], $0xffff;
	[tilespmem:v18+s5+$0x0] =	vst.idx.msk $0xffff, v17;
	v21 =	vor.u32 v35, v3  }
0x34f: {  	v2 =	vld.idx.msk [tilespmem:v2+s20+$0x0], $0xffff;
	v16 =	vor.u32 v58, v29;
	v18 =	vor.u32 v39, v56;
	[tilespmem:v47+s5+$0x0] =	vst.idx.msk $0xffff, v9  }
0x350: {  	v56 =	vor.u32 v57, v42;
	v7 =	vld.idx.msk [tilespmem:v7+s20+$0x0], $0xffff;
	v17 =	vor.u32 v36, v3;
	[tilespmem:v5+s5+$0x0] =	vst.idx.msk $0xffff, v46  }
0x351: {  	v19 =	vshll.u32 v19, $0x7;
	v9 =	vor.u32 v57, v43;
	v27 =	vld [tilespmem:$0x1FE70]  }
0x352: {  	v15 =	vld.idx.msk [tilespmem:v60+s20+$0x0], $0xffff;
	v60 =	vor.u32 v19, v28  }
0x353: {  	[tilespmem:v54+s5+$0x0] =	vst.idx.msk $0xffff, v14;
	v54 =	vor.u32 v19, v34;
	v21 =	vld.idx.msk [tilespmem:v21+s20+$0x0], $0xffff  }
0x354: {  	[tilespmem:v16+s5+$0x0] =	vst.idx.msk $0xffff, v20  }
0x355: {  	v20 =	vor.u32 v19, v37;
	[tilespmem:v56+s5+$0x0] =	vst.idx.msk $0xffff, v2;
	v16 =	vld.idx.msk [tilespmem:v17+s20+$0x0], $0xffff  }
0x356: {  	v3 =	vor.u32 v33, v3;
	[tilespmem:v9+s5+$0x0] =	vst.idx.msk $0xffff, v7;
	v5 =	vor.u32 s28, v27  }
0x357: {  	v47 =	vor.u32 v38, v53;
	v14 =	vand.u32 v12, v5;
	[tilespmem:v60+s5+$0x0] =	vst.idx.msk $0xffff, v15  }
0x358: {  	v9 =	vld.idx.msk [tilespmem:v18+s20+$0x0], $0xffff;
	v17 =	vor.u32 v31, v14;
	[tilespmem:v54+s5+$0x0] =	vst.idx.msk $0xffff, v21  }
0x359: {  	v7 =	vor.u32 v57, v40;
	v59 =	vor.u32 v36, v14;
	v25 =	vld [tilespmem:$0x1FE80]  }
0x35a: {  	[tilespmem:v20+s5+$0x0] =	vst.idx.msk $0xffff, v16;
	v20 =	vor.u32 v39, v53  }
0x35b: {  	v2 =	vld.idx.msk [tilespmem:v3+s20+$0x0], $0xffff;
	v3 =	vor.u32 v19, v29;
	v58 =	vor.u32 v35, v14  }
0x35c: {  	v56 =	vor.u32 v55, v42;
	v5 =	vshll.u32 v5, $0x7;
	v60 =	vld.idx.msk [tilespmem:v47+s20+$0x0], $0xffff  }
0x35d: {  	v21 =	vor.u32 v41, v53;
	v14 =	vor.u32 v33, v14;
	v54 =	vor.u32 v55, v40;
	v17 =	vld.idx.msk [tilespmem:v17+s20+$0x0], $0xffff  }
0x35e: {  	v16 =	vor.u32 v5, v28;
	[tilespmem:v7+s5+$0x0] =	vst.idx.msk $0xffff, v9;
	v7 =	vld.idx.msk [tilespmem:v59+s20+$0x0], $0xffff;
	v47 =	vor.u32 s28, v25  }
0x35f: {  	v59 =	vor.u32 v55, v43;
	v55 =	vor.u32 v38, v48;
	v20 =	vld.idx.msk [tilespmem:v20+s20+$0x0], $0xffff;
	v53 =	vand.u32 v13, v47  }
0x360: {  	[tilespmem:v3+s5+$0x0] =	vst.idx.msk $0xffff, v2;
	v3 =	vor.u32 v5, v34;
	v2 =	vld.idx.msk [tilespmem:v58+s20+$0x0], $0xffff;
	v57 =	vor.u32 v31, v53  }
0x361: {  	v58 =	vor.u32 v5, v37;
	v9 =	vor.u32 v35, v53  }
0x362: {  	[tilespmem:v56+s5+$0x0] =	vst.idx.msk $0xffff, v60;
	v14 =	vld.idx.msk [tilespmem:v14+s20+$0x0], $0xffff;
	v5 =	vor.u32 v5, v29;
	v60 =	vor.u32 v36, v53  }
0x363: {  	v21 =	vld.idx.msk [tilespmem:v21+s20+$0x0], $0xffff;
	v53 =	vor.u32 v33, v53;
	[tilespmem:v16+s5+$0x0] =	vst.idx.msk $0xffff, v17  }
0x364: {  	v47 =	vshll.u32 v47, $0x7;
	v16 =	vld.idx.msk [tilespmem:v55+s20+$0x0], $0xffff;
	[tilespmem:v54+s5+$0x0] =	vst.idx.msk $0xffff, v20;
	v20 =	vor.u32 v50, v42  }
0x365: {  	v18 =	vor.u32 v47, v28;
	[tilespmem:v3+s5+$0x0] =	vst.idx.msk $0xffff, v2;
	v3 =	vld.idx.msk [tilespmem:v57+s20+$0x0], $0xffff  }
0x366: {  	v56 =	vor.u32 v47, v34;
	[tilespmem:v58+s5+$0x0] =	vst.idx.msk $0xffff, v7;
	v9 =	vld.idx.msk [tilespmem:v9+s20+$0x0], $0xffff  }
0x367: {  	[tilespmem:v5+s5+$0x0] =	vst.idx.msk $0xffff, v14;
	v58 =	vor.u32 v47, v37;
	v5 =	vld.idx.msk [tilespmem:v60+s20+$0x0], $0xffff  }
0x368: {  	[tilespmem:v59+s5+$0x0] =	vst.idx.msk $0xffff, v21;
	v21 =	vor.u32 v47, v29;
	v59 =	vld.idx.msk [tilespmem:v53+s20+$0x0], $0xffff  }
0x369: {  	v2 =	vor.u32 s28, v4;
	[tilespmem:v20+s5+$0x0] =	vst.idx.msk $0xffff, v16  }
0x36a: {  	v17 =	vor.u32 v41, v48;
	v7 =	vand.u32 v63, v2;
	[tilespmem:v18+s5+$0x0] =	vst.idx.msk $0xffff, v3  }
0x36b: {  	v57 =	vor.u32 v31, v7;
	[tilespmem:v56+s5+$0x0] =	vst.idx.msk $0xffff, v9  }
0x36c: {  	[tilespmem:v58+s5+$0x0] =	vst.idx.msk $0xffff, v5  }
0x36d: {  	v60 =	vor.u32 v35, v7;
	[tilespmem:v21+s5+$0x0] =	vst.idx.msk $0xffff, v59  }
0x36e: {  	v3 =	vor.u32 v33, v7;
	v26 =	vld [tilespmem:$0x1FE90]  }
0x36f: {  	v2 =	vshll.u32 v2, $0x7;
	v63 =	vor.u32 v36, v7;
	v7 =	vor.u32 v50, v43;
	v9 =	vld.idx.msk [tilespmem:v17+s20+$0x0], $0xffff  }
0x370: {  	v46 =	vor.u32 v2, v28;
	v56 =	vor.u32 v39, v48;
	v5 =	vld.idx.msk [tilespmem:v57+s20+$0x0], $0xffff;
	_ =	sdelay $0x1  }
0x371: {  	v47 =	vor.u32 v2, v34;
	v55 =	vor.u32 v2, v37;
	v15 =	vld.idx.msk [tilespmem:v60+s20+$0x0], $0xffff;
	v57 =	vor.u32 v30, v44  }
0x372: {  	v2 =	vor.u32 v2, v29;
	v58 =	vor.u32 v41, v49;
	v3 =	vld.idx.msk [tilespmem:v3+s20+$0x0], $0xffff;
	v20 =	vor.u32 s28, v26  }
0x373: {  	[tilespmem:v7+s5+$0x0] =	vst.idx.msk $0xffff, v9;
	v7 =	vor.u32 v38, v49;
	v9 =	vand.u32 v6, v20  }
0x374: {  	v59 =	vor.u32 v50, v40;
	v60 =	vld.idx.msk [tilespmem:v56+s20+$0x0], $0xffff;
	[tilespmem:v46+s5+$0x0] =	vst.idx.msk $0xffff, v5;
	v5 =	vor.u32 v31, v9  }
0x375: {  	v14 =	vor.u32 v39, v49;
	v21 =	vor.u32 v38, v52;
	v54 =	vld.idx.msk [tilespmem:v63+s20+$0x0], $0xffff;
	v30 =	vor.u32 v45, v32  }
0x376: {  	v45 =	vor.u32 v39, v52;
	[tilespmem:v47+s5+$0x0] =	vst.idx.msk $0xffff, v15;
	v32 =	vld.idx.msk [tilespmem:v57+s20+$0x0], $0xffff;
	v63 =	vor.u32 v35, v9  }
0x377: {  	v47 =	vor.u32 v41, v52;
	v52 =	vld.idx.msk [tilespmem:v58+s20+$0x0], $0xffff;
	[tilespmem:v2+s5+$0x0] =	vst.idx.msk $0xffff, v3;
	v3 =	vor.u32 v36, v9  }
0x378: {  	v19 =	vshll.u32 v20, $0x7;
	v2 =	vor.u32 v51, v42;
	v7 =	vld.idx.msk [tilespmem:v7+s20+$0x0], $0xffff;
	v9 =	vor.u32 v33, v9  }
0x379: {  	v20 =	vor.u32 v19, v28;
	[tilespmem:v59+s5+$0x0] =	vst.idx.msk $0xffff, v60;
	v5 =	vld.idx.msk [tilespmem:v5+s20+$0x0], $0xffff  }
0x37a: {  	v11 =	vmov v8;
	v49 =	vor.u32 v51, v43;
	v53 =	vld.idx.msk [tilespmem:v14+s20+$0x0], $0xffff  }
0x37b: {  	[tilespmem:v55+s5+$0x0] =	vst.idx.msk $0xffff, v54;
	v46 =	vor.u32 v51, v40;
	v51 =	vor.u32 s28, v8;
	v8 =	vmov v62;
	v62 =	vld.idx.msk [tilespmem:v63+s20+$0x0], $0xffff  }
0x37c: {  	v50 =	vor.u32 v61, v42;
	v59 =	vld.idx.msk [tilespmem:v3+s20+$0x0], $0xffff  }
0x37d: {  	v48 =	vor.u32 v61, v40;
	v44 =	vor.u32 v61, v43;
	[tilespmem:v2+s5+$0x0] =	vst.idx.msk $0xffff, v7;
	v58 =	vld.idx.msk [tilespmem:v9+s20+$0x0], $0xffff  }
0x37e: {  	v54 =	vor.u32 v19, v37;
	v43 =	vand.u32 v24, v51;
	v57 =	vld.idx.msk [tilespmem:v21+s20+$0x0], $0xffff;
	[tilespmem:v20+s5+$0x0] =	vst.idx.msk $0xffff, v5  }
0x37f: {  	v60 =	vor.u32 v19, v29;
	v55 =	vor.u32 v33, v43;
	v61 =	vor.u32 v36, v43;
	v6 =	vld [tilespmem:$0x1FFB0]  }
0x380: {  	s31 =	simm.s32 $0xC0;
	s30 =	simm.s32 $0x8;
	v24 =	vmovc v11;
	v63 =	vor.u32 v35, v43;
	v2 =	vor.u32 v19, v34;
	v3 =	vor.u32 v31, v43;
	v23 =	vld [tilespmem:$0x1FE50]  }
.LBB2_9:
0x381: {  	v1 =	vld [tilespmem:$0x1FFC0];
	_ =	sdelay $0x1  }
0x382: {  	s15 =	sand.u32 $0x40, s31  }
0x383: {  	s14 =	sor.u32 $0x10, s15  }
0x384: {  	v18 =	vor.u32 s14, v0  }
0x385: {  	v41 =	vand.u32 v1, v18;
	v1 =	vld [tilespmem:$0x1FFE0];
	_ =	sdelay $0x1  }
0x386: {  	v56 =	vshll.u32 v51, $0x7;
	v5 =	vor.u32 s28, v6;
	[tilespmem:v2+s5+$0x0] =	vst.idx.msk $0xffff, v62  }
0x387: {  	v51 =	vand.u32 v8, v5;
	v7 =	vor.u32 v56, v28;
	v2 =	vld.idx.msk [tilespmem:v3+s20+$0x0], $0xffff;
	[tilespmem:v60+s5+$0x0] =	vst.idx.msk $0xffff, v58  }
0x388: {  	v16 =	vor.u32 v31, v51;
	v55 =	vld.idx.msk [tilespmem:v55+s20+$0x0], $0xffff  }
0x389: {  	[tilespmem:v46+s5+$0x0] =	vst.idx.msk $0xffff, v53;
	v53 =	vshll.u32 v5, $0x7;
	v5 =	vor.u32 s28, v1;
	v1 =	vld [tilespmem:$0x1FFD0]  }
0x38a: {  	v22 =	vld [tilespmem:$0x1FEE0];
	_ =	sdelay $0x1  }
0x38b: {  	s29 =	sadd.s32 $0x8, s29;
	v43 =	vld [tilespmem:$0x1FF00];
	[tilespmem:v7+s5+$0x0] =	vst.idx.msk $0xffff, v2  }
0x38c: {  	s1 =	sand.u32 $0x30, s29;
	s18 =	sor.u32 $0x30, s15;
	v7 =	vld.idx.msk [tilespmem:v16+s20+$0x0], $0xffff  }
0x38d: {  	v9 =	vor.u32 s1, v0;
	v14 =	vor.u32 s18, v0;
	v16 =	vor.u32 s1, v1;
	v1 =	vld [tilespmem:$0x1FED0]  }
0x38e: {  	[tilespmem:v54+s5+$0x0] =	vst.idx.msk $0xffff, v59;
	v15 =	vld.idx.msk [tilespmem:v63+s20+$0x0], $0xffff;
	v54 =	vshll.u32 v14, $0x6;
	v17 =	vand.u32 v22, v9  }
0x38f: {  	v38 =	vshll.u32 v18, $0x6;
	v63 =	vld [tilespmem:$0x1FEF0];
	v20 =	vor.u32 v54, v17  }
0x390: {  	v3 =	vor.u32 s15, v0;
	s15 =	sor.u32 $0x20, s15;
	v58 =	vld.idx.msk [tilespmem:v61+s20+$0x0], $0xffff;
	[tilespmem:v49+s5+$0x0] =	vst.idx.msk $0xffff, v52;
	v21 =	vor.u32 v38, v17  }
0x391: {  	v19 =	vor.u32 s15, v0;
	[tilespmem:v50+s5+$0x0] =	vst.idx.msk $0xffff, v57;
	v46 =	vld.idx.msk [tilespmem:v47+s20+$0x0], $0xffff  }
0x392: {  	v52 =	vor.u32 v53, v28;
	v49 =	vand.u32 v10, v5;
	v57 =	vand.u32 v1, v14;
	v1 =	vld [tilespmem:$0x1FFA0]  }
0x393: {  	v39 =	vshll.u32 v3, $0x6;
	v9 =	vshll.u32 v9, $0x7;
	v2 =	vld.idx.msk [tilespmem:v45+s20+$0x0], $0xffff;
	v14 =	vor.u32 v31, v49  }
0x394: {  	v40 =	vshll.u32 v19, $0x6;
	v20 =	vld.idx.msk [tilespmem:v20+s20+$0x0], $0xffff;
	v12 =	vand.u32 v63, v16;
	v13 =	vor.u32 v9, v57  }
0x395: {  	v47 =	vor.u32 v39, v17;
	v17 =	vor.u32 v40, v17;
	v21 =	vld.idx.msk [tilespmem:v21+s20+$0x0], $0xffff;
	v45 =	vor.u32 v54, v12  }
0x396: {  	v50 =	vor.u32 v38, v12;
	v59 =	vor.u32 v39, v12;
	v60 =	vor.u32 v40, v12;
	v12 =	vld [tilespmem:$0x1FF10]  }
0x397: {  	[tilespmem:v52+s5+$0x0] =	vst.idx.msk $0xffff, v7;
	v42 =	vand.u32 v1, v19;
	v1 =	vld [tilespmem:$0x1FFF0]  }
0x398: {  	[tilespmem:v30+s5+$0x0] =	vst.idx.msk $0xffff, v32;
	v7 =	vld.idx.msk [tilespmem:v14+s20+$0x0], $0xffff  }
0x399: {  	v43 =	vand.u32 v43, v3;
	v3 =	vor.u32 v9, v41;
	[tilespmem:v13+s5+$0x0] =	vst.idx.msk $0xffff, v20;
	v13 =	vld [tilespmem:$0x1FF40]  }
0x39a: {  	v30 =	vmov v48;
	v48 =	vor.u32 v9, v43;
	v47 =	vld.idx.msk [tilespmem:v47+s20+$0x0], $0xffff  }
0x39b: {  	v17 =	vld.idx.msk [tilespmem:v17+s20+$0x0], $0xffff  }
0x39c: {  	v18 =	vor.u32 s1, v12;
	v12 =	vld [tilespmem:$0x1FF20];
	v9 =	vor.u32 v9, v42  }
0x39d: {  	[tilespmem:v44+s5+$0x0] =	vst.idx.msk $0xffff, v46;
	v32 =	vmov v2;
	v52 =	vshll.u32 v5, $0x7;
	v2 =	vor.u32 s28, v1  }
0x39e: {  	[tilespmem:v3+s5+$0x0] =	vst.idx.msk $0xffff, v21;
	v14 =	vor.u32 v52, v28;
	v1 =	vld [tilespmem:$0x1FF90];
	v46 =	vand.u32 v13, v2  }
0x39f: {  	[tilespmem:v48+s5+$0x0] =	vst.idx.msk $0xffff, v47;
	v21 =	vld.idx.msk [tilespmem:v50+s20+$0x0], $0xffff;
	v19 =	vor.u32 v31, v46  }
0x3a0: {  	v5 =	vor.u32 v56, v34;
	v16 =	vshll.u32 v16, $0x7;
	v48 =	vld.idx.msk [tilespmem:v59+s20+$0x0], $0xffff  }
0x3a1: {  	v59 =	vor.u32 v16, v43;
	v3 =	vld.idx.msk [tilespmem:v45+s20+$0x0], $0xffff;
	v20 =	vand.u32 v12, v18;
	[tilespmem:v9+s5+$0x0] =	vst.idx.msk $0xffff, v17  }
0x3a2: {  	v61 =	vor.u32 v39, v20;
	v17 =	vor.u32 v16, v41;
	v44 =	vld.idx.msk [tilespmem:v60+s20+$0x0], $0xffff  }
0x3a3: {  	[tilespmem:v14+s5+$0x0] =	vst.idx.msk $0xffff, v7;
	v9 =	vor.u32 v16, v57;
	v50 =	vshll.u32 v2, $0x7;
	v2 =	vor.u32 s28, v1;
	v1 =	vld [tilespmem:$0x1FF50]  }
0x3a4: {  	v16 =	vor.u32 v16, v42;
	v7 =	vld.idx.msk [tilespmem:v19+s20+$0x0], $0xffff  }
0x3a5: {  	[tilespmem:v5+s5+$0x0] =	vst.idx.msk $0xffff, v15;
	v47 =	vor.u32 v54, v20;
	v19 =	vld [tilespmem:$0x1FEC0]  }
0x3a6: {  	[tilespmem:v59+s5+$0x0] =	vst.idx.msk $0xffff, v48;
	v60 =	vor.u32 v38, v20  }
0x3a7: {  	v20 =	vor.u32 v40, v20;
	[tilespmem:v17+s5+$0x0] =	vst.idx.msk $0xffff, v21  }
0x3a8: {  	v5 =	vor.u32 v56, v37;
	v59 =	vld.idx.msk [tilespmem:v61+s20+$0x0], $0xffff;
	[tilespmem:v9+s5+$0x0] =	vst.idx.msk $0xffff, v3  }
0x3a9: {  	v11 =	vld [tilespmem:$0x1FF30];
	v3 =	vor.u32 v50, v28;
	v9 =	vshll.u32 v18, $0x7;
	[tilespmem:v16+s5+$0x0] =	vst.idx.msk $0xffff, v44;
	v45 =	vand.u32 v1, v2  }
0x3aa: {  	v15 =	vld.idx.msk [tilespmem:v47+s20+$0x0], $0xffff;
	v16 =	vor.u32 v9, v57;
	v17 =	vor.u32 v31, v45;
	v14 =	vor.u32 s1, v19  }
0x3ab: {  	v21 =	vor.u32 v9, v41;
	v19 =	vld.idx.msk [tilespmem:v60+s20+$0x0], $0xffff;
	v60 =	vor.u32 v9, v43;
	v47 =	vand.u32 v8, v14  }
0x3ac: {  	v20 =	vld.idx.msk [tilespmem:v20+s20+$0x0], $0xffff;
	v9 =	vor.u32 v9, v42;
	v48 =	vor.u32 v54, v47;
	v61 =	vor.u32 v38, v47  }
0x3ad: {  	[tilespmem:v5+s5+$0x0] =	vst.idx.msk $0xffff, v58;
	v62 =	vor.u32 v39, v47;
	v18 =	vor.u32 v40, v47;
	v47 =	vshll.u32 v2, $0x7;
	v2 =	vld [tilespmem:$0x1FF80]  }
0x3ae: {  	v58 =	vld [tilespmem:$0x1FEB0];
	[tilespmem:v3+s5+$0x0] =	vst.idx.msk $0xffff, v7  }
0x3af: {  	v5 =	vld.idx.msk [tilespmem:v17+s20+$0x0], $0xffff;
	[tilespmem:v16+s5+$0x0] =	vst.idx.msk $0xffff, v15  }
0x3b0: {  	v7 =	vor.u32 v47, v28;
	[tilespmem:v21+s5+$0x0] =	vst.idx.msk $0xffff, v19  }
0x3b1: {  	v14 =	vshll.u32 v14, $0x7;
	[tilespmem:v9+s5+$0x0] =	vst.idx.msk $0xffff, v20  }
0x3b2: {  	v3 =	vor.u32 v56, v29;
	v9 =	vor.u32 v14, v57;
	[tilespmem:v60+s5+$0x0] =	vst.idx.msk $0xffff, v59;
	v2 =	vor.u32 s28, v2  }
0x3b3: {  	v20 =	vor.u32 v14, v41;
	v59 =	vor.u32 v14, v43;
	s28 =	smov.u32 s1;
	v21 =	vld.idx.msk [tilespmem:v61+s20+$0x0], $0xffff;
	v44 =	vand.u32 v11, v2  }
0x3b4: {  	v14 =	vor.u32 v14, v42;
	v18 =	vld.idx.msk [tilespmem:v18+s20+$0x0], $0xffff;
	v15 =	vor.u32 s28, v58;
	v17 =	vor.u32 v31, v44  }
0x3b5: {  	v16 =	vld.idx.msk [tilespmem:v48+s20+$0x0], $0xffff;
	v48 =	vand.u32 v10, v15;
	[tilespmem:v7+s5+$0x0] =	vst.idx.msk $0xffff, v5;
	v5 =	vor.u32 v36, v51  }
0x3b6: {  	v58 =	vld.idx.msk [tilespmem:v62+s20+$0x0], $0xffff;
	v56 =	vor.u32 v54, v48  }
0x3b7: {  	[tilespmem:v3+s5+$0x0] =	vst.idx.msk $0xffff, v55;
	v60 =	vor.u32 v38, v48  }
0x3b8: {  	v61 =	vor.u32 v39, v48;
	v19 =	vor.u32 v40, v48;
	[tilespmem:v20+s5+$0x0] =	vst.idx.msk $0xffff, v21  }
0x3b9: {  	v48 =	vshll.u32 v2, $0x7;
	v2 =	vor.u32 v35, v51;
	[tilespmem:v14+s5+$0x0] =	vst.idx.msk $0xffff, v18;
	v3 =	vld.idx.msk [tilespmem:v17+s20+$0x0], $0xffff  }
0x3ba: {  	v7 =	vor.u32 v48, v28;
	v28 =	vmov v57;
	[tilespmem:v9+s5+$0x0] =	vst.idx.msk $0xffff, v16;
	v9 =	vshll.u32 v15, $0x7;
	v5 =	vld.idx.msk [tilespmem:v5+s20+$0x0], $0xffff  }
0x3bb: {  	v31 =	vmov v54;
	[tilespmem:v59+s5+$0x0] =	vst.idx.msk $0xffff, v58;
	v15 =	vor.u32 s28, v23;
	v16 =	vld.idx.msk [tilespmem:v56+s20+$0x0], $0xffff;
	v14 =	vor.u32 v9, v28  }
0x3bc: {  	v17 =	vor.u32 v33, v51;
	v20 =	vand.u32 v13, v15;
	v21 =	vld.idx.msk [tilespmem:v60+s20+$0x0], $0xffff;
	v18 =	vor.u32 v9, v41  }
0x3bd: {  	v19 =	vld.idx.msk [tilespmem:v19+s20+$0x0], $0xffff;
	v55 =	vor.u32 v9, v43;
	v9 =	vor.u32 v9, v42;
	v51 =	vor.u32 v31, v20  }
0x3be: {  	v58 =	vor.u32 s28, v27;
	v54 =	vld.idx.msk [tilespmem:v61+s20+$0x0], $0xffff;
	v62 =	vor.u32 v38, v20  }
0x3bf: {  	v2 =	vld.idx.msk [tilespmem:v2+s20+$0x0], $0xffff;
	v60 =	vor.u32 v39, v20;
	v20 =	vor.u32 v40, v20;
	[tilespmem:v7+s5+$0x0] =	vst.idx.msk $0xffff, v3  }
0x3c0: {  	v15 =	vshll.u32 v15, $0x7;
	v61 =	vand.u32 v1, v58;
	v7 =	vor.u32 v53, v34;
	[tilespmem:v14+s5+$0x0] =	vst.idx.msk $0xffff, v16  }
0x3c1: {  	v3 =	vor.u32 v53, v29;
	v53 =	vor.u32 v53, v37;
	v14 =	vld.idx.msk [tilespmem:v17+s20+$0x0], $0xffff;
	[tilespmem:v18+s5+$0x0] =	vst.idx.msk $0xffff, v21  }
0x3c2: {  	v16 =	vor.u32 v35, v49;
	[tilespmem:v9+s5+$0x0] =	vst.idx.msk $0xffff, v19;
	v9 =	vor.u32 v15, v28;
	v18 =	vld.idx.msk [tilespmem:v51+s20+$0x0], $0xffff  }
0x3c3: {  	v56 =	vor.u32 v15, v43;
	v17 =	vor.u32 v36, v49;
	v19 =	vor.u32 v15, v41;
	v51 =	vld.idx.msk [tilespmem:v62+s20+$0x0], $0xffff  }
0x3c4: {  	[tilespmem:v55+s5+$0x0] =	vst.idx.msk $0xffff, v54;
	v54 =	vor.u32 v31, v61;
	v15 =	vor.u32 v15, v42;
	v20 =	vld.idx.msk [tilespmem:v20+s20+$0x0], $0xffff  }
0x3c5: {  	v21 =	vor.u32 v33, v49;
	v55 =	vld.idx.msk [tilespmem:v60+s20+$0x0], $0xffff;
	v62 =	vor.u32 v38, v61;
	[tilespmem:v7+s5+$0x0] =	vst.idx.msk $0xffff, v2  }
0x3c6: {  	v49 =	vor.u32 v40, v61;
	v60 =	vor.u32 v39, v61;
	v61 =	vshll.u32 v58, $0x7;
	[tilespmem:v53+s5+$0x0] =	vst.idx.msk $0xffff, v5  }
0x3c7: {  	v57 =	vor.u32 v61, v43;
	v7 =	vor.u32 v52, v34;
	v2 =	vld.idx.msk [tilespmem:v16+s20+$0x0], $0xffff;
	[tilespmem:v9+s5+$0x0] =	vst.idx.msk $0xffff, v18  }
0x3c8: {  	v5 =	vor.u32 v52, v37;
	v16 =	vor.u32 v35, v46;
	v17 =	vld.idx.msk [tilespmem:v17+s20+$0x0], $0xffff;
	[tilespmem:v19+s5+$0x0] =	vst.idx.msk $0xffff, v51  }
0x3c9: {  	v9 =	vor.u32 v52, v29;
	v52 =	vor.u32 s28, v25;
	[tilespmem:v15+s5+$0x0] =	vst.idx.msk $0xffff, v20;
	v19 =	vld.idx.msk [tilespmem:v54+s20+$0x0], $0xffff  }
0x3ca: {  	v51 =	vor.u32 v36, v46;
	[tilespmem:v56+s5+$0x0] =	vst.idx.msk $0xffff, v55;
	v20 =	vor.u32 v61, v41;
	v54 =	vld.idx.msk [tilespmem:v62+s20+$0x0], $0xffff  }
0x3cb: {  	v18 =	vor.u32 v61, v42;
	v53 =	vand.u32 v11, v52;
	v62 =	vor.u32 v61, v28;
	v49 =	vld.idx.msk [tilespmem:v49+s20+$0x0], $0xffff  }
0x3cc: {  	v56 =	vld.idx.msk [tilespmem:v60+s20+$0x0], $0xffff;
	[tilespmem:v3+s5+$0x0] =	vst.idx.msk $0xffff, v14;
	v14 =	vor.u32 v33, v46;
	v46 =	vor.u32 v47, v29  }
0x3cd: {  	v55 =	vor.u32 v31, v53;
	v60 =	vor.u32 v38, v53;
	v3 =	vld.idx.msk [tilespmem:v21+s20+$0x0], $0xffff;
	v21 =	vor.u32 s28, v4  }
0x3ce: {  	v61 =	vor.u32 v39, v53;
	v53 =	vor.u32 v40, v53;
	v13 =	vand.u32 v22, v21  }
0x3cf: {  	v22 =	vor.u32 v35, v44;
	[tilespmem:v7+s5+$0x0] =	vst.idx.msk $0xffff, v2;
	v2 =	vor.u32 v50, v34  }
0x3d0: {  	v7 =	vor.u32 v50, v29;
	v58 =	vor.u32 v38, v13;
	[tilespmem:v62+s5+$0x0] =	vst.idx.msk $0xffff, v19  }
0x3d1: {  	v59 =	vor.u32 v39, v13;
	v15 =	vld.idx.msk [tilespmem:v16+s20+$0x0], $0xffff;
	v62 =	vshll.u32 v52, $0x7;
	[tilespmem:v20+s5+$0x0] =	vst.idx.msk $0xffff, v54  }
0x3d2: {  	v16 =	vor.u32 v50, v37;
	[tilespmem:v18+s5+$0x0] =	vst.idx.msk $0xffff, v49;
	v20 =	vld.idx.msk [tilespmem:v55+s20+$0x0], $0xffff;
	v49 =	vor.u32 v62, v28  }
0x3d3: {  	[tilespmem:v57+s5+$0x0] =	vst.idx.msk $0xffff, v56;
	v52 =	vld.idx.msk [tilespmem:v60+s20+$0x0], $0xffff;
	v54 =	vor.u32 v62, v41;
	v55 =	vor.u32 v31, v13  }
0x3d4: {  	v50 =	vor.u32 v35, v45;
	v53 =	vld.idx.msk [tilespmem:v53+s20+$0x0], $0xffff;
	v19 =	vor.u32 v62, v42;
	[tilespmem:v5+s5+$0x0] =	vst.idx.msk $0xffff, v17  }
0x3d5: {  	v56 =	vld.idx.msk [tilespmem:v61+s20+$0x0], $0xffff;
	v57 =	vor.u32 v62, v43;
	v60 =	vor.u32 v40, v13;
	[tilespmem:v9+s5+$0x0] =	vst.idx.msk $0xffff, v3  }
0x3d6: {  	v5 =	vor.u32 v33, v45;
	v9 =	vor.u32 v36, v45;
	v17 =	vor.u32 v47, v34;
	v3 =	vld.idx.msk [tilespmem:v51+s20+$0x0], $0xffff  }
0x3d7: {  	v62 =	vshll.u32 v21, $0x7;
	v45 =	vor.u32 v33, v44;
	v14 =	vld.idx.msk [tilespmem:v14+s20+$0x0], $0xffff;
	[tilespmem:v49+s5+$0x0] =	vst.idx.msk $0xffff, v20  }
0x3d8: {  	v18 =	vor.u32 v62, v42;
	v51 =	vor.u32 s28, v24;
	v20 =	vor.u32 s28, v26;
	[tilespmem:v54+s5+$0x0] =	vst.idx.msk $0xffff, v52;
	v21 =	vld.idx.msk [tilespmem:v55+s20+$0x0], $0xffff  }
0x3d9: {  	[tilespmem:v19+s5+$0x0] =	vst.idx.msk $0xffff, v53;
	v19 =	vor.u32 v62, v28;
	v13 =	vand.u32 v63, v20;
	v54 =	vld.idx.msk [tilespmem:v58+s20+$0x0], $0xffff  }
0x3da: {  	[tilespmem:v57+s5+$0x0] =	vst.idx.msk $0xffff, v56;
	v53 =	vor.u32 v62, v41;
	v55 =	vld.idx.msk [tilespmem:v60+s20+$0x0], $0xffff;
	v56 =	vor.u32 v31, v13  }
0x3db: {  	v12 =	vand.u32 v12, v51;
	v49 =	vor.u32 v47, v37;
	v57 =	vld.idx.msk [tilespmem:v59+s20+$0x0], $0xffff;
	v59 =	vor.u32 v38, v13  }
0x3dc: {  	v35 =	vmov v38;
	v58 =	vor.u32 v62, v43;
	[tilespmem:v2+s5+$0x0] =	vst.idx.msk $0xffff, v15;
	v61 =	vor.u32 v40, v13  }
0x3dd: {  	v47 =	vor.u32 v36, v44;
	[tilespmem:v16+s5+$0x0] =	vst.idx.msk $0xffff, v3;
	v60 =	vor.u32 v39, v13;
	v15 =	vld.idx.msk [tilespmem:v50+s20+$0x0], $0xffff  }
0x3de: {  	s30 =	sadd.s32 $0x4, s30;
	v33 =	vmov v39;
	v44 =	vor.u32 v48, v37;
	v52 =	vld.idx.msk [tilespmem:v9+s20+$0x0], $0xffff;
	v9 =	vshll.u32 v20, $0x7;
	[tilespmem:v19+s5+$0x0] =	vst.idx.msk $0xffff, v21  }
0x3df: {  	p1 =	slt.u32 s30, $0x1C;
	v36 =	vmov v40;
	v37 =	vmov v42;
	v13 =	vor.u32 v9, v28;
	[tilespmem:v53+s5+$0x0] =	vst.idx.msk $0xffff, v54;
	v16 =	vld.idx.msk [tilespmem:v56+s20+$0x0], $0xffff  }
.Ltmp6:
0x3e0: {  	v3 =	vor.u32 v31, v12;
	v63 =	vor.u32 v38, v12;
	[tilespmem:v18+s5+$0x0] =	vst.idx.msk $0xffff, v55;
	v62 =	vld.idx.msk [tilespmem:v59+s20+$0x0], $0xffff;
	(pc) =	sbr.rel @p1 .LBB2_9-.Ltmp6, $4  }
0x3e1: {  	v50 =	vor.u32 v48, v34;
	v48 =	vor.u32 v48, v29;
	[tilespmem:v58+s5+$0x0] =	vst.idx.msk $0xffff, v57;
	v59 =	vld.idx.msk [tilespmem:v61+s20+$0x0], $0xffff  }
0x3e2: {  	v34 =	vmov v41;
	v29 =	vmov v43;
	v2 =	vor.u32 v9, v41;
	v58 =	vld.idx.msk [tilespmem:v60+s20+$0x0], $0xffff;
	[tilespmem:v7+s5+$0x0] =	vst.idx.msk $0xffff, v14  }
0x3e3: {  	v54 =	vor.u32 v9, v42;
	v55 =	vor.u32 v39, v12;
	[tilespmem:v17+s5+$0x0] =	vst.idx.msk $0xffff, v15;
	v53 =	vld.idx.msk [tilespmem:v5+s20+$0x0], $0xffff  }
0x3e4: {  	s31 =	sadd.s32 $0x40, s31;
	v60 =	vor.u32 v9, v43;
	v61 =	vor.u32 v40, v12;
	v57 =	vld.idx.msk [tilespmem:v22+s20+$0x0], $0xffff;
	[tilespmem:v13+s5+$0x0] =	vst.idx.msk $0xffff, v16  }
0x3e5: {  	_ =	sdelay $0x2  }
0x3e6: {  	v5 =	vshll.u32 v51, $0x7  }
0x3e7: {  	v7 =	vor.u32 s28, v6;
	[tilespmem:v2+s5+$0x0] =	vst.idx.msk $0xffff, v62;
	v2 =	vld.idx.msk [tilespmem:v3+s20+$0x0], $0xffff;
	v9 =	vor.u32 v5, v28  }
0x3e8: {  	v3 =	vand.u32 v8, v7  }
0x3e9: {  	v15 =	vor.u32 v31, v3  }
0x3ea: {  	v14 =	vld.idx.msk [tilespmem:v63+s20+$0x0], $0xffff;
	[tilespmem:v54+s5+$0x0] =	vst.idx.msk $0xffff, v59  }
0x3eb: {  	v16 =	vor.u32 v5, v34;
	[tilespmem:v60+s5+$0x0] =	vst.idx.msk $0xffff, v58;
	v18 =	vld.idx.msk [tilespmem:v61+s20+$0x0], $0xffff  }
0x3ec: {  	v19 =	vor.u32 v5, v37;
	v20 =	vld.idx.msk [tilespmem:v55+s20+$0x0], $0xffff;
	[tilespmem:v9+s5+$0x0] =	vst.idx.msk $0xffff, v2  }
0x3ed: {  	v5 =	vor.u32 v5, v29;
	v2 =	vshll.u32 v7, $0x7;
	v58 =	vld [tilespmem:$0x1FFE0]  }
0x3ee: {  	v9 =	vld.idx.msk [tilespmem:v15+s20+$0x0], $0xffff;
	v22 =	vor.u32 v2, v28;
	_ =	sdelay $0x1  }
0x3ef: {  	[tilespmem:v16+s5+$0x0] =	vst.idx.msk $0xffff, v14  }
0x3f0: {  	v17 =	vor.u32 v35, v3;
	[tilespmem:v19+s5+$0x0] =	vst.idx.msk $0xffff, v18  }
0x3f1: {  	v21 =	vor.u32 v36, v3;
	[tilespmem:v5+s5+$0x0] =	vst.idx.msk $0xffff, v20;
	v7 =	vor.u32 s28, v58  }
0x3f2: {  	v3 =	vor.u32 v33, v3;
	[tilespmem:v22+s5+$0x0] =	vst.idx.msk $0xffff, v9;
	v15 =	vand.u32 v10, v7  }
0x3f3: {  	v4 =	vld [tilespmem:$0x1FFF0];
	v14 =	vor.u32 v31, v15  }
0x3f4: {  	v11 =	vld [tilespmem:$0x1FF40]  }
0x3f5: {  	v16 =	vld.idx.msk [tilespmem:v17+s20+$0x0], $0xffff;
	v17 =	vor.u32 v2, v34  }
0x3f6: {  	v19 =	vor.u32 v2, v37;
	v5 =	vld.idx.msk [tilespmem:v21+s20+$0x0], $0xffff;
	v18 =	vor.u32 v35, v15  }
0x3f7: {  	v2 =	vor.u32 v2, v29;
	v3 =	vld.idx.msk [tilespmem:v3+s20+$0x0], $0xffff;
	v7 =	vshll.u32 v7, $0x7;
	v20 =	vor.u32 v36, v15  }
0x3f8: {  	v15 =	vor.u32 v33, v15;
	v22 =	vor.u32 v7, v28;
	v9 =	vor.u32 s28, v4;
	v14 =	vld.idx.msk [tilespmem:v14+s20+$0x0], $0xffff  }
0x3f9: {  	v21 =	vand.u32 v11, v9  }
0x3fa: {  	[tilespmem:v17+s5+$0x0] =	vst.idx.msk $0xffff, v16;
	v16 =	vor.u32 v31, v21  }
0x3fb: {  	[tilespmem:v19+s5+$0x0] =	vst.idx.msk $0xffff, v5;
	v17 =	vld.idx.msk [tilespmem:v18+s20+$0x0], $0xffff;
	v18 =	vor.u32 v7, v34  }
0x3fc: {  	v19 =	vor.u32 v7, v37;
	[tilespmem:v2+s5+$0x0] =	vst.idx.msk $0xffff, v3;
	v20 =	vld.idx.msk [tilespmem:v20+s20+$0x0], $0xffff  }
0x3fd: {  	v2 =	vor.u32 v7, v29;
	v7 =	vld.idx.msk [tilespmem:v15+s20+$0x0], $0xffff;
	[tilespmem:v22+s5+$0x0] =	vst.idx.msk $0xffff, v14  }
0x3fe: {  	v13 =	vmov v6;
	v9 =	vshll.u32 v9, $0x7;
	v6 =	vld [tilespmem:$0x1FF90]  }
0x3ff: {  	v5 =	vor.u32 v35, v21;
	v22 =	vor.u32 v9, v28;
	v16 =	vld.idx.msk [tilespmem:v16+s20+$0x0], $0xffff  }
0x400: {  	v12 =	vld [tilespmem:$0x1FF50];
	[tilespmem:v18+s5+$0x0] =	vst.idx.msk $0xffff, v17  }
0x401: {  	[tilespmem:v19+s5+$0x0] =	vst.idx.msk $0xffff, v20  }
0x402: {  	v3 =	vor.u32 v36, v21;
	[tilespmem:v2+s5+$0x0] =	vst.idx.msk $0xffff, v7  }
0x403: {  	v15 =	vor.u32 v33, v21;
	[tilespmem:v49+s5+$0x0] =	vst.idx.msk $0xffff, v52  }
0x404: {  	v5 =	vld.idx.msk [tilespmem:v5+s20+$0x0], $0xffff;
	v14 =	vor.u32 s28, v6;
	[tilespmem:v22+s5+$0x0] =	vst.idx.msk $0xffff, v16  }
0x405: {  	v18 =	vor.u32 v9, v34;
	v21 =	vand.u32 v12, v14;
	v1 =	vld [tilespmem:$0x1FF80]  }
0x406: {  	v25 =	vld [tilespmem:$0x1FF30];
	v17 =	vor.u32 v31, v21  }
0x407: {  	v2 =	vor.u32 v9, v37;
	v3 =	vld.idx.msk [tilespmem:v3+s20+$0x0], $0xffff;
	v19 =	vor.u32 v35, v21  }
0x408: {  	v7 =	vor.u32 v9, v29;
	v15 =	vld.idx.msk [tilespmem:v15+s20+$0x0], $0xffff  }
0x409: {  	v9 =	vor.u32 v36, v21  }
0x40a: {  	v14 =	vshll.u32 v14, $0x7;
	[tilespmem:v18+s5+$0x0] =	vst.idx.msk $0xffff, v5;
	v20 =	vor.u32 v33, v21;
	v16 =	vor.u32 s28, v1  }
0x40b: {  	[tilespmem:v46+s5+$0x0] =	vst.idx.msk $0xffff, v53;
	v22 =	vor.u32 v14, v28;
	v17 =	vld.idx.msk [tilespmem:v17+s20+$0x0], $0xffff;
	v21 =	vand.u32 v25, v16  }
0x40c: {  	[tilespmem:v2+s5+$0x0] =	vst.idx.msk $0xffff, v3;
	v18 =	vor.u32 v14, v34;
	v19 =	vld.idx.msk [tilespmem:v19+s20+$0x0], $0xffff;
	v5 =	vor.u32 v31, v21  }
0x40d: {  	[tilespmem:v7+s5+$0x0] =	vst.idx.msk $0xffff, v15;
	v15 =	vld.idx.msk [tilespmem:v47+s20+$0x0], $0xffff;
	v63 =	vor.u32 v35, v21  }
0x40e: {  	[tilespmem:v50+s5+$0x0] =	vst.idx.msk $0xffff, v57;
	v2 =	vor.u32 v14, v37;
	v3 =	vld.idx.msk [tilespmem:v9+s20+$0x0], $0xffff  }
0x40f: {  	[tilespmem:v30+s5+$0x0] =	vst.idx.msk $0xffff, v32;
	v7 =	vor.u32 v14, v29;
	v14 =	vld.idx.msk [tilespmem:v20+s20+$0x0], $0xffff;
	v16 =	vshll.u32 v16, $0x7  }
0x410: {  	v9 =	vor.u32 v36, v21;
	[tilespmem:v22+s5+$0x0] =	vst.idx.msk $0xffff, v17;
	v17 =	vor.u32 v33, v21;
	v21 =	vld.idx.msk [tilespmem:v45+s20+$0x0], $0xffff  }
0x411: {  	v20 =	vor.u32 v16, v28;
	[tilespmem:v18+s5+$0x0] =	vst.idx.msk $0xffff, v19;
	v5 =	vld.idx.msk [tilespmem:v5+s20+$0x0], $0xffff  }
0x412: {  	[tilespmem:v44+s5+$0x0] =	vst.idx.msk $0xffff, v15;
	v18 =	vor.u32 v16, v34;
	v19 =	vld.idx.msk [tilespmem:v63+s20+$0x0], $0xffff  }
0x413: {  	[tilespmem:v2+s5+$0x0] =	vst.idx.msk $0xffff, v3  }
0x414: {  	[tilespmem:v7+s5+$0x0] =	vst.idx.msk $0xffff, v14  }
0x415: {  	v2 =	vor.u32 v16, v37;
	v3 =	vld.idx.msk [tilespmem:v9+s20+$0x0], $0xffff;
	[tilespmem:v48+s5+$0x0] =	vst.idx.msk $0xffff, v21  }
0x416: {  	v7 =	vor.u32 v16, v29;
	v9 =	vld.idx.msk [tilespmem:v17+s20+$0x0], $0xffff;
	[tilespmem:v20+s5+$0x0] =	vst.idx.msk $0xffff, v5  }
0x417: {  	[tilespmem:v18+s5+$0x0] =	vst.idx.msk $0xffff, v19  }
0x418: {  	s1 =	rddreg [dreg:$0x5]  }
0x419: {  	s1 =	sadd.s32 s1, s26  }
0x41a: {  	[tilespmem:v2+s5+$0x0] =	vst.idx.msk $0xffff, v3;
	s1 =	sshrl.u32 s1, $0x3  }
0x41b: {  	[tilespmem:v7+s5+$0x0] =	vst.idx.msk $0xffff, v9;
	s14 =	sadd.s32 s2, s1  }
0x41c: {  	[hbm4b:s14+s3] =	stream.linear.scatter [tilespmem:s5], [sflag:$0x5], $0x400, $0x38;
	[tilespmem:$0x12400] =	vst v63  }
0x41d: {  	s6 =	simm.s32 $0xE800;
	s18 =	sadd.s32 s1, s7  }
0x41e: {  	[hbm4b:s18+s3] =	stream.linear.scatter [tilespmem:s6], [sflag:$0x5], $0x400, $0x38;
	[tilespmem:$0x12400] =	vst v63  }
0x41f: {  	s29 =	simm.s32 $0xEC00;
	s28 =	sadd.s32 s1, s8  }
0x420: {  	[hbm4b:s28+s3] =	stream.linear.scatter [tilespmem:s29], [sflag:$0x5], $0x400, $0x38;
	[tilespmem:$0x12400] =	vst v63  }
0x421: {  	s31 =	simm.s32 $0xF000;
	s30 =	sadd.s32 s1, s9;
	v24 =	vld [tilespmem:$0x1FFC0]  }
0x422: {  	v22 =	vld [tilespmem:$0x1FFA0];
	[hbm4b:s30+s3] =	stream.linear.scatter [tilespmem:s31], [sflag:$0x5], $0x400, $0x38  }
0x423: {  	s15 =	simm.s32 $0xF400;
	v17 =	vld [tilespmem:$0x1FED0];
	s6 =	sadd.s32 s1, s10  }
0x424: {  	v23 =	vld [tilespmem:$0x1FEF0];
	[hbm4b:s6+s3] =	stream.linear.scatter [tilespmem:s15], [sflag:$0x5], $0x400, $0x38  }
0x425: {  	p1 =	seq.s32 s25, $0x42;
	v9 =	vmov v6;
	v6 =	vld [tilespmem:$0x1FF20];
	s18 =	sadd.s32 s1, s11;
	s28 =	simm.s32 $0xF800  }
0x426: {  	v14 =	vld [tilespmem:$0x1FF00];
	[hbm4b:s18+s3] =	stream.linear.scatter [tilespmem:s28], [sflag:$0x5], $0x400, $0x38  }
.Ltmp7:
0x427: {  	v15 =	vld [tilespmem:$0x1FEB0];
	(pc) =	sbr.rel @p1 .LBB2_14-.Ltmp7, $4  }
0x428: {  	v18 =	vld [tilespmem:$0x1FF10];
	s29 =	sadd.s32 s1, s12;
	s30 =	simm.s32 $0xFC00  }
0x429: {  	v16 =	vmov v1;
	v1 =	vld [tilespmem:$0x1FEE0];
	[hbm4b:s29+s3] =	stream.linear.scatter [tilespmem:s30], [sflag:$0x5], $0x400, $0x38  }
0x42a: {  	v51 =	vld [tilespmem:$0x1FEC0];
	s1 =	sadd.s32 s1, s13;
	s31 =	simm.s32 $0x10000  }
0x42b: {  	v62 =	vmovc v8;
	v63 =	vmov v10;
	v7 =	vmov v13;
	v13 =	vmov v25;
	v57 =	vld [tilespmem:$0x1FFD0];
	[hbm4b:s1+s3] =	stream.linear.scatter [tilespmem:s31], [sflag:$0x5], $0x400, $0x38  }
0x42c: {  	s1 =	smul.u32 $0x600, s25;
	_ =	sdelay $0x1  }
0x42d: {  	s28 =	sshra.s32 s1, $0x2  }
0x42e: {  	s6 =	simm.s32 $0x80;
	s1 =	sadd.s32 $0x200, s28  }
0x42f: {  	[tilespmem:s20], [sflag:$0x2] =	stream.indirect.gather [hbm4b:s4+s6], $0x40, s1, s6, $0xb8;
	[tilespmem:$0x12400] =	vst v63  }
0x430: {  	_ =	swait.ge [sflag:s16], $0x2000  }
0x431: {  	[sflag:s16] =	ssyncset.done $0x0  }
0x432: {  	s14 =	simm.s32 @!p0 $0x6;
	[sflag:s16] =	ssyncadd.s32 $0xFFFFE000  }
0x433: {  	_ =	swait.ge @!p0 [sflag:s14], $0x400  }
0x434: {  	[sflag:s14] =	ssyncset.done @!p0 $0x0  }
0x435: {  	[sflag:s14] =	ssyncadd.s32 @!p0 $0xFFFFFC00  }
0x436: {  	_ =	swait.ge @!p0 [sflag:s14], $0x400  }
0x437: {  	[sflag:s14] =	ssyncset.done @!p0 $0x0  }
0x438: {  	[sflag:s14] =	ssyncadd.s32 @!p0 $0xFFFFFC00  }
0x439: {  	_ =	swait.ge @!p0 [sflag:s14], $0x400  }
0x43a: {  	[sflag:s14] =	ssyncset.done @!p0 $0x0  }
0x43b: {  	[sflag:s14] =	ssyncadd.s32 @!p0 $0xFFFFFC00  }
0x43c: {  	_ =	swait.ge @!p0 [sflag:s14], $0x400  }
0x43d: {  	[sflag:s14] =	ssyncset.done @!p0 $0x0  }
0x43e: {  	[sflag:s14] =	ssyncadd.s32 @!p0 $0xFFFFFC00  }
0x43f: {  	_ =	swait.ge @!p0 [sflag:s14], $0x400  }
0x440: {  	[sflag:s14] =	ssyncset.done @!p0 $0x0  }
0x441: {  	s18 =	simm.s32 $0x0;
	[sflag:s14] =	ssyncadd.s32 @!p0 $0xFFFFFC00  }
0x442: {  	s15 =	sand.u32 $0x40, s18;
	_ =	swait.ge @!p0 [sflag:s14], $0x400  }
0x443: {  	s1 =	sand.u32 $0x30, s18;
	s18 =	sor.u32 $0x30, s15;
	[sflag:s14] =	ssyncset.done @!p0 $0x0  }
0x444: {  	s29 =	sor.u32 $0x10, s15;
	v2 =	vor.u32 s1, v0;
	v3 =	vor.u32 s18, v0;
	[sflag:s14] =	ssyncadd.s32 @!p0 $0xFFFFFC00  }
0x445: {  	v48 =	vmovc v4;
	v36 =	vmovc v7;
	v7 =	vor.u32 s29, v0;
	s6 =	sor.u32 $0x20, s15;
	v5 =	vand.u32 v1, v2;
	v35 =	vshll.u32 v3, $0x6;
	_ =	swait.ge @!p0 [sflag:s14], $0x400  }
0x446: {  	v59 =	vmovc v9;
	v4 =	vmovc v14;
	v33 =	vshll.u32 v7, $0x6;
	v9 =	vor.u32 s6, v0;
	v14 =	vor.u32 v35, v5;
	[sflag:s14] =	ssyncset.done @!p0 $0x0  }
0x447: {  	v10 =	vmovc v15;
	v15 =	vor.u32 s15, v0;
	v28 =	vshll.u32 v9, $0x6;
	v16 =	vor.u32 v33, v5;
	[sflag:s14] =	ssyncadd.s32 @!p0 $0xFFFFFC00  }
0x448: {  	v30 =	vshll.u32 v15, $0x6;
	v38 =	vor.u32 v28, v5;
	_ =	swait.ge @!p0 [sflag:s14], $0x400  }
0x449: {  	v19 =	vmov v17;
	v5 =	vor.u32 v30, v5;
	[sflag:s14] =	ssyncset.done @!p0 $0x0  }
0x44a: {  	v39 =	vor.u32 s1, v57;
	v2 =	vshll.u32 v2, $0x7;
	v34 =	vand.u32 v19, v3;
	[sflag:s14] =	ssyncadd.s32 @!p0 $0xFFFFFC00  }
0x44b: {  	v29 =	vand.u32 v24, v7;
	v7 =	vand.u32 v23, v39;
	v3 =	vld.idx.msk [tilespmem:v14+s22+$0x0], $0xffff;
	v14 =	vor.u32 v2, v34  }
0x44c: {  	v31 =	vand.u32 v22, v9;
	v9 =	vor.u32 v2, v29;
	v40 =	vor.u32 v35, v7;
	v16 =	vld.idx.msk [tilespmem:v16+s22+$0x0], $0xffff  }
0x44d: {  	v32 =	vand.u32 v4, v15;
	v41 =	vor.u32 v33, v7;
	v20 =	vor.u32 v2, v31;
	v15 =	vld.idx.msk [tilespmem:v38+s22+$0x0], $0xffff  }
0x44e: {  	v21 =	vor.u32 v28, v7;
	v5 =	vld.idx.msk [tilespmem:v5+s22+$0x0], $0xffff;
	v2 =	vor.u32 v2, v32  }
0x44f: {  	v8 =	vmov v18  }
0x450: {  	v7 =	vor.u32 v30, v7;
	[tilespmem:v14+s17+$0x0] =	vst.idx.msk $0xffff, v3;
	v3 =	vshll.u32 v39, $0x7;
	v14 =	vor.u32 s1, v8  }
0x451: {  	[tilespmem:v9+s17+$0x0] =	vst.idx.msk $0xffff, v16;
	v9 =	vld.idx.msk [tilespmem:v40+s22+$0x0], $0xffff;
	v42 =	vand.u32 v6, v14;
	v18 =	vor.u32 v3, v34  }
0x452: {  	[tilespmem:v20+s17+$0x0] =	vst.idx.msk $0xffff, v15;
	v17 =	vld.idx.msk [tilespmem:v41+s22+$0x0], $0xffff;
	v15 =	vor.u32 v3, v29;
	v43 =	vor.u32 v35, v42  }
0x453: {  	[tilespmem:v2+s17+$0x0] =	vst.idx.msk $0xffff, v5;
	v2 =	vld.idx.msk [tilespmem:v21+s22+$0x0], $0xffff;
	v44 =	vor.u32 v3, v31;
	v5 =	vor.u32 v33, v42;
	_ =	sdelay $0x1  }
0x454: {  	v7 =	vld.idx.msk [tilespmem:v7+s22+$0x0], $0xffff;
	v3 =	vor.u32 v3, v32;
	v45 =	vor.u32 v28, v42  }
0x455: {  	v16 =	vor.u32 v30, v42;
	[tilespmem:v18+s17+$0x0] =	vst.idx.msk $0xffff, v9;
	v9 =	vshll.u32 v14, $0x7;
	v14 =	vor.u32 s1, v51  }
0x456: {  	[tilespmem:v15+s17+$0x0] =	vst.idx.msk $0xffff, v17;
	v15 =	vld.idx.msk [tilespmem:v43+s22+$0x0], $0xffff;
	v46 =	vand.u32 v62, v14;
	v47 =	vor.u32 v9, v34  }
0x457: {  	[tilespmem:v44+s17+$0x0] =	vst.idx.msk $0xffff, v2;
	v5 =	vld.idx.msk [tilespmem:v5+s22+$0x0], $0xffff;
	v2 =	vor.u32 v9, v29;
	v50 =	vor.u32 v35, v46;
	_ =	sdelay $0x1  }
0x458: {  	[tilespmem:v3+s17+$0x0] =	vst.idx.msk $0xffff, v7;
	v3 =	vld.idx.msk [tilespmem:v45+s22+$0x0], $0xffff;
	v52 =	vor.u32 v9, v31;
	v7 =	vor.u32 v33, v46  }
0x459: {  	v16 =	vld.idx.msk [tilespmem:v16+s22+$0x0], $0xffff;
	v9 =	vor.u32 v9, v32  }
0x45a: {  	v14 =	vshll.u32 v14, $0x7;
	v53 =	vor.u32 v28, v46;
	v17 =	vor.u32 v30, v46;
	[tilespmem:v47+s17+$0x0] =	vst.idx.msk $0xffff, v15  }
0x45b: {  	v54 =	vor.u32 v14, v34;
	v15 =	vor.u32 s1, v10;
	[tilespmem:v2+s17+$0x0] =	vst.idx.msk $0xffff, v5;
	v2 =	vld.idx.msk [tilespmem:v50+s22+$0x0], $0xffff  }
0x45c: {  	v5 =	vand.u32 v63, v15  }
0x45d: {  	[tilespmem:v52+s17+$0x0] =	vst.idx.msk $0xffff, v3;
	v3 =	vor.u32 v14, v29;
	v7 =	vld.idx.msk [tilespmem:v7+s22+$0x0], $0xffff;
	v55 =	vor.u32 v35, v5;
	_ =	sdelay $0x1  }
0x45e: {  	[tilespmem:v9+s17+$0x0] =	vst.idx.msk $0xffff, v16;
	v9 =	vld.idx.msk [tilespmem:v53+s22+$0x0], $0xffff  }
0x45f: {  	v61 =	vor.u32 v14, v31;
	v17 =	vld.idx.msk [tilespmem:v17+s22+$0x0], $0xffff;
	[tilespmem:v54+s17+$0x0] =	vst.idx.msk $0xffff, v2  }
0x460: {  	v56 =	vmov v8;
	v14 =	vor.u32 v14, v32;
	v2 =	vshll.u32 v15, $0x7;
	v8 =	vld [tilespmem:$0x1FE50]  }
0x461: {  	v60 =	vor.u32 v33, v5;
	[tilespmem:v3+s17+$0x0] =	vst.idx.msk $0xffff, v7;
	v3 =	vld.idx.msk [tilespmem:v55+s22+$0x0], $0xffff;
	v38 =	vor.u32 v2, v34;
	_ =	sdelay $0x2  }
0x462: {  	v37 =	vor.u32 v28, v5;
	[tilespmem:v61+s17+$0x0] =	vst.idx.msk $0xffff, v9  }
0x463: {  	v5 =	vor.u32 v30, v5;
	[tilespmem:v14+s17+$0x0] =	vst.idx.msk $0xffff, v17;
	v15 =	vor.u32 s1, v8  }
0x464: {  	v9 =	vor.u32 v2, v29;
	v16 =	vld.idx.msk [tilespmem:v60+s22+$0x0], $0xffff;
	[tilespmem:v38+s17+$0x0] =	vst.idx.msk $0xffff, v3;
	v7 =	vand.u32 v11, v15  }
0x465: {  	v27 =	vmov v10;
	v10 =	vld [tilespmem:$0x1FE70];
	v39 =	vor.u32 v35, v7;
	_ =	sdelay $0x1  }
0x466: {  	v41 =	vor.u32 v2, v31;
	v14 =	vld.idx.msk [tilespmem:v37+s22+$0x0], $0xffff;
	v40 =	vor.u32 v33, v7  }
0x467: {  	v2 =	vor.u32 v2, v32  }
0x468: {  	v5 =	vld.idx.msk [tilespmem:v5+s22+$0x0], $0xffff;
	v3 =	vshll.u32 v15, $0x7;
	[tilespmem:v9+s17+$0x0] =	vst.idx.msk $0xffff, v16;
	v42 =	vor.u32 v28, v7  }
0x469: {  	v7 =	vor.u32 v30, v7;
	v44 =	vor.u32 v3, v34;
	v15 =	vor.u32 s1, v10;
	v9 =	vld.idx.msk [tilespmem:v39+s22+$0x0], $0xffff  }
0x46a: {  	v43 =	vand.u32 v12, v15  }
0x46b: {  	[tilespmem:v41+s17+$0x0] =	vst.idx.msk $0xffff, v14;
	v14 =	vor.u32 v3, v29;
	v17 =	vld.idx.msk [tilespmem:v40+s22+$0x0], $0xffff;
	v45 =	vor.u32 v35, v43;
	_ =	sdelay $0x1  }
0x46c: {  	[tilespmem:v2+s17+$0x0] =	vst.idx.msk $0xffff, v5;
	v2 =	vld.idx.msk [tilespmem:v42+s22+$0x0], $0xffff  }
0x46d: {  	v46 =	vor.u32 v3, v31;
	v7 =	vld.idx.msk [tilespmem:v7+s22+$0x0], $0xffff;
	[tilespmem:v44+s17+$0x0] =	vst.idx.msk $0xffff, v9  }
0x46e: {  	v3 =	vor.u32 v3, v32;
	v9 =	vshll.u32 v15, $0x7;
	v60 =	vld [tilespmem:$0x1FE80]  }
0x46f: {  	v5 =	vor.u32 v33, v43;
	[tilespmem:v14+s17+$0x0] =	vst.idx.msk $0xffff, v17;
	v14 =	vld.idx.msk [tilespmem:v45+s22+$0x0], $0xffff;
	v52 =	vor.u32 v9, v34;
	_ =	sdelay $0x2  }
0x470: {  	v47 =	vor.u32 v28, v43;
	[tilespmem:v46+s17+$0x0] =	vst.idx.msk $0xffff, v2  }
0x471: {  	v16 =	vor.u32 v30, v43;
	[tilespmem:v3+s17+$0x0] =	vst.idx.msk $0xffff, v7;
	v15 =	vor.u32 s1, v60  }
0x472: {  	v2 =	vor.u32 v9, v29;
	v5 =	vld.idx.msk [tilespmem:v5+s22+$0x0], $0xffff;
	[tilespmem:v52+s17+$0x0] =	vst.idx.msk $0xffff, v14;
	v50 =	vand.u32 v13, v15  }
0x473: {  	v49 =	vmov v4;
	v4 =	vld [tilespmem:$0x1FE60];
	v53 =	vor.u32 v35, v50;
	_ =	sdelay $0x1  }
0x474: {  	v54 =	vor.u32 v9, v31;
	v3 =	vld.idx.msk [tilespmem:v47+s22+$0x0], $0xffff;
	v7 =	vor.u32 v33, v50  }
0x475: {  	v9 =	vor.u32 v9, v32  }
0x476: {  	v16 =	vld.idx.msk [tilespmem:v16+s22+$0x0], $0xffff;
	v14 =	vshll.u32 v15, $0x7;
	[tilespmem:v2+s17+$0x0] =	vst.idx.msk $0xffff, v5;
	v55 =	vor.u32 v28, v50  }
0x477: {  	v17 =	vor.u32 v30, v50;
	v61 =	vor.u32 v14, v34;
	v15 =	vor.u32 s1, v4;
	v2 =	vld.idx.msk [tilespmem:v53+s22+$0x0], $0xffff  }
0x478: {  	v5 =	vand.u32 v1, v15  }
0x479: {  	[tilespmem:v54+s17+$0x0] =	vst.idx.msk $0xffff, v3;
	v3 =	vor.u32 v14, v29;
	v7 =	vld.idx.msk [tilespmem:v7+s22+$0x0], $0xffff;
	v37 =	vor.u32 v35, v5;
	_ =	sdelay $0x1  }
0x47a: {  	[tilespmem:v9+s17+$0x0] =	vst.idx.msk $0xffff, v16;
	v9 =	vld.idx.msk [tilespmem:v55+s22+$0x0], $0xffff  }
0x47b: {  	v39 =	vor.u32 v14, v31;
	v17 =	vld.idx.msk [tilespmem:v17+s22+$0x0], $0xffff;
	v38 =	vor.u32 v33, v5;
	[tilespmem:v61+s17+$0x0] =	vst.idx.msk $0xffff, v2  }
0x47c: {  	v14 =	vor.u32 v14, v32;
	v40 =	vor.u32 v28, v5;
	v2 =	vshll.u32 v15, $0x7;
	v61 =	vld [tilespmem:$0x1FE90]  }
0x47d: {  	v5 =	vor.u32 v30, v5;
	[tilespmem:v3+s17+$0x0] =	vst.idx.msk $0xffff, v7;
	v3 =	vld.idx.msk [tilespmem:v37+s22+$0x0], $0xffff;
	v41 =	vor.u32 v2, v34;
	_ =	sdelay $0x2  }
0x47e: {  	[tilespmem:v39+s17+$0x0] =	vst.idx.msk $0xffff, v9;
	v16 =	vld.idx.msk [tilespmem:v38+s22+$0x0], $0xffff  }
0x47f: {  	v9 =	vor.u32 v2, v29;
	[tilespmem:v14+s17+$0x0] =	vst.idx.msk $0xffff, v17;
	v14 =	vld.idx.msk [tilespmem:v40+s22+$0x0], $0xffff  }
0x480: {  	v43 =	vor.u32 v2, v31;
	v5 =	vld.idx.msk [tilespmem:v5+s22+$0x0], $0xffff;
	v15 =	vor.u32 s1, v61;
	[tilespmem:v41+s17+$0x0] =	vst.idx.msk $0xffff, v3  }
0x481: {  	v2 =	vor.u32 v2, v32;
	v7 =	vand.u32 v23, v15;
	v3 =	vshll.u32 v15, $0x7;
	v15 =	vld [tilespmem:$0x1FEA0]  }
0x482: {  	v42 =	vor.u32 v35, v7  }
0x483: {  	v45 =	vor.u32 v28, v7  }
0x484: {  	[tilespmem:v9+s17+$0x0] =	vst.idx.msk $0xffff, v16;
	v44 =	vor.u32 v33, v7  }
0x485: {  	[tilespmem:v43+s17+$0x0] =	vst.idx.msk $0xffff, v14  }
0x486: {  	v25 =	vmovc v19;
	v50 =	vor.u32 s1, v36;
	[tilespmem:v2+s17+$0x0] =	vst.idx.msk $0xffff, v5;
	v7 =	vor.u32 v30, v7;
	v15 =	vor.u32 s1, v15  }
0x487: {  	s6 =	simm.s32 $0x8;
	v47 =	vor.u32 v3, v34;
	v2 =	vor.u32 v3, v29;
	v9 =	vld.idx.msk [tilespmem:v42+s22+$0x0], $0xffff;
	v46 =	vand.u32 v6, v15  }
0x488: {  	s18 =	simm.s32 $0x40;
	s31 =	sand.u32 $0x30, s6;
	v5 =	vor.u32 v3, v32;
	v3 =	vor.u32 v3, v31;
	v19 =	vld.idx.msk [tilespmem:v45+s22+$0x0], $0xffff;
	v14 =	vor.u32 v35, v46  }
0x489: {  	s14 =	sand.u32 $0x40, s18;
	v36 =	vor.u32 s31, v0;
	v53 =	vshll.u32 v50, $0x7;
	v17 =	vld.idx.msk [tilespmem:v44+s22+$0x0], $0xffff  }
0x48a: {  	s6 =	sor.u32 $0x10, s14;
	v52 =	vand.u32 v62, v50;
	v55 =	vshll.u32 v36, $0x7;
	v18 =	vor.u32 v53, v34  }
0x48b: {  	v40 =	vor.u32 v35, v52;
	v43 =	vor.u32 s6, v0;
	v7 =	vld.idx.msk [tilespmem:v7+s22+$0x0], $0xffff;
	v15 =	vshll.u32 v15, $0x7  }
0x48c: {  	s18 =	sor.u32 $0x30, s14;
	v38 =	vshll.u32 v43, $0x6;
	v42 =	vand.u32 v1, v36;
	v54 =	vor.u32 v15, v34;
	[tilespmem:v47+s17+$0x0] =	vst.idx.msk $0xffff, v9  }
0x48d: {  	v37 =	vor.u32 s18, v0;
	v9 =	vor.u32 s14, v0;
	s14 =	sor.u32 $0x20, s14;
	[tilespmem:v3+s17+$0x0] =	vst.idx.msk $0xffff, v19;
	v3 =	vor.u32 v38, v42;
	v14 =	vld.idx.msk [tilespmem:v14+s22+$0x0], $0xffff  }
0x48e: {  	v36 =	vor.u32 s31, v57;
	v47 =	vshll.u32 v37, $0x6;
	[tilespmem:v2+s17+$0x0] =	vst.idx.msk $0xffff, v17;
	v2 =	vor.u32 s14, v0  }
0x48f: {  	v20 =	vor.u32 v33, v46;
	v17 =	vor.u32 v47, v42;
	v41 =	vshll.u32 v2, $0x6  }
0x490: {  	v21 =	vor.u32 v30, v46;
	[tilespmem:v5+s17+$0x0] =	vst.idx.msk $0xffff, v7;
	v39 =	vshll.u32 v9, $0x6;
	v7 =	vor.u32 v41, v42  }
0x491: {  	v26 =	vmovc v22;
	v19 =	vor.u32 s1, v58;
	v5 =	vor.u32 v39, v42;
	v42 =	vand.u32 v24, v43  }
0x492: {  	v43 =	vand.u32 v26, v2;
	v2 =	vor.u32 v55, v42;
	v3 =	vld.idx.msk [tilespmem:v3+s22+$0x0], $0xffff;
	[tilespmem:v54+s17+$0x0] =	vst.idx.msk $0xffff, v14  }
0x493: {  	v16 =	vor.u32 v28, v46;
	v46 =	vand.u32 v25, v37;
	v50 =	vand.u32 v63, v19;
	v14 =	vld.idx.msk [tilespmem:v40+s22+$0x0], $0xffff  }
0x494: {  	v45 =	vand.u32 v23, v36;
	v44 =	vor.u32 v55, v46;
	v57 =	vor.u32 v35, v50;
	v17 =	vld.idx.msk [tilespmem:v17+s22+$0x0], $0xffff  }
0x495: {  	v58 =	vor.u32 v55, v43;
	v40 =	vand.u32 v49, v9;
	v9 =	vor.u32 v47, v45;
	v7 =	vld.idx.msk [tilespmem:v7+s22+$0x0], $0xffff  }
0x496: {  	v36 =	vshll.u32 v36, $0x7;
	v26 =	vmov v51  }
0x497: {  	v54 =	vor.u32 v38, v45;
	v5 =	vld.idx.msk [tilespmem:v5+s22+$0x0], $0xffff;
	v22 =	vor.u32 v55, v40;
	[tilespmem:v2+s17+$0x0] =	vst.idx.msk $0xffff, v3  }
0x498: {  	v51 =	vshll.u32 v19, $0x7;
	v55 =	vor.u32 v39, v45;
	v45 =	vor.u32 v41, v45;
	[tilespmem:v18+s17+$0x0] =	vst.idx.msk $0xffff, v14  }
0x499: {  	v24 =	vmov v48;
	[tilespmem:v44+s17+$0x0] =	vst.idx.msk $0xffff, v17;
	v17 =	vor.u32 v51, v34;
	v14 =	vor.u32 s1, v48;
	v19 =	vld.idx.msk [tilespmem:v57+s22+$0x0], $0xffff  }
0x49a: {  	v2 =	vld.idx.msk [tilespmem:v9+s22+$0x0], $0xffff;
	v48 =	vand.u32 v11, v14;
	[tilespmem:v58+s17+$0x0] =	vst.idx.msk $0xffff, v7;
	v7 =	vor.u32 v36, v46  }
0x49b: {  	v20 =	vld.idx.msk [tilespmem:v20+s22+$0x0], $0xffff;
	v44 =	vor.u32 s31, v56;
	v18 =	vor.u32 v15, v29;
	v3 =	vor.u32 v35, v48  }
0x49c: {  	v54 =	vld.idx.msk [tilespmem:v54+s22+$0x0], $0xffff;
	v9 =	vand.u32 v6, v44;
	[tilespmem:v22+s17+$0x0] =	vst.idx.msk $0xffff, v5;
	v5 =	vor.u32 v36, v42  }
0x49d: {  	v56 =	vor.u32 v36, v40;
	v36 =	vor.u32 v36, v43;
	v22 =	vld.idx.msk [tilespmem:v45+s22+$0x0], $0xffff;
	v45 =	vor.u32 v47, v9  }
0x49e: {  	v57 =	vor.u32 v38, v9;
	v58 =	vor.u32 v39, v9;
	v55 =	vld.idx.msk [tilespmem:v55+s22+$0x0], $0xffff;
	[tilespmem:v17+s17+$0x0] =	vst.idx.msk $0xffff, v19  }
0x49f: {  	v49 =	vshll.u32 v14, $0x7;
	v14 =	vor.u32 s1, v59;
	v17 =	vor.u32 v15, v31;
	[tilespmem:v7+s17+$0x0] =	vst.idx.msk $0xffff, v2;
	v7 =	vld.idx.msk [tilespmem:v16+s22+$0x0], $0xffff  }
0x4a0: {  	v9 =	vor.u32 v41, v9;
	[tilespmem:v18+s17+$0x0] =	vst.idx.msk $0xffff, v20;
	v2 =	vor.u32 v49, v34;
	v3 =	vld.idx.msk [tilespmem:v3+s22+$0x0], $0xffff  }
0x4a1: {  	v25 =	vmovc v59;
	v37 =	vand.u32 v12, v14;
	v18 =	vor.u32 s31, v26;
	v16 =	vshll.u32 v44, $0x7;
	[tilespmem:v5+s17+$0x0] =	vst.idx.msk $0xffff, v54  }
0x4a2: {  	v19 =	vor.u32 v35, v37;
	v5 =	vld.idx.msk [tilespmem:v45+s22+$0x0], $0xffff;
	[tilespmem:v36+s17+$0x0] =	vst.idx.msk $0xffff, v22;
	v20 =	vor.u32 v16, v46  }
0x4a3: {  	v36 =	vand.u32 v62, v18;
	v45 =	vld.idx.msk [tilespmem:v57+s22+$0x0], $0xffff;
	[tilespmem:v56+s17+$0x0] =	vst.idx.msk $0xffff, v55;
	v54 =	vor.u32 v16, v42  }
0x4a4: {  	v56 =	vor.u32 v16, v40;
	v55 =	vor.u32 v47, v36;
	v57 =	vld.idx.msk [tilespmem:v58+s22+$0x0], $0xffff;
	[tilespmem:v17+s17+$0x0] =	vst.idx.msk $0xffff, v7  }
0x4a5: {  	v16 =	vor.u32 v16, v43;
	v9 =	vld.idx.msk [tilespmem:v9+s22+$0x0], $0xffff;
	v59 =	vor.u32 v39, v36;
	[tilespmem:v2+s17+$0x0] =	vst.idx.msk $0xffff, v3  }
0x4a6: {  	v58 =	vor.u32 v38, v36;
	v26 =	vld [tilespmem:$0x1FF80]  }
0x4a7: {  	v2 =	vor.u32 v41, v36;
	v3 =	vor.u32 v15, v32;
	v15 =	vld.idx.msk [tilespmem:v21+s22+$0x0], $0xffff;
	[tilespmem:v20+s17+$0x0] =	vst.idx.msk $0xffff, v5  }
0x4a8: {  	v17 =	vshll.u32 v18, $0x7;
	v18 =	vor.u32 s31, v27;
	v36 =	vshll.u32 v14, $0x7;
	v14 =	vld.idx.msk [tilespmem:v19+s22+$0x0], $0xffff;
	[tilespmem:v54+s17+$0x0] =	vst.idx.msk $0xffff, v45  }
0x4a9: {  	v22 =	vor.u32 v17, v42;
	v5 =	vor.u32 v36, v34;
	[tilespmem:v56+s17+$0x0] =	vst.idx.msk $0xffff, v57;
	v19 =	vld.idx.msk [tilespmem:v55+s22+$0x0], $0xffff  }
0x4aa: {  	[tilespmem:v16+s17+$0x0] =	vst.idx.msk $0xffff, v9;
	v45 =	vand.u32 v63, v18;
	v54 =	vor.u32 v17, v40;
	v55 =	vld.idx.msk [tilespmem:v59+s22+$0x0], $0xffff  }
0x4ab: {  	v9 =	vor.u32 v17, v46;
	v21 =	vld.idx.msk [tilespmem:v58+s22+$0x0], $0xffff;
	v57 =	vor.u32 v39, v45;
	v7 =	vor.u32 s1, v26  }
0x4ac: {  	v17 =	vor.u32 v17, v43;
	v56 =	vor.u32 v38, v45;
	v2 =	vld.idx.msk [tilespmem:v2+s22+$0x0], $0xffff;
	v44 =	vand.u32 v13, v7  }
0x4ad: {  	[tilespmem:v3+s17+$0x0] =	vst.idx.msk $0xffff, v15;
	v20 =	vor.u32 v35, v44  }
0x4ae: {  	[tilespmem:v5+s17+$0x0] =	vst.idx.msk $0xffff, v14;
	v35 =	vor.u32 v47, v45  }
0x4af: {  	v15 =	vshll.u32 v18, $0x7;
	v5 =	vor.u32 v41, v45;
	[tilespmem:v54+s17+$0x0] =	vst.idx.msk $0xffff, v55;
	v45 =	vshll.u32 v7, $0x7  }
0x4b0: {  	[tilespmem:v22+s17+$0x0] =	vst.idx.msk $0xffff, v21;
	v57 =	vld.idx.msk [tilespmem:v57+s22+$0x0], $0xffff;
	v14 =	vor.u32 v45, v34;
	v34 =	vor.u32 v15, v40  }
0x4b1: {  	v21 =	vor.u32 v15, v42;
	[tilespmem:v17+s17+$0x0] =	vst.idx.msk $0xffff, v2;
	v17 =	vld.idx.msk [tilespmem:v56+s22+$0x0], $0xffff  }
0x4b2: {  	v16 =	vor.u32 s31, v8;
	v3 =	vor.u32 v33, v52;
	[tilespmem:v9+s17+$0x0] =	vst.idx.msk $0xffff, v19;
	v7 =	vld.idx.msk [tilespmem:v20+s22+$0x0], $0xffff  }
0x4b3: {  	v9 =	vor.u32 v28, v52;
	v2 =	vor.u32 v15, v46;
	v19 =	vld.idx.msk [tilespmem:v35+s22+$0x0], $0xffff;
	v20 =	vand.u32 v11, v16  }
0x4b4: {  	v15 =	vor.u32 v15, v43;
	v5 =	vld.idx.msk [tilespmem:v5+s22+$0x0], $0xffff;
	v22 =	vor.u32 v47, v20  }
0x4b5: {  	v18 =	vor.u32 v30, v52;
	v55 =	vor.u32 s31, v10;
	v59 =	vor.u32 v38, v20;
	[tilespmem:v34+s17+$0x0] =	vst.idx.msk $0xffff, v57  }
0x4b6: {  	v16 =	vshll.u32 v16, $0x7;
	v58 =	vor.u32 v39, v20;
	v20 =	vor.u32 v41, v20;
	[tilespmem:v21+s17+$0x0] =	vst.idx.msk $0xffff, v17  }
0x4b7: {  	v3 =	vld.idx.msk [tilespmem:v3+s22+$0x0], $0xffff;
	v34 =	vor.u32 v16, v42;
	[tilespmem:v14+s17+$0x0] =	vst.idx.msk $0xffff, v7;
	v14 =	vor.u32 v53, v29  }
0x4b8: {  	v9 =	vld.idx.msk [tilespmem:v9+s22+$0x0], $0xffff;
	v7 =	vor.u32 v53, v32;
	v53 =	vor.u32 v53, v31;
	[tilespmem:v2+s17+$0x0] =	vst.idx.msk $0xffff, v19  }
0x4b9: {  	v17 =	vor.u32 v30, v50;
	[tilespmem:v15+s17+$0x0] =	vst.idx.msk $0xffff, v5;
	v5 =	vor.u32 v16, v46;
	v21 =	vld.idx.msk [tilespmem:v22+s22+$0x0], $0xffff  }
0x4ba: {  	v2 =	vor.u32 v33, v50;
	v19 =	vor.u32 v28, v50;
	v22 =	vand.u32 v12, v55;
	v15 =	vld.idx.msk [tilespmem:v59+s22+$0x0], $0xffff  }
0x4bb: {  	v50 =	vor.u32 v16, v40;
	v16 =	vor.u32 v16, v43;
	v20 =	vld.idx.msk [tilespmem:v20+s22+$0x0], $0xffff;
	v35 =	vor.u32 v47, v22  }
0x4bc: {  	v54 =	vld.idx.msk [tilespmem:v58+s22+$0x0], $0xffff;
	v52 =	vor.u32 v38, v22;
	v56 =	vor.u32 v39, v22;
	[tilespmem:v14+s17+$0x0] =	vst.idx.msk $0xffff, v3  }
0x4bd: {  	v59 =	vshll.u32 v55, $0x7;
	v22 =	vor.u32 v41, v22;
	v3 =	vor.u32 v51, v29;
	[tilespmem:v53+s17+$0x0] =	vst.idx.msk $0xffff, v9  }
0x4be: {  	v9 =	vor.u32 v51, v31;
	v14 =	vld.idx.msk [tilespmem:v18+s22+$0x0], $0xffff;
	v18 =	vor.u32 v33, v48;
	[tilespmem:v5+s17+$0x0] =	vst.idx.msk $0xffff, v21  }
0x4bf: {  	v53 =	vor.u32 v59, v40;
	v5 =	vor.u32 v51, v32;
	v2 =	vld.idx.msk [tilespmem:v2+s22+$0x0], $0xffff;
	[tilespmem:v34+s17+$0x0] =	vst.idx.msk $0xffff, v15  }
0x4c0: {  	v51 =	vor.u32 s31, v60;
	[tilespmem:v16+s17+$0x0] =	vst.idx.msk $0xffff, v20;
	v60 =	vor.u32 v59, v46;
	v34 =	vld.idx.msk [tilespmem:v35+s22+$0x0], $0xffff  }
0x4c1: {  	[tilespmem:v50+s17+$0x0] =	vst.idx.msk $0xffff, v54;
	v50 =	vor.u32 v59, v42;
	v35 =	vand.u32 v13, v51;
	v20 =	vld.idx.msk [tilespmem:v52+s22+$0x0], $0xffff  }
0x4c2: {  	v15 =	vor.u32 v28, v48;
	v21 =	vor.u32 v59, v43;
	v22 =	vld.idx.msk [tilespmem:v22+s22+$0x0], $0xffff;
	v52 =	vor.u32 v47, v35  }
0x4c3: {  	v16 =	vor.u32 v49, v32;
	v54 =	vor.u32 v38, v35;
	[tilespmem:v7+s17+$0x0] =	vst.idx.msk $0xffff, v14  }
0x4c4: {  	v55 =	vld.idx.msk [tilespmem:v56+s22+$0x0], $0xffff;
	v56 =	vor.u32 v39, v35;
	v35 =	vor.u32 v41, v35;
	[tilespmem:v3+s17+$0x0] =	vst.idx.msk $0xffff, v2  }
0x4c5: {  	v7 =	vld.idx.msk [tilespmem:v19+s22+$0x0], $0xffff;
	v14 =	vor.u32 v30, v48;
	v2 =	vor.u32 v49, v29;
	[tilespmem:v60+s17+$0x0] =	vst.idx.msk $0xffff, v34  }
0x4c6: {  	v3 =	vld.idx.msk [tilespmem:v17+s22+$0x0], $0xffff;
	v17 =	vor.u32 v49, v31;
	v60 =	vshll.u32 v51, $0x7;
	v34 =	vor.u32 s31, v4;
	[tilespmem:v50+s17+$0x0] =	vst.idx.msk $0xffff, v20  }
0x4c7: {  	[tilespmem:v21+s17+$0x0] =	vst.idx.msk $0xffff, v22;
	v48 =	vld.idx.msk [tilespmem:v52+s22+$0x0], $0xffff;
	v49 =	vand.u32 v1, v34;
	v21 =	vor.u32 v60, v46  }
0x4c8: {  	v22 =	vld.idx.msk [tilespmem:v54+s22+$0x0], $0xffff;
	v57 =	vor.u32 v60, v42;
	v58 =	vor.u32 v47, v49  }
0x4c9: {  	v18 =	vld.idx.msk [tilespmem:v18+s22+$0x0], $0xffff;
	[tilespmem:v53+s17+$0x0] =	vst.idx.msk $0xffff, v55  }
0x4ca: {  	v35 =	vld.idx.msk [tilespmem:v35+s22+$0x0], $0xffff;
	v19 =	vor.u32 v60, v43;
	[tilespmem:v9+s17+$0x0] =	vst.idx.msk $0xffff, v7  }
0x4cb: {  	v52 =	vor.u32 v60, v40;
	v54 =	vld.idx.msk [tilespmem:v56+s22+$0x0], $0xffff;
	[tilespmem:v5+s17+$0x0] =	vst.idx.msk $0xffff, v3  }
0x4cc: {  	v5 =	vld.idx.msk [tilespmem:v15+s22+$0x0], $0xffff;
	v15 =	vshll.u32 v34, $0x7;
	[tilespmem:v21+s17+$0x0] =	vst.idx.msk $0xffff, v48  }
0x4cd: {  	v59 =	vor.u32 v38, v49;
	v56 =	vor.u32 v15, v46;
	[tilespmem:v57+s17+$0x0] =	vst.idx.msk $0xffff, v22;
	v22 =	vld.idx.msk [tilespmem:v58+s22+$0x0], $0xffff  }
0x4ce: {  	[tilespmem:v2+s17+$0x0] =	vst.idx.msk $0xffff, v18  }
0x4cf: {  	v60 =	vor.u32 v39, v49;
	v49 =	vor.u32 v41, v49;
	[tilespmem:v19+s17+$0x0] =	vst.idx.msk $0xffff, v35  }
0x4d0: {  	[tilespmem:v52+s17+$0x0] =	vst.idx.msk $0xffff, v54  }
0x4d1: {  	v10 =	vmov v61;
	v20 =	vor.u32 v33, v37;
	v9 =	vld.idx.msk [tilespmem:v14+s22+$0x0], $0xffff;
	v21 =	vor.u32 s31, v61;
	[tilespmem:v17+s17+$0x0] =	vst.idx.msk $0xffff, v5  }
0x4d2: {  	v7 =	vor.u32 v28, v37;
	v61 =	vand.u32 v23, v21;
	v57 =	vld.idx.msk [tilespmem:v59+s22+$0x0], $0xffff;
	[tilespmem:v56+s17+$0x0] =	vst.idx.msk $0xffff, v22  }
0x4d3: {  	v58 =	vor.u32 v15, v42;
	v59 =	vor.u32 v47, v61;
	v27 =	vld [tilespmem:$0x1FEA0]  }
0x4d4: {  	v51 =	vor.u32 v15, v43;
	v49 =	vld.idx.msk [tilespmem:v49+s22+$0x0], $0xffff;
	v50 =	vor.u32 v38, v61  }
0x4d5: {  	v52 =	vld.idx.msk [tilespmem:v60+s22+$0x0], $0xffff;
	v15 =	vor.u32 v15, v40;
	v60 =	vor.u32 v41, v61  }
0x4d6: {  	v3 =	vor.u32 v30, v37;
	v20 =	vld.idx.msk [tilespmem:v20+s22+$0x0], $0xffff;
	v55 =	vor.u32 v39, v61  }
0x4d7: {  	v14 =	vor.u32 v36, v29;
	v5 =	vor.u32 v33, v44;
	v7 =	vld.idx.msk [tilespmem:v7+s22+$0x0], $0xffff;
	v56 =	vshll.u32 v21, $0x7  }
0x4d8: {  	[tilespmem:v58+s17+$0x0] =	vst.idx.msk $0xffff, v57;
	v57 =	vld.idx.msk [tilespmem:v59+s22+$0x0], $0xffff;
	v59 =	vor.u32 v56, v46;
	v61 =	vor.u32 s31, v27  }
0x4d9: {  	[tilespmem:v51+s17+$0x0] =	vst.idx.msk $0xffff, v49;
	v35 =	vor.u32 v56, v42;
	v34 =	vld.idx.msk [tilespmem:v50+s22+$0x0], $0xffff;
	v58 =	vand.u32 v6, v61  }
0x4da: {  	[tilespmem:v15+s17+$0x0] =	vst.idx.msk $0xffff, v52;
	v15 =	vld.idx.msk [tilespmem:v60+s22+$0x0], $0xffff;
	v60 =	vor.u32 v56, v43;
	v37 =	vor.u32 v47, v58  }
0x4db: {  	v17 =	vor.u32 v56, v40;
	[tilespmem:v16+s17+$0x0] =	vst.idx.msk $0xffff, v9;
	v18 =	vld.idx.msk [tilespmem:v55+s22+$0x0], $0xffff  }
0x4dc: {  	v2 =	vor.u32 v36, v31;
	v36 =	vor.u32 v36, v32;
	[tilespmem:v14+s17+$0x0] =	vst.idx.msk $0xffff, v20;
	v3 =	vld.idx.msk [tilespmem:v3+s22+$0x0], $0xffff  }
0x4dd: {  	v9 =	vor.u32 v45, v29;
	v5 =	vld.idx.msk [tilespmem:v5+s22+$0x0], $0xffff;
	[tilespmem:v59+s17+$0x0] =	vst.idx.msk $0xffff, v57;
	v14 =	vor.u32 v38, v58  }
0x4de: {  	v4 =	vld [tilespmem:$0x1FFB0];
	[tilespmem:v35+s17+$0x0] =	vst.idx.msk $0xffff, v34;
	v54 =	vor.u32 v39, v58;
	v19 =	vor.u32 v41, v58;
	v58 =	vshll.u32 v61, $0x7  }
0x4df: {  	[tilespmem:v60+s17+$0x0] =	vst.idx.msk $0xffff, v15;
	v15 =	vor.u32 v58, v46;
	v49 =	vld.idx.msk [tilespmem:v37+s22+$0x0], $0xffff  }
0x4e0: {  	[tilespmem:v17+s17+$0x0] =	vst.idx.msk $0xffff, v18  }
0x4e1: {  	[tilespmem:v2+s17+$0x0] =	vst.idx.msk $0xffff, v7  }
0x4e2: {  	s30 =	simm.s32 $0x10;
	s14 =	simm.s32 $0x80;
	[tilespmem:v36+s17+$0x0] =	vst.idx.msk $0xffff, v3  }
0x4e3: {  	s29 =	sand.u32 $0x30, s30;
	s1 =	sand.u32 $0x40, s14;
	[tilespmem:v9+s17+$0x0] =	vst.idx.msk $0xffff, v5  }
0x4e4: {  	s15 =	sor.u32 $0x30, s1;
	s18 =	sor.u32 $0x10, s1;
	v22 =	vor.u32 s1, v0;
	s1 =	sor.u32 $0x20, s1;
	v29 =	vor.u32 s29, v0;
	[tilespmem:v15+s17+$0x0] =	vst.idx.msk $0xffff, v49  }
0x4e5: {  	v50 =	vor.u32 s15, v0;
	v55 =	vor.u32 s18, v0;
	v2 =	vor.u32 s1, v0;
	v0 =	vld [tilespmem:$0x1FFC0];
	_ =	sdelay $0x3  }
0x4e6: {  	v28 =	vor.u32 v28, v44  }
0x4e7: {  	v34 =	vand.u32 v0, v55;
	v0 =	vld [tilespmem:$0x1FED0];
	_ =	sdelay $0x3  }
0x4e8: {  	v20 =	vld.idx.msk [tilespmem:v28+s22+$0x0], $0xffff  }
0x4e9: {  	v61 =	vor.u32 s31, v4;
	v28 =	vand.u32 v0, v50;
	v0 =	vld [tilespmem:$0x1FFD0]  }
0x4ea: {  	v16 =	vor.u32 v45, v31;
	v56 =	vand.u32 v62, v61  }
0x4eb: {  	v53 =	vand.u32 v1, v29;
	v31 =	vshll.u32 v50, $0x6;
	v52 =	vor.u32 v47, v56  }
0x4ec: {  	v35 =	vshll.u32 v55, $0x6;
	v7 =	vor.u32 v31, v53  }
0x4ed: {  	v3 =	vor.u32 v35, v53;
	v8 =	vld [tilespmem:$0x1FFE0]  }
0x4ee: {  	v49 =	vor.u32 s29, v0;
	v0 =	vld [tilespmem:$0x1FFA0]  }
0x4ef: {  	v57 =	vshll.u32 v61, $0x7  }
0x4f0: {  	v18 =	vor.u32 v57, v46;
	v17 =	vld.idx.msk [tilespmem:v52+s22+$0x0], $0xffff  }
0x4f1: {  	v60 =	vshll.u32 v29, $0x7;
	v36 =	vshll.u32 v2, $0x6;
	v7 =	vld.idx.msk [tilespmem:v7+s22+$0x0], $0xffff  }
0x4f2: {  	v33 =	vshll.u32 v22, $0x6;
	v9 =	vor.u32 v36, v53;
	v3 =	vld.idx.msk [tilespmem:v3+s22+$0x0], $0xffff;
	v50 =	vor.u32 v60, v28  }
0x4f3: {  	v15 =	vor.u32 s31, v8;
	v37 =	vand.u32 v0, v2;
	v2 =	vor.u32 v60, v34;
	v0 =	vld [tilespmem:$0x1FF00]  }
0x4f4: {  	v5 =	vor.u32 v33, v53;
	v53 =	vand.u32 v63, v15  }
0x4f5: {  	v48 =	vor.u32 v47, v53;
	[tilespmem:v18+s17+$0x0] =	vst.idx.msk $0xffff, v17  }
0x4f6: {  	[tilespmem:v16+s17+$0x0] =	vst.idx.msk $0xffff, v20  }
0x4f7: {  	v61 =	vand.u32 v23, v49;
	[tilespmem:v50+s17+$0x0] =	vst.idx.msk $0xffff, v7;
	v52 =	vor.u32 v60, v37  }
0x4f8: {  	v9 =	vld.idx.msk [tilespmem:v9+s22+$0x0], $0xffff;
	v29 =	vand.u32 v0, v22;
	v22 =	vor.u32 v31, v61;
	[tilespmem:v2+s17+$0x0] =	vst.idx.msk $0xffff, v3  }
0x4f9: {  	v55 =	vshll.u32 v15, $0x7;
	v0 =	vld [tilespmem:$0x1FF10]  }
0x4fa: {  	v15 =	vor.u32 s31, v24;
	v17 =	vor.u32 v33, v61;
	v20 =	vor.u32 v55, v46;
	v7 =	vld.idx.msk [tilespmem:v48+s22+$0x0], $0xffff  }
0x4fb: {  	v5 =	vld.idx.msk [tilespmem:v5+s22+$0x0], $0xffff;
	v16 =	vor.u32 v58, v42;
	v21 =	vor.u32 v60, v29;
	v60 =	vor.u32 v35, v61  }
0x4fc: {  	v48 =	vand.u32 v11, v15;
	v2 =	vld.idx.msk [tilespmem:v14+s22+$0x0], $0xffff;
	v3 =	vshll.u32 v49, $0x7;
	v61 =	vor.u32 v36, v61  }
0x4fd: {  	v49 =	vor.u32 v47, v48;
	[tilespmem:v52+s17+$0x0] =	vst.idx.msk $0xffff, v9;
	v51 =	vor.u32 v3, v28;
	v9 =	vld.idx.msk [tilespmem:v22+s22+$0x0], $0xffff  }
0x4fe: {  	v14 =	vor.u32 s29, v0  }
0x4ff: {  	v19 =	vld.idx.msk [tilespmem:v19+s22+$0x0], $0xffff;
	v50 =	vshll.u32 v15, $0x7;
	[tilespmem:v20+s17+$0x0] =	vst.idx.msk $0xffff, v7;
	v22 =	vand.u32 v6, v14  }
0x500: {  	[tilespmem:v21+s17+$0x0] =	vst.idx.msk $0xffff, v5;
	v5 =	vld.idx.msk [tilespmem:v60+s22+$0x0], $0xffff;
	v21 =	vor.u32 v3, v34;
	v52 =	vor.u32 v31, v22  }
0x501: {  	v59 =	vor.u32 v3, v29;
	[tilespmem:v16+s17+$0x0] =	vst.idx.msk $0xffff, v2;
	v18 =	vld.idx.msk [tilespmem:v61+s22+$0x0], $0xffff;
	v3 =	vor.u32 v3, v37  }
0x502: {  	v20 =	vor.u32 v50, v46;
	v16 =	vld.idx.msk [tilespmem:v49+s22+$0x0], $0xffff;
	[tilespmem:v51+s17+$0x0] =	vst.idx.msk $0xffff, v9  }
0x503: {  	v2 =	vor.u32 v58, v43;
	v0 =	vld [tilespmem:$0x1FEC0]  }
0x504: {  	v7 =	vld.idx.msk [tilespmem:v17+s22+$0x0], $0xffff;
	v60 =	vor.u32 v35, v22;
	v61 =	vor.u32 v33, v22;
	v9 =	vshll.u32 v14, $0x7  }
0x505: {  	v17 =	vor.u32 v36, v22;
	[tilespmem:v21+s17+$0x0] =	vst.idx.msk $0xffff, v5;
	v22 =	vor.u32 v9, v28;
	v5 =	vld.idx.msk [tilespmem:v52+s22+$0x0], $0xffff  }
0x506: {  	[tilespmem:v3+s17+$0x0] =	vst.idx.msk $0xffff, v18  }
0x507: {  	v15 =	vor.u32 s31, v25;
	[tilespmem:v20+s17+$0x0] =	vst.idx.msk $0xffff, v16  }
0x508: {  	v49 =	vand.u32 v12, v15;
	[tilespmem:v2+s17+$0x0] =	vst.idx.msk $0xffff, v19;
	v14 =	vor.u32 s29, v0  }
0x509: {  	v21 =	vor.u32 v47, v49;
	[tilespmem:v59+s17+$0x0] =	vst.idx.msk $0xffff, v7;
	v18 =	vld.idx.msk [tilespmem:v60+s22+$0x0], $0xffff;
	v3 =	vand.u32 v62, v14  }
0x50a: {  	v60 =	vor.u32 v9, v34;
	v7 =	vld.idx.msk [tilespmem:v17+s22+$0x0], $0xffff;
	v17 =	vor.u32 v31, v3;
	[tilespmem:v22+s17+$0x0] =	vst.idx.msk $0xffff, v5  }
0x50b: {  	v59 =	vor.u32 v9, v29;
	v9 =	vor.u32 v9, v37;
	v16 =	vor.u32 v35, v3;
	v0 =	vld [tilespmem:$0x1FEB0]  }
0x50c: {  	v51 =	vshll.u32 v15, $0x7  }
0x50d: {  	v2 =	vor.u32 s31, v26;
	v61 =	vld.idx.msk [tilespmem:v61+s22+$0x0], $0xffff;
	v20 =	vor.u32 v33, v3;
	v3 =	vor.u32 v36, v3  }
0x50e: {  	v52 =	vand.u32 v13, v2;
	v15 =	vld.idx.msk [tilespmem:v21+s22+$0x0], $0xffff;
	v14 =	vshll.u32 v14, $0x7;
	v5 =	vor.u32 v51, v46  }
0x50f: {  	v22 =	vor.u32 v14, v28;
	[tilespmem:v60+s17+$0x0] =	vst.idx.msk $0xffff, v18;
	v18 =	vor.u32 v47, v52;
	v17 =	vld.idx.msk [tilespmem:v17+s22+$0x0], $0xffff  }
0x510: {  	[tilespmem:v9+s17+$0x0] =	vst.idx.msk $0xffff, v7;
	v7 =	vor.u32 v14, v34;
	v16 =	vld.idx.msk [tilespmem:v16+s22+$0x0], $0xffff;
	v19 =	vor.u32 s29, v0  }
0x511: {  	v60 =	vand.u32 v63, v19  }
0x512: {  	[tilespmem:v59+s17+$0x0] =	vst.idx.msk $0xffff, v61;
	v59 =	vor.u32 v14, v37;
	v3 =	vld.idx.msk [tilespmem:v3+s22+$0x0], $0xffff;
	v9 =	vor.u32 v31, v60  }
0x513: {  	v14 =	vor.u32 v14, v29;
	[tilespmem:v5+s17+$0x0] =	vst.idx.msk $0xffff, v15;
	v5 =	vld.idx.msk [tilespmem:v20+s22+$0x0], $0xffff;
	v47 =	vor.u32 v35, v60  }
0x514: {  	v20 =	vld.idx.msk [tilespmem:v54+s22+$0x0], $0xffff;
	[tilespmem:v22+s17+$0x0] =	vst.idx.msk $0xffff, v17  }
0x515: {  	v61 =	vshll.u32 v2, $0x7;
	v54 =	vor.u32 v58, v40;
	v58 =	vshll.u32 v19, $0x7;
	v17 =	vld.idx.msk [tilespmem:v18+s22+$0x0], $0xffff;
	[tilespmem:v7+s17+$0x0] =	vst.idx.msk $0xffff, v16  }
0x516: {  	v15 =	vor.u32 v36, v60;
	v21 =	vor.u32 v33, v60;
	v60 =	vor.u32 v61, v46;
	v0 =	vld [tilespmem:$0x1FE50]  }
0x517: {  	[tilespmem:v59+s17+$0x0] =	vst.idx.msk $0xffff, v3;
	v59 =	vor.u32 v58, v28;
	v9 =	vld.idx.msk [tilespmem:v9+s22+$0x0], $0xffff  }
0x518: {  	[tilespmem:v14+s17+$0x0] =	vst.idx.msk $0xffff, v5;
	v5 =	vor.u32 v58, v34;
	v22 =	vld.idx.msk [tilespmem:v47+s22+$0x0], $0xffff;
	_ =	sdelay $0x1  }
0x519: {  	[tilespmem:v54+s17+$0x0] =	vst.idx.msk $0xffff, v20  }
0x51a: {  	v2 =	vor.u32 v38, v56;
	[tilespmem:v60+s17+$0x0] =	vst.idx.msk $0xffff, v17;
	v19 =	vor.u32 s29, v0  }
0x51b: {  	v7 =	vor.u32 v41, v56;
	v14 =	vld.idx.msk [tilespmem:v15+s22+$0x0], $0xffff;
	v3 =	vand.u32 v11, v19;
	[tilespmem:v59+s17+$0x0] =	vst.idx.msk $0xffff, v9  }
0x51c: {  	v20 =	vld.idx.msk [tilespmem:v21+s22+$0x0], $0xffff;
	v15 =	vor.u32 v31, v3;
	[tilespmem:v5+s17+$0x0] =	vst.idx.msk $0xffff, v22  }
0x51d: {  	v47 =	vor.u32 v58, v37;
	v21 =	vor.u32 v35, v3;
	v0 =	vld [tilespmem:$0x1FE70]  }
0x51e: {  	v16 =	vor.u32 v58, v29;
	v60 =	vor.u32 v36, v3  }
0x51f: {  	v2 =	vld.idx.msk [tilespmem:v2+s22+$0x0], $0xffff;
	v54 =	vor.u32 v57, v42;
	v3 =	vor.u32 v33, v3  }
0x520: {  	v7 =	vld.idx.msk [tilespmem:v7+s22+$0x0], $0xffff;
	v19 =	vshll.u32 v19, $0x7;
	v9 =	vor.u32 v57, v43  }
0x521: {  	v18 =	vor.u32 v39, v56;
	v58 =	vor.u32 v38, v53;
	v59 =	vor.u32 v19, v28;
	v15 =	vld.idx.msk [tilespmem:v15+s22+$0x0], $0xffff  }
0x522: {  	[tilespmem:v47+s17+$0x0] =	vst.idx.msk $0xffff, v14;
	v47 =	vor.u32 v19, v34;
	v21 =	vld.idx.msk [tilespmem:v21+s22+$0x0], $0xffff;
	v5 =	vor.u32 s29, v0  }
0x523: {  	v56 =	vor.u32 v19, v37;
	[tilespmem:v16+s17+$0x0] =	vst.idx.msk $0xffff, v20;
	v16 =	vld.idx.msk [tilespmem:v60+s22+$0x0], $0xffff;
	v14 =	vand.u32 v12, v5  }
0x524: {  	[tilespmem:v54+s17+$0x0] =	vst.idx.msk $0xffff, v2;
	v2 =	vld.idx.msk [tilespmem:v3+s22+$0x0], $0xffff;
	v3 =	vor.u32 v19, v29;
	v60 =	vor.u32 v31, v14  }
0x525: {  	[tilespmem:v9+s17+$0x0] =	vst.idx.msk $0xffff, v7;
	v7 =	vor.u32 v57, v40;
	v57 =	vor.u32 v35, v14  }
0x526: {  	v58 =	vld.idx.msk [tilespmem:v58+s22+$0x0], $0xffff;
	[tilespmem:v59+s17+$0x0] =	vst.idx.msk $0xffff, v15  }
0x527: {  	v9 =	vld.idx.msk [tilespmem:v18+s22+$0x0], $0xffff;
	[tilespmem:v47+s17+$0x0] =	vst.idx.msk $0xffff, v21  }
0x528: {  	v5 =	vshll.u32 v5, $0x7;
	v59 =	vor.u32 v55, v42;
	v0 =	vld [tilespmem:$0x1FE80]  }
0x529: {  	[tilespmem:v56+s17+$0x0] =	vst.idx.msk $0xffff, v16;
	v16 =	vor.u32 v5, v28;
	v17 =	vld.idx.msk [tilespmem:v60+s22+$0x0], $0xffff  }
0x52a: {  	v15 =	vor.u32 v36, v14;
	[tilespmem:v3+s17+$0x0] =	vst.idx.msk $0xffff, v2;
	v3 =	vor.u32 v5, v34;
	v2 =	vld.idx.msk [tilespmem:v57+s22+$0x0], $0xffff;
	_ =	sdelay $0x1  }
0x52b: {  	[tilespmem:v7+s17+$0x0] =	vst.idx.msk $0xffff, v9  }
0x52c: {  	v14 =	vor.u32 v33, v14;
	[tilespmem:v59+s17+$0x0] =	vst.idx.msk $0xffff, v58;
	v46 =	vor.u32 s29, v0  }
0x52d: {  	v21 =	vor.u32 v41, v53;
	v60 =	vand.u32 v13, v46;
	[tilespmem:v16+s17+$0x0] =	vst.idx.msk $0xffff, v17  }
0x52e: {  	v7 =	vld.idx.msk [tilespmem:v15+s22+$0x0], $0xffff;
	v56 =	vor.u32 v31, v60;
	[tilespmem:v3+s17+$0x0] =	vst.idx.msk $0xffff, v2  }
0x52f: {  	v15 =	vor.u32 v5, v37;
	v9 =	vor.u32 v35, v60;
	v0 =	vld [tilespmem:$0x1FE60]  }
0x530: {  	v20 =	vor.u32 v39, v53  }
0x531: {  	v14 =	vld.idx.msk [tilespmem:v14+s22+$0x0], $0xffff;
	v5 =	vor.u32 v5, v29;
	v58 =	vor.u32 v36, v60  }
0x532: {  	v57 =	vor.u32 v55, v43;
	v21 =	vld.idx.msk [tilespmem:v21+s22+$0x0], $0xffff;
	v46 =	vshll.u32 v46, $0x7;
	v47 =	vor.u32 v33, v60  }
0x533: {  	v60 =	vor.u32 v38, v48;
	v17 =	vor.u32 v41, v48;
	v54 =	vor.u32 v46, v28;
	v3 =	vld.idx.msk [tilespmem:v56+s22+$0x0], $0xffff  }
0x534: {  	[tilespmem:v15+s17+$0x0] =	vst.idx.msk $0xffff, v7;
	v15 =	vor.u32 v46, v34;
	v9 =	vld.idx.msk [tilespmem:v9+s22+$0x0], $0xffff;
	v2 =	vor.u32 s29, v0  }
0x535: {  	v20 =	vld.idx.msk [tilespmem:v20+s22+$0x0], $0xffff;
	v59 =	vor.u32 v55, v40;
	v7 =	vand.u32 v1, v2  }
0x536: {  	v55 =	vor.u32 v46, v37;
	[tilespmem:v5+s17+$0x0] =	vst.idx.msk $0xffff, v14;
	v5 =	vld.idx.msk [tilespmem:v58+s22+$0x0], $0xffff;
	v14 =	vor.u32 v31, v7  }
0x537: {  	[tilespmem:v57+s17+$0x0] =	vst.idx.msk $0xffff, v21;
	v57 =	vor.u32 v46, v29;
	v56 =	vld.idx.msk [tilespmem:v47+s22+$0x0], $0xffff  }
0x538: {  	v16 =	vld.idx.msk [tilespmem:v60+s22+$0x0], $0xffff;
	v58 =	vor.u32 v35, v7;
	v60 =	vor.u32 v36, v7;
	[tilespmem:v54+s17+$0x0] =	vst.idx.msk $0xffff, v3  }
0x539: {  	v3 =	vor.u32 v33, v7;
	[tilespmem:v15+s17+$0x0] =	vst.idx.msk $0xffff, v9;
	v7 =	vor.u32 v50, v43;
	v9 =	vld.idx.msk [tilespmem:v17+s22+$0x0], $0xffff  }
0x53a: {  	[tilespmem:v59+s17+$0x0] =	vst.idx.msk $0xffff, v20;
	v2 =	vshll.u32 v2, $0x7  }
0x53b: {  	v59 =	vor.u32 v50, v42;
	[tilespmem:v55+s17+$0x0] =	vst.idx.msk $0xffff, v5;
	v5 =	vld.idx.msk [tilespmem:v14+s22+$0x0], $0xffff;
	v14 =	vor.u32 v2, v28  }
0x53c: {  	v53 =	vor.u32 v2, v34;
	[tilespmem:v57+s17+$0x0] =	vst.idx.msk $0xffff, v56;
	v55 =	vor.u32 v2, v37  }
0x53d: {  	v56 =	vor.u32 v39, v48;
	v57 =	vor.u32 s29, v10;
	v15 =	vld.idx.msk [tilespmem:v58+s22+$0x0], $0xffff;
	v2 =	vor.u32 v2, v29  }
0x53e: {  	v3 =	vld.idx.msk [tilespmem:v3+s22+$0x0], $0xffff;
	[tilespmem:v7+s17+$0x0] =	vst.idx.msk $0xffff, v9;
	v7 =	vor.u32 v38, v49;
	v9 =	vand.u32 v23, v57  }
0x53f: {  	v54 =	vld.idx.msk [tilespmem:v60+s22+$0x0], $0xffff;
	v60 =	vor.u32 v35, v9  }
0x540: {  	[tilespmem:v14+s17+$0x0] =	vst.idx.msk $0xffff, v5;
	v5 =	vor.u32 v31, v9  }
0x541: {  	[tilespmem:v59+s17+$0x0] =	vst.idx.msk $0xffff, v16;
	v14 =	vor.u32 v30, v44  }
0x542: {  	v59 =	vld.idx.msk [tilespmem:v56+s22+$0x0], $0xffff;
	[tilespmem:v53+s17+$0x0] =	vst.idx.msk $0xffff, v15;
	v15 =	vor.u32 v41, v49  }
0x543: {  	v58 =	vor.u32 v50, v40;
	[tilespmem:v2+s17+$0x0] =	vst.idx.msk $0xffff, v3;
	v3 =	vor.u32 v36, v9;
	v7 =	vld.idx.msk [tilespmem:v7+s22+$0x0], $0xffff  }
0x544: {  	v0 =	vmov v62;
	v2 =	vor.u32 v51, v42;
	v9 =	vor.u32 v33, v9;
	v62 =	vld.idx.msk [tilespmem:v60+s22+$0x0], $0xffff  }
0x545: {  	v19 =	vshll.u32 v57, $0x7;
	v38 =	vor.u32 v38, v52;
	v5 =	vld.idx.msk [tilespmem:v5+s22+$0x0], $0xffff  }
0x546: {  	v20 =	vor.u32 v19, v28;
	v30 =	vor.u32 v45, v32;
	v32 =	vld.idx.msk [tilespmem:v14+s22+$0x0], $0xffff;
	v14 =	vor.u32 v39, v49  }
0x547: {  	v47 =	vor.u32 v41, v52;
	[tilespmem:v55+s17+$0x0] =	vst.idx.msk $0xffff, v54;
	v45 =	vor.u32 v39, v52;
	v52 =	vld.idx.msk [tilespmem:v15+s22+$0x0], $0xffff  }
0x548: {  	v25 =	vmov v8;
	v46 =	vor.u32 v51, v40;
	[tilespmem:v58+s17+$0x0] =	vst.idx.msk $0xffff, v59;
	v59 =	vld.idx.msk [tilespmem:v3+s22+$0x0], $0xffff  }
0x549: {  	v48 =	vor.u32 v61, v40;
	v50 =	vor.u32 v61, v42;
	[tilespmem:v2+s17+$0x0] =	vst.idx.msk $0xffff, v7;
	v58 =	vld.idx.msk [tilespmem:v9+s22+$0x0], $0xffff  }
0x54a: {  	v8 =	vmovc v0;
	v44 =	vor.u32 v61, v43;
	v49 =	vor.u32 v51, v43;
	v51 =	vor.u32 s29, v27;
	v57 =	vld.idx.msk [tilespmem:v38+s22+$0x0], $0xffff  }
0x54b: {  	v0 =	vlaneseq.u32;
	v54 =	vor.u32 v19, v37;
	v15 =	vand.u32 v6, v51;
	[tilespmem:v20+s17+$0x0] =	vst.idx.msk $0xffff, v5;
	v53 =	vld.idx.msk [tilespmem:v14+s22+$0x0], $0xffff  }
0x54c: {  	v4 =	vmovc v23;
	v60 =	vor.u32 v19, v29;
	v2 =	vor.u32 v19, v34;
	v3 =	vor.u32 v31, v15;
	v24 =	vld [tilespmem:$0x1FFB0]  }
0x54d: {  	s1 =	simm.s32 $0xC0;
	s31 =	simm.s32 $0x8;
	v10 =	vmovc v63;
	v63 =	vor.u32 v35, v15;
	v55 =	vor.u32 v33, v15;
	v61 =	vor.u32 v36, v15;
	v26 =	vld [tilespmem:$0x1FFF0]  }
.LBB2_12:
0x54e: {  	_ =	sdelay $0x1  }
0x54f: {  	v56 =	vshll.u32 v51, $0x7;
	v23 =	vld [tilespmem:$0x1FED0]  }
0x550: {  	v7 =	vor.u32 v56, v28;
	[tilespmem:v2+s17+$0x0] =	vst.idx.msk $0xffff, v62;
	v2 =	vld.idx.msk [tilespmem:v3+s22+$0x0], $0xffff  }
0x551: {  	s14 =	sand.u32 $0x40, s1;
	v5 =	vor.u32 s29, v24;
	s30 =	sadd.s32 $0x8, s30;
	v62 =	vld [tilespmem:$0x1FFA0]  }
0x552: {  	s18 =	sand.u32 $0x30, s30;
	s15 =	sor.u32 $0x30, s14;
	v51 =	vand.u32 v8, v5;
	[tilespmem:v60+s17+$0x0] =	vst.idx.msk $0xffff, v58;
	v15 =	vld.idx.msk [tilespmem:v63+s22+$0x0], $0xffff  }
0x553: {  	s6 =	sor.u32 $0x10, s14;
	v9 =	vor.u32 s18, v0;
	v14 =	vor.u32 s15, v0;
	v16 =	vor.u32 v31, v51;
	[tilespmem:v54+s17+$0x0] =	vst.idx.msk $0xffff, v59;
	v55 =	vld.idx.msk [tilespmem:v55+s22+$0x0], $0xffff  }
0x554: {  	v18 =	vor.u32 s6, v0;
	v3 =	vor.u32 s14, v0;
	v17 =	vand.u32 v1, v9;
	[tilespmem:v50+s17+$0x0] =	vst.idx.msk $0xffff, v57;
	v50 =	vld [tilespmem:$0x1FFD0]  }
0x555: {  	s14 =	sor.u32 $0x20, s14;
	v38 =	vshll.u32 v18, $0x6;
	v9 =	vshll.u32 v9, $0x7;
	v54 =	vshll.u32 v14, $0x6;
	[tilespmem:v7+s17+$0x0] =	vst.idx.msk $0xffff, v2;
	v7 =	vld [tilespmem:$0x1FFC0]  }
0x556: {  	v19 =	vor.u32 s14, v0;
	[tilespmem:v46+s17+$0x0] =	vst.idx.msk $0xffff, v53;
	v39 =	vshll.u32 v3, $0x6;
	v63 =	vld [tilespmem:$0x1FF00];
	v20 =	vor.u32 v54, v17  }
0x557: {  	v21 =	vor.u32 v38, v17;
	v53 =	vshll.u32 v5, $0x7;
	v5 =	vor.u32 s29, v25;
	v58 =	vld.idx.msk [tilespmem:v61+s22+$0x0], $0xffff;
	[tilespmem:v49+s17+$0x0] =	vst.idx.msk $0xffff, v52  }
0x558: {  	v40 =	vshll.u32 v19, $0x6;
	v60 =	vor.u32 v39, v17;
	v49 =	vand.u32 v10, v5;
	v22 =	vld.idx.msk [tilespmem:v47+s22+$0x0], $0xffff  }
0x559: {  	v52 =	vor.u32 v53, v28;
	v57 =	vand.u32 v23, v14;
	v17 =	vor.u32 v40, v17;
	v2 =	vld.idx.msk [tilespmem:v45+s22+$0x0], $0xffff  }
0x55a: {  	v14 =	vor.u32 v31, v49;
	v41 =	vand.u32 v7, v18;
	v7 =	vld.idx.msk [tilespmem:v16+s22+$0x0], $0xffff;
	v16 =	vor.u32 s18, v50  }
0x55b: {  	v42 =	vand.u32 v62, v19;
	v19 =	vor.u32 v9, v57;
	v20 =	vld.idx.msk [tilespmem:v20+s22+$0x0], $0xffff;
	v61 =	vand.u32 v4, v16  }
0x55c: {  	v21 =	vld.idx.msk [tilespmem:v21+s22+$0x0], $0xffff;
	v43 =	vand.u32 v63, v3;
	v3 =	vor.u32 v9, v41;
	v45 =	vor.u32 v54, v61  }
0x55d: {  	v23 =	vld [tilespmem:$0x1FF10];
	[tilespmem:v30+s17+$0x0] =	vst.idx.msk $0xffff, v32;
	v30 =	vmov v48;
	v50 =	vor.u32 v38, v61  }
0x55e: {  	v48 =	vor.u32 v9, v43;
	v17 =	vld.idx.msk [tilespmem:v17+s22+$0x0], $0xffff;
	[tilespmem:v44+s17+$0x0] =	vst.idx.msk $0xffff, v22;
	v9 =	vor.u32 v9, v42  }
0x55f: {  	v47 =	vld.idx.msk [tilespmem:v60+s22+$0x0], $0xffff;
	v60 =	vor.u32 v40, v61;
	[tilespmem:v52+s17+$0x0] =	vst.idx.msk $0xffff, v7  }
0x560: {  	v59 =	vor.u32 v39, v61;
	v52 =	vshll.u32 v5, $0x7;
	v7 =	vld.idx.msk [tilespmem:v14+s22+$0x0], $0xffff;
	[tilespmem:v19+s17+$0x0] =	vst.idx.msk $0xffff, v20  }
0x561: {  	v32 =	vmov v2;
	v2 =	vor.u32 s29, v26;
	v14 =	vor.u32 v52, v28;
	[tilespmem:v3+s17+$0x0] =	vst.idx.msk $0xffff, v21;
	v3 =	vld.idx.msk [tilespmem:v45+s22+$0x0], $0xffff  }
0x562: {  	v46 =	vand.u32 v11, v2;
	v16 =	vshll.u32 v16, $0x7;
	v5 =	vor.u32 v56, v34;
	v21 =	vld.idx.msk [tilespmem:v50+s22+$0x0], $0xffff  }
0x563: {  	v19 =	vor.u32 v31, v46;
	[tilespmem:v9+s17+$0x0] =	vst.idx.msk $0xffff, v17;
	v9 =	vor.u32 v16, v57;
	v50 =	vshll.u32 v2, $0x7;
	v2 =	vld [tilespmem:$0x1FF90]  }
0x564: {  	v18 =	vor.u32 s18, v23;
	[tilespmem:v48+s17+$0x0] =	vst.idx.msk $0xffff, v47;
	v17 =	vor.u32 v16, v41;
	v22 =	vld.idx.msk [tilespmem:v60+s22+$0x0], $0xffff  }
0x565: {  	v48 =	vor.u32 v16, v43;
	v20 =	vand.u32 v6, v18;
	v16 =	vor.u32 v16, v42;
	v47 =	vld.idx.msk [tilespmem:v59+s22+$0x0], $0xffff  }
0x566: {  	v44 =	vor.u32 v54, v20;
	v59 =	vor.u32 v38, v20;
	[tilespmem:v14+s17+$0x0] =	vst.idx.msk $0xffff, v7;
	v14 =	vld [tilespmem:$0x1FEC0]  }
0x567: {  	v60 =	vor.u32 v39, v20;
	v20 =	vor.u32 v40, v20;
	[tilespmem:v5+s17+$0x0] =	vst.idx.msk $0xffff, v15  }
0x568: {  	v5 =	vor.u32 v56, v37;
	v2 =	vor.u32 s29, v2;
	v7 =	vld.idx.msk [tilespmem:v19+s22+$0x0], $0xffff;
	[tilespmem:v9+s17+$0x0] =	vst.idx.msk $0xffff, v3  }
0x569: {  	v3 =	vor.u32 v50, v28;
	[tilespmem:v17+s17+$0x0] =	vst.idx.msk $0xffff, v21;
	v45 =	vand.u32 v12, v2  }
0x56a: {  	v9 =	vshll.u32 v18, $0x7;
	[tilespmem:v48+s17+$0x0] =	vst.idx.msk $0xffff, v47;
	v47 =	vshll.u32 v2, $0x7;
	v2 =	vld [tilespmem:$0x1FF80];
	v17 =	vor.u32 v31, v45  }
0x56b: {  	[tilespmem:v16+s17+$0x0] =	vst.idx.msk $0xffff, v22;
	v15 =	vld.idx.msk [tilespmem:v44+s22+$0x0], $0xffff;
	v16 =	vor.u32 v9, v57;
	v14 =	vor.u32 s18, v14  }
0x56c: {  	v19 =	vld.idx.msk [tilespmem:v59+s22+$0x0], $0xffff;
	v21 =	vor.u32 v9, v41;
	v59 =	vor.u32 v9, v43;
	v44 =	vand.u32 v8, v14  }
0x56d: {  	v20 =	vld.idx.msk [tilespmem:v20+s22+$0x0], $0xffff;
	v9 =	vor.u32 v9, v42;
	[tilespmem:v5+s17+$0x0] =	vst.idx.msk $0xffff, v58;
	v22 =	vor.u32 v54, v44  }
0x56e: {  	v48 =	vld.idx.msk [tilespmem:v60+s22+$0x0], $0xffff;
	[tilespmem:v3+s17+$0x0] =	vst.idx.msk $0xffff, v7;
	v23 =	vor.u32 v38, v44  }
0x56f: {  	v7 =	vor.u32 v47, v28;
	v18 =	vor.u32 v40, v44;
	v2 =	vor.u32 s29, v2;
	v5 =	vld.idx.msk [tilespmem:v17+s22+$0x0], $0xffff  }
0x570: {  	v61 =	vor.u32 v39, v44;
	[tilespmem:v16+s17+$0x0] =	vst.idx.msk $0xffff, v15;
	v44 =	vand.u32 v13, v2;
	v15 =	vld [tilespmem:$0x1FEB0]  }
0x571: {  	v3 =	vor.u32 v56, v29;
	v14 =	vshll.u32 v14, $0x7;
	[tilespmem:v21+s17+$0x0] =	vst.idx.msk $0xffff, v19;
	v17 =	vor.u32 v31, v44  }
0x572: {  	[tilespmem:v9+s17+$0x0] =	vst.idx.msk $0xffff, v20;
	v9 =	vor.u32 v14, v57;
	v16 =	vld.idx.msk [tilespmem:v22+s22+$0x0], $0xffff  }
0x573: {  	v21 =	vld.idx.msk [tilespmem:v23+s22+$0x0], $0xffff  }
0x574: {  	s29 =	smov.u32 s18;
	[tilespmem:v59+s17+$0x0] =	vst.idx.msk $0xffff, v48;
	v20 =	vor.u32 v14, v41;
	v18 =	vld.idx.msk [tilespmem:v18+s22+$0x0], $0xffff  }
0x575: {  	v58 =	vor.u32 v14, v43;
	v48 =	vshll.u32 v2, $0x7;
	v56 =	vld.idx.msk [tilespmem:v61+s22+$0x0], $0xffff;
	v15 =	vor.u32 s29, v15;
	[tilespmem:v7+s17+$0x0] =	vst.idx.msk $0xffff, v5  }
0x576: {  	v2 =	vor.u32 v35, v51;
	[tilespmem:v3+s17+$0x0] =	vst.idx.msk $0xffff, v55;
	v19 =	vand.u32 v10, v15;
	v3 =	vld.idx.msk [tilespmem:v17+s22+$0x0], $0xffff  }
0x577: {  	v14 =	vor.u32 v14, v42;
	v22 =	vor.u32 v54, v19;
	[tilespmem:v9+s17+$0x0] =	vst.idx.msk $0xffff, v16;
	v9 =	vshll.u32 v15, $0x7;
	v15 =	vld [tilespmem:$0x1FE50]  }
0x578: {  	v59 =	vor.u32 v38, v19  }
0x579: {  	v7 =	vor.u32 v48, v28  }
0x57a: {  	v60 =	vor.u32 v39, v19;
	v19 =	vor.u32 v40, v19;
	[tilespmem:v20+s17+$0x0] =	vst.idx.msk $0xffff, v21  }
0x57b: {  	v31 =	vmov v54;
	v5 =	vor.u32 v36, v51;
	v2 =	vld.idx.msk [tilespmem:v2+s22+$0x0], $0xffff  }
0x57c: {  	v28 =	vmov v57;
	v17 =	vor.u32 v33, v51;
	[tilespmem:v14+s17+$0x0] =	vst.idx.msk $0xffff, v18;
	v16 =	vld.idx.msk [tilespmem:v22+s22+$0x0], $0xffff;
	v15 =	vor.u32 s29, v15  }
0x57d: {  	[tilespmem:v58+s17+$0x0] =	vst.idx.msk $0xffff, v56;
	v14 =	vor.u32 v9, v28;
	v21 =	vld.idx.msk [tilespmem:v59+s22+$0x0], $0xffff;
	v20 =	vand.u32 v11, v15  }
0x57e: {  	v18 =	vor.u32 v9, v41;
	v61 =	vor.u32 v9, v43;
	v59 =	vld [tilespmem:$0x1FE70];
	v22 =	vor.u32 v31, v20  }
0x57f: {  	v9 =	vor.u32 v9, v42;
	v19 =	vld.idx.msk [tilespmem:v19+s22+$0x0], $0xffff;
	[tilespmem:v7+s17+$0x0] =	vst.idx.msk $0xffff, v3;
	v62 =	vor.u32 v38, v20  }
0x580: {  	v51 =	vld.idx.msk [tilespmem:v60+s22+$0x0], $0xffff;
	v3 =	vor.u32 v53, v29;
	v63 =	vor.u32 v39, v20;
	v20 =	vor.u32 v40, v20  }
0x581: {  	v5 =	vld.idx.msk [tilespmem:v5+s22+$0x0], $0xffff;
	v7 =	vor.u32 v53, v34;
	v53 =	vor.u32 v53, v37;
	v15 =	vshll.u32 v15, $0x7  }
0x582: {  	v55 =	vor.u32 v15, v43;
	[tilespmem:v14+s17+$0x0] =	vst.idx.msk $0xffff, v16;
	v14 =	vld.idx.msk [tilespmem:v17+s22+$0x0], $0xffff;
	v16 =	vor.u32 v35, v49  }
0x583: {  	v17 =	vor.u32 v36, v49;
	v57 =	vor.u32 s29, v59;
	[tilespmem:v18+s17+$0x0] =	vst.idx.msk $0xffff, v21;
	v18 =	vld.idx.msk [tilespmem:v22+s22+$0x0], $0xffff  }
0x584: {  	v21 =	vor.u32 v33, v49;
	[tilespmem:v9+s17+$0x0] =	vst.idx.msk $0xffff, v19;
	v9 =	vor.u32 v15, v28;
	v49 =	vld.idx.msk [tilespmem:v62+s22+$0x0], $0xffff  }
0x585: {  	[tilespmem:v61+s17+$0x0] =	vst.idx.msk $0xffff, v51;
	v19 =	vor.u32 v15, v41;
	v60 =	vand.u32 v12, v57;
	v20 =	vld.idx.msk [tilespmem:v20+s22+$0x0], $0xffff  }
0x586: {  	v15 =	vor.u32 v15, v42;
	v61 =	vor.u32 v31, v60;
	v54 =	vld.idx.msk [tilespmem:v63+s22+$0x0], $0xffff;
	v62 =	vor.u32 v38, v60  }
0x587: {  	v63 =	vor.u32 v39, v60;
	v22 =	vor.u32 v40, v60;
	[tilespmem:v7+s17+$0x0] =	vst.idx.msk $0xffff, v2;
	v60 =	vld [tilespmem:$0x1FE80]  }
0x588: {  	[tilespmem:v53+s17+$0x0] =	vst.idx.msk $0xffff, v5  }
0x589: {  	v2 =	vld.idx.msk [tilespmem:v16+s22+$0x0], $0xffff;
	[tilespmem:v9+s17+$0x0] =	vst.idx.msk $0xffff, v18  }
0x58a: {  	v7 =	vor.u32 v52, v34;
	v17 =	vld.idx.msk [tilespmem:v17+s22+$0x0], $0xffff;
	[tilespmem:v19+s17+$0x0] =	vst.idx.msk $0xffff, v49  }
0x58b: {  	v5 =	vor.u32 v52, v37;
	v16 =	vor.u32 v35, v46;
	[tilespmem:v15+s17+$0x0] =	vst.idx.msk $0xffff, v20;
	v19 =	vld.idx.msk [tilespmem:v61+s22+$0x0], $0xffff  }
0x58c: {  	v9 =	vor.u32 v52, v29;
	v18 =	vshll.u32 v57, $0x7;
	v52 =	vor.u32 s29, v60;
	[tilespmem:v55+s17+$0x0] =	vst.idx.msk $0xffff, v54;
	v53 =	vld.idx.msk [tilespmem:v62+s22+$0x0], $0xffff  }
0x58d: {  	v61 =	vand.u32 v13, v52;
	v15 =	vor.u32 v18, v28;
	v20 =	vor.u32 v18, v41;
	v22 =	vld.idx.msk [tilespmem:v22+s22+$0x0], $0xffff  }
0x58e: {  	v55 =	vld.idx.msk [tilespmem:v63+s22+$0x0], $0xffff;
	v56 =	vor.u32 v18, v43;
	v18 =	vor.u32 v18, v42;
	v62 =	vor.u32 v31, v61  }
0x58f: {  	v63 =	vor.u32 v38, v61;
	v60 =	vor.u32 v39, v61;
	v51 =	vor.u32 v40, v61;
	v61 =	vld [tilespmem:$0x1FE60]  }
0x590: {  	v23 =	vor.u32 v35, v44;
	[tilespmem:v3+s17+$0x0] =	vst.idx.msk $0xffff, v14  }
0x591: {  	v49 =	vor.u32 v36, v46;
	v14 =	vor.u32 v33, v46;
	[tilespmem:v7+s17+$0x0] =	vst.idx.msk $0xffff, v2;
	v3 =	vld.idx.msk [tilespmem:v21+s22+$0x0], $0xffff  }
0x592: {  	v2 =	vor.u32 v50, v34;
	v7 =	vor.u32 v50, v29;
	[tilespmem:v15+s17+$0x0] =	vst.idx.msk $0xffff, v19;
	v15 =	vld.idx.msk [tilespmem:v16+s22+$0x0], $0xffff  }
0x593: {  	v16 =	vor.u32 v50, v37;
	v19 =	vshll.u32 v52, $0x7;
	[tilespmem:v20+s17+$0x0] =	vst.idx.msk $0xffff, v53;
	v20 =	vld.idx.msk [tilespmem:v62+s22+$0x0], $0xffff  }
0x594: {  	[tilespmem:v18+s17+$0x0] =	vst.idx.msk $0xffff, v22;
	v21 =	vor.u32 s29, v61;
	v52 =	vld.idx.msk [tilespmem:v63+s22+$0x0], $0xffff;
	v63 =	vor.u32 v19, v28  }
0x595: {  	v46 =	vld [tilespmem:$0x1FE90];
	[tilespmem:v56+s17+$0x0] =	vst.idx.msk $0xffff, v55;
	v22 =	vor.u32 v19, v41;
	v62 =	vand.u32 v1, v21  }
0x596: {  	v51 =	vld.idx.msk [tilespmem:v51+s22+$0x0], $0xffff;
	v55 =	vor.u32 v19, v43;
	v19 =	vor.u32 v19, v42;
	v53 =	vor.u32 v31, v62  }
0x597: {  	v50 =	vor.u32 v35, v45;
	v54 =	vld.idx.msk [tilespmem:v60+s22+$0x0], $0xffff;
	[tilespmem:v5+s17+$0x0] =	vst.idx.msk $0xffff, v17;
	v60 =	vor.u32 v38, v62  }
0x598: {  	v35 =	vmov v38;
	[tilespmem:v9+s17+$0x0] =	vst.idx.msk $0xffff, v3;
	v61 =	vor.u32 v39, v62;
	v62 =	vor.u32 v40, v62  }
0x599: {  	v9 =	vor.u32 v36, v45;
	v17 =	vor.u32 v47, v34;
	v3 =	vld.idx.msk [tilespmem:v49+s22+$0x0], $0xffff;
	[tilespmem:v63+s17+$0x0] =	vst.idx.msk $0xffff, v20  }
0x59a: {  	v14 =	vld.idx.msk [tilespmem:v14+s22+$0x0], $0xffff;
	v49 =	vor.u32 v47, v37;
	v63 =	vshll.u32 v21, $0x7;
	v20 =	vor.u32 s29, v46;
	[tilespmem:v22+s17+$0x0] =	vst.idx.msk $0xffff, v52  }
0x59b: {  	v46 =	vor.u32 v47, v29;
	[tilespmem:v19+s17+$0x0] =	vst.idx.msk $0xffff, v51;
	v51 =	vor.u32 v63, v28;
	v21 =	vld.idx.msk [tilespmem:v53+s22+$0x0], $0xffff  }
0x59c: {  	[tilespmem:v55+s17+$0x0] =	vst.idx.msk $0xffff, v54;
	v47 =	vand.u32 v4, v20;
	v54 =	vor.u32 v63, v41;
	v53 =	vld.idx.msk [tilespmem:v60+s22+$0x0], $0xffff  }
0x59d: {  	v5 =	vor.u32 v33, v45;
	v18 =	vor.u32 v63, v42;
	v55 =	vld.idx.msk [tilespmem:v62+s22+$0x0], $0xffff;
	v56 =	vor.u32 v31, v47  }
0x59e: {  	v58 =	vor.u32 v63, v43;
	v57 =	vld.idx.msk [tilespmem:v61+s22+$0x0], $0xffff;
	v59 =	vor.u32 v38, v47;
	[tilespmem:v2+s17+$0x0] =	vst.idx.msk $0xffff, v15  }
0x59f: {  	v45 =	vor.u32 v33, v44;
	v33 =	vmov v39;
	v60 =	vor.u32 v39, v47;
	[tilespmem:v16+s17+$0x0] =	vst.idx.msk $0xffff, v3  }
0x5a0: {  	v22 =	vor.u32 v40, v47;
	v47 =	vor.u32 v36, v44;
	v15 =	vld.idx.msk [tilespmem:v50+s22+$0x0], $0xffff;
	[tilespmem:v51+s17+$0x0] =	vst.idx.msk $0xffff, v21  }
0x5a1: {  	s31 =	sadd.s32 $0x4, s31;
	v44 =	vor.u32 v48, v37;
	v36 =	vmov v40;
	v52 =	vld.idx.msk [tilespmem:v9+s22+$0x0], $0xffff;
	v9 =	vshll.u32 v20, $0x7;
	[tilespmem:v54+s17+$0x0] =	vst.idx.msk $0xffff, v53  }
0x5a2: {  	p0 =	slt.u32 s31, $0x1C;
	v50 =	vor.u32 v48, v34;
	[tilespmem:v18+s17+$0x0] =	vst.idx.msk $0xffff, v55;
	v21 =	vor.u32 v9, v28;
	v16 =	vld.idx.msk [tilespmem:v56+s22+$0x0], $0xffff  }
.Ltmp8:
0x5a3: {  	v48 =	vor.u32 v48, v29;
	v34 =	vmov v41;
	v51 =	vor.u32 s29, v27;
	[tilespmem:v58+s17+$0x0] =	vst.idx.msk $0xffff, v57;
	v62 =	vld.idx.msk [tilespmem:v59+s22+$0x0], $0xffff;
	(pc) =	sbr.rel @p0 .LBB2_12-.Ltmp8, $4  }
0x5a4: {  	v2 =	vor.u32 v9, v41;
	v37 =	vand.u32 v6, v51;
	v58 =	vld.idx.msk [tilespmem:v60+s22+$0x0], $0xffff;
	[tilespmem:v7+s17+$0x0] =	vst.idx.msk $0xffff, v14  }
0x5a5: {  	v54 =	vor.u32 v9, v42;
	v59 =	vld.idx.msk [tilespmem:v22+s22+$0x0], $0xffff;
	v60 =	vor.u32 v9, v43;
	[tilespmem:v17+s17+$0x0] =	vst.idx.msk $0xffff, v15  }
0x5a6: {  	v3 =	vor.u32 v31, v37;
	v63 =	vor.u32 v38, v37;
	v55 =	vor.u32 v39, v37;
	v53 =	vld.idx.msk [tilespmem:v5+s22+$0x0], $0xffff  }
0x5a7: {  	s1 =	sadd.s32 $0x40, s1;
	v29 =	vmov v43;
	v61 =	vor.u32 v40, v37;
	v57 =	vld.idx.msk [tilespmem:v23+s22+$0x0], $0xffff;
	v37 =	vmov v42;
	[tilespmem:v21+s17+$0x0] =	vst.idx.msk $0xffff, v16  }
0x5a8: {  	_ =	sdelay $0x2  }
0x5a9: {  	v5 =	vshll.u32 v51, $0x7;
	v7 =	vor.u32 s29, v24  }
0x5aa: {  	[tilespmem:v2+s17+$0x0] =	vst.idx.msk $0xffff, v62;
	v2 =	vld.idx.msk [tilespmem:v3+s22+$0x0], $0xffff;
	v3 =	vand.u32 v8, v7;
	v9 =	vor.u32 v5, v28  }
0x5ab: {  	v15 =	vor.u32 v31, v3  }
0x5ac: {  	v14 =	vld.idx.msk [tilespmem:v63+s22+$0x0], $0xffff;
	v16 =	vor.u32 v5, v34;
	[tilespmem:v60+s17+$0x0] =	vst.idx.msk $0xffff, v58  }
0x5ad: {  	v19 =	vor.u32 v5, v37;
	v5 =	vor.u32 v5, v29;
	[tilespmem:v54+s17+$0x0] =	vst.idx.msk $0xffff, v59;
	v20 =	vld.idx.msk [tilespmem:v55+s22+$0x0], $0xffff  }
0x5ae: {  	v17 =	vor.u32 v35, v3;
	v21 =	vor.u32 v36, v3;
	v18 =	vld.idx.msk [tilespmem:v61+s22+$0x0], $0xffff  }
0x5af: {  	v3 =	vor.u32 v33, v3;
	[tilespmem:v9+s17+$0x0] =	vst.idx.msk $0xffff, v2;
	v2 =	vshll.u32 v7, $0x7;
	v7 =	vor.u32 s29, v25  }
0x5b0: {  	v9 =	vld.idx.msk [tilespmem:v15+s22+$0x0], $0xffff;
	v15 =	vand.u32 v10, v7;
	v22 =	vor.u32 v2, v28  }
0x5b1: {  	[tilespmem:v16+s17+$0x0] =	vst.idx.msk $0xffff, v14;
	v14 =	vor.u32 v31, v15  }
0x5b2: {  	[tilespmem:v5+s17+$0x0] =	vst.idx.msk $0xffff, v20  }
0x5b3: {  	v16 =	vld.idx.msk [tilespmem:v17+s22+$0x0], $0xffff;
	v17 =	vor.u32 v2, v34;
	v7 =	vshll.u32 v7, $0x7;
	[tilespmem:v19+s17+$0x0] =	vst.idx.msk $0xffff, v18  }
0x5b4: {  	v18 =	vor.u32 v35, v15;
	v19 =	vor.u32 v2, v37;
	v2 =	vor.u32 v2, v29;
	v3 =	vld.idx.msk [tilespmem:v3+s22+$0x0], $0xffff  }
0x5b5: {  	v20 =	vor.u32 v36, v15;
	v15 =	vor.u32 v33, v15;
	v5 =	vld.idx.msk [tilespmem:v21+s22+$0x0], $0xffff;
	[tilespmem:v22+s17+$0x0] =	vst.idx.msk $0xffff, v9  }
0x5b6: {  	v9 =	vor.u32 s29, v26;
	v22 =	vor.u32 v7, v28;
	v14 =	vld.idx.msk [tilespmem:v14+s22+$0x0], $0xffff  }
0x5b7: {  	v21 =	vand.u32 v11, v9  }
0x5b8: {  	[tilespmem:v17+s17+$0x0] =	vst.idx.msk $0xffff, v16;
	v16 =	vor.u32 v31, v21  }
0x5b9: {  	v17 =	vld.idx.msk [tilespmem:v18+s22+$0x0], $0xffff;
	v18 =	vor.u32 v7, v34;
	[tilespmem:v2+s17+$0x0] =	vst.idx.msk $0xffff, v3  }
0x5ba: {  	v2 =	vor.u32 v7, v29;
	[tilespmem:v19+s17+$0x0] =	vst.idx.msk $0xffff, v5;
	v19 =	vor.u32 v7, v37;
	v7 =	vld.idx.msk [tilespmem:v15+s22+$0x0], $0xffff  }
0x5bb: {  	v20 =	vld.idx.msk [tilespmem:v20+s22+$0x0], $0xffff;
	[tilespmem:v22+s17+$0x0] =	vst.idx.msk $0xffff, v14  }
0x5bc: {  	v9 =	vshll.u32 v9, $0x7;
	v27 =	vld [tilespmem:$0x1FF90]  }
0x5bd: {  	v5 =	vor.u32 v35, v21;
	v22 =	vor.u32 v9, v28;
	v16 =	vld.idx.msk [tilespmem:v16+s22+$0x0], $0xffff  }
0x5be: {  	[tilespmem:v18+s17+$0x0] =	vst.idx.msk $0xffff, v17  }
0x5bf: {  	[tilespmem:v2+s17+$0x0] =	vst.idx.msk $0xffff, v7  }
0x5c0: {  	v15 =	vor.u32 v33, v21;
	[tilespmem:v49+s17+$0x0] =	vst.idx.msk $0xffff, v52  }
0x5c1: {  	v3 =	vor.u32 v36, v21;
	[tilespmem:v19+s17+$0x0] =	vst.idx.msk $0xffff, v20  }
0x5c2: {  	v5 =	vld.idx.msk [tilespmem:v5+s22+$0x0], $0xffff;
	v14 =	vor.u32 s29, v27;
	[tilespmem:v22+s17+$0x0] =	vst.idx.msk $0xffff, v16  }
0x5c3: {  	v18 =	vor.u32 v9, v34;
	v21 =	vand.u32 v12, v14;
	v38 =	vld [tilespmem:$0x1FF80]  }
0x5c4: {  	v17 =	vor.u32 v31, v21  }
0x5c5: {  	v7 =	vor.u32 v9, v29;
	v15 =	vld.idx.msk [tilespmem:v15+s22+$0x0], $0xffff;
	v19 =	vor.u32 v35, v21  }
0x5c6: {  	v2 =	vor.u32 v9, v37;
	v3 =	vld.idx.msk [tilespmem:v3+s22+$0x0], $0xffff  }
0x5c7: {  	v9 =	vor.u32 v36, v21  }
0x5c8: {  	v14 =	vshll.u32 v14, $0x7;
	[tilespmem:v18+s17+$0x0] =	vst.idx.msk $0xffff, v5;
	v20 =	vor.u32 v33, v21;
	v16 =	vor.u32 s29, v38  }
0x5c9: {  	[tilespmem:v46+s17+$0x0] =	vst.idx.msk $0xffff, v53;
	v22 =	vor.u32 v14, v28;
	v17 =	vld.idx.msk [tilespmem:v17+s22+$0x0], $0xffff;
	v21 =	vand.u32 v13, v16  }
0x5ca: {  	[tilespmem:v7+s17+$0x0] =	vst.idx.msk $0xffff, v15;
	v18 =	vor.u32 v14, v34;
	v19 =	vld.idx.msk [tilespmem:v19+s22+$0x0], $0xffff;
	v5 =	vor.u32 v31, v21  }
0x5cb: {  	v15 =	vld.idx.msk [tilespmem:v47+s22+$0x0], $0xffff;
	[tilespmem:v2+s17+$0x0] =	vst.idx.msk $0xffff, v3;
	v23 =	vor.u32 v35, v21  }
0x5cc: {  	[tilespmem:v50+s17+$0x0] =	vst.idx.msk $0xffff, v57;
	v2 =	vor.u32 v14, v37;
	v3 =	vld.idx.msk [tilespmem:v9+s22+$0x0], $0xffff  }
0x5cd: {  	[tilespmem:v30+s17+$0x0] =	vst.idx.msk $0xffff, v32;
	v7 =	vor.u32 v14, v29;
	v14 =	vld.idx.msk [tilespmem:v20+s22+$0x0], $0xffff;
	v16 =	vshll.u32 v16, $0x7  }
0x5ce: {  	v9 =	vor.u32 v36, v21;
	[tilespmem:v22+s17+$0x0] =	vst.idx.msk $0xffff, v17;
	v17 =	vor.u32 v33, v21;
	v21 =	vld.idx.msk [tilespmem:v45+s22+$0x0], $0xffff  }
0x5cf: {  	v20 =	vor.u32 v16, v28;
	[tilespmem:v18+s17+$0x0] =	vst.idx.msk $0xffff, v19;
	v5 =	vld.idx.msk [tilespmem:v5+s22+$0x0], $0xffff  }
0x5d0: {  	[tilespmem:v44+s17+$0x0] =	vst.idx.msk $0xffff, v15;
	v18 =	vor.u32 v16, v34;
	v19 =	vld.idx.msk [tilespmem:v23+s22+$0x0], $0xffff  }
0x5d1: {  	[tilespmem:v2+s17+$0x0] =	vst.idx.msk $0xffff, v3  }
0x5d2: {  	[tilespmem:v7+s17+$0x0] =	vst.idx.msk $0xffff, v14  }
0x5d3: {  	v2 =	vor.u32 v16, v37;
	v3 =	vld.idx.msk [tilespmem:v9+s22+$0x0], $0xffff;
	[tilespmem:v48+s17+$0x0] =	vst.idx.msk $0xffff, v21  }
0x5d4: {  	v7 =	vor.u32 v16, v29;
	v9 =	vld.idx.msk [tilespmem:v17+s22+$0x0], $0xffff;
	[tilespmem:v20+s17+$0x0] =	vst.idx.msk $0xffff, v5  }
0x5d5: {  	[tilespmem:v18+s17+$0x0] =	vst.idx.msk $0xffff, v19  }
0x5d6: {  	s1 =	rddreg [dreg:$0x6]  }
0x5d7: {  	s1 =	sadd.s32 s1, s26  }
0x5d8: {  	[tilespmem:v2+s17+$0x0] =	vst.idx.msk $0xffff, v3;
	s1 =	sshrl.u32 s1, $0x3  }
0x5d9: {  	[tilespmem:v7+s17+$0x0] =	vst.idx.msk $0xffff, v9;
	s6 =	sadd.s32 s2, s1  }
0x5da: {  	[hbm4b:s6+s3] =	stream.linear.scatter [tilespmem:s17], [sflag:$0x6], $0x400, $0x38;
	[tilespmem:$0x12400] =	vst v63  }
0x5db: {  	s14 =	simm.s32 $0x10800;
	s18 =	sadd.s32 s1, s7  }
0x5dc: {  	[hbm4b:s18+s3] =	stream.linear.scatter [tilespmem:s14], [sflag:$0x6], $0x400, $0x38;
	[tilespmem:$0x12400] =	vst v63  }
0x5dd: {  	s29 =	simm.s32 $0x10C00;
	s26 =	sadd.s32 s1, s8  }
0x5de: {  	[hbm4b:s26+s3] =	stream.linear.scatter [tilespmem:s29], [sflag:$0x6], $0x400, $0x38;
	[tilespmem:$0x12400] =	vst v63  }
0x5df: {  	s31 =	simm.s32 $0x11000;
	s30 =	sadd.s32 s1, s9  }
0x5e0: {  	[hbm4b:s30+s3] =	stream.linear.scatter [tilespmem:s31], [sflag:$0x6], $0x400, $0x38;
	[tilespmem:$0x12400] =	vst v63  }
0x5e1: {  	s15 =	simm.s32 $0x11400;
	s14 =	sadd.s32 s1, s10  }
0x5e2: {  	[hbm4b:s14+s3] =	stream.linear.scatter [tilespmem:s15], [sflag:$0x6], $0x400, $0x38;
	[tilespmem:$0x12400] =	vst v63  }
0x5e3: {  	s18 =	sadd.s32 s1, s11;
	s26 =	simm.s32 $0x11800  }
0x5e4: {  	[hbm4b:s18+s3] =	stream.linear.scatter [tilespmem:s26], [sflag:$0x6], $0x400, $0x38;
	[tilespmem:$0x12400] =	vst v63  }
0x5e5: {  	p0 =	sgt.u32 s25, $0x40;
	s29 =	sadd.s32 s1, s12;
	s30 =	simm.s32 $0x11C00  }
0x5e6: {  	[hbm4b:s29+s3] =	stream.linear.scatter [tilespmem:s30], [sflag:$0x6], $0x400, $0x38;
	[tilespmem:$0x12400] =	vst v63  }
0x5e7: {  	s25 =	sadd.s32 $0x1, s25;
	s1 =	sadd.s32 s1, s13;
	s31 =	simm.s32 $0x12000  }
0x5e8: {  	[hbm4b:s1+s3] =	stream.linear.scatter [tilespmem:s31], [sflag:$0x6], $0x400, $0x38;
	[tilespmem:$0x12400] =	vst v63  }
0x5e9: {  	s6 =	simm.s32 @!p0 $0x80;
	v14 =	vld [tilespmem:$0x1FF00];
	s14 =	simm.s32 @!p0 $0xA400;
	s1 =	sadd.s32 @!p0 $0x280, s28  }
0x5ea: {  	v57 =	vld [tilespmem:$0x1FFD0];
	[tilespmem:s14], [sflag:$0x3] =	stream.indirect.gather @!p0 [hbm4b:s4+s6], $0x40, s1, s6, $0xb8  }
0x5eb: {  	v18 =	vld [tilespmem:$0x1FF10];
	p0 =	sne.s32 s25, $0x43  }
.Ltmp9:
0x5ec: {  	v51 =	vld [tilespmem:$0x1FEC0];
	(pc) =	sbr.rel @p0 .LBB2_2-.Ltmp9, $4  }
.Ltmp10:
0x5ed: {  	v15 =	vld [tilespmem:$0x1FEB0];
	(pc) =	sbr.rel @!p0 .LBB2_14-.Ltmp10, $4  }
0x5ee: {  	v7 =	vmov v24;
	v24 =	vld [tilespmem:$0x1FFC0]  }
0x5ef: {  	v62 =	vmov v8;
	v0 =	vlaneseq.u32;
	v63 =	vmov v10;
	v22 =	vld [tilespmem:$0x1FFA0]  }
0x5f0: {  	v58 =	vmovc v25;
	v16 =	vmovc v38;
	v23 =	vmov v4;
	v4 =	vmov v26;
	v9 =	vmov v27;
	v17 =	vld [tilespmem:$0x1FED0]  }
0x5f1: {  	_ = 	snop  }
.LBB2_15:
0x5f2: {  	_ =	sfence.sel $0x180000  }
0x5f3: {  	[bflag:$0x0] =	sbarrier.arrive $0xFFFF  }
0x5f4: {  	_ =	strace $0x9000004A  }
0x5f5: {  	s0 =	stileid.u32;
	[bflag:$0x2] =	sbarrier.arrive $0xFFFF  }
0x5f6: {  	p0 =	sne.s32 s0, $0x0;
	s0 =	rddreg [dreg:$0x2]  }
0x5f7: {  	s0 =	sadd.s32 @!p0 $0x100000, s0  }
0x5f8: {  	[sflag:s0] =	ssyncadd.tile.s32 @!p0 $0x1;
	_ =	shalt  }
.Lfunc_end2:
_tile_overlayer_lowered:
.L_overlay_start_2:
0x5f9: {  	(tag) =	ssettag $0x2  }
0x5fa: {  	s0 =	rddreg [dreg:$0x0];
	s2 =	stileid.u32  }
0x5fb: {  	s1 =	rddreg [dreg:$0x1];
	p0 =	sne.s32 s2, $0x0  }
0x5fc: {  	s3 =	rddreg [dreg:$0x2];
	[bflag:$0x3] =	sbarrier.arrive $0xFFFF;
	s2 =	simm.s32 @!p0 $0x1C07  }
0x5fd: {  	[timem:s3], [sflag:s2] =	dma.local @!p0 [hbm:s0], s1  }
0x5fe: {  	s0 =	simm.s32 @!p0 $0x7  }
0x5ff: {  	_ =	swait.ge @!p0 [sflag:s0], s1  }
0x600: {  	s1 =	ssub.s32 @!p0 $0x0, s1;
	[sflag:s0] =	ssyncset.done @!p0 $0x0  }
0x601: {  	[sflag:s0] =	ssyncadd.s32 @!p0 s1  }
0x602: {  	[bflag:$0x3] =	sbarrier.arrive $0xFFFF  }
0x603: {  	_ =	shalt  }

// kernel: sparse-core-data-format-call.cloned.1.call-start
scs
called_computation_lowered:
.L_overlay_start_0:
0x0: {  	s2 =	sld [smem:$0x3FD9]  }
0x1: {  	s3 =	sld [smem:$0x3FFE];
	_ =	sdelay $0x1  }
0x2: {  	s1 =	srdreg.scid  }
0x3: {  	s0 =	sand.u32 $0x1, s1  }
0x4: {  	s18 =	sshll.u32 s0, $0xA;
	s2 =	sadd.s32 s3, s2  }
0x5: {  	s2 =	sadd.s32 s2, s18  }
0x6: {  	[smem:$0x3FC6] =	sst s2  }
0x7: {  	_ = 	snop  }
0x8: {  	s2 =	sld [smem:$0x3FC8];
	(tm) =	ssettm $0x1  }
0x9: {  	s19 =	sld [smem:$0x3FFB];
	_ =	sdelay $0x3  }
0xa: {  	_ =	strace s19  }
0xb: {  	s3 =	sld [smem:$0x3FFC];
	_ =	sdelay $0x3  }
0xc: {  	_ =	strace s3  }
0xd: {  	s3 =	sld [smem:$0x3FFD];
	_ =	sdelay $0x3  }
0xe: {  	_ =	strace s3  }
0xf: {  	_ =	strace $0x8FFFFFFF  }
0x10: {  	s20 =	sld [smem:$0x3FDB];
	_ =	sdelay $0x1  }
0x11: {  	s4 =	simm.s32 $_scs_section_size  }
0x12: {  	s5 =	simm.s32 $_size__tile_overlayer_lowered;
	s6 =	simm.s32 $_tile_overlayer_lowered  }
0x13: {  	s23 =	simm.s32 $0x1BFF;
	s22 =	sshll.u32 s6, $0x1;
	s3 =	sadd.s32 s4, s20  }
0x14: {  	s7 =	simm.s32 $0x0;
	s21 =	sshll.u32 s5, $0x1;
	s5 =	sadd.s32 s22, s3  }
0x15: {  	[timem:s7], [sflag:s23] =	dma.local [hbm:s5], s21  }
0x16: {  	_ =	swait.ge [sflag:s23], s21  }
0x17: {  	s4 =	ssub.s32 $0x0, s21;
	[sflag:s23] =	ssyncset.done $0x0  }
0x18: {  	[sflag:s23] =	ssyncadd.s32 s4;
	_ =	sdelay $0x1  }
0x19: {  	s24 =	simm.s32 $0x1B8B  }
0x1a: {  	_ =	swait.ge [sflag:s24], $0x1  }
0x1b: {  	[sflag:s24] =	ssyncset.done $0x0  }
0x1c: {  	s26 =	simm.s32 $0x1B8E;
	s25 =	sld [smem:$0x3FFE];
	[sflag:s24] =	ssyncadd.s32 $0xFFFFFFFF  }
0x1d: {  	s27 =	simm.s32 $execute0_lowered;
	[smem:$0x3FD2] =	sst s26  }
0x1e: {  	s5 =	sshll.u32 s27, $0x1;
	_ =	strace $0x80000046;
	[dreg:$0x1] =	wrdreg $0xFFFFFFFF  }
0x1f: {  	s28 =	simm.s32 $_size_execute0_lowered;
	s3 =	sadd.s32 s3, s5;
	[dreg:$0x0] =	wrdreg $0x0  }
0x20: {  	s5 =	sshll.u32 s28, $0x1;
	[dreg:$0x2] =	wrdreg s3  }
0x21: {  	[dreg:$0x3] =	wrdreg s5  }
0x22: {  	[dreg:$0x4] =	wrdreg $0xC0  }
0x23: {  	_ =	task [dreg:s7], $0x5FFFF  }
0x24: {  	[dreg:$0x1] =	wrdreg $0xFFFFFFFF  }
0x25: {  	[dreg:$0x0] =	wrdreg $0x60  }
0x26: {  	[dreg:$0x2] =	wrdreg s2  }
0x27: {  	[dreg:$0x3] =	wrdreg s25  }
0x28: {  	[dreg:$0x4] =	wrdreg $0x9  }
0x29: {  	_ =	task.clear_ibuf [dreg:s7], $0x5FFFF;
	_ =	strace $0x90000046  }
0x2a: {  	s29 =	simm.s32 $0x9;
	_ =	strace $0x80000048  }
0x2b: {  	_ =	swait.ge [sflag:s29], $0x1  }
0x2c: {  	[sflag:s29] =	ssyncadd.s32 $0xFFFFFFFF  }
0x2d: {  	_ =	strace $0x90000048  }
0x2e: {  	_ =	sfence  }
0x2f: {  	s30 =	sld [smem:$0x0];
	_ =	sdelay $0x2  }
0x30: {  	s31 =	sshll.u32 s1, $0xD;
	s1 =	sshrl.u32 s1, $0x2  }
0x31: {  	s3 =	sand.u32 $0x4000, s31;
	s1 =	sadd.s32 s1, s30  }
0x32: {  	s0 =	sor.u32 s3, s0;
	s1 =	sshll.u32 s1, $0x11  }
0x33: {  	s0 =	sor.u32 s1, s0  }
0x34: {  	s0 =	sadd.s32 $0x8F2B, s0  }
0x35: {  	[sflag:s0] =	ssyncadd.remote.s32 $0x1  }
0x36: {  	_ =	sfence.sel $0xFFFF  }
0x37: {  	[dreg:$0x0] =	wrdreg $0xFFFFFFFF;
	(pc) =	sbr.abs _section_cstart, $3  }
0x38: {  	[dreg:$0x1] =	wrdreg $0xFFFFFFFF  }
0x39: {  	_ =	task.clear_ibuf [dreg:s7], $0x2FFFF;
	_ =	strace $0x9FFFFFFF  }
0x3a: {  	(tm) =	ssettm $0x7FFFFFFF  }
0x3b: {  	_ =	shalt  }
tec
execute0_lowered:
.L_overlay_start_1:
0x0: {  	(tag) =	ssettag $0x1  }
0x1: {  	s0 =	srdreg.scid;
	s2 =	rddreg [dreg:$0x0]  }
0x2: {  	s5 =	rddreg [dreg:$0x1];
	s1 =	stileid.u32  }
0x3: {  	s4 =	simm.s32 $0x1;
	s6 =	simm.s32 $0x2;
	s15 =	simm.s32 $0x0  }
0x4: {  	p0 =	por $0x0, $0x0;
	s8 =	simm.s32 $0x80;
	s0 =	sshll.u32 s0, $0x4  }
0x5: {  	s14 =	simm.s32 $0x0;
	s9 =	simm.s32 $0x0;
	s3 =	sand.u32 $0x10, s0  }
.Ltmp0:
0x6: {  	s10 =	simm.s32 $0x0;
	s3 =	sor.u32 s1, s3;
	(pc) =	sbr.rel .LBB1_1-.Ltmp0, $4  }
0x7: {  	s0 =	rddreg [dreg:$0x2];
	_ =	strace $0x80000047;
	s3 =	sshll.u32 s3, $0x7  }
0x8: {  	s12 =	simm.s32 $0x0;
	[sflag:s4] =	ssyncpa.u1 $0x0;
	s7 =	ssub.s32 $0xF4200, s3  }
0x9: {  	s13 =	simm.s32 $0x0;
	[sflag:s6] =	ssyncpa.u1 $0x0;
	s6 =	sshrl.u32 s7, $0xC  }
0xa: {  	s5 =	sadd.s32 $0xA00, s5;
	s11 =	smov.u32 s3;
	s7 =	sadd.s32 $0x2, s6  }
.LBB1_5:
0xb: {  	p1 =	slt.u32 s13, $0x2  }
0xc: {  	s17 =	smov.u32 s15;
	p2 =	sgt.s32 @!p1 s15, $0xF41C0;
	s16 =	sshra.s32 @!p1 s15, $0x1F  }
0xd: {  	p3 =	sgt.s32 @!p1 s14, $0x40;
	s18 =	sshra.s32 @!p1 s14, $0x1F;
	p2 =	por !p2, p1  }
0xe: {  	s15 =	sand.u32 @!p1 s16, s15;
	p3 =	por !p3, p1;
	s16 =	smov.u32 s14  }
0xf: {  	s14 =	sand.u32 @!p1 s18, s14;
	s17 =	simm.s32 @p2 $0xF41C0;
	s16 =	simm.s32 @p3 $0x40  }
0x10: {  	s15 =	ssub.s32 @!p1 s17, s15;
	s14 =	ssub.s32 @!p1 s16, s14  }
0x11: {  	s18 =	smov.u32 s12;
	s16 =	sadd.s32 @!p1 $0xFFF0BE40, s15;
	s17 =	sadd.s32 @!p1 $0xFFFFFFC0, s14  }
0x12: {  	s15 =	ssub.s32 @!p1 $0xF4240, s15;
	p2 =	sgt.s32 @!p1 s16, $0x7F;
	p3 =	sgt.s32 @!p1 s17, $0x3F  }
0x13: {  	s14 =	ssub.s32 @!p1 $0x80, s14;
	p2 =	por !p2, p1;
	p3 =	por !p3, p1  }
0x14: {  	s16 =	sadd.s32 $0x1000, s11;
	s15 =	simm.s32 @!p2 $0x0;
	s14 =	simm.s32 @!p3 $0x0  }
0x15: {  	p2 =	sgt.s32 s16, $0xF423F;
	s14 =	smul.u32 @!p1 s14, s15;
	s15 =	sadd.s32 $0x40, s12  }
0x16: {  	s18 =	smov.u32 @p2 s15  }
0x17: {  	s16 =	smov.u32 @p2 s3;
	p2 =	sgt.s32 s18, $0x3F  }
0x18: {  	s18 =	simm.s32 @p2 $0x0;
	p2 =	sne.s32 s13, s7  }
.Ltmp1:
0x19: {  	p0 =	por !p0, !p0;
	s17 =	simm.s32 @!p1 $0x2;
	(pc) =	sbr.rel @!p2 .LBB1_6-.Ltmp1, $4  }
0x1a: {  	s15 =	smov.u32 s9;
	s9 =	smov.u32 s11;
	s14 =	sand.u32 @!p1 $0x3FFFFFFF, s14  }
0x1b: {  	s11 =	smov.u32 s16;
	_ =	swait.ge @!p1 [sflag:s17], s14;
	s19 =	ssub.s32 @!p1 $0x0, s14  }
0x1c: {  	s14 =	smov.u32 s10;
	s13 =	sadd.s32 $0x1, s13;
	[sflag:s17] =	ssyncset.done @!p1 $0x0  }
0x1d: {  	s10 =	smov.u32 s12;
	s12 =	smov.u32 s18;
	[sflag:s17] =	ssyncadd.s32 @!p1 s19  }
.LBB1_1:
0x1e: {  	p1 =	sgt.u32 s13, s6  }
0x1f: {  	s16 =	sshrl.u32 @!p1 s12, $0x3  }
0x20: {  	s17 =	sshll.u32 @!p1 s11, $0x3;
	s16 =	smul.u32 @!p1 $0x7A1400, s16  }
0x21: {  	s18 =	sshll.u32 @!p1 s12, $0x7;
	s17 =	sand.u32 @!p1 $0xFFFFFC00, s17  }
0x22: {  	s16 =	sadd.s32 @!p1 s16, s17;
	s17 =	sand.u32 @!p1 $0x380, s18  }
0x23: {  	s18 =	sand.u32 @!p1 $0x7F, s11;
	s16 =	sor.u32 @!p1 s17, s16  }
0x24: {  	s17 =	sor.u32 @!p1 s18, s16  }
0x25: {  	s18 =	smulhi.u32 @!p1 $0x218D6287, s17;
	_ =	sdelay $0x1  }
0x26: {  	s16 =	smulhi.u32 @!p1 $0x218D6287, s16;
	s18 =	sshrl.u32 @!p1 s18, $0x11  }
0x27: {  	s18 =	smul.u32 @!p1 $0xF4280, s18  }
0x28: {  	s19 =	sxor.u32 @!p1 $0xFFFFFFFF, s13;
	s16 =	sshrl.u32 @!p1 s16, $0x11  }
0x29: {  	s19 =	sshll.u32 @!p1 s19, $0xD;
	s16 =	sand.u32 @!p1 $0x3F, s16;
	s17 =	ssub.s32 @!p1 s17, s18  }
0x2a: {  	s16 =	smul.u32 @!p1 $0x1E850, s16;
	s18 =	sshrl.u32 @!p1 s17, $0x3;
	s17 =	sand.u32 @!p1 $0x7, s17  }
0x2b: {  	s19 =	sand.u32 @!p1 $0x2000, s19;
	s18 =	sadd.s32 @!p1 s2, s18;
	s17 =	sshll.u32 @!p1 s17, $0x12  }
0x2c: {  	s16 =	sadd.s32 @!p1 s16, s18;
	s17 =	sor.u32 @!p1 $0x400, s17;
	s18 =	simm.s32 @!p1 $0x7A1400  }
0x2d: {  	[tilespmem:s19], [sflag:$0x1] =	stream.strided.gather @!p1 [hbm4b:s16+s17], $0x2000, s18, s17, $0x38;
	[tilespmem:$0x8100] =	vst v63  }
0x2e: {  	p1 =	seq.s32 s13, $0x0  }
0x2f: {  	p2 =	sge.u32 @!p1 s13, s7  }
0x30: {  	p1 =	por p1, p2  }
.Ltmp2:
0x31: {  	_ = 	snop;
	(pc) =	sbr.rel @p1 .LBB1_5-.Ltmp2, $1  }
0x32: {  	_ =	sdelay $0x3  }
0x33: {  	s16 =	simm.s32 $0x1  }
0x34: {  	_ =	swait.ge [sflag:s4], $0x2000;
	s16 =	simm.s32 @!p0 $0x0  }
0x35: {  	[sflag:s4] =	ssyncset.done $0x0;
	s17 =	sshll.u32 s16, $0xD  }
0x36: {  	[sflag:s4] =	ssyncadd.s32 $0xFFFFE000;
	s17 =	sor.u32 $0x40, s17  }
0x37: {  	s16 =	smul.u32 $0x8200, s16;
	v0 =	vld [tilespmem:s17+$0x30]  }
0x38: {  	v1 =	vld [tilespmem:s17+$0xFFFFFFD0]  }
0x39: {  	s16 =	sshrl.u32 s16, $0x2;
	v5 =	vld [tilespmem:s17+$0xFFFFFFE0]  }
0x3a: {  	v6 =	vld [tilespmem:s17+$0xFFFFFFF0];
	s19 =	sor.u32 $0x4000, s16  }
0x3b: {  	s31 =	sand.u32 $0x1, s13;
	v4 =	vld [tilespmem:s17+$0x0];
	s18 =	sadd.s32 $0x0, s19  }
0x3c: {  	v3 =	vld [tilespmem:s17+$0x10];
	s16 =	smul.u32 $0x8200, s31;
	[tilespmem:s18+$0x1C70 ss:$0x41] =	vst.msk $0xffff, v0  }
0x3d: {  	v2 =	vld [tilespmem:s17+$0x20];
	[tilespmem:s18+$0x410 ss:$0x41] =	vst.msk $0xffff, v1  }
0x3e: {  	s16 =	sshrl.u32 s16, $0x2;
	v1 =	vld [tilespmem:s17+$0xFFFFFFC0];
	[tilespmem:s18+$0x820 ss:$0x41] =	vst.msk $0xffff, v5;
	s17 =	sadd.s32 $0x80, s17  }
0x3f: {  	s20 =	simm.s32 $0x4;
	s21 =	simm.s32 $0x8;
	s16 =	sor.u32 $0x4000, s16;
	[tilespmem:s18+$0xC30 ss:$0x41] =	vst.msk $0xffff, v6;
	v0 =	vld [tilespmem:s17+$0x30]  }
.LBB1_3:
0x40: {  	p1 =	sne.s32 s21, $0xFC;
	v5 =	vld [tilespmem:s17+$0xFFFFFFD0];
	[tilespmem:s18+$0x1040 ss:$0x41] =	vst.msk $0xffff, v4  }
0x41: {  	v6 =	vld [tilespmem:s17+$0xFFFFFFE0];
	[tilespmem:s18+$0x1450 ss:$0x41] =	vst.msk $0xffff, v3  }
0x42: {  	s22 =	sshra.s32 s20, $0x2;
	s20 =	smov.u32 s21;
	v7 =	vld [tilespmem:s17+$0xFFFFFFF0];
	[tilespmem:s18+$0x1860 ss:$0x41] =	vst.msk $0xffff, v2  }
.Ltmp3:
0x43: {  	v4 =	vld [tilespmem:s17+$0x0];
	[tilespmem:s18+$0x0 ss:$0x41] =	vst.msk $0xffff, v1;
	s18 =	sadd.s32 s22, s19;
	(pc) =	sbr.rel @p1 .LBB1_3-.Ltmp3, $4  }
0x44: {  	v3 =	vld [tilespmem:s17+$0x10];
	[tilespmem:s18+$0x1C70 ss:$0x41] =	vst.msk $0xffff, v0  }
0x45: {  	[tilespmem:s18+$0x410 ss:$0x41] =	vst.msk $0xffff, v5;
	v2 =	vld [tilespmem:s17+$0x20]  }
0x46: {  	v1 =	vld [tilespmem:s17+$0xFFFFFFC0];
	[tilespmem:s18+$0x820 ss:$0x41] =	vst.msk $0xffff, v6;
	s17 =	sadd.s32 $0x80, s17  }
0x47: {  	s21 =	sadd.s32 $0x4, s21;
	v0 =	vld [tilespmem:s17+$0x30];
	[tilespmem:s18+$0xC30 ss:$0x41] =	vst.msk $0xffff, v7  }
0x48: {  	s21 =	sshll.u32 s9, $0x7;
	s22 =	sshll.u32 s10, $0x3;
	s20 =	sshra.s32 s20, $0x2  }
0x49: {  	p1 =	sgt.s32 s9, $0xF41C0;
	s30 =	sshra.s32 s9, $0x1F;
	s25 =	sshra.s32 s10, $0x1F  }
0x4a: {  	v5 =	vld [tilespmem:s17+$0xFFFFFFD0];
	s28 =	sshrl.u32 s10, $0x3;
	s23 =	sand.u32 $0xFFFFFC00, s21;
	s22 =	sand.u32 $0xFFFFFC00, s22  }
0x4b: {  	[tilespmem:s18+$0x1040 ss:$0x41] =	vst.msk $0xffff, v4;
	v58 =	vld [tilespmem:s17+$0xFFFFFFE0];
	s21 =	sand.u32 $0x380, s21;
	s19 =	sadd.s32 s20, s19;
	s22 =	sadd.s32 s22, s23  }
0x4c: {  	v59 =	vld [tilespmem:s17+$0xFFFFFFF0];
	[tilespmem:s18+$0x1450 ss:$0x41] =	vst.msk $0xffff, v3;
	s29 =	sor.u32 s21, s22;
	s21 =	smov.u32 s9;
	s22 =	sand.u32 s30, s9  }
0x4d: {  	v60 =	vld [tilespmem:s17+$0x0];
	[tilespmem:s18+$0x1860 ss:$0x41] =	vst.msk $0xffff, v2;
	s30 =	sand.u32 $0x7, s10;
	s20 =	sshrl.u32 s29, $0x7;
	s21 =	simm.s32 @!p1 $0xF41C0  }
0x4e: {  	v61 =	vld [tilespmem:s17+$0x10];
	[tilespmem:s18+$0x0 ss:$0x41] =	vst.msk $0xffff, v1;
	p1 =	sgt.s32 s10, $0x40;
	s24 =	ssub.s32 s21, s22;
	s21 =	smov.u32 s10  }
0x4f: {  	v62 =	vld [tilespmem:s17+$0x20];
	[tilespmem:s19+$0x1C70 ss:$0x41] =	vst.msk $0xffff, v0;
	s31 =	smulhi.u32 $0x218DEF5, s20;
	s22 =	sand.u32 s25, s10;
	s21 =	simm.s32 @!p1 $0x40  }
0x50: {  	v63 =	vld [tilespmem:s17+$0xFFFFFFC0];
	[tilespmem:s19+$0x410 ss:$0x41] =	vst.msk $0xffff, v5;
	s26 =	sadd.s32 $0xFFF0BE40, s24;
	s17 =	ssub.s32 $0xF4240, s24;
	s21 =	ssub.s32 s21, s22  }
0x51: {  	[tilespmem:s19+$0x820 ss:$0x41] =	vst.msk $0xffff, v58;
	s23 =	sshrl.u32 s31, $0xD;
	p1 =	sgt.s32 s26, $0x7F;
	s27 =	sadd.s32 $0xFFFFFFC0, s21  }
0x52: {  	[tilespmem:s19+$0xC30 ss:$0x41] =	vst.msk $0xffff, v59;
	s23 =	smul.u32 $0xF4240, s23;
	s18 =	ssub.s32 $0x80, s21;
	p2 =	sgt.s32 s27, $0x3F  }
.Ltmp4:
0x53: {  	[tilespmem:s19+$0x1040 ss:$0x41] =	vst.msk $0xffff, v60;
	s17 =	simm.s32 @p1 $0x0;
	s18 =	simm.s32 @p2 $0x0;
	(pc) =	sbr.rel .LBB1_5-.Ltmp4, $4  }
0x54: {  	s29 =	sand.u32 $0xF, s28;
	[tilespmem:s19+$0x1450 ss:$0x41] =	vst.msk $0xffff, v61;
	s20 =	ssub.s32 s20, s23;
	s17 =	smul.u32 s18, s17  }
0x55: {  	[tilespmem:s19+$0x1860 ss:$0x41] =	vst.msk $0xffff, v62;
	s21 =	sshll.u32 s30, $0x12;
	s20 =	sshll.u32 s20, $0x4;
	s18 =	sadd.s32 s5, s29  }
0x56: {  	[tilespmem:s19+$0x0 ss:$0x41] =	vst.msk $0xffff, v63;
	s31 =	sor.u32 $0x40, s21;
	s18 =	sadd.s32 s20, s18;
	s17 =	sand.u32 $0x3FFFFFFF, s17  }
0x57: {  	[hbm4b:s18+s31] =	stream.strided.scatter [tilespmem:s16], [sflag:$0x2], s17, s8, s31, $0x18;
	[tilespmem:$0x8100] =	vst v63  }
.LBB1_6:
0x58: {  	_ =	sfence.sel $0x180000  }
0x59: {  	s2 =	simm.s32 $0x1;
	[bflag:$0x0] =	sbarrier.arrive $0xFFFF  }
0x5a: {  	s31 =	simm.s32 $0x2;
	[sflag:s2] =	ssyncpa.u1 $0x1  }
0x5b: {  	[sflag:s31] =	ssyncpa.u1 $0x1  }
0x5c: {  	p0 =	sne.s32 s1, $0x0;
	_ =	strace $0x90000047  }
0x5d: {  	s0 =	sadd.s32 @!p0 $0x100000, s0;
	[bflag:$0x2] =	sbarrier.arrive $0xFFFF  }
0x5e: {  	[sflag:s0] =	ssyncadd.tile.s32 @!p0 $0x1;
	_ =	shalt  }
.Lfunc_end1:
_tile_overlayer_lowered:
.L_overlay_start_2:
0x5f: {  	(tag) =	ssettag $0x2  }
0x60: {  	s0 =	rddreg [dreg:$0x0];
	s2 =	stileid.u32  }
0x61: {  	s1 =	rddreg [dreg:$0x1];
	p0 =	sne.s32 s2, $0x0  }
0x62: {  	s3 =	rddreg [dreg:$0x2];
	[bflag:$0x3] =	sbarrier.arrive $0xFFFF;
	s2 =	simm.s32 @!p0 $0x1C01  }
0x63: {  	[timem:s3], [sflag:s2] =	dma.local @!p0 [hbm:s0], s1  }
0x64: {  	s0 =	simm.s32 @!p0 $0x1  }
0x65: {  	_ =	swait.ge @!p0 [sflag:s0], s1  }
0x66: {  	s1 =	ssub.s32 @!p0 $0x0, s1;
	[sflag:s0] =	ssyncset.done @!p0 $0x0  }
0x67: {  	[sflag:s0] =	ssyncadd.s32 @!p0 s1  }
0x68: {  	[bflag:$0x3] =	sbarrier.arrive $0xFFFF  }
0x69: {  	_ =	shalt  }

</sc_bundles>
